<compile_context>
chip_gen: v7x
topology: tpu7x:2x2x1
jax: 0.10.2.dev20260603
libtpu: 0.0.44.dev20260713+nightly
codegen_flags: <defaults>
</compile_context>

<pallas_src>
import functools

import jax
import jax.numpy as jnp
from jax import lax
from jax.experimental import pallas as pl
from jax.experimental.pallas import tpu as pltpu
from jax.experimental.pallas import tpu_sc as plsc

_N = 16384
_C = 1000
_D = 128
_K = _N // 2


_BN = 1024
_CP = 1024


def _loss_body(s1_ref, s2_ref, lab_ref, loss_ref, labrm_ref):
    lab = lab_ref[...]
    a = jnp.sum(lab * jnp.log(s2_ref[...]), axis=0)
    b = jnp.sum(lab * jnp.log(s1_ref[...]), axis=0)
    loss_ref[...] = jnp.abs(-a + b)
    labrm_ref[...] = jnp.concatenate(
        [lab.T, jnp.zeros((_BN, _CP - _C), jnp.float32)], axis=1)


def _loss_fn(score1, score2, label):
    return pl.pallas_call(
        _loss_body,
        grid=(_N // _BN,),
        in_specs=[pl.BlockSpec((_C, _BN), lambda i: (0, i))] * 3,
        out_specs=[
            pl.BlockSpec((_BN,), lambda i: (i,)),
            pl.BlockSpec((_BN, _CP), lambda i: (i, 0)),
        ],
        out_shape=[
            jax.ShapeDtypeStruct((_N,), jnp.float32),
            jax.ShapeDtypeStruct((_N, _CP), jnp.float32),
        ],
    )(score1.T, score2.T, label.T)



_NT = 16
_EPT = _N // _NT
_NB = 2048
_BAT = 64


def _radix_body(key_hbm, idx_hbm, cur_k, cur_v, counters, allhist,
                posb, kb, vb, obuf, hists_sh, s1k, s1v, s2k, s2v, sem):
    cid = lax.axis_index("c")
    sid = lax.axis_index("s")

    @pl.when(cid == 0)
    def _radix():
        base = sid * _EPT
        zero16 = jnp.zeros((16,), jnp.int32)
        iota16 = lax.iota(jnp.int32, 16)
        calr, _ = plsc.scan_count(zero16)
        adj = calr[0]

        pltpu.sync_copy(key_hbm.at[pl.ds(base, _EPT)], cur_k)

        def vinit(t, carry):
            cur_v[pl.ds(t * 16, 16)] = base + t * 16 + iota16
            return carry

        lax.fori_loop(0, _EPT // 16, vinit, 0)

        def run_pass(digit_fn, dst_k, dst_v, last):
            def zstep(t, carry):
                counters[pl.ds(t * 16, 16)] = zero16
                return carry

            lax.fori_loop(0, _NB // 16, zstep, 0)

            def hstep(t, carry):
                d = digit_fn(cur_k[pl.ds(t * 16, 16)])
                dupr, islast = plsc.scan_count(d)
                cnt = plsc.load_gather(counters, [d])
                plsc.store_scatter(counters, [d], cnt + (dupr - adj) + 1,
                                   mask=islast)
                return carry

            lax.fori_loop(0, _EPT // 16, hstep, 0)

            pltpu.sync_copy(counters, hists_sh.at[sid])
            plsc.subcore_barrier()
            pltpu.sync_copy(hists_sh, allhist)

            def ostep(c, carry):
                sl = pl.ds(c * 16, 16)
                tot = zero16
                below = zero16
                for t in range(_NT):
                    row = allhist[t, sl]
                    tot = tot + row
                    below = below + jnp.where(t < sid, row, 0)
                incl = plsc.cumsum(tot)
                counters[sl] = (incl - tot) + below + carry
                return carry + jnp.sum(tot)

            lax.fori_loop(0, _NB // 16, ostep, 0)

            ndma = 1 if last else 2

            def fill_and_fire(b, half):
                for m in range(_BAT // 16):
                    sl = pl.ds(b * _BAT + m * 16, 16)
                    osl = pl.ds(m * 16, 16)
                    ke = cur_k[sl]
                    ve = cur_v[sl]
                    d = digit_fn(ke)
                    dupr, islast = plsc.scan_count(d)
                    cnt = plsc.load_gather(counters, [d])
                    pos = cnt + (dupr - adj)
                    plsc.store_scatter(counters, [d], pos + 1, mask=islast)
                    posb[half, osl] = pos
                    if not last:
                        kb[half, osl] = ke
                    vb[half, osl] = ve
                if not last:
                    pltpu.async_copy(kb.at[half], dst_k.at[posb.at[half]], sem)
                pltpu.async_copy(vb.at[half], dst_v.at[posb.at[half]], sem)

            def drain_one():
                for _ in range(ndma):
                    pltpu.make_async_copy(
                        key_hbm.at[pl.ds(0, _BAT)], vb.at[0], sem).wait()

            def bstep(j, carry):
                for half in range(2):
                    @pl.when(j > 0)
                    def _():
                        drain_one()

                    fill_and_fire(j * 2 + half, half)
                return carry

            lax.fori_loop(0, _EPT // _BAT // 2, bstep, 0)
            drain_one()
            drain_one()
            plsc.subcore_barrier()

        run_pass(lambda k: k & (_NB - 1), s1k, s1v, False)
        pltpu.sync_copy(s1k.at[pl.ds(base, _EPT)], cur_k)
        pltpu.sync_copy(s1v.at[pl.ds(base, _EPT)], cur_v)
        plsc.subcore_barrier()
        run_pass(lambda k: (k >> 11) & (_NB - 1), s2k, s2v, False)
        pltpu.sync_copy(s2k.at[pl.ds(base, _EPT)], cur_k)
        pltpu.sync_copy(s2v.at[pl.ds(base, _EPT)], cur_v)
        plsc.subcore_barrier()
        run_pass(lambda k: k >> 22, s1k, s1v, True)

        pltpu.sync_copy(s1v.at[pl.ds(sid * (_K // _NT), _K // _NT)], obuf)
        pltpu.sync_copy(obuf, idx_hbm.at[pl.ds(sid * (_K // _NT), _K // _NT)])


@functools.cache
def _radix_sort():
    return functools.partial(
        pl.kernel,
        mesh=plsc.VectorSubcoreMesh(core_axis_name="c", subcore_axis_name="s"),
        out_type=jax.ShapeDtypeStruct((_K,), jnp.int32),
        scratch_types=[
            pltpu.VMEM((_EPT,), jnp.int32),
            pltpu.VMEM((_EPT,), jnp.int32),
            pltpu.VMEM((_NB,), jnp.int32),
            pltpu.VMEM((_NT, _NB), jnp.int32),
            pltpu.VMEM((2, _BAT), jnp.int32),
            pltpu.VMEM((2, _BAT), jnp.int32),
            pltpu.VMEM((2, _BAT), jnp.int32),
            pltpu.VMEM((_K // _NT,), jnp.int32),
            pltpu.VMEM_SHARED((_NT, _NB), jnp.int32),
            pltpu.VMEM_SHARED((_N,), jnp.int32),
            pltpu.VMEM_SHARED((_N,), jnp.int32),
            pltpu.VMEM_SHARED((_N,), jnp.int32),
            pltpu.VMEM_SHARED((_N,), jnp.int32),
            pltpu.SemaphoreType.DMA,
        ],
        compiler_params=pltpu.CompilerParams(needs_layout_passes=False),
    )(_radix_body)



_NW = 32
_BPW = _K // _NW
_CH = 32
_CH1 = 128


def _gather_body(idx_hbm, in2_hbm, lab_hbm, out1_hbm, out2_hbm,
                 idx_v, rows1_v, rows2_v, sem1, sem2a, sem2b):
    wid = lax.axis_index("s") * 2 + lax.axis_index("c")
    base = wid * _BPW
    pltpu.sync_copy(idx_hbm.at[pl.ds(base, _BPW)], idx_v)

    in2_descs = [
        pltpu.async_copy(in2_hbm.at[idx_v.at[pl.ds(c * _CH1, _CH1)]],
                         rows1_v.at[pl.ds(c * _CH1, _CH1)], sem1)
        for c in range(_BPW // _CH1)
    ]

    sems = (sem2a, sem2b)
    prev = None
    for c in range(_BPW // _CH):
        d = pltpu.async_copy(lab_hbm.at[idx_v.at[pl.ds(c * _CH, _CH)]],
                             rows2_v.at[c % 2], sems[c % 2])
        if prev is not None:
            pc, pd = prev
            pd.wait()
            pltpu.sync_copy(rows2_v.at[pc % 2],
                            out2_hbm.at[pl.ds(base + pc * _CH, _CH)])
        prev = (c, d)
    pc, pd = prev
    pd.wait()
    pltpu.sync_copy(rows2_v.at[pc % 2], out2_hbm.at[pl.ds(base + pc * _CH, _CH)])

    for d in in2_descs:
        d.wait()
    pltpu.sync_copy(rows1_v, out1_hbm.at[pl.ds(base, _BPW)])


@functools.cache
def _sel_gather():
    return functools.partial(
        pl.kernel,
        mesh=plsc.VectorSubcoreMesh(core_axis_name="c", subcore_axis_name="s"),
        out_type=(
            jax.ShapeDtypeStruct((_K, _D), jnp.float32),
            jax.ShapeDtypeStruct((_K, _CP), jnp.float32),
        ),
        scratch_types=[
            pltpu.VMEM((_BPW,), jnp.int32),
            pltpu.VMEM((_BPW, _D), jnp.float32),
            pltpu.VMEM((2, _CH, _CP), jnp.float32),
            pltpu.SemaphoreType.DMA,
            pltpu.SemaphoreType.DMA,
            pltpu.SemaphoreType.DMA,
        ],
        compiler_params=pltpu.CompilerParams(needs_layout_passes=False),
    )(_gather_body)




def kernel(input1, input2, score1, score2, label):
    del input1
    loss, labrm = _loss_fn(score1, score2, label)
    key = lax.bitcast_convert_type(loss, jnp.int32)
    idx = _radix_sort()(key)
    inputss, labelss_p = _sel_gather()(idx, input2, labrm)
    return (inputss, labelss_p[:, :_C])

# --- scband reference (transcript-rebuilt; emitter-appended) ---
"""Pipeline reference for scband-select-22763326669408 (READ-ONLY COPY).

The authoritative reference and input builder live on the scoring server;
editing this copy changes nothing except your own understanding.
"""

import jax, jax.numpy as jnp
import numpy as np

N = 16384
C = 1000
D = 128

def setup_inputs(seed: int = 0) -> dict:
    key = jax.random.key(seed)
    k1, k2, k3, k4, k5 = jax.random.split(key, 5)
    input1 = jax.random.normal(k1, (N, D), dtype=jnp.float32)
    input2 = jax.random.normal(k2, (N, D), dtype=jnp.float32)
    # scores must be strictly positive probabilities for log()
    score1 = jax.random.uniform(k3, (N, C), dtype=jnp.float32, minval=1e-6, maxval=1.0)
    score2 = jax.random.uniform(k4, (N, C), dtype=jnp.float32, minval=1e-6, maxval=1.0)
    label = jax.random.uniform(k5, (N, C), dtype=jnp.float32)
    return {"input1": input1, "input2": input2, "score1": score1, "score2": score2, "label": label}

def reference(input1, input2, score1, score2, label):
    # per-sample cross-entropy difference (vectorized over the python loop)
    # loss_i = | -sum(label_i * log(score2_i)) + sum(label_i * log(score1_i)) |
    loss = jnp.abs(-jnp.sum(label * jnp.log(score2), axis=-1)
                   + jnp.sum(label * jnp.log(score1), axis=-1))
    n = input1.shape[0]
    k = n // 2
    # heapq.nsmallest(k) == top_k on negated loss; indices in ascending-loss order
    _, idx = jax.lax.top_k(-loss, k)
    inputss = jnp.take(input2, idx, axis=0)
    labelss = jnp.take(label, idx, axis=0)
    return (inputss, labelss)

if __name__ == "__main__":
    import jax
    _d = setup_inputs()
    print(jax.jit(kernel)(*tuple(_d.values())))

</pallas_src>

<mosaic_0001>
#map = affine_map<(d0, d1) -> (0)>
#map1 = affine_map<(d0, d1) -> (0, 0)>
module attributes {stable_mosaic.version = 14 : i64} {
  func.func @_gather_body(%arg0: i32, %arg1: i32, %arg2: memref<8192xi32, #tpu.memory_space<hbm>>, %arg3: memref<16384x128xf32, #tpu.memory_space<hbm>>, %arg4: memref<16384x1024xf32, #tpu.memory_space<hbm>>, %arg5: memref<8192x128xf32, #tpu.memory_space<hbm>>, %arg6: memref<8192x1024xf32, #tpu.memory_space<hbm>>, %arg7: memref<256xi32, #tpu.memory_space<vmem>>, %arg8: memref<256x128xf32, #tpu.memory_space<vmem>>, %arg9: memref<2x32x1024xf32, #tpu.memory_space<vmem>>, %arg10: memref<!tpu.dma_semaphore, #tpu.memory_space<semaphore_mem>>, %arg11: memref<!tpu.dma_semaphore, #tpu.memory_space<semaphore_mem>>, %arg12: memref<!tpu.dma_semaphore, #tpu.memory_space<semaphore_mem>>) attributes {dimension_semantics = [#tpu.dimension_semantics<core_parallel>, #tpu.dimension_semantics<subcore_parallel>], iteration_bounds = array<i64: 2, 16>, scalar_prefetch = 0 : i64, scratch_operands = 6 : i64, tpu.core_type = #tpu.core_type<sc_vector_subcore>, window_params = [{transform_indices = #map}, {transform_indices = #map1}, {transform_indices = #map1}, {transform_indices = #map1}, {transform_indices = #map1}]} {
    %mul3A = arith.constant 2 : i32
    %mul3A_0 = arith.muli %arg1, %mul3A : i32
    %add3A = arith.addi %mul3A_0, %arg0 : i32
    %mul3A_1 = arith.constant 256 : i32
    %mul3A_2 = arith.muli %add3A, %mul3A_1 : i32
    "tpu.region"() ({
      %run_scoped3A_216 = tpu.sem_alloc : memref<!tpu.dma_semaphore, #tpu.memory_space<semaphore_mem>>
      %dma_start3A_217 = tpu.memref_slice %arg2[%mul3A_2] : memref<8192xi32, #tpu.memory_space<hbm>> -> memref<256xi32, #tpu.memory_space<hbm>>
      %dma_start3A_218 = tpu.memref_slice %arg2[%mul3A_2] : memref<8192xi32, #tpu.memory_space<hbm>> -> memref<256xi32, #tpu.memory_space<hbm>>
      tpu.enqueue_dma source(%dma_start3A_218 : memref<256xi32, #tpu.memory_space<hbm>>) target(%arg7 : memref<256xi32, #tpu.memory_space<vmem>>) target_semaphore(%run_scoped3A_216 : memref<!tpu.dma_semaphore, #tpu.memory_space<semaphore_mem>>)
      %dma_wait3A_219 = tpu.memref_slice %arg2[%mul3A_2] : memref<8192xi32, #tpu.memory_space<hbm>> -> memref<256xi32, #tpu.memory_space<hbm>>
      %dma_wait3A_220 = tpu.memref_slice %arg2[%mul3A_2] : memref<8192xi32, #tpu.memory_space<hbm>> -> memref<256xi32, #tpu.memory_space<hbm>>
      tpu.wait_dma2 semaphore(%run_scoped3A_216 : memref<!tpu.dma_semaphore, #tpu.memory_space<semaphore_mem>>) src(%dma_wait3A_220 : memref<256xi32, #tpu.memory_space<hbm>>) dst(%arg7 : memref<256xi32, #tpu.memory_space<vmem>>)
      tpu.yield
    }) : () -> ()
    %dma_start3A = arith.constant 0 : i32
    %dma_start3A_3 = arith.constant 0 : i32
    %dma_start3A_4 = tpu.memref_slice %arg8[%dma_start3A, %dma_start3A_3] : memref<256x128xf32, #tpu.memory_space<vmem>> -> memref<128x128xf32, #tpu.memory_space<vmem>>
    %dma_start3A_5 = arith.constant 0 : i32
    %dma_start3A_6 = tpu.memref_slice %arg7[%dma_start3A_5] : memref<256xi32, #tpu.memory_space<vmem>> -> memref<128xi32, #tpu.memory_space<vmem>>
    %dma_start3A_7 = arith.constant 0 : i32
    %dma_start3A_8 = arith.constant 0 : i32
    %dma_start3A_9 = tpu.memref_slice %arg3[%dma_start3A_7, %dma_start3A_8] : memref<16384x128xf32, #tpu.memory_space<hbm>> -> memref<16384x128xf32, #tpu.memory_space<hbm>>
    tpu.enqueue_indirect_dma source(%dma_start3A_9 : memref<16384x128xf32, #tpu.memory_space<hbm>>) target(%dma_start3A_4 : memref<128x128xf32, #tpu.memory_space<vmem>>) offsets(%dma_start3A_6 : memref<128xi32, #tpu.memory_space<vmem>>) semaphore(%arg10 : memref<!tpu.dma_semaphore, #tpu.memory_space<semaphore_mem>>)
    %dma_start3A_10 = arith.constant 128 : i32
    %dma_start3A_11 = arith.constant 0 : i32
    %dma_start3A_12 = tpu.memref_slice %arg8[%dma_start3A_10, %dma_start3A_11] : memref<256x128xf32, #tpu.memory_space<vmem>> -> memref<128x128xf32, #tpu.memory_space<vmem>>
    %dma_start3A_13 = arith.constant 128 : i32
    %dma_start3A_14 = tpu.memref_slice %arg7[%dma_start3A_13] : memref<256xi32, #tpu.memory_space<vmem>> -> memref<128xi32, #tpu.memory_space<vmem>>
    %dma_start3A_15 = arith.constant 0 : i32
    %dma_start3A_16 = arith.constant 0 : i32
    %dma_start3A_17 = tpu.memref_slice %arg3[%dma_start3A_15, %dma_start3A_16] : memref<16384x128xf32, #tpu.memory_space<hbm>> -> memref<16384x128xf32, #tpu.memory_space<hbm>>
    tpu.enqueue_indirect_dma source(%dma_start3A_17 : memref<16384x128xf32, #tpu.memory_space<hbm>>) target(%dma_start3A_12 : memref<128x128xf32, #tpu.memory_space<vmem>>) offsets(%dma_start3A_14 : memref<128xi32, #tpu.memory_space<vmem>>) semaphore(%arg10 : memref<!tpu.dma_semaphore, #tpu.memory_space<semaphore_mem>>)
    %dma_start3A_18 = arith.constant 0 : i32
    %dma_start3A_19 = arith.constant 0 : i32
    %dma_start3A_20 = arith.constant 0 : i32
    %dma_start3A_21 = tpu.memref_slice %arg9[%dma_start3A_18, %dma_start3A_19, %dma_start3A_20] : memref<2x32x1024xf32, #tpu.memory_space<vmem>> -> memref<1x32x1024xf32, #tpu.memory_space<vmem>>
    %dma_start3A_22 = tpu.memref_squeeze %dma_start3A_21 : memref<1x32x1024xf32, #tpu.memory_space<vmem>> -> memref<32x1024xf32, #tpu.memory_space<vmem>>
    %dma_start3A_23 = arith.constant 0 : i32
    %dma_start3A_24 = tpu.memref_slice %arg7[%dma_start3A_23] : memref<256xi32, #tpu.memory_space<vmem>> -> memref<32xi32, #tpu.memory_space<vmem>>
    %dma_start3A_25 = arith.constant 0 : i32
    %dma_start3A_26 = arith.constant 0 : i32
    %dma_start3A_27 = tpu.memref_slice %arg4[%dma_start3A_25, %dma_start3A_26] : memref<16384x1024xf32, #tpu.memory_space<hbm>> -> memref<16384x1024xf32, #tpu.memory_space<hbm>>
    tpu.enqueue_indirect_dma source(%dma_start3A_27 : memref<16384x1024xf32, #tpu.memory_space<hbm>>) target(%dma_start3A_22 : memref<32x1024xf32, #tpu.memory_space<vmem>>) offsets(%dma_start3A_24 : memref<32xi32, #tpu.memory_space<vmem>>) semaphore(%arg11 : memref<!tpu.dma_semaphore, #tpu.memory_space<semaphore_mem>>)
    %dma_start3A_28 = arith.constant 1 : i32
    %dma_start3A_29 = arith.constant 0 : i32
    %dma_start3A_30 = arith.constant 0 : i32
    %dma_start3A_31 = tpu.memref_slice %arg9[%dma_start3A_28, %dma_start3A_29, %dma_start3A_30] : memref<2x32x1024xf32, #tpu.memory_space<vmem>> -> memref<1x32x1024xf32, #tpu.memory_space<vmem>>
    %dma_start3A_32 = tpu.memref_squeeze %dma_start3A_31 : memref<1x32x1024xf32, #tpu.memory_space<vmem>> -> memref<32x1024xf32, #tpu.memory_space<vmem>>
    %dma_start3A_33 = arith.constant 32 : i32
    %dma_start3A_34 = tpu.memref_slice %arg7[%dma_start3A_33] : memref<256xi32, #tpu.memory_space<vmem>> -> memref<32xi32, #tpu.memory_space<vmem>>
    %dma_start3A_35 = arith.constant 0 : i32
    %dma_start3A_36 = arith.constant 0 : i32
    %dma_start3A_37 = tpu.memref_slice %arg4[%dma_start3A_35, %dma_start3A_36] : memref<16384x1024xf32, #tpu.memory_space<hbm>> -> memref<16384x1024xf32, #tpu.memory_space<hbm>>
    tpu.enqueue_indirect_dma source(%dma_start3A_37 : memref<16384x1024xf32, #tpu.memory_space<hbm>>) target(%dma_start3A_32 : memref<32x1024xf32, #tpu.memory_space<vmem>>) offsets(%dma_start3A_34 : memref<32xi32, #tpu.memory_space<vmem>>) semaphore(%arg12 : memref<!tpu.dma_semaphore, #tpu.memory_space<semaphore_mem>>)
    %dma_wait3A = arith.constant 0 : i32
    %dma_wait3A_38 = arith.constant 0 : i32
    %dma_wait3A_39 = arith.constant 0 : i32
    %dma_wait3A_40 = tpu.memref_slice %arg9[%dma_wait3A, %dma_wait3A_38, %dma_wait3A_39] : memref<2x32x1024xf32, #tpu.memory_space<vmem>> -> memref<1x32x1024xf32, #tpu.memory_space<vmem>>
    %dma_wait3A_41 = tpu.memref_squeeze %dma_wait3A_40 : memref<1x32x1024xf32, #tpu.memory_space<vmem>> -> memref<32x1024xf32, #tpu.memory_space<vmem>>
    %dma_wait3A_42 = arith.constant 0 : i32
    %dma_wait3A_43 = tpu.memref_slice %arg7[%dma_wait3A_42] : memref<256xi32, #tpu.memory_space<vmem>> -> memref<32xi32, #tpu.memory_space<vmem>>
    %dma_wait3A_44 = arith.constant 0 : i32
    %dma_wait3A_45 = arith.constant 0 : i32
    %dma_wait3A_46 = tpu.memref_slice %arg4[%dma_wait3A_44, %dma_wait3A_45] : memref<16384x1024xf32, #tpu.memory_space<hbm>> -> memref<16384x1024xf32, #tpu.memory_space<hbm>>
    tpu.wait_indirect_dma semaphore(%arg11 : memref<!tpu.dma_semaphore, #tpu.memory_space<semaphore_mem>>) src(%dma_wait3A_46 : memref<16384x1024xf32, #tpu.memory_space<hbm>>) dst(%dma_wait3A_41 : memref<32x1024xf32, #tpu.memory_space<vmem>>)
    %add3A_47 = arith.constant 0 : i32
    %add3A_48 = arith.addi %mul3A_2, %add3A_47 : i32
    %run_scoped3A = arith.constant 0 : i32
    "tpu.region"() ({
      %run_scoped3A_216 = tpu.sem_alloc : memref<!tpu.dma_semaphore, #tpu.memory_space<semaphore_mem>>
      %dma_start3A_217 = arith.constant 0 : i32
      %dma_start3A_218 = arith.constant 0 : i32
      %dma_start3A_219 = tpu.memref_slice %arg9[%run_scoped3A, %dma_start3A_217, %dma_start3A_218] : memref<2x32x1024xf32, #tpu.memory_space<vmem>> -> memref<1x32x1024xf32, #tpu.memory_space<vmem>>
      %dma_start3A_220 = tpu.memref_squeeze %dma_start3A_219 : memref<1x32x1024xf32, #tpu.memory_space<vmem>> -> memref<32x1024xf32, #tpu.memory_space<vmem>>
      %dma_start3A_221 = arith.constant 0 : i32
      %dma_start3A_222 = tpu.memref_slice %arg6[%add3A_48, %dma_start3A_221] : memref<8192x1024xf32, #tpu.memory_space<hbm>> -> memref<32x1024xf32, #tpu.memory_space<hbm>>
      %dma_start3A_223 = arith.constant 0 : i32
      %dma_start3A_224 = tpu.memref_slice %arg6[%add3A_48, %dma_start3A_223] : memref<8192x1024xf32, #tpu.memory_space<hbm>> -> memref<32x1024xf32, #tpu.memory_space<hbm>>
      %dma_start3A_225 = arith.constant 0 : i32
      %dma_start3A_226 = arith.constant 0 : i32
      %dma_start3A_227 = tpu.memref_slice %arg9[%run_scoped3A, %dma_start3A_225, %dma_start3A_226] : memref<2x32x1024xf32, #tpu.memory_space<vmem>> -> memref<1x32x1024xf32, #tpu.memory_space<vmem>>
      %dma_start3A_228 = tpu.memref_squeeze %dma_start3A_227 : memref<1x32x1024xf32, #tpu.memory_space<vmem>> -> memref<32x1024xf32, #tpu.memory_space<vmem>>
      tpu.enqueue_dma source(%dma_start3A_228 : memref<32x1024xf32, #tpu.memory_space<vmem>>) target(%dma_start3A_224 : memref<32x1024xf32, #tpu.memory_space<hbm>>) target_semaphore(%run_scoped3A_216 : memref<!tpu.dma_semaphore, #tpu.memory_space<semaphore_mem>>)
      %dma_wait3A_229 = arith.constant 0 : i32
      %dma_wait3A_230 = arith.constant 0 : i32
      %dma_wait3A_231 = tpu.memref_slice %arg9[%run_scoped3A, %dma_wait3A_229, %dma_wait3A_230] : memref<2x32x1024xf32, #tpu.memory_space<vmem>> -> memref<1x32x1024xf32, #tpu.memory_space<vmem>>
      %dma_wait3A_232 = tpu.memref_squeeze %dma_wait3A_231 : memref<1x32x1024xf32, #tpu.memory_space<vmem>> -> memref<32x1024xf32, #tpu.memory_space<vmem>>
      %dma_wait3A_233 = arith.constant 0 : i32
      %dma_wait3A_234 = tpu.memref_slice %arg6[%add3A_48, %dma_wait3A_233] : memref<8192x1024xf32, #tpu.memory_space<hbm>> -> memref<32x1024xf32, #tpu.memory_space<hbm>>
      %dma_wait3A_235 = arith.constant 0 : i32
      %dma_wait3A_236 = tpu.memref_slice %arg6[%add3A_48, %dma_wait3A_235] : memref<8192x1024xf32, #tpu.memory_space<hbm>> -> memref<32x1024xf32, #tpu.memory_space<hbm>>
      %dma_wait3A_237 = arith.constant 0 : i32
      %dma_wait3A_238 = arith.constant 0 : i32
      %dma_wait3A_239 = tpu.memref_slice %arg9[%run_scoped3A, %dma_wait3A_237, %dma_wait3A_238] : memref<2x32x1024xf32, #tpu.memory_space<vmem>> -> memref<1x32x1024xf32, #tpu.memory_space<vmem>>
      %dma_wait3A_240 = tpu.memref_squeeze %dma_wait3A_239 : memref<1x32x1024xf32, #tpu.memory_space<vmem>> -> memref<32x1024xf32, #tpu.memory_space<vmem>>
      tpu.wait_dma2 semaphore(%run_scoped3A_216 : memref<!tpu.dma_semaphore, #tpu.memory_space<semaphore_mem>>) src(%dma_wait3A_240 : memref<32x1024xf32, #tpu.memory_space<vmem>>) dst(%dma_wait3A_236 : memref<32x1024xf32, #tpu.memory_space<hbm>>)
      tpu.yield
    }) : () -> ()
    %dma_start3A_49 = arith.constant 0 : i32
    %dma_start3A_50 = arith.constant 0 : i32
    %dma_start3A_51 = arith.constant 0 : i32
    %dma_start3A_52 = tpu.memref_slice %arg9[%dma_start3A_49, %dma_start3A_50, %dma_start3A_51] : memref<2x32x1024xf32, #tpu.memory_space<vmem>> -> memref<1x32x1024xf32, #tpu.memory_space<vmem>>
    %dma_start3A_53 = tpu.memref_squeeze %dma_start3A_52 : memref<1x32x1024xf32, #tpu.memory_space<vmem>> -> memref<32x1024xf32, #tpu.memory_space<vmem>>
    %dma_start3A_54 = arith.constant 64 : i32
    %dma_start3A_55 = tpu.memref_slice %arg7[%dma_start3A_54] : memref<256xi32, #tpu.memory_space<vmem>> -> memref<32xi32, #tpu.memory_space<vmem>>
    %dma_start3A_56 = arith.constant 0 : i32
    %dma_start3A_57 = arith.constant 0 : i32
    %dma_start3A_58 = tpu.memref_slice %arg4[%dma_start3A_56, %dma_start3A_57] : memref<16384x1024xf32, #tpu.memory_space<hbm>> -> memref<16384x1024xf32, #tpu.memory_space<hbm>>
    tpu.enqueue_indirect_dma source(%dma_start3A_58 : memref<16384x1024xf32, #tpu.memory_space<hbm>>) target(%dma_start3A_53 : memref<32x1024xf32, #tpu.memory_space<vmem>>) offsets(%dma_start3A_55 : memref<32xi32, #tpu.memory_space<vmem>>) semaphore(%arg11 : memref<!tpu.dma_semaphore, #tpu.memory_space<semaphore_mem>>)
    %dma_wait3A_59 = arith.constant 1 : i32
    %dma_wait3A_60 = arith.constant 0 : i32
    %dma_wait3A_61 = arith.constant 0 : i32
    %dma_wait3A_62 = tpu.memref_slice %arg9[%dma_wait3A_59, %dma_wait3A_60, %dma_wait3A_61] : memref<2x32x1024xf32, #tpu.memory_space<vmem>> -> memref<1x32x1024xf32, #tpu.memory_space<vmem>>
    %dma_wait3A_63 = tpu.memref_squeeze %dma_wait3A_62 : memref<1x32x1024xf32, #tpu.memory_space<vmem>> -> memref<32x1024xf32, #tpu.memory_space<vmem>>
    %dma_wait3A_64 = arith.constant 32 : i32
    %dma_wait3A_65 = tpu.memref_slice %arg7[%dma_wait3A_64] : memref<256xi32, #tpu.memory_space<vmem>> -> memref<32xi32, #tpu.memory_space<vmem>>
    %dma_wait3A_66 = arith.constant 0 : i32
    %dma_wait3A_67 = arith.constant 0 : i32
    %dma_wait3A_68 = tpu.memref_slice %arg4[%dma_wait3A_66, %dma_wait3A_67] : memref<16384x1024xf32, #tpu.memory_space<hbm>> -> memref<16384x1024xf32, #tpu.memory_space<hbm>>
    tpu.wait_indirect_dma semaphore(%arg12 : memref<!tpu.dma_semaphore, #tpu.memory_space<semaphore_mem>>) src(%dma_wait3A_68 : memref<16384x1024xf32, #tpu.memory_space<hbm>>) dst(%dma_wait3A_63 : memref<32x1024xf32, #tpu.memory_space<vmem>>)
    %add3A_69 = arith.constant 32 : i32
    %add3A_70 = arith.addi %mul3A_2, %add3A_69 : i32
    %run_scoped3A_71 = arith.constant 1 : i32
    "tpu.region"() ({
      %run_scoped3A_216 = tpu.sem_alloc : memref<!tpu.dma_semaphore, #tpu.memory_space<semaphore_mem>>
      %dma_start3A_217 = arith.constant 0 : i32
      %dma_start3A_218 = arith.constant 0 : i32
      %dma_start3A_219 = tpu.memref_slice %arg9[%run_scoped3A_71, %dma_start3A_217, %dma_start3A_218] : memref<2x32x1024xf32, #tpu.memory_space<vmem>> -> memref<1x32x1024xf32, #tpu.memory_space<vmem>>
      %dma_start3A_220 = tpu.memref_squeeze %dma_start3A_219 : memref<1x32x1024xf32, #tpu.memory_space<vmem>> -> memref<32x1024xf32, #tpu.memory_space<vmem>>
      %dma_start3A_221 = arith.constant 0 : i32
      %dma_start3A_222 = tpu.memref_slice %arg6[%add3A_70, %dma_start3A_221] : memref<8192x1024xf32, #tpu.memory_space<hbm>> -> memref<32x1024xf32, #tpu.memory_space<hbm>>
      %dma_start3A_223 = arith.constant 0 : i32
      %dma_start3A_224 = tpu.memref_slice %arg6[%add3A_70, %dma_start3A_223] : memref<8192x1024xf32, #tpu.memory_space<hbm>> -> memref<32x1024xf32, #tpu.memory_space<hbm>>
      %dma_start3A_225 = arith.constant 0 : i32
      %dma_start3A_226 = arith.constant 0 : i32
      %dma_start3A_227 = tpu.memref_slice %arg9[%run_scoped3A_71, %dma_start3A_225, %dma_start3A_226] : memref<2x32x1024xf32, #tpu.memory_space<vmem>> -> memref<1x32x1024xf32, #tpu.memory_space<vmem>>
      %dma_start3A_228 = tpu.memref_squeeze %dma_start3A_227 : memref<1x32x1024xf32, #tpu.memory_space<vmem>> -> memref<32x1024xf32, #tpu.memory_space<vmem>>
      tpu.enqueue_dma source(%dma_start3A_228 : memref<32x1024xf32, #tpu.memory_space<vmem>>) target(%dma_start3A_224 : memref<32x1024xf32, #tpu.memory_space<hbm>>) target_semaphore(%run_scoped3A_216 : memref<!tpu.dma_semaphore, #tpu.memory_space<semaphore_mem>>)
      %dma_wait3A_229 = arith.constant 0 : i32
      %dma_wait3A_230 = arith.constant 0 : i32
      %dma_wait3A_231 = tpu.memref_slice %arg9[%run_scoped3A_71, %dma_wait3A_229, %dma_wait3A_230] : memref<2x32x1024xf32, #tpu.memory_space<vmem>> -> memref<1x32x1024xf32, #tpu.memory_space<vmem>>
      %dma_wait3A_232 = tpu.memref_squeeze %dma_wait3A_231 : memref<1x32x1024xf32, #tpu.memory_space<vmem>> -> memref<32x1024xf32, #tpu.memory_space<vmem>>
      %dma_wait3A_233 = arith.constant 0 : i32
      %dma_wait3A_234 = tpu.memref_slice %arg6[%add3A_70, %dma_wait3A_233] : memref<8192x1024xf32, #tpu.memory_space<hbm>> -> memref<32x1024xf32, #tpu.memory_space<hbm>>
      %dma_wait3A_235 = arith.constant 0 : i32
      %dma_wait3A_236 = tpu.memref_slice %arg6[%add3A_70, %dma_wait3A_235] : memref<8192x1024xf32, #tpu.memory_space<hbm>> -> memref<32x1024xf32, #tpu.memory_space<hbm>>
      %dma_wait3A_237 = arith.constant 0 : i32
      %dma_wait3A_238 = arith.constant 0 : i32
      %dma_wait3A_239 = tpu.memref_slice %arg9[%run_scoped3A_71, %dma_wait3A_237, %dma_wait3A_238] : memref<2x32x1024xf32, #tpu.memory_space<vmem>> -> memref<1x32x1024xf32, #tpu.memory_space<vmem>>
      %dma_wait3A_240 = tpu.memref_squeeze %dma_wait3A_239 : memref<1x32x1024xf32, #tpu.memory_space<vmem>> -> memref<32x1024xf32, #tpu.memory_space<vmem>>
      tpu.wait_dma2 semaphore(%run_scoped3A_216 : memref<!tpu.dma_semaphore, #tpu.memory_space<semaphore_mem>>) src(%dma_wait3A_240 : memref<32x1024xf32, #tpu.memory_space<vmem>>) dst(%dma_wait3A_236 : memref<32x1024xf32, #tpu.memory_space<hbm>>)
      tpu.yield
    }) : () -> ()
    %dma_start3A_72 = arith.constant 1 : i32
    %dma_start3A_73 = arith.constant 0 : i32
    %dma_start3A_74 = arith.constant 0 : i32
    %dma_start3A_75 = tpu.memref_slice %arg9[%dma_start3A_72, %dma_start3A_73, %dma_start3A_74] : memref<2x32x1024xf32, #tpu.memory_space<vmem>> -> memref<1x32x1024xf32, #tpu.memory_space<vmem>>
    %dma_start3A_76 = tpu.memref_squeeze %dma_start3A_75 : memref<1x32x1024xf32, #tpu.memory_space<vmem>> -> memref<32x1024xf32, #tpu.memory_space<vmem>>
    %dma_start3A_77 = arith.constant 96 : i32
    %dma_start3A_78 = tpu.memref_slice %arg7[%dma_start3A_77] : memref<256xi32, #tpu.memory_space<vmem>> -> memref<32xi32, #tpu.memory_space<vmem>>
    %dma_start3A_79 = arith.constant 0 : i32
    %dma_start3A_80 = arith.constant 0 : i32
    %dma_start3A_81 = tpu.memref_slice %arg4[%dma_start3A_79, %dma_start3A_80] : memref<16384x1024xf32, #tpu.memory_space<hbm>> -> memref<16384x1024xf32, #tpu.memory_space<hbm>>
    tpu.enqueue_indirect_dma source(%dma_start3A_81 : memref<16384x1024xf32, #tpu.memory_space<hbm>>) target(%dma_start3A_76 : memref<32x1024xf32, #tpu.memory_space<vmem>>) offsets(%dma_start3A_78 : memref<32xi32, #tpu.memory_space<vmem>>) semaphore(%arg12 : memref<!tpu.dma_semaphore, #tpu.memory_space<semaphore_mem>>)
    %dma_wait3A_82 = arith.constant 0 : i32
    %dma_wait3A_83 = arith.constant 0 : i32
    %dma_wait3A_84 = arith.constant 0 : i32
    %dma_wait3A_85 = tpu.memref_slice %arg9[%dma_wait3A_82, %dma_wait3A_83, %dma_wait3A_84] : memref<2x32x1024xf32, #tpu.memory_space<vmem>> -> memref<1x32x1024xf32, #tpu.memory_space<vmem>>
    %dma_wait3A_86 = tpu.memref_squeeze %dma_wait3A_85 : memref<1x32x1024xf32, #tpu.memory_space<vmem>> -> memref<32x1024xf32, #tpu.memory_space<vmem>>
    %dma_wait3A_87 = arith.constant 64 : i32
    %dma_wait3A_88 = tpu.memref_slice %arg7[%dma_wait3A_87] : memref<256xi32, #tpu.memory_space<vmem>> -> memref<32xi32, #tpu.memory_space<vmem>>
    %dma_wait3A_89 = arith.constant 0 : i32
    %dma_wait3A_90 = arith.constant 0 : i32
    %dma_wait3A_91 = tpu.memref_slice %arg4[%dma_wait3A_89, %dma_wait3A_90] : memref<16384x1024xf32, #tpu.memory_space<hbm>> -> memref<16384x1024xf32, #tpu.memory_space<hbm>>
    tpu.wait_indirect_dma semaphore(%arg11 : memref<!tpu.dma_semaphore, #tpu.memory_space<semaphore_mem>>) src(%dma_wait3A_91 : memref<16384x1024xf32, #tpu.memory_space<hbm>>) dst(%dma_wait3A_86 : memref<32x1024xf32, #tpu.memory_space<vmem>>)
    %add3A_92 = arith.constant 64 : i32
    %add3A_93 = arith.addi %mul3A_2, %add3A_92 : i32
    %run_scoped3A_94 = arith.constant 0 : i32
    "tpu.region"() ({
      %run_scoped3A_216 = tpu.sem_alloc : memref<!tpu.dma_semaphore, #tpu.memory_space<semaphore_mem>>
      %dma_start3A_217 = arith.constant 0 : i32
      %dma_start3A_218 = arith.constant 0 : i32
      %dma_start3A_219 = tpu.memref_slice %arg9[%run_scoped3A_94, %dma_start3A_217, %dma_start3A_218] : memref<2x32x1024xf32, #tpu.memory_space<vmem>> -> memref<1x32x1024xf32, #tpu.memory_space<vmem>>
      %dma_start3A_220 = tpu.memref_squeeze %dma_start3A_219 : memref<1x32x1024xf32, #tpu.memory_space<vmem>> -> memref<32x1024xf32, #tpu.memory_space<vmem>>
      %dma_start3A_221 = arith.constant 0 : i32
      %dma_start3A_222 = tpu.memref_slice %arg6[%add3A_93, %dma_start3A_221] : memref<8192x1024xf32, #tpu.memory_space<hbm>> -> memref<32x1024xf32, #tpu.memory_space<hbm>>
      %dma_start3A_223 = arith.constant 0 : i32
      %dma_start3A_224 = tpu.memref_slice %arg6[%add3A_93, %dma_start3A_223] : memref<8192x1024xf32, #tpu.memory_space<hbm>> -> memref<32x1024xf32, #tpu.memory_space<hbm>>
      %dma_start3A_225 = arith.constant 0 : i32
      %dma_start3A_226 = arith.constant 0 : i32
      %dma_start3A_227 = tpu.memref_slice %arg9[%run_scoped3A_94, %dma_start3A_225, %dma_start3A_226] : memref<2x32x1024xf32, #tpu.memory_space<vmem>> -> memref<1x32x1024xf32, #tpu.memory_space<vmem>>
      %dma_start3A_228 = tpu.memref_squeeze %dma_start3A_227 : memref<1x32x1024xf32, #tpu.memory_space<vmem>> -> memref<32x1024xf32, #tpu.memory_space<vmem>>
      tpu.enqueue_dma source(%dma_start3A_228 : memref<32x1024xf32, #tpu.memory_space<vmem>>) target(%dma_start3A_224 : memref<32x1024xf32, #tpu.memory_space<hbm>>) target_semaphore(%run_scoped3A_216 : memref<!tpu.dma_semaphore, #tpu.memory_space<semaphore_mem>>)
      %dma_wait3A_229 = arith.constant 0 : i32
      %dma_wait3A_230 = arith.constant 0 : i32
      %dma_wait3A_231 = tpu.memref_slice %arg9[%run_scoped3A_94, %dma_wait3A_229, %dma_wait3A_230] : memref<2x32x1024xf32, #tpu.memory_space<vmem>> -> memref<1x32x1024xf32, #tpu.memory_space<vmem>>
      %dma_wait3A_232 = tpu.memref_squeeze %dma_wait3A_231 : memref<1x32x1024xf32, #tpu.memory_space<vmem>> -> memref<32x1024xf32, #tpu.memory_space<vmem>>
      %dma_wait3A_233 = arith.constant 0 : i32
      %dma_wait3A_234 = tpu.memref_slice %arg6[%add3A_93, %dma_wait3A_233] : memref<8192x1024xf32, #tpu.memory_space<hbm>> -> memref<32x1024xf32, #tpu.memory_space<hbm>>
      %dma_wait3A_235 = arith.constant 0 : i32
      %dma_wait3A_236 = tpu.memref_slice %arg6[%add3A_93, %dma_wait3A_235] : memref<8192x1024xf32, #tpu.memory_space<hbm>> -> memref<32x1024xf32, #tpu.memory_space<hbm>>
      %dma_wait3A_237 = arith.constant 0 : i32
      %dma_wait3A_238 = arith.constant 0 : i32
      %dma_wait3A_239 = tpu.memref_slice %arg9[%run_scoped3A_94, %dma_wait3A_237, %dma_wait3A_238] : memref<2x32x1024xf32, #tpu.memory_space<vmem>> -> memref<1x32x1024xf32, #tpu.memory_space<vmem>>
      %dma_wait3A_240 = tpu.memref_squeeze %dma_wait3A_239 : memref<1x32x1024xf32, #tpu.memory_space<vmem>> -> memref<32x1024xf32, #tpu.memory_space<vmem>>
      tpu.wait_dma2 semaphore(%run_scoped3A_216 : memref<!tpu.dma_semaphore, #tpu.memory_space<semaphore_mem>>) src(%dma_wait3A_240 : memref<32x1024xf32, #tpu.memory_space<vmem>>) dst(%dma_wait3A_236 : memref<32x1024xf32, #tpu.memory_space<hbm>>)
      tpu.yield
    }) : () -> ()
    %dma_start3A_95 = arith.constant 0 : i32
    %dma_start3A_96 = arith.constant 0 : i32
    %dma_start3A_97 = arith.constant 0 : i32
    %dma_start3A_98 = tpu.memref_slice %arg9[%dma_start3A_95, %dma_start3A_96, %dma_start3A_97] : memref<2x32x1024xf32, #tpu.memory_space<vmem>> -> memref<1x32x1024xf32, #tpu.memory_space<vmem>>
    %dma_start3A_99 = tpu.memref_squeeze %dma_start3A_98 : memref<1x32x1024xf32, #tpu.memory_space<vmem>> -> memref<32x1024xf32, #tpu.memory_space<vmem>>
    %dma_start3A_100 = arith.constant 128 : i32
    %dma_start3A_101 = tpu.memref_slice %arg7[%dma_start3A_100] : memref<256xi32, #tpu.memory_space<vmem>> -> memref<32xi32, #tpu.memory_space<vmem>>
    %dma_start3A_102 = arith.constant 0 : i32
    %dma_start3A_103 = arith.constant 0 : i32
    %dma_start3A_104 = tpu.memref_slice %arg4[%dma_start3A_102, %dma_start3A_103] : memref<16384x1024xf32, #tpu.memory_space<hbm>> -> memref<16384x1024xf32, #tpu.memory_space<hbm>>
    tpu.enqueue_indirect_dma source(%dma_start3A_104 : memref<16384x1024xf32, #tpu.memory_space<hbm>>) target(%dma_start3A_99 : memref<32x1024xf32, #tpu.memory_space<vmem>>) offsets(%dma_start3A_101 : memref<32xi32, #tpu.memory_space<vmem>>) semaphore(%arg11 : memref<!tpu.dma_semaphore, #tpu.memory_space<semaphore_mem>>)
    %dma_wait3A_105 = arith.constant 1 : i32
    %dma_wait3A_106 = arith.constant 0 : i32
    %dma_wait3A_107 = arith.constant 0 : i32
    %dma_wait3A_108 = tpu.memref_slice %arg9[%dma_wait3A_105, %dma_wait3A_106, %dma_wait3A_107] : memref<2x32x1024xf32, #tpu.memory_space<vmem>> -> memref<1x32x1024xf32, #tpu.memory_space<vmem>>
    %dma_wait3A_109 = tpu.memref_squeeze %dma_wait3A_108 : memref<1x32x1024xf32, #tpu.memory_space<vmem>> -> memref<32x1024xf32, #tpu.memory_space<vmem>>
    %dma_wait3A_110 = arith.constant 96 : i32
    %dma_wait3A_111 = tpu.memref_slice %arg7[%dma_wait3A_110] : memref<256xi32, #tpu.memory_space<vmem>> -> memref<32xi32, #tpu.memory_space<vmem>>
    %dma_wait3A_112 = arith.constant 0 : i32
    %dma_wait3A_113 = arith.constant 0 : i32
    %dma_wait3A_114 = tpu.memref_slice %arg4[%dma_wait3A_112, %dma_wait3A_113] : memref<16384x1024xf32, #tpu.memory_space<hbm>> -> memref<16384x1024xf32, #tpu.memory_space<hbm>>
    tpu.wait_indirect_dma semaphore(%arg12 : memref<!tpu.dma_semaphore, #tpu.memory_space<semaphore_mem>>) src(%dma_wait3A_114 : memref<16384x1024xf32, #tpu.memory_space<hbm>>) dst(%dma_wait3A_109 : memref<32x1024xf32, #tpu.memory_space<vmem>>)
    %add3A_115 = arith.constant 96 : i32
    %add3A_116 = arith.addi %mul3A_2, %add3A_115 : i32
    %run_scoped3A_117 = arith.constant 1 : i32
    "tpu.region"() ({
      %run_scoped3A_216 = tpu.sem_alloc : memref<!tpu.dma_semaphore, #tpu.memory_space<semaphore_mem>>
      %dma_start3A_217 = arith.constant 0 : i32
      %dma_start3A_218 = arith.constant 0 : i32
      %dma_start3A_219 = tpu.memref_slice %arg9[%run_scoped3A_117, %dma_start3A_217, %dma_start3A_218] : memref<2x32x1024xf32, #tpu.memory_space<vmem>> -> memref<1x32x1024xf32, #tpu.memory_space<vmem>>
      %dma_start3A_220 = tpu.memref_squeeze %dma_start3A_219 : memref<1x32x1024xf32, #tpu.memory_space<vmem>> -> memref<32x1024xf32, #tpu.memory_space<vmem>>
      %dma_start3A_221 = arith.constant 0 : i32
      %dma_start3A_222 = tpu.memref_slice %arg6[%add3A_116, %dma_start3A_221] : memref<8192x1024xf32, #tpu.memory_space<hbm>> -> memref<32x1024xf32, #tpu.memory_space<hbm>>
      %dma_start3A_223 = arith.constant 0 : i32
      %dma_start3A_224 = tpu.memref_slice %arg6[%add3A_116, %dma_start3A_223] : memref<8192x1024xf32, #tpu.memory_space<hbm>> -> memref<32x1024xf32, #tpu.memory_space<hbm>>
      %dma_start3A_225 = arith.constant 0 : i32
      %dma_start3A_226 = arith.constant 0 : i32
      %dma_start3A_227 = tpu.memref_slice %arg9[%run_scoped3A_117, %dma_start3A_225, %dma_start3A_226] : memref<2x32x1024xf32, #tpu.memory_space<vmem>> -> memref<1x32x1024xf32, #tpu.memory_space<vmem>>
      %dma_start3A_228 = tpu.memref_squeeze %dma_start3A_227 : memref<1x32x1024xf32, #tpu.memory_space<vmem>> -> memref<32x1024xf32, #tpu.memory_space<vmem>>
      tpu.enqueue_dma source(%dma_start3A_228 : memref<32x1024xf32, #tpu.memory_space<vmem>>) target(%dma_start3A_224 : memref<32x1024xf32, #tpu.memory_space<hbm>>) target_semaphore(%run_scoped3A_216 : memref<!tpu.dma_semaphore, #tpu.memory_space<semaphore_mem>>)
      %dma_wait3A_229 = arith.constant 0 : i32
      %dma_wait3A_230 = arith.constant 0 : i32
      %dma_wait3A_231 = tpu.memref_slice %arg9[%run_scoped3A_117, %dma_wait3A_229, %dma_wait3A_230] : memref<2x32x1024xf32, #tpu.memory_space<vmem>> -> memref<1x32x1024xf32, #tpu.memory_space<vmem>>
      %dma_wait3A_232 = tpu.memref_squeeze %dma_wait3A_231 : memref<1x32x1024xf32, #tpu.memory_space<vmem>> -> memref<32x1024xf32, #tpu.memory_space<vmem>>
      %dma_wait3A_233 = arith.constant 0 : i32
      %dma_wait3A_234 = tpu.memref_slice %arg6[%add3A_116, %dma_wait3A_233] : memref<8192x1024xf32, #tpu.memory_space<hbm>> -> memref<32x1024xf32, #tpu.memory_space<hbm>>
      %dma_wait3A_235 = arith.constant 0 : i32
      %dma_wait3A_236 = tpu.memref_slice %arg6[%add3A_116, %dma_wait3A_235] : memref<8192x1024xf32, #tpu.memory_space<hbm>> -> memref<32x1024xf32, #tpu.memory_space<hbm>>
      %dma_wait3A_237 = arith.constant 0 : i32
      %dma_wait3A_238 = arith.constant 0 : i32
      %dma_wait3A_239 = tpu.memref_slice %arg9[%run_scoped3A_117, %dma_wait3A_237, %dma_wait3A_238] : memref<2x32x1024xf32, #tpu.memory_space<vmem>> -> memref<1x32x1024xf32, #tpu.memory_space<vmem>>
      %dma_wait3A_240 = tpu.memref_squeeze %dma_wait3A_239 : memref<1x32x1024xf32, #tpu.memory_space<vmem>> -> memref<32x1024xf32, #tpu.memory_space<vmem>>
      tpu.wait_dma2 semaphore(%run_scoped3A_216 : memref<!tpu.dma_semaphore, #tpu.memory_space<semaphore_mem>>) src(%dma_wait3A_240 : memref<32x1024xf32, #tpu.memory_space<vmem>>) dst(%dma_wait3A_236 : memref<32x1024xf32, #tpu.memory_space<hbm>>)
      tpu.yield
    }) : () -> ()
    %dma_start3A_118 = arith.constant 1 : i32
    %dma_start3A_119 = arith.constant 0 : i32
    %dma_start3A_120 = arith.constant 0 : i32
    %dma_start3A_121 = tpu.memref_slice %arg9[%dma_start3A_118, %dma_start3A_119, %dma_start3A_120] : memref<2x32x1024xf32, #tpu.memory_space<vmem>> -> memref<1x32x1024xf32, #tpu.memory_space<vmem>>
    %dma_start3A_122 = tpu.memref_squeeze %dma_start3A_121 : memref<1x32x1024xf32, #tpu.memory_space<vmem>> -> memref<32x1024xf32, #tpu.memory_space<vmem>>
    %dma_start3A_123 = arith.constant 160 : i32
    %dma_start3A_124 = tpu.memref_slice %arg7[%dma_start3A_123] : memref<256xi32, #tpu.memory_space<vmem>> -> memref<32xi32, #tpu.memory_space<vmem>>
    %dma_start3A_125 = arith.constant 0 : i32
    %dma_start3A_126 = arith.constant 0 : i32
    %dma_start3A_127 = tpu.memref_slice %arg4[%dma_start3A_125, %dma_start3A_126] : memref<16384x1024xf32, #tpu.memory_space<hbm>> -> memref<16384x1024xf32, #tpu.memory_space<hbm>>
    tpu.enqueue_indirect_dma source(%dma_start3A_127 : memref<16384x1024xf32, #tpu.memory_space<hbm>>) target(%dma_start3A_122 : memref<32x1024xf32, #tpu.memory_space<vmem>>) offsets(%dma_start3A_124 : memref<32xi32, #tpu.memory_space<vmem>>) semaphore(%arg12 : memref<!tpu.dma_semaphore, #tpu.memory_space<semaphore_mem>>)
    %dma_wait3A_128 = arith.constant 0 : i32
    %dma_wait3A_129 = arith.constant 0 : i32
    %dma_wait3A_130 = arith.constant 0 : i32
    %dma_wait3A_131 = tpu.memref_slice %arg9[%dma_wait3A_128, %dma_wait3A_129, %dma_wait3A_130] : memref<2x32x1024xf32, #tpu.memory_space<vmem>> -> memref<1x32x1024xf32, #tpu.memory_space<vmem>>
    %dma_wait3A_132 = tpu.memref_squeeze %dma_wait3A_131 : memref<1x32x1024xf32, #tpu.memory_space<vmem>> -> memref<32x1024xf32, #tpu.memory_space<vmem>>
    %dma_wait3A_133 = arith.constant 128 : i32
    %dma_wait3A_134 = tpu.memref_slice %arg7[%dma_wait3A_133] : memref<256xi32, #tpu.memory_space<vmem>> -> memref<32xi32, #tpu.memory_space<vmem>>
    %dma_wait3A_135 = arith.constant 0 : i32
    %dma_wait3A_136 = arith.constant 0 : i32
    %dma_wait3A_137 = tpu.memref_slice %arg4[%dma_wait3A_135, %dma_wait3A_136] : memref<16384x1024xf32, #tpu.memory_space<hbm>> -> memref<16384x1024xf32, #tpu.memory_space<hbm>>
    tpu.wait_indirect_dma semaphore(%arg11 : memref<!tpu.dma_semaphore, #tpu.memory_space<semaphore_mem>>) src(%dma_wait3A_137 : memref<16384x1024xf32, #tpu.memory_space<hbm>>) dst(%dma_wait3A_132 : memref<32x1024xf32, #tpu.memory_space<vmem>>)
    %add3A_138 = arith.constant 128 : i32
    %add3A_139 = arith.addi %mul3A_2, %add3A_138 : i32
    %run_scoped3A_140 = arith.constant 0 : i32
    "tpu.region"() ({
      %run_scoped3A_216 = tpu.sem_alloc : memref<!tpu.dma_semaphore, #tpu.memory_space<semaphore_mem>>
      %dma_start3A_217 = arith.constant 0 : i32
      %dma_start3A_218 = arith.constant 0 : i32
      %dma_start3A_219 = tpu.memref_slice %arg9[%run_scoped3A_140, %dma_start3A_217, %dma_start3A_218] : memref<2x32x1024xf32, #tpu.memory_space<vmem>> -> memref<1x32x1024xf32, #tpu.memory_space<vmem>>
      %dma_start3A_220 = tpu.memref_squeeze %dma_start3A_219 : memref<1x32x1024xf32, #tpu.memory_space<vmem>> -> memref<32x1024xf32, #tpu.memory_space<vmem>>
      %dma_start3A_221 = arith.constant 0 : i32
      %dma_start3A_222 = tpu.memref_slice %arg6[%add3A_139, %dma_start3A_221] : memref<8192x1024xf32, #tpu.memory_space<hbm>> -> memref<32x1024xf32, #tpu.memory_space<hbm>>
      %dma_start3A_223 = arith.constant 0 : i32
      %dma_start3A_224 = tpu.memref_slice %arg6[%add3A_139, %dma_start3A_223] : memref<8192x1024xf32, #tpu.memory_space<hbm>> -> memref<32x1024xf32, #tpu.memory_space<hbm>>
      %dma_start3A_225 = arith.constant 0 : i32
      %dma_start3A_226 = arith.constant 0 : i32
      %dma_start3A_227 = tpu.memref_slice %arg9[%run_scoped3A_140, %dma_start3A_225, %dma_start3A_226] : memref<2x32x1024xf32, #tpu.memory_space<vmem>> -> memref<1x32x1024xf32, #tpu.memory_space<vmem>>
      %dma_start3A_228 = tpu.memref_squeeze %dma_start3A_227 : memref<1x32x1024xf32, #tpu.memory_space<vmem>> -> memref<32x1024xf32, #tpu.memory_space<vmem>>
      tpu.enqueue_dma source(%dma_start3A_228 : memref<32x1024xf32, #tpu.memory_space<vmem>>) target(%dma_start3A_224 : memref<32x1024xf32, #tpu.memory_space<hbm>>) target_semaphore(%run_scoped3A_216 : memref<!tpu.dma_semaphore, #tpu.memory_space<semaphore_mem>>)
      %dma_wait3A_229 = arith.constant 0 : i32
      %dma_wait3A_230 = arith.constant 0 : i32
      %dma_wait3A_231 = tpu.memref_slice %arg9[%run_scoped3A_140, %dma_wait3A_229, %dma_wait3A_230] : memref<2x32x1024xf32, #tpu.memory_space<vmem>> -> memref<1x32x1024xf32, #tpu.memory_space<vmem>>
      %dma_wait3A_232 = tpu.memref_squeeze %dma_wait3A_231 : memref<1x32x1024xf32, #tpu.memory_space<vmem>> -> memref<32x1024xf32, #tpu.memory_space<vmem>>
      %dma_wait3A_233 = arith.constant 0 : i32
      %dma_wait3A_234 = tpu.memref_slice %arg6[%add3A_139, %dma_wait3A_233] : memref<8192x1024xf32, #tpu.memory_space<hbm>> -> memref<32x1024xf32, #tpu.memory_space<hbm>>
      %dma_wait3A_235 = arith.constant 0 : i32
      %dma_wait3A_236 = tpu.memref_slice %arg6[%add3A_139, %dma_wait3A_235] : memref<8192x1024xf32, #tpu.memory_space<hbm>> -> memref<32x1024xf32, #tpu.memory_space<hbm>>
      %dma_wait3A_237 = arith.constant 0 : i32
      %dma_wait3A_238 = arith.constant 0 : i32
      %dma_wait3A_239 = tpu.memref_slice %arg9[%run_scoped3A_140, %dma_wait3A_237, %dma_wait3A_238] : memref<2x32x1024xf32, #tpu.memory_space<vmem>> -> memref<1x32x1024xf32, #tpu.memory_space<vmem>>
      %dma_wait3A_240 = tpu.memref_squeeze %dma_wait3A_239 : memref<1x32x1024xf32, #tpu.memory_space<vmem>> -> memref<32x1024xf32, #tpu.memory_space<vmem>>
      tpu.wait_dma2 semaphore(%run_scoped3A_216 : memref<!tpu.dma_semaphore, #tpu.memory_space<semaphore_mem>>) src(%dma_wait3A_240 : memref<32x1024xf32, #tpu.memory_space<vmem>>) dst(%dma_wait3A_236 : memref<32x1024xf32, #tpu.memory_space<hbm>>)
      tpu.yield
    }) : () -> ()
    %dma_start3A_141 = arith.constant 0 : i32
    %dma_start3A_142 = arith.constant 0 : i32
    %dma_start3A_143 = arith.constant 0 : i32
    %dma_start3A_144 = tpu.memref_slice %arg9[%dma_start3A_141, %dma_start3A_142, %dma_start3A_143] : memref<2x32x1024xf32, #tpu.memory_space<vmem>> -> memref<1x32x1024xf32, #tpu.memory_space<vmem>>
    %dma_start3A_145 = tpu.memref_squeeze %dma_start3A_144 : memref<1x32x1024xf32, #tpu.memory_space<vmem>> -> memref<32x1024xf32, #tpu.memory_space<vmem>>
    %dma_start3A_146 = arith.constant 192 : i32
    %dma_start3A_147 = tpu.memref_slice %arg7[%dma_start3A_146] : memref<256xi32, #tpu.memory_space<vmem>> -> memref<32xi32, #tpu.memory_space<vmem>>
    %dma_start3A_148 = arith.constant 0 : i32
    %dma_start3A_149 = arith.constant 0 : i32
    %dma_start3A_150 = tpu.memref_slice %arg4[%dma_start3A_148, %dma_start3A_149] : memref<16384x1024xf32, #tpu.memory_space<hbm>> -> memref<16384x1024xf32, #tpu.memory_space<hbm>>
    tpu.enqueue_indirect_dma source(%dma_start3A_150 : memref<16384x1024xf32, #tpu.memory_space<hbm>>) target(%dma_start3A_145 : memref<32x1024xf32, #tpu.memory_space<vmem>>) offsets(%dma_start3A_147 : memref<32xi32, #tpu.memory_space<vmem>>) semaphore(%arg11 : memref<!tpu.dma_semaphore, #tpu.memory_space<semaphore_mem>>)
    %dma_wait3A_151 = arith.constant 1 : i32
    %dma_wait3A_152 = arith.constant 0 : i32
    %dma_wait3A_153 = arith.constant 0 : i32
    %dma_wait3A_154 = tpu.memref_slice %arg9[%dma_wait3A_151, %dma_wait3A_152, %dma_wait3A_153] : memref<2x32x1024xf32, #tpu.memory_space<vmem>> -> memref<1x32x1024xf32, #tpu.memory_space<vmem>>
    %dma_wait3A_155 = tpu.memref_squeeze %dma_wait3A_154 : memref<1x32x1024xf32, #tpu.memory_space<vmem>> -> memref<32x1024xf32, #tpu.memory_space<vmem>>
    %dma_wait3A_156 = arith.constant 160 : i32
    %dma_wait3A_157 = tpu.memref_slice %arg7[%dma_wait3A_156] : memref<256xi32, #tpu.memory_space<vmem>> -> memref<32xi32, #tpu.memory_space<vmem>>
    %dma_wait3A_158 = arith.constant 0 : i32
    %dma_wait3A_159 = arith.constant 0 : i32
    %dma_wait3A_160 = tpu.memref_slice %arg4[%dma_wait3A_158, %dma_wait3A_159] : memref<16384x1024xf32, #tpu.memory_space<hbm>> -> memref<16384x1024xf32, #tpu.memory_space<hbm>>
    tpu.wait_indirect_dma semaphore(%arg12 : memref<!tpu.dma_semaphore, #tpu.memory_space<semaphore_mem>>) src(%dma_wait3A_160 : memref<16384x1024xf32, #tpu.memory_space<hbm>>) dst(%dma_wait3A_155 : memref<32x1024xf32, #tpu.memory_space<vmem>>)
    %add3A_161 = arith.constant 160 : i32
    %add3A_162 = arith.addi %mul3A_2, %add3A_161 : i32
    %run_scoped3A_163 = arith.constant 1 : i32
    "tpu.region"() ({
      %run_scoped3A_216 = tpu.sem_alloc : memref<!tpu.dma_semaphore, #tpu.memory_space<semaphore_mem>>
      %dma_start3A_217 = arith.constant 0 : i32
      %dma_start3A_218 = arith.constant 0 : i32
      %dma_start3A_219 = tpu.memref_slice %arg9[%run_scoped3A_163, %dma_start3A_217, %dma_start3A_218] : memref<2x32x1024xf32, #tpu.memory_space<vmem>> -> memref<1x32x1024xf32, #tpu.memory_space<vmem>>
      %dma_start3A_220 = tpu.memref_squeeze %dma_start3A_219 : memref<1x32x1024xf32, #tpu.memory_space<vmem>> -> memref<32x1024xf32, #tpu.memory_space<vmem>>
      %dma_start3A_221 = arith.constant 0 : i32
      %dma_start3A_222 = tpu.memref_slice %arg6[%add3A_162, %dma_start3A_221] : memref<8192x1024xf32, #tpu.memory_space<hbm>> -> memref<32x1024xf32, #tpu.memory_space<hbm>>
      %dma_start3A_223 = arith.constant 0 : i32
      %dma_start3A_224 = tpu.memref_slice %arg6[%add3A_162, %dma_start3A_223] : memref<8192x1024xf32, #tpu.memory_space<hbm>> -> memref<32x1024xf32, #tpu.memory_space<hbm>>
      %dma_start3A_225 = arith.constant 0 : i32
      %dma_start3A_226 = arith.constant 0 : i32
      %dma_start3A_227 = tpu.memref_slice %arg9[%run_scoped3A_163, %dma_start3A_225, %dma_start3A_226] : memref<2x32x1024xf32, #tpu.memory_space<vmem>> -> memref<1x32x1024xf32, #tpu.memory_space<vmem>>
      %dma_start3A_228 = tpu.memref_squeeze %dma_start3A_227 : memref<1x32x1024xf32, #tpu.memory_space<vmem>> -> memref<32x1024xf32, #tpu.memory_space<vmem>>
      tpu.enqueue_dma source(%dma_start3A_228 : memref<32x1024xf32, #tpu.memory_space<vmem>>) target(%dma_start3A_224 : memref<32x1024xf32, #tpu.memory_space<hbm>>) target_semaphore(%run_scoped3A_216 : memref<!tpu.dma_semaphore, #tpu.memory_space<semaphore_mem>>)
      %dma_wait3A_229 = arith.constant 0 : i32
      %dma_wait3A_230 = arith.constant 0 : i32
      %dma_wait3A_231 = tpu.memref_slice %arg9[%run_scoped3A_163, %dma_wait3A_229, %dma_wait3A_230] : memref<2x32x1024xf32, #tpu.memory_space<vmem>> -> memref<1x32x1024xf32, #tpu.memory_space<vmem>>
      %dma_wait3A_232 = tpu.memref_squeeze %dma_wait3A_231 : memref<1x32x1024xf32, #tpu.memory_space<vmem>> -> memref<32x1024xf32, #tpu.memory_space<vmem>>
      %dma_wait3A_233 = arith.constant 0 : i32
      %dma_wait3A_234 = tpu.memref_slice %arg6[%add3A_162, %dma_wait3A_233] : memref<8192x1024xf32, #tpu.memory_space<hbm>> -> memref<32x1024xf32, #tpu.memory_space<hbm>>
      %dma_wait3A_235 = arith.constant 0 : i32
      %dma_wait3A_236 = tpu.memref_slice %arg6[%add3A_162, %dma_wait3A_235] : memref<8192x1024xf32, #tpu.memory_space<hbm>> -> memref<32x1024xf32, #tpu.memory_space<hbm>>
      %dma_wait3A_237 = arith.constant 0 : i32
      %dma_wait3A_238 = arith.constant 0 : i32
      %dma_wait3A_239 = tpu.memref_slice %arg9[%run_scoped3A_163, %dma_wait3A_237, %dma_wait3A_238] : memref<2x32x1024xf32, #tpu.memory_space<vmem>> -> memref<1x32x1024xf32, #tpu.memory_space<vmem>>
      %dma_wait3A_240 = tpu.memref_squeeze %dma_wait3A_239 : memref<1x32x1024xf32, #tpu.memory_space<vmem>> -> memref<32x1024xf32, #tpu.memory_space<vmem>>
      tpu.wait_dma2 semaphore(%run_scoped3A_216 : memref<!tpu.dma_semaphore, #tpu.memory_space<semaphore_mem>>) src(%dma_wait3A_240 : memref<32x1024xf32, #tpu.memory_space<vmem>>) dst(%dma_wait3A_236 : memref<32x1024xf32, #tpu.memory_space<hbm>>)
      tpu.yield
    }) : () -> ()
    %dma_start3A_164 = arith.constant 1 : i32
    %dma_start3A_165 = arith.constant 0 : i32
    %dma_start3A_166 = arith.constant 0 : i32
    %dma_start3A_167 = tpu.memref_slice %arg9[%dma_start3A_164, %dma_start3A_165, %dma_start3A_166] : memref<2x32x1024xf32, #tpu.memory_space<vmem>> -> memref<1x32x1024xf32, #tpu.memory_space<vmem>>
    %dma_start3A_168 = tpu.memref_squeeze %dma_start3A_167 : memref<1x32x1024xf32, #tpu.memory_space<vmem>> -> memref<32x1024xf32, #tpu.memory_space<vmem>>
    %dma_start3A_169 = arith.constant 224 : i32
    %dma_start3A_170 = tpu.memref_slice %arg7[%dma_start3A_169] : memref<256xi32, #tpu.memory_space<vmem>> -> memref<32xi32, #tpu.memory_space<vmem>>
    %dma_start3A_171 = arith.constant 0 : i32
    %dma_start3A_172 = arith.constant 0 : i32
    %dma_start3A_173 = tpu.memref_slice %arg4[%dma_start3A_171, %dma_start3A_172] : memref<16384x1024xf32, #tpu.memory_space<hbm>> -> memref<16384x1024xf32, #tpu.memory_space<hbm>>
    tpu.enqueue_indirect_dma source(%dma_start3A_173 : memref<16384x1024xf32, #tpu.memory_space<hbm>>) target(%dma_start3A_168 : memref<32x1024xf32, #tpu.memory_space<vmem>>) offsets(%dma_start3A_170 : memref<32xi32, #tpu.memory_space<vmem>>) semaphore(%arg12 : memref<!tpu.dma_semaphore, #tpu.memory_space<semaphore_mem>>)
    %dma_wait3A_174 = arith.constant 0 : i32
    %dma_wait3A_175 = arith.constant 0 : i32
    %dma_wait3A_176 = arith.constant 0 : i32
    %dma_wait3A_177 = tpu.memref_slice %arg9[%dma_wait3A_174, %dma_wait3A_175, %dma_wait3A_176] : memref<2x32x1024xf32, #tpu.memory_space<vmem>> -> memref<1x32x1024xf32, #tpu.memory_space<vmem>>
    %dma_wait3A_178 = tpu.memref_squeeze %dma_wait3A_177 : memref<1x32x1024xf32, #tpu.memory_space<vmem>> -> memref<32x1024xf32, #tpu.memory_space<vmem>>
    %dma_wait3A_179 = arith.constant 192 : i32
    %dma_wait3A_180 = tpu.memref_slice %arg7[%dma_wait3A_179] : memref<256xi32, #tpu.memory_space<vmem>> -> memref<32xi32, #tpu.memory_space<vmem>>
    %dma_wait3A_181 = arith.constant 0 : i32
    %dma_wait3A_182 = arith.constant 0 : i32
    %dma_wait3A_183 = tpu.memref_slice %arg4[%dma_wait3A_181, %dma_wait3A_182] : memref<16384x1024xf32, #tpu.memory_space<hbm>> -> memref<16384x1024xf32, #tpu.memory_space<hbm>>
    tpu.wait_indirect_dma semaphore(%arg11 : memref<!tpu.dma_semaphore, #tpu.memory_space<semaphore_mem>>) src(%dma_wait3A_183 : memref<16384x1024xf32, #tpu.memory_space<hbm>>) dst(%dma_wait3A_178 : memref<32x1024xf32, #tpu.memory_space<vmem>>)
    %add3A_184 = arith.constant 192 : i32
    %add3A_185 = arith.addi %mul3A_2, %add3A_184 : i32
    %run_scoped3A_186 = arith.constant 0 : i32
    "tpu.region"() ({
      %run_scoped3A_216 = tpu.sem_alloc : memref<!tpu.dma_semaphore, #tpu.memory_space<semaphore_mem>>
      %dma_start3A_217 = arith.constant 0 : i32
      %dma_start3A_218 = arith.constant 0 : i32
      %dma_start3A_219 = tpu.memref_slice %arg9[%run_scoped3A_186, %dma_start3A_217, %dma_start3A_218] : memref<2x32x1024xf32, #tpu.memory_space<vmem>> -> memref<1x32x1024xf32, #tpu.memory_space<vmem>>
      %dma_start3A_220 = tpu.memref_squeeze %dma_start3A_219 : memref<1x32x1024xf32, #tpu.memory_space<vmem>> -> memref<32x1024xf32, #tpu.memory_space<vmem>>
      %dma_start3A_221 = arith.constant 0 : i32
      %dma_start3A_222 = tpu.memref_slice %arg6[%add3A_185, %dma_start3A_221] : memref<8192x1024xf32, #tpu.memory_space<hbm>> -> memref<32x1024xf32, #tpu.memory_space<hbm>>
      %dma_start3A_223 = arith.constant 0 : i32
      %dma_start3A_224 = tpu.memref_slice %arg6[%add3A_185, %dma_start3A_223] : memref<8192x1024xf32, #tpu.memory_space<hbm>> -> memref<32x1024xf32, #tpu.memory_space<hbm>>
      %dma_start3A_225 = arith.constant 0 : i32
      %dma_start3A_226 = arith.constant 0 : i32
      %dma_start3A_227 = tpu.memref_slice %arg9[%run_scoped3A_186, %dma_start3A_225, %dma_start3A_226] : memref<2x32x1024xf32, #tpu.memory_space<vmem>> -> memref<1x32x1024xf32, #tpu.memory_space<vmem>>
      %dma_start3A_228 = tpu.memref_squeeze %dma_start3A_227 : memref<1x32x1024xf32, #tpu.memory_space<vmem>> -> memref<32x1024xf32, #tpu.memory_space<vmem>>
      tpu.enqueue_dma source(%dma_start3A_228 : memref<32x1024xf32, #tpu.memory_space<vmem>>) target(%dma_start3A_224 : memref<32x1024xf32, #tpu.memory_space<hbm>>) target_semaphore(%run_scoped3A_216 : memref<!tpu.dma_semaphore, #tpu.memory_space<semaphore_mem>>)
      %dma_wait3A_229 = arith.constant 0 : i32
      %dma_wait3A_230 = arith.constant 0 : i32
      %dma_wait3A_231 = tpu.memref_slice %arg9[%run_scoped3A_186, %dma_wait3A_229, %dma_wait3A_230] : memref<2x32x1024xf32, #tpu.memory_space<vmem>> -> memref<1x32x1024xf32, #tpu.memory_space<vmem>>
      %dma_wait3A_232 = tpu.memref_squeeze %dma_wait3A_231 : memref<1x32x1024xf32, #tpu.memory_space<vmem>> -> memref<32x1024xf32, #tpu.memory_space<vmem>>
      %dma_wait3A_233 = arith.constant 0 : i32
      %dma_wait3A_234 = tpu.memref_slice %arg6[%add3A_185, %dma_wait3A_233] : memref<8192x1024xf32, #tpu.memory_space<hbm>> -> memref<32x1024xf32, #tpu.memory_space<hbm>>
      %dma_wait3A_235 = arith.constant 0 : i32
      %dma_wait3A_236 = tpu.memref_slice %arg6[%add3A_185, %dma_wait3A_235] : memref<8192x1024xf32, #tpu.memory_space<hbm>> -> memref<32x1024xf32, #tpu.memory_space<hbm>>
      %dma_wait3A_237 = arith.constant 0 : i32
      %dma_wait3A_238 = arith.constant 0 : i32
      %dma_wait3A_239 = tpu.memref_slice %arg9[%run_scoped3A_186, %dma_wait3A_237, %dma_wait3A_238] : memref<2x32x1024xf32, #tpu.memory_space<vmem>> -> memref<1x32x1024xf32, #tpu.memory_space<vmem>>
      %dma_wait3A_240 = tpu.memref_squeeze %dma_wait3A_239 : memref<1x32x1024xf32, #tpu.memory_space<vmem>> -> memref<32x1024xf32, #tpu.memory_space<vmem>>
      tpu.wait_dma2 semaphore(%run_scoped3A_216 : memref<!tpu.dma_semaphore, #tpu.memory_space<semaphore_mem>>) src(%dma_wait3A_240 : memref<32x1024xf32, #tpu.memory_space<vmem>>) dst(%dma_wait3A_236 : memref<32x1024xf32, #tpu.memory_space<hbm>>)
      tpu.yield
    }) : () -> ()
    %dma_wait3A_187 = arith.constant 1 : i32
    %dma_wait3A_188 = arith.constant 0 : i32
    %dma_wait3A_189 = arith.constant 0 : i32
    %dma_wait3A_190 = tpu.memref_slice %arg9[%dma_wait3A_187, %dma_wait3A_188, %dma_wait3A_189] : memref<2x32x1024xf32, #tpu.memory_space<vmem>> -> memref<1x32x1024xf32, #tpu.memory_space<vmem>>
    %dma_wait3A_191 = tpu.memref_squeeze %dma_wait3A_190 : memref<1x32x1024xf32, #tpu.memory_space<vmem>> -> memref<32x1024xf32, #tpu.memory_space<vmem>>
    %dma_wait3A_192 = arith.constant 224 : i32
    %dma_wait3A_193 = tpu.memref_slice %arg7[%dma_wait3A_192] : memref<256xi32, #tpu.memory_space<vmem>> -> memref<32xi32, #tpu.memory_space<vmem>>
    %dma_wait3A_194 = arith.constant 0 : i32
    %dma_wait3A_195 = arith.constant 0 : i32
    %dma_wait3A_196 = tpu.memref_slice %arg4[%dma_wait3A_194, %dma_wait3A_195] : memref<16384x1024xf32, #tpu.memory_space<hbm>> -> memref<16384x1024xf32, #tpu.memory_space<hbm>>
    tpu.wait_indirect_dma semaphore(%arg12 : memref<!tpu.dma_semaphore, #tpu.memory_space<semaphore_mem>>) src(%dma_wait3A_196 : memref<16384x1024xf32, #tpu.memory_space<hbm>>) dst(%dma_wait3A_191 : memref<32x1024xf32, #tpu.memory_space<vmem>>)
    %add3A_197 = arith.constant 224 : i32
    %add3A_198 = arith.addi %mul3A_2, %add3A_197 : i32
    %run_scoped3A_199 = arith.constant 1 : i32
    "tpu.region"() ({
      %run_scoped3A_216 = tpu.sem_alloc : memref<!tpu.dma_semaphore, #tpu.memory_space<semaphore_mem>>
      %dma_start3A_217 = arith.constant 0 : i32
      %dma_start3A_218 = arith.constant 0 : i32
      %dma_start3A_219 = tpu.memref_slice %arg9[%run_scoped3A_199, %dma_start3A_217, %dma_start3A_218] : memref<2x32x1024xf32, #tpu.memory_space<vmem>> -> memref<1x32x1024xf32, #tpu.memory_space<vmem>>
      %dma_start3A_220 = tpu.memref_squeeze %dma_start3A_219 : memref<1x32x1024xf32, #tpu.memory_space<vmem>> -> memref<32x1024xf32, #tpu.memory_space<vmem>>
      %dma_start3A_221 = arith.constant 0 : i32
      %dma_start3A_222 = tpu.memref_slice %arg6[%add3A_198, %dma_start3A_221] : memref<8192x1024xf32, #tpu.memory_space<hbm>> -> memref<32x1024xf32, #tpu.memory_space<hbm>>
      %dma_start3A_223 = arith.constant 0 : i32
      %dma_start3A_224 = tpu.memref_slice %arg6[%add3A_198, %dma_start3A_223] : memref<8192x1024xf32, #tpu.memory_space<hbm>> -> memref<32x1024xf32, #tpu.memory_space<hbm>>
      %dma_start3A_225 = arith.constant 0 : i32
      %dma_start3A_226 = arith.constant 0 : i32
      %dma_start3A_227 = tpu.memref_slice %arg9[%run_scoped3A_199, %dma_start3A_225, %dma_start3A_226] : memref<2x32x1024xf32, #tpu.memory_space<vmem>> -> memref<1x32x1024xf32, #tpu.memory_space<vmem>>
      %dma_start3A_228 = tpu.memref_squeeze %dma_start3A_227 : memref<1x32x1024xf32, #tpu.memory_space<vmem>> -> memref<32x1024xf32, #tpu.memory_space<vmem>>
      tpu.enqueue_dma source(%dma_start3A_228 : memref<32x1024xf32, #tpu.memory_space<vmem>>) target(%dma_start3A_224 : memref<32x1024xf32, #tpu.memory_space<hbm>>) target_semaphore(%run_scoped3A_216 : memref<!tpu.dma_semaphore, #tpu.memory_space<semaphore_mem>>)
      %dma_wait3A_229 = arith.constant 0 : i32
      %dma_wait3A_230 = arith.constant 0 : i32
      %dma_wait3A_231 = tpu.memref_slice %arg9[%run_scoped3A_199, %dma_wait3A_229, %dma_wait3A_230] : memref<2x32x1024xf32, #tpu.memory_space<vmem>> -> memref<1x32x1024xf32, #tpu.memory_space<vmem>>
      %dma_wait3A_232 = tpu.memref_squeeze %dma_wait3A_231 : memref<1x32x1024xf32, #tpu.memory_space<vmem>> -> memref<32x1024xf32, #tpu.memory_space<vmem>>
      %dma_wait3A_233 = arith.constant 0 : i32
      %dma_wait3A_234 = tpu.memref_slice %arg6[%add3A_198, %dma_wait3A_233] : memref<8192x1024xf32, #tpu.memory_space<hbm>> -> memref<32x1024xf32, #tpu.memory_space<hbm>>
      %dma_wait3A_235 = arith.constant 0 : i32
      %dma_wait3A_236 = tpu.memref_slice %arg6[%add3A_198, %dma_wait3A_235] : memref<8192x1024xf32, #tpu.memory_space<hbm>> -> memref<32x1024xf32, #tpu.memory_space<hbm>>
      %dma_wait3A_237 = arith.constant 0 : i32
      %dma_wait3A_238 = arith.constant 0 : i32
      %dma_wait3A_239 = tpu.memref_slice %arg9[%run_scoped3A_199, %dma_wait3A_237, %dma_wait3A_238] : memref<2x32x1024xf32, #tpu.memory_space<vmem>> -> memref<1x32x1024xf32, #tpu.memory_space<vmem>>
      %dma_wait3A_240 = tpu.memref_squeeze %dma_wait3A_239 : memref<1x32x1024xf32, #tpu.memory_space<vmem>> -> memref<32x1024xf32, #tpu.memory_space<vmem>>
      tpu.wait_dma2 semaphore(%run_scoped3A_216 : memref<!tpu.dma_semaphore, #tpu.memory_space<semaphore_mem>>) src(%dma_wait3A_240 : memref<32x1024xf32, #tpu.memory_space<vmem>>) dst(%dma_wait3A_236 : memref<32x1024xf32, #tpu.memory_space<hbm>>)
      tpu.yield
    }) : () -> ()
    %dma_wait3A_200 = arith.constant 0 : i32
    %dma_wait3A_201 = arith.constant 0 : i32
    %dma_wait3A_202 = tpu.memref_slice %arg8[%dma_wait3A_200, %dma_wait3A_201] : memref<256x128xf32, #tpu.memory_space<vmem>> -> memref<128x128xf32, #tpu.memory_space<vmem>>
    %dma_wait3A_203 = arith.constant 0 : i32
    %dma_wait3A_204 = tpu.memref_slice %arg7[%dma_wait3A_203] : memref<256xi32, #tpu.memory_space<vmem>> -> memref<128xi32, #tpu.memory_space<vmem>>
    %dma_wait3A_205 = arith.constant 0 : i32
    %dma_wait3A_206 = arith.constant 0 : i32
    %dma_wait3A_207 = tpu.memref_slice %arg3[%dma_wait3A_205, %dma_wait3A_206] : memref<16384x128xf32, #tpu.memory_space<hbm>> -> memref<16384x128xf32, #tpu.memory_space<hbm>>
    tpu.wait_indirect_dma semaphore(%arg10 : memref<!tpu.dma_semaphore, #tpu.memory_space<semaphore_mem>>) src(%dma_wait3A_207 : memref<16384x128xf32, #tpu.memory_space<hbm>>) dst(%dma_wait3A_202 : memref<128x128xf32, #tpu.memory_space<vmem>>)
    %dma_wait3A_208 = arith.constant 128 : i32
    %dma_wait3A_209 = arith.constant 0 : i32
    %dma_wait3A_210 = tpu.memref_slice %arg8[%dma_wait3A_208, %dma_wait3A_209] : memref<256x128xf32, #tpu.memory_space<vmem>> -> memref<128x128xf32, #tpu.memory_space<vmem>>
    %dma_wait3A_211 = arith.constant 128 : i32
    %dma_wait3A_212 = tpu.memref_slice %arg7[%dma_wait3A_211] : memref<256xi32, #tpu.memory_space<vmem>> -> memref<128xi32, #tpu.memory_space<vmem>>
    %dma_wait3A_213 = arith.constant 0 : i32
    %dma_wait3A_214 = arith.constant 0 : i32
    %dma_wait3A_215 = tpu.memref_slice %arg3[%dma_wait3A_213, %dma_wait3A_214] : memref<16384x128xf32, #tpu.memory_space<hbm>> -> memref<16384x128xf32, #tpu.memory_space<hbm>>
    tpu.wait_indirect_dma semaphore(%arg10 : memref<!tpu.dma_semaphore, #tpu.memory_space<semaphore_mem>>) src(%dma_wait3A_215 : memref<16384x128xf32, #tpu.memory_space<hbm>>) dst(%dma_wait3A_210 : memref<128x128xf32, #tpu.memory_space<vmem>>)
    "tpu.region"() ({
      %run_scoped3A_216 = tpu.sem_alloc : memref<!tpu.dma_semaphore, #tpu.memory_space<semaphore_mem>>
      %dma_start3A_217 = arith.constant 0 : i32
      %dma_start3A_218 = tpu.memref_slice %arg5[%mul3A_2, %dma_start3A_217] : memref<8192x128xf32, #tpu.memory_space<hbm>> -> memref<256x128xf32, #tpu.memory_space<hbm>>
      %dma_start3A_219 = arith.constant 0 : i32
      %dma_start3A_220 = tpu.memref_slice %arg5[%mul3A_2, %dma_start3A_219] : memref<8192x128xf32, #tpu.memory_space<hbm>> -> memref<256x128xf32, #tpu.memory_space<hbm>>
      tpu.enqueue_dma source(%arg8 : memref<256x128xf32, #tpu.memory_space<vmem>>) target(%dma_start3A_220 : memref<256x128xf32, #tpu.memory_space<hbm>>) target_semaphore(%run_scoped3A_216 : memref<!tpu.dma_semaphore, #tpu.memory_space<semaphore_mem>>)
      %dma_wait3A_221 = arith.constant 0 : i32
      %dma_wait3A_222 = tpu.memref_slice %arg5[%mul3A_2, %dma_wait3A_221] : memref<8192x128xf32, #tpu.memory_space<hbm>> -> memref<256x128xf32, #tpu.memory_space<hbm>>
      %dma_wait3A_223 = arith.constant 0 : i32
      %dma_wait3A_224 = tpu.memref_slice %arg5[%mul3A_2, %dma_wait3A_223] : memref<8192x128xf32, #tpu.memory_space<hbm>> -> memref<256x128xf32, #tpu.memory_space<hbm>>
      tpu.wait_dma2 semaphore(%run_scoped3A_216 : memref<!tpu.dma_semaphore, #tpu.memory_space<semaphore_mem>>) src(%arg8 : memref<256x128xf32, #tpu.memory_space<vmem>>) dst(%dma_wait3A_224 : memref<256x128xf32, #tpu.memory_space<hbm>>)
      tpu.yield
    }) : () -> ()
    return
  }
}

#map = affine_map<(d0, d1) -> (0)>
module attributes {stable_mosaic.version = 14 : i64} {
  func.func @_radix_body(%arg0: i32, %arg1: i32, %arg2: memref<16384xi32, #tpu.memory_space<hbm>>, %arg3: memref<8192xi32, #tpu.memory_space<hbm>>, %arg4: memref<1024xi32, #tpu.memory_space<vmem>>, %arg5: memref<1024xi32, #tpu.memory_space<vmem>>, %arg6: memref<2048xi32, #tpu.memory_space<vmem>>, %arg7: memref<16x2048xi32, #tpu.memory_space<vmem>>, %arg8: memref<2x64xi32, #tpu.memory_space<vmem>>, %arg9: memref<2x64xi32, #tpu.memory_space<vmem>>, %arg10: memref<2x64xi32, #tpu.memory_space<vmem>>, %arg11: memref<512xi32, #tpu.memory_space<vmem>>, %arg12: memref<16x2048xi32, #tpu.memory_space<vmem_shared>>, %arg13: memref<16384xi32, #tpu.memory_space<vmem_shared>>, %arg14: memref<16384xi32, #tpu.memory_space<vmem_shared>>, %arg15: memref<16384xi32, #tpu.memory_space<vmem_shared>>, %arg16: memref<16384xi32, #tpu.memory_space<vmem_shared>>, %arg17: memref<!tpu.dma_semaphore, #tpu.memory_space<semaphore_mem>>) attributes {dimension_semantics = [#tpu.dimension_semantics<core_parallel>, #tpu.dimension_semantics<subcore_parallel>], iteration_bounds = array<i64: 2, 16>, scalar_prefetch = 0 : i64, scratch_operands = 14 : i64, tpu.core_type = #tpu.core_type<sc_vector_subcore>, window_params = [{transform_indices = #map}, {transform_indices = #map}]} {
    %eq3A = arith.constant 0 : i32
    %eq3A_0 = arith.cmpi eq, %arg0, %eq3A : i32
    %convert_element_type3A = arith.extui %eq3A_0 : i1 to i32
    %cond3A = arith.constant 0 : i32
    %cond3A_1 = arith.cmpi ne, %convert_element_type3A, %cond3A : i32
    scf.if %cond3A_1 {
      %mul3A = arith.constant 1024 : i32
      %mul3A_2 = arith.muli %arg1, %mul3A : i32
      %broadcast_in_dim3A = arith.constant 0 : i32
      %broadcast_in_dim3A_3 = vector.broadcast %broadcast_in_dim3A : i32 to vector<16xi32>
      %iota3A = tpu.iota {dimensions = array<i32: 0>} : vector<16xi32>
      %broadcast_in_dim3A_4 = arith.constant true
      %broadcast_in_dim3A_5 = vector.broadcast %broadcast_in_dim3A_4 : i1 to vector<16xi1>
      %unique3A, %unique3A_6 = tpu.scan_count mask(%broadcast_in_dim3A_5 : vector<16xi1>) value(%broadcast_in_dim3A_3 : vector<16xi32>) : vector<16xi1>, vector<16xi32>
      %slice3A = vector.extract_strided_slice %unique3A_6 {offsets = [0], sizes = [1], strides = [1]} : vector<16xi32> to vector<1xi32>
      %squeeze3A = vector.extract %slice3A[0] : i32 from vector<1xi32>
      "tpu.region"() ({
        %run_scoped3A = tpu.sem_alloc : memref<!tpu.dma_semaphore, #tpu.memory_space<semaphore_mem>>
        %dma_start3A = tpu.memref_slice %arg2[%mul3A_2] : memref<16384xi32, #tpu.memory_space<hbm>> -> memref<1024xi32, #tpu.memory_space<hbm>>
        %dma_start3A_207 = tpu.memref_slice %arg2[%mul3A_2] : memref<16384xi32, #tpu.memory_space<hbm>> -> memref<1024xi32, #tpu.memory_space<hbm>>
        tpu.enqueue_dma source(%dma_start3A_207 : memref<1024xi32, #tpu.memory_space<hbm>>) target(%arg4 : memref<1024xi32, #tpu.memory_space<vmem>>) target_semaphore(%run_scoped3A : memref<!tpu.dma_semaphore, #tpu.memory_space<semaphore_mem>>)
        %dma_wait3A_208 = tpu.memref_slice %arg2[%mul3A_2] : memref<16384xi32, #tpu.memory_space<hbm>> -> memref<1024xi32, #tpu.memory_space<hbm>>
        %dma_wait3A_209 = tpu.memref_slice %arg2[%mul3A_2] : memref<16384xi32, #tpu.memory_space<hbm>> -> memref<1024xi32, #tpu.memory_space<hbm>>
        tpu.wait_dma2 semaphore(%run_scoped3A : memref<!tpu.dma_semaphore, #tpu.memory_space<semaphore_mem>>) src(%dma_wait3A_209 : memref<1024xi32, #tpu.memory_space<hbm>>) dst(%arg4 : memref<1024xi32, #tpu.memory_space<vmem>>)
        tpu.yield
      }) : () -> ()
      %scan3A = arith.constant 0 : i32
      %scan3A_7 = arith.constant 0 : i32
      %scan3A_8 = arith.constant 64 : i32
      %scan3A_9 = arith.addi %scan3A_7, %scan3A_8 : i32
      %scan3A_10 = arith.constant 1 : i32
      scf.for %scan3A_207 = %scan3A_7 to %scan3A_9 step %scan3A_10  : i32 {
        %mul3A_208 = arith.constant 16 : i32
        %mul3A_209 = arith.muli %scan3A_207, %mul3A_208 : i32
        %add3A = arith.addi %mul3A_2, %mul3A_209 : i32
        %add3A_210 = vector.broadcast %add3A : i32 to vector<16xi32>
        %add3A_211 = arith.addi %add3A_210, %iota3A : vector<16xi32>
        %mul3A_212 = arith.constant 16 : i32
        %mul3A_213 = arith.muli %scan3A_207, %mul3A_212 : i32
        %swap3A = arith.index_cast %mul3A_213 : i32 to index
        %swap3A_214 = tpu.vector_load %arg5[%swap3A] {strides = array<i32>} : memref<1024xi32, #tpu.memory_space<vmem>>, vector<16xi32>,
        tpu.vector_store %arg5[%swap3A], %add3A_211 {strides = array<i32>} : memref<1024xi32, #tpu.memory_space<vmem>>, vector<16xi32>,
      }
      %scan3A_11 = arith.constant 64 : i32
      %scan3A_12 = arith.constant 0 : i32
      %scan3A_13 = arith.constant 0 : i32
      %scan3A_14 = arith.constant 128 : i32
      %scan3A_15 = arith.addi %scan3A_13, %scan3A_14 : i32
      %scan3A_16 = arith.constant 1 : i32
      scf.for %scan3A_207 = %scan3A_13 to %scan3A_15 step %scan3A_16  : i32 {
        %mul3A_208 = arith.constant 16 : i32
        %mul3A_209 = arith.muli %scan3A_207, %mul3A_208 : i32
        %swap3A = arith.index_cast %mul3A_209 : i32 to index
        %swap3A_210 = tpu.vector_load %arg6[%swap3A] {strides = array<i32>} : memref<2048xi32, #tpu.memory_space<vmem>>, vector<16xi32>,
        tpu.vector_store %arg6[%swap3A], %broadcast_in_dim3A_3 {strides = array<i32>} : memref<2048xi32, #tpu.memory_space<vmem>>, vector<16xi32>,
      }
      %scan3A_17 = arith.constant 128 : i32
      %scan3A_18 = arith.constant 0 : i32
      %scan3A_19 = arith.constant 0 : i32
      %scan3A_20 = arith.constant 64 : i32
      %scan3A_21 = arith.addi %scan3A_19, %scan3A_20 : i32
      %scan3A_22 = arith.constant 1 : i32
      scf.for %scan3A_207 = %scan3A_19 to %scan3A_21 step %scan3A_22  : i32 {
        %mul3A_208 = arith.constant 16 : i32
        %mul3A_209 = arith.muli %scan3A_207, %mul3A_208 : i32
        %get3A = arith.index_cast %mul3A_209 : i32 to index
        %get3A_210 = tpu.vector_load %arg4[%get3A] {strides = array<i32>} : memref<1024xi32, #tpu.memory_space<vmem>>, vector<16xi32>,
        %and3A = arith.constant 2047 : i32
        %and3A_211 = vector.broadcast %and3A : i32 to vector<16xi32>
        %and3A_212 = arith.andi %get3A_210, %and3A_211 : vector<16xi32>
        %broadcast_in_dim3A_213 = arith.constant true
        %broadcast_in_dim3A_214 = vector.broadcast %broadcast_in_dim3A_213 : i1 to vector<16xi1>
        %unique3A_215, %unique3A_216 = tpu.scan_count mask(%broadcast_in_dim3A_214 : vector<16xi1>) value(%and3A_212 : vector<16xi32>) : vector<16xi1>, vector<16xi32>
        %gather3A = tpu.vector_load_idx %arg6[%and3A_212] : memref<2048xi32, #tpu.memory_space<vmem>>[vector<16xi32>], vector<16xi32>,
        %sub3A = vector.broadcast %squeeze3A : i32 to vector<16xi32>
        %sub3A_217 = arith.subi %unique3A_216, %sub3A : vector<16xi32>
        %add3A = arith.addi %gather3A, %sub3A_217 : vector<16xi32>
        %add3A_218 = arith.constant 1 : i32
        %add3A_219 = vector.broadcast %add3A_218 : i32 to vector<16xi32>
        %add3A_220 = arith.addi %add3A, %add3A_219 : vector<16xi32>
        tpu.vector_store_idx %arg6[%and3A_212], %add3A_220 masked %unique3A_215 : memref<2048xi32, #tpu.memory_space<vmem>>[vector<16xi32>], vector<16xi32>, vector<16xi1>
      }
      %scan3A_23 = arith.constant 64 : i32
      "tpu.region"() ({
        %run_scoped3A = tpu.sem_alloc : memref<!tpu.dma_semaphore, #tpu.memory_space<semaphore_mem>>
        %dma_start3A = arith.constant 0 : i32
        %dma_start3A_207 = tpu.memref_slice %arg12[%arg1, %dma_start3A] : memref<16x2048xi32, #tpu.memory_space<vmem_shared>> -> memref<1x2048xi32, #tpu.memory_space<vmem_shared>>
        %dma_start3A_208 = tpu.memref_squeeze %dma_start3A_207 : memref<1x2048xi32, #tpu.memory_space<vmem_shared>> -> memref<2048xi32, #tpu.memory_space<vmem_shared>>
        %dma_start3A_209 = arith.constant 0 : i32
        %dma_start3A_210 = tpu.memref_slice %arg12[%arg1, %dma_start3A_209] : memref<16x2048xi32, #tpu.memory_space<vmem_shared>> -> memref<1x2048xi32, #tpu.memory_space<vmem_shared>>
        %dma_start3A_211 = tpu.memref_squeeze %dma_start3A_210 : memref<1x2048xi32, #tpu.memory_space<vmem_shared>> -> memref<2048xi32, #tpu.memory_space<vmem_shared>>
        tpu.enqueue_dma source(%arg6 : memref<2048xi32, #tpu.memory_space<vmem>>) target(%dma_start3A_211 : memref<2048xi32, #tpu.memory_space<vmem_shared>>) target_semaphore(%run_scoped3A : memref<!tpu.dma_semaphore, #tpu.memory_space<semaphore_mem>>)
        %dma_wait3A_212 = arith.constant 0 : i32
        %dma_wait3A_213 = tpu.memref_slice %arg12[%arg1, %dma_wait3A_212] : memref<16x2048xi32, #tpu.memory_space<vmem_shared>> -> memref<1x2048xi32, #tpu.memory_space<vmem_shared>>
        %dma_wait3A_214 = tpu.memref_squeeze %dma_wait3A_213 : memref<1x2048xi32, #tpu.memory_space<vmem_shared>> -> memref<2048xi32, #tpu.memory_space<vmem_shared>>
        %dma_wait3A_215 = arith.constant 0 : i32
        %dma_wait3A_216 = tpu.memref_slice %arg12[%arg1, %dma_wait3A_215] : memref<16x2048xi32, #tpu.memory_space<vmem_shared>> -> memref<1x2048xi32, #tpu.memory_space<vmem_shared>>
        %dma_wait3A_217 = tpu.memref_squeeze %dma_wait3A_216 : memref<1x2048xi32, #tpu.memory_space<vmem_shared>> -> memref<2048xi32, #tpu.memory_space<vmem_shared>>
        tpu.wait_dma2 semaphore(%run_scoped3A : memref<!tpu.dma_semaphore, #tpu.memory_space<semaphore_mem>>) src(%arg6 : memref<2048xi32, #tpu.memory_space<vmem>>) dst(%dma_wait3A_217 : memref<2048xi32, #tpu.memory_space<vmem_shared>>)
        tpu.yield
      }) : () -> ()
      %barrier3A = arith.constant 0 : index
      tpu.barrier barrier_id(%barrier3A)
      "tpu.region"() ({
        %run_scoped3A = tpu.sem_alloc : memref<!tpu.dma_semaphore, #tpu.memory_space<semaphore_mem>>
        tpu.enqueue_dma source(%arg12 : memref<16x2048xi32, #tpu.memory_space<vmem_shared>>) target(%arg7 : memref<16x2048xi32, #tpu.memory_space<vmem>>) target_semaphore(%run_scoped3A : memref<!tpu.dma_semaphore, #tpu.memory_space<semaphore_mem>>)
        tpu.wait_dma2 semaphore(%run_scoped3A : memref<!tpu.dma_semaphore, #tpu.memory_space<semaphore_mem>>) src(%arg12 : memref<16x2048xi32, #tpu.memory_space<vmem_shared>>) dst(%arg7 : memref<16x2048xi32, #tpu.memory_space<vmem>>)
        tpu.yield
      }) : () -> ()
      %scan3A_24 = arith.constant 0 : i32
      %scan3A_25 = arith.constant 0 : i32
      %scan3A_26 = arith.constant 128 : i32
      %scan3A_27 = arith.addi %scan3A_25, %scan3A_26 : i32
      %scan3A_28 = arith.constant 1 : i32
      %scan3A_29 = scf.for %scan3A_207 = %scan3A_25 to %scan3A_27 step %scan3A_28 iter_args(%scan3A_208 = %scan3A_24) -> (i32)  : i32 {
        %mul3A_209 = arith.constant 16 : i32
        %mul3A_210 = arith.muli %scan3A_207, %mul3A_209 : i32
        %get3A = arith.constant 0 : i32
        %get3A_211 = arith.index_cast %get3A : i32 to index
        %get3A_212 = arith.index_cast %mul3A_210 : i32 to index
        %get3A_213 = tpu.vector_load %arg7[%get3A_211, %get3A_212] {strides = array<i32>} : memref<16x2048xi32, #tpu.memory_space<vmem>>, vector<16xi32>,
        %add3A = arith.addi %broadcast_in_dim3A_3, %get3A_213 : vector<16xi32>
        %gt3A = arith.constant 0 : i32
        %gt3A_214 = arith.cmpi sgt, %arg1, %gt3A : i32
        %jit3A = arith.constant 0 : i32
        %broadcast_in_dim3A_215 = vector.broadcast %jit3A : i32 to vector<16xi32>
        %select_n3A = arith.select %gt3A_214, %get3A_213, %broadcast_in_dim3A_215 : vector<16xi32>
        %add3A_216 = arith.addi %broadcast_in_dim3A_3, %select_n3A : vector<16xi32>
        %get3A_217 = arith.constant 1 : i32
        %get3A_218 = arith.index_cast %get3A_217 : i32 to index
        %get3A_219 = arith.index_cast %mul3A_210 : i32 to index
        %get3A_220 = tpu.vector_load %arg7[%get3A_218, %get3A_219] {strides = array<i32>} : memref<16x2048xi32, #tpu.memory_space<vmem>>, vector<16xi32>,
        %add3A_221 = arith.addi %add3A, %get3A_220 : vector<16xi32>
        %gt3A_222 = arith.constant 1 : i32
        %gt3A_223 = arith.cmpi sgt, %arg1, %gt3A_222 : i32
        %jit3A_224 = arith.constant 0 : i32
        %broadcast_in_dim3A_225 = vector.broadcast %jit3A_224 : i32 to vector<16xi32>
        %select_n3A_226 = arith.select %gt3A_223, %get3A_220, %broadcast_in_dim3A_225 : vector<16xi32>
        %add3A_227 = arith.addi %add3A_216, %select_n3A_226 : vector<16xi32>
        %get3A_228 = arith.constant 2 : i32
        %get3A_229 = arith.index_cast %get3A_228 : i32 to index
        %get3A_230 = arith.index_cast %mul3A_210 : i32 to index
        %get3A_231 = tpu.vector_load %arg7[%get3A_229, %get3A_230] {strides = array<i32>} : memref<16x2048xi32, #tpu.memory_space<vmem>>, vector<16xi32>,
        %add3A_232 = arith.addi %add3A_221, %get3A_231 : vector<16xi32>
        %gt3A_233 = arith.constant 2 : i32
        %gt3A_234 = arith.cmpi sgt, %arg1, %gt3A_233 : i32
        %jit3A_235 = arith.constant 0 : i32
        %broadcast_in_dim3A_236 = vector.broadcast %jit3A_235 : i32 to vector<16xi32>
        %select_n3A_237 = arith.select %gt3A_234, %get3A_231, %broadcast_in_dim3A_236 : vector<16xi32>
        %add3A_238 = arith.addi %add3A_227, %select_n3A_237 : vector<16xi32>
        %get3A_239 = arith.constant 3 : i32
        %get3A_240 = arith.index_cast %get3A_239 : i32 to index
        %get3A_241 = arith.index_cast %mul3A_210 : i32 to index
        %get3A_242 = tpu.vector_load %arg7[%get3A_240, %get3A_241] {strides = array<i32>} : memref<16x2048xi32, #tpu.memory_space<vmem>>, vector<16xi32>,
        %add3A_243 = arith.addi %add3A_232, %get3A_242 : vector<16xi32>
        %gt3A_244 = arith.constant 3 : i32
        %gt3A_245 = arith.cmpi sgt, %arg1, %gt3A_244 : i32
        %jit3A_246 = arith.constant 0 : i32
        %broadcast_in_dim3A_247 = vector.broadcast %jit3A_246 : i32 to vector<16xi32>
        %select_n3A_248 = arith.select %gt3A_245, %get3A_242, %broadcast_in_dim3A_247 : vector<16xi32>
        %add3A_249 = arith.addi %add3A_238, %select_n3A_248 : vector<16xi32>
        %get3A_250 = arith.constant 4 : i32
        %get3A_251 = arith.index_cast %get3A_250 : i32 to index
        %get3A_252 = arith.index_cast %mul3A_210 : i32 to index
        %get3A_253 = tpu.vector_load %arg7[%get3A_251, %get3A_252] {strides = array<i32>} : memref<16x2048xi32, #tpu.memory_space<vmem>>, vector<16xi32>,
        %add3A_254 = arith.addi %add3A_243, %get3A_253 : vector<16xi32>
        %gt3A_255 = arith.constant 4 : i32
        %gt3A_256 = arith.cmpi sgt, %arg1, %gt3A_255 : i32
        %jit3A_257 = arith.constant 0 : i32
        %broadcast_in_dim3A_258 = vector.broadcast %jit3A_257 : i32 to vector<16xi32>
        %select_n3A_259 = arith.select %gt3A_256, %get3A_253, %broadcast_in_dim3A_258 : vector<16xi32>
        %add3A_260 = arith.addi %add3A_249, %select_n3A_259 : vector<16xi32>
        %get3A_261 = arith.constant 5 : i32
        %get3A_262 = arith.index_cast %get3A_261 : i32 to index
        %get3A_263 = arith.index_cast %mul3A_210 : i32 to index
        %get3A_264 = tpu.vector_load %arg7[%get3A_262, %get3A_263] {strides = array<i32>} : memref<16x2048xi32, #tpu.memory_space<vmem>>, vector<16xi32>,
        %add3A_265 = arith.addi %add3A_254, %get3A_264 : vector<16xi32>
        %gt3A_266 = arith.constant 5 : i32
        %gt3A_267 = arith.cmpi sgt, %arg1, %gt3A_266 : i32
        %jit3A_268 = arith.constant 0 : i32
        %broadcast_in_dim3A_269 = vector.broadcast %jit3A_268 : i32 to vector<16xi32>
        %select_n3A_270 = arith.select %gt3A_267, %get3A_264, %broadcast_in_dim3A_269 : vector<16xi32>
        %add3A_271 = arith.addi %add3A_260, %select_n3A_270 : vector<16xi32>
        %get3A_272 = arith.constant 6 : i32
        %get3A_273 = arith.index_cast %get3A_272 : i32 to index
        %get3A_274 = arith.index_cast %mul3A_210 : i32 to index
        %get3A_275 = tpu.vector_load %arg7[%get3A_273, %get3A_274] {strides = array<i32>} : memref<16x2048xi32, #tpu.memory_space<vmem>>, vector<16xi32>,
        %add3A_276 = arith.addi %add3A_265, %get3A_275 : vector<16xi32>
        %gt3A_277 = arith.constant 6 : i32
        %gt3A_278 = arith.cmpi sgt, %arg1, %gt3A_277 : i32
        %jit3A_279 = arith.constant 0 : i32
        %broadcast_in_dim3A_280 = vector.broadcast %jit3A_279 : i32 to vector<16xi32>
        %select_n3A_281 = arith.select %gt3A_278, %get3A_275, %broadcast_in_dim3A_280 : vector<16xi32>
        %add3A_282 = arith.addi %add3A_271, %select_n3A_281 : vector<16xi32>
        %get3A_283 = arith.constant 7 : i32
        %get3A_284 = arith.index_cast %get3A_283 : i32 to index
        %get3A_285 = arith.index_cast %mul3A_210 : i32 to index
        %get3A_286 = tpu.vector_load %arg7[%get3A_284, %get3A_285] {strides = array<i32>} : memref<16x2048xi32, #tpu.memory_space<vmem>>, vector<16xi32>,
        %add3A_287 = arith.addi %add3A_276, %get3A_286 : vector<16xi32>
        %gt3A_288 = arith.constant 7 : i32
        %gt3A_289 = arith.cmpi sgt, %arg1, %gt3A_288 : i32
        %jit3A_290 = arith.constant 0 : i32
        %broadcast_in_dim3A_291 = vector.broadcast %jit3A_290 : i32 to vector<16xi32>
        %select_n3A_292 = arith.select %gt3A_289, %get3A_286, %broadcast_in_dim3A_291 : vector<16xi32>
        %add3A_293 = arith.addi %add3A_282, %select_n3A_292 : vector<16xi32>
        %get3A_294 = arith.constant 8 : i32
        %get3A_295 = arith.index_cast %get3A_294 : i32 to index
        %get3A_296 = arith.index_cast %mul3A_210 : i32 to index
        %get3A_297 = tpu.vector_load %arg7[%get3A_295, %get3A_296] {strides = array<i32>} : memref<16x2048xi32, #tpu.memory_space<vmem>>, vector<16xi32>,
        %add3A_298 = arith.addi %add3A_287, %get3A_297 : vector<16xi32>
        %gt3A_299 = arith.constant 8 : i32
        %gt3A_300 = arith.cmpi sgt, %arg1, %gt3A_299 : i32
        %jit3A_301 = arith.constant 0 : i32
        %broadcast_in_dim3A_302 = vector.broadcast %jit3A_301 : i32 to vector<16xi32>
        %select_n3A_303 = arith.select %gt3A_300, %get3A_297, %broadcast_in_dim3A_302 : vector<16xi32>
        %add3A_304 = arith.addi %add3A_293, %select_n3A_303 : vector<16xi32>
        %get3A_305 = arith.constant 9 : i32
        %get3A_306 = arith.index_cast %get3A_305 : i32 to index
        %get3A_307 = arith.index_cast %mul3A_210 : i32 to index
        %get3A_308 = tpu.vector_load %arg7[%get3A_306, %get3A_307] {strides = array<i32>} : memref<16x2048xi32, #tpu.memory_space<vmem>>, vector<16xi32>,
        %add3A_309 = arith.addi %add3A_298, %get3A_308 : vector<16xi32>
        %gt3A_310 = arith.constant 9 : i32
        %gt3A_311 = arith.cmpi sgt, %arg1, %gt3A_310 : i32
        %jit3A_312 = arith.constant 0 : i32
        %broadcast_in_dim3A_313 = vector.broadcast %jit3A_312 : i32 to vector<16xi32>
        %select_n3A_314 = arith.select %gt3A_311, %get3A_308, %broadcast_in_dim3A_313 : vector<16xi32>
        %add3A_315 = arith.addi %add3A_304, %select_n3A_314 : vector<16xi32>
        %get3A_316 = arith.constant 10 : i32
        %get3A_317 = arith.index_cast %get3A_316 : i32 to index
        %get3A_318 = arith.index_cast %mul3A_210 : i32 to index
        %get3A_319 = tpu.vector_load %arg7[%get3A_317, %get3A_318] {strides = array<i32>} : memref<16x2048xi32, #tpu.memory_space<vmem>>, vector<16xi32>,
        %add3A_320 = arith.addi %add3A_309, %get3A_319 : vector<16xi32>
        %gt3A_321 = arith.constant 10 : i32
        %gt3A_322 = arith.cmpi sgt, %arg1, %gt3A_321 : i32
        %jit3A_323 = arith.constant 0 : i32
        %broadcast_in_dim3A_324 = vector.broadcast %jit3A_323 : i32 to vector<16xi32>
        %select_n3A_325 = arith.select %gt3A_322, %get3A_319, %broadcast_in_dim3A_324 : vector<16xi32>
        %add3A_326 = arith.addi %add3A_315, %select_n3A_325 : vector<16xi32>
        %get3A_327 = arith.constant 11 : i32
        %get3A_328 = arith.index_cast %get3A_327 : i32 to index
        %get3A_329 = arith.index_cast %mul3A_210 : i32 to index
        %get3A_330 = tpu.vector_load %arg7[%get3A_328, %get3A_329] {strides = array<i32>} : memref<16x2048xi32, #tpu.memory_space<vmem>>, vector<16xi32>,
        %add3A_331 = arith.addi %add3A_320, %get3A_330 : vector<16xi32>
        %gt3A_332 = arith.constant 11 : i32
        %gt3A_333 = arith.cmpi sgt, %arg1, %gt3A_332 : i32
        %jit3A_334 = arith.constant 0 : i32
        %broadcast_in_dim3A_335 = vector.broadcast %jit3A_334 : i32 to vector<16xi32>
        %select_n3A_336 = arith.select %gt3A_333, %get3A_330, %broadcast_in_dim3A_335 : vector<16xi32>
        %add3A_337 = arith.addi %add3A_326, %select_n3A_336 : vector<16xi32>
        %get3A_338 = arith.constant 12 : i32
        %get3A_339 = arith.index_cast %get3A_338 : i32 to index
        %get3A_340 = arith.index_cast %mul3A_210 : i32 to index
        %get3A_341 = tpu.vector_load %arg7[%get3A_339, %get3A_340] {strides = array<i32>} : memref<16x2048xi32, #tpu.memory_space<vmem>>, vector<16xi32>,
        %add3A_342 = arith.addi %add3A_331, %get3A_341 : vector<16xi32>
        %gt3A_343 = arith.constant 12 : i32
        %gt3A_344 = arith.cmpi sgt, %arg1, %gt3A_343 : i32
        %jit3A_345 = arith.constant 0 : i32
        %broadcast_in_dim3A_346 = vector.broadcast %jit3A_345 : i32 to vector<16xi32>
        %select_n3A_347 = arith.select %gt3A_344, %get3A_341, %broadcast_in_dim3A_346 : vector<16xi32>
        %add3A_348 = arith.addi %add3A_337, %select_n3A_347 : vector<16xi32>
        %get3A_349 = arith.constant 13 : i32
        %get3A_350 = arith.index_cast %get3A_349 : i32 to index
        %get3A_351 = arith.index_cast %mul3A_210 : i32 to index
        %get3A_352 = tpu.vector_load %arg7[%get3A_350, %get3A_351] {strides = array<i32>} : memref<16x2048xi32, #tpu.memory_space<vmem>>, vector<16xi32>,
        %add3A_353 = arith.addi %add3A_342, %get3A_352 : vector<16xi32>
        %gt3A_354 = arith.constant 13 : i32
        %gt3A_355 = arith.cmpi sgt, %arg1, %gt3A_354 : i32
        %jit3A_356 = arith.constant 0 : i32
        %broadcast_in_dim3A_357 = vector.broadcast %jit3A_356 : i32 to vector<16xi32>
        %select_n3A_358 = arith.select %gt3A_355, %get3A_352, %broadcast_in_dim3A_357 : vector<16xi32>
        %add3A_359 = arith.addi %add3A_348, %select_n3A_358 : vector<16xi32>
        %get3A_360 = arith.constant 14 : i32
        %get3A_361 = arith.index_cast %get3A_360 : i32 to index
        %get3A_362 = arith.index_cast %mul3A_210 : i32 to index
        %get3A_363 = tpu.vector_load %arg7[%get3A_361, %get3A_362] {strides = array<i32>} : memref<16x2048xi32, #tpu.memory_space<vmem>>, vector<16xi32>,
        %add3A_364 = arith.addi %add3A_353, %get3A_363 : vector<16xi32>
        %gt3A_365 = arith.constant 14 : i32
        %gt3A_366 = arith.cmpi sgt, %arg1, %gt3A_365 : i32
        %jit3A_367 = arith.constant 0 : i32
        %broadcast_in_dim3A_368 = vector.broadcast %jit3A_367 : i32 to vector<16xi32>
        %select_n3A_369 = arith.select %gt3A_366, %get3A_363, %broadcast_in_dim3A_368 : vector<16xi32>
        %add3A_370 = arith.addi %add3A_359, %select_n3A_369 : vector<16xi32>
        %get3A_371 = arith.constant 15 : i32
        %get3A_372 = arith.index_cast %get3A_371 : i32 to index
        %get3A_373 = arith.index_cast %mul3A_210 : i32 to index
        %get3A_374 = tpu.vector_load %arg7[%get3A_372, %get3A_373] {strides = array<i32>} : memref<16x2048xi32, #tpu.memory_space<vmem>>, vector<16xi32>,
        %add3A_375 = arith.addi %add3A_364, %get3A_374 : vector<16xi32>
        %gt3A_376 = arith.constant 15 : i32
        %gt3A_377 = arith.cmpi sgt, %arg1, %gt3A_376 : i32
        %jit3A_378 = arith.constant 0 : i32
        %broadcast_in_dim3A_379 = vector.broadcast %jit3A_378 : i32 to vector<16xi32>
        %select_n3A_380 = arith.select %gt3A_377, %get3A_374, %broadcast_in_dim3A_379 : vector<16xi32>
        %add3A_381 = arith.addi %add3A_370, %select_n3A_380 : vector<16xi32>
        %broadcast_in_dim3A_382 = arith.constant true
        %broadcast_in_dim3A_383 = vector.broadcast %broadcast_in_dim3A_382 : i1 to vector<16xi1>
        %masked_cumsum3A = tpu.scan <sum>, %add3A_375 masked %broadcast_in_dim3A_383 : vector<16xi32>, vector<16xi1> -> vector<16xi32>
        %sub3A = arith.subi %masked_cumsum3A, %add3A_375 : vector<16xi32>
        %add3A_384 = arith.addi %sub3A, %add3A_381 : vector<16xi32>
        %add3A_385 = vector.broadcast %scan3A_208 : i32 to vector<16xi32>
        %add3A_386 = arith.addi %add3A_384, %add3A_385 : vector<16xi32>
        %swap3A = arith.index_cast %mul3A_210 : i32 to index
        %swap3A_387 = tpu.vector_load %arg6[%swap3A] {strides = array<i32>} : memref<2048xi32, #tpu.memory_space<vmem>>, vector<16xi32>,
        tpu.vector_store %arg6[%swap3A], %add3A_386 {strides = array<i32>} : memref<2048xi32, #tpu.memory_space<vmem>>, vector<16xi32>,
        %reduce_sum3A = arith.constant true
        %reduce_sum3A_388 = vector.broadcast %reduce_sum3A : i1 to vector<16xi1>
        %reduce_sum3A_389 = tpu.scan <sum>, %add3A_375 masked %reduce_sum3A_388 : vector<16xi32>, vector<16xi1> -> vector<16xi32>
        %reduce_sum3A_390 = vector.extract %reduce_sum3A_389[15] : i32 from vector<16xi32>
        %add3A_391 = arith.addi %scan3A_208, %reduce_sum3A_390 : i32
        scf.yield %add3A_391 : i32
      }
      %scan3A_30 = arith.constant 128 : i32
      %scan3A_31 = arith.constant 0 : i32
      %scan3A_32 = arith.constant 0 : i32
      %scan3A_33 = arith.constant 8 : i32
      %scan3A_34 = arith.addi %scan3A_32, %scan3A_33 : i32
      %scan3A_35 = arith.constant 1 : i32
      scf.for %scan3A_207 = %scan3A_32 to %scan3A_34 step %scan3A_35  : i32 {
        %gt3A = arith.constant 0 : i32
        %gt3A_208 = arith.cmpi sgt, %scan3A_207, %gt3A : i32
        %convert_element_type3A_209 = arith.extui %gt3A_208 : i1 to i32
        %cond3A_210 = arith.constant 0 : i32
        %cond3A_211 = arith.cmpi ne, %convert_element_type3A_209, %cond3A_210 : i32
        scf.if %cond3A_211 {
          %dma_wait3A_530 = arith.constant 0 : i32
          %dma_wait3A_531 = arith.constant 0 : i32
          %dma_wait3A_532 = tpu.memref_slice %arg10[%dma_wait3A_530, %dma_wait3A_531] : memref<2x64xi32, #tpu.memory_space<vmem>> -> memref<1x64xi32, #tpu.memory_space<vmem>>
          %dma_wait3A_533 = tpu.memref_squeeze %dma_wait3A_532 : memref<1x64xi32, #tpu.memory_space<vmem>> -> memref<64xi32, #tpu.memory_space<vmem>>
          %dma_wait3A_534 = arith.constant 0 : i32
          %dma_wait3A_535 = tpu.memref_slice %arg2[%dma_wait3A_534] : memref<16384xi32, #tpu.memory_space<hbm>> -> memref<64xi32, #tpu.memory_space<hbm>>
          %dma_wait3A_536 = arith.constant 0 : i32
          %dma_wait3A_537 = tpu.memref_slice %arg10[%dma_wait3A_530, %dma_wait3A_536] : memref<2x64xi32, #tpu.memory_space<vmem>> -> memref<1x64xi32, #tpu.memory_space<vmem>>
          %dma_wait3A_538 = tpu.memref_squeeze %dma_wait3A_537 : memref<1x64xi32, #tpu.memory_space<vmem>> -> memref<64xi32, #tpu.memory_space<vmem>>
          %dma_wait3A_539 = arith.constant 0 : i32
          %dma_wait3A_540 = tpu.memref_slice %arg2[%dma_wait3A_539] : memref<16384xi32, #tpu.memory_space<hbm>> -> memref<64xi32, #tpu.memory_space<hbm>>
          tpu.wait_dma2 semaphore(%arg17 : memref<!tpu.dma_semaphore, #tpu.memory_space<semaphore_mem>>) src(%dma_wait3A_540 : memref<64xi32, #tpu.memory_space<hbm>>) dst(%dma_wait3A_538 : memref<64xi32, #tpu.memory_space<vmem>>)
          %dma_wait3A_541 = arith.constant 0 : i32
          %dma_wait3A_542 = arith.constant 0 : i32
          %dma_wait3A_543 = tpu.memref_slice %arg10[%dma_wait3A_541, %dma_wait3A_542] : memref<2x64xi32, #tpu.memory_space<vmem>> -> memref<1x64xi32, #tpu.memory_space<vmem>>
          %dma_wait3A_544 = tpu.memref_squeeze %dma_wait3A_543 : memref<1x64xi32, #tpu.memory_space<vmem>> -> memref<64xi32, #tpu.memory_space<vmem>>
          %dma_wait3A_545 = arith.constant 0 : i32
          %dma_wait3A_546 = tpu.memref_slice %arg2[%dma_wait3A_545] : memref<16384xi32, #tpu.memory_space<hbm>> -> memref<64xi32, #tpu.memory_space<hbm>>
          %dma_wait3A_547 = arith.constant 0 : i32
          %dma_wait3A_548 = tpu.memref_slice %arg10[%dma_wait3A_541, %dma_wait3A_547] : memref<2x64xi32, #tpu.memory_space<vmem>> -> memref<1x64xi32, #tpu.memory_space<vmem>>
          %dma_wait3A_549 = tpu.memref_squeeze %dma_wait3A_548 : memref<1x64xi32, #tpu.memory_space<vmem>> -> memref<64xi32, #tpu.memory_space<vmem>>
          %dma_wait3A_550 = arith.constant 0 : i32
          %dma_wait3A_551 = tpu.memref_slice %arg2[%dma_wait3A_550] : memref<16384xi32, #tpu.memory_space<hbm>> -> memref<64xi32, #tpu.memory_space<hbm>>
          tpu.wait_dma2 semaphore(%arg17 : memref<!tpu.dma_semaphore, #tpu.memory_space<semaphore_mem>>) src(%dma_wait3A_551 : memref<64xi32, #tpu.memory_space<hbm>>) dst(%dma_wait3A_549 : memref<64xi32, #tpu.memory_space<vmem>>)
        } else {
        }
        %mul3A_212 = arith.constant 2 : i32
        %mul3A_213 = arith.muli %scan3A_207, %mul3A_212 : i32
        %add3A = arith.constant 0 : i32
        %add3A_214 = arith.addi %mul3A_213, %add3A : i32
        %mul3A_215 = arith.constant 64 : i32
        %mul3A_216 = arith.muli %add3A_214, %mul3A_215 : i32
        %add3A_217 = arith.constant 0 : i32
        %add3A_218 = arith.addi %mul3A_216, %add3A_217 : i32
        %get3A = arith.index_cast %add3A_218 : i32 to index
        %get3A_219 = tpu.vector_load %arg4[%get3A] {strides = array<i32>} : memref<1024xi32, #tpu.memory_space<vmem>>, vector<16xi32>,
        %get3A_220 = arith.index_cast %add3A_218 : i32 to index
        %get3A_221 = tpu.vector_load %arg5[%get3A_220] {strides = array<i32>} : memref<1024xi32, #tpu.memory_space<vmem>>, vector<16xi32>,
        %and3A = arith.constant 2047 : i32
        %and3A_222 = vector.broadcast %and3A : i32 to vector<16xi32>
        %and3A_223 = arith.andi %get3A_219, %and3A_222 : vector<16xi32>
        %broadcast_in_dim3A_224 = arith.constant true
        %broadcast_in_dim3A_225 = vector.broadcast %broadcast_in_dim3A_224 : i1 to vector<16xi1>
        %unique3A_226, %unique3A_227 = tpu.scan_count mask(%broadcast_in_dim3A_225 : vector<16xi1>) value(%and3A_223 : vector<16xi32>) : vector<16xi1>, vector<16xi32>
        %gather3A = tpu.vector_load_idx %arg6[%and3A_223] : memref<2048xi32, #tpu.memory_space<vmem>>[vector<16xi32>], vector<16xi32>,
        %sub3A = vector.broadcast %squeeze3A : i32 to vector<16xi32>
        %sub3A_228 = arith.subi %unique3A_227, %sub3A : vector<16xi32>
        %add3A_229 = arith.addi %gather3A, %sub3A_228 : vector<16xi32>
        %add3A_230 = arith.constant 1 : i32
        %add3A_231 = vector.broadcast %add3A_230 : i32 to vector<16xi32>
        %add3A_232 = arith.addi %add3A_229, %add3A_231 : vector<16xi32>
        tpu.vector_store_idx %arg6[%and3A_223], %add3A_232 masked %unique3A_226 : memref<2048xi32, #tpu.memory_space<vmem>>[vector<16xi32>], vector<16xi32>, vector<16xi1>
        %swap3A = arith.constant 0 : i32
        %swap3A_233 = arith.index_cast %swap3A : i32 to index
        %swap3A_234 = arith.constant 0 : index
        %swap3A_235 = tpu.vector_load %arg8[%swap3A_233, %swap3A_234] {strides = array<i32>} : memref<2x64xi32, #tpu.memory_space<vmem>>, vector<16xi32>,
        tpu.vector_store %arg8[%swap3A_233, %swap3A_234], %add3A_229 {strides = array<i32>} : memref<2x64xi32, #tpu.memory_space<vmem>>, vector<16xi32>,
        %swap3A_236 = arith.constant 0 : i32
        %swap3A_237 = arith.index_cast %swap3A_236 : i32 to index
        %swap3A_238 = arith.constant 0 : index
        %swap3A_239 = tpu.vector_load %arg9[%swap3A_237, %swap3A_238] {strides = array<i32>} : memref<2x64xi32, #tpu.memory_space<vmem>>, vector<16xi32>,
        tpu.vector_store %arg9[%swap3A_237, %swap3A_238], %get3A_219 {strides = array<i32>} : memref<2x64xi32, #tpu.memory_space<vmem>>, vector<16xi32>,
        %swap3A_240 = arith.constant 0 : i32
        %swap3A_241 = arith.index_cast %swap3A_240 : i32 to index
        %swap3A_242 = arith.constant 0 : index
        %swap3A_243 = tpu.vector_load %arg10[%swap3A_241, %swap3A_242] {strides = array<i32>} : memref<2x64xi32, #tpu.memory_space<vmem>>, vector<16xi32>,
        tpu.vector_store %arg10[%swap3A_241, %swap3A_242], %get3A_221 {strides = array<i32>} : memref<2x64xi32, #tpu.memory_space<vmem>>, vector<16xi32>,
        %mul3A_244 = arith.constant 64 : i32
        %mul3A_245 = arith.muli %add3A_214, %mul3A_244 : i32
        %add3A_246 = arith.constant 16 : i32
        %add3A_247 = arith.addi %mul3A_245, %add3A_246 : i32
        %get3A_248 = arith.index_cast %add3A_247 : i32 to index
        %get3A_249 = tpu.vector_load %arg4[%get3A_248] {strides = array<i32>} : memref<1024xi32, #tpu.memory_space<vmem>>, vector<16xi32>,
        %get3A_250 = arith.index_cast %add3A_247 : i32 to index
        %get3A_251 = tpu.vector_load %arg5[%get3A_250] {strides = array<i32>} : memref<1024xi32, #tpu.memory_space<vmem>>, vector<16xi32>,
        %and3A_252 = arith.constant 2047 : i32
        %and3A_253 = vector.broadcast %and3A_252 : i32 to vector<16xi32>
        %and3A_254 = arith.andi %get3A_249, %and3A_253 : vector<16xi32>
        %broadcast_in_dim3A_255 = arith.constant true
        %broadcast_in_dim3A_256 = vector.broadcast %broadcast_in_dim3A_255 : i1 to vector<16xi1>
        %unique3A_257, %unique3A_258 = tpu.scan_count mask(%broadcast_in_dim3A_256 : vector<16xi1>) value(%and3A_254 : vector<16xi32>) : vector<16xi1>, vector<16xi32>
        %gather3A_259 = tpu.vector_load_idx %arg6[%and3A_254] : memref<2048xi32, #tpu.memory_space<vmem>>[vector<16xi32>], vector<16xi32>,
        %sub3A_260 = vector.broadcast %squeeze3A : i32 to vector<16xi32>
        %sub3A_261 = arith.subi %unique3A_258, %sub3A_260 : vector<16xi32>
        %add3A_262 = arith.addi %gather3A_259, %sub3A_261 : vector<16xi32>
        %add3A_263 = arith.constant 1 : i32
        %add3A_264 = vector.broadcast %add3A_263 : i32 to vector<16xi32>
        %add3A_265 = arith.addi %add3A_262, %add3A_264 : vector<16xi32>
        tpu.vector_store_idx %arg6[%and3A_254], %add3A_265 masked %unique3A_257 : memref<2048xi32, #tpu.memory_space<vmem>>[vector<16xi32>], vector<16xi32>, vector<16xi1>
        %swap3A_266 = arith.constant 0 : i32
        %swap3A_267 = arith.index_cast %swap3A_266 : i32 to index
        %swap3A_268 = arith.constant 16 : index
        %swap3A_269 = tpu.vector_load %arg8[%swap3A_267, %swap3A_268] {strides = array<i32>} : memref<2x64xi32, #tpu.memory_space<vmem>>, vector<16xi32>,
        tpu.vector_store %arg8[%swap3A_267, %swap3A_268], %add3A_262 {strides = array<i32>} : memref<2x64xi32, #tpu.memory_space<vmem>>, vector<16xi32>,
        %swap3A_270 = arith.constant 0 : i32
        %swap3A_271 = arith.index_cast %swap3A_270 : i32 to index
        %swap3A_272 = arith.constant 16 : index
        %swap3A_273 = tpu.vector_load %arg9[%swap3A_271, %swap3A_272] {strides = array<i32>} : memref<2x64xi32, #tpu.memory_space<vmem>>, vector<16xi32>,
        tpu.vector_store %arg9[%swap3A_271, %swap3A_272], %get3A_249 {strides = array<i32>} : memref<2x64xi32, #tpu.memory_space<vmem>>, vector<16xi32>,
        %swap3A_274 = arith.constant 0 : i32
        %swap3A_275 = arith.index_cast %swap3A_274 : i32 to index
        %swap3A_276 = arith.constant 16 : index
        %swap3A_277 = tpu.vector_load %arg10[%swap3A_275, %swap3A_276] {strides = array<i32>} : memref<2x64xi32, #tpu.memory_space<vmem>>, vector<16xi32>,
        tpu.vector_store %arg10[%swap3A_275, %swap3A_276], %get3A_251 {strides = array<i32>} : memref<2x64xi32, #tpu.memory_space<vmem>>, vector<16xi32>,
        %mul3A_278 = arith.constant 64 : i32
        %mul3A_279 = arith.muli %add3A_214, %mul3A_278 : i32
        %add3A_280 = arith.constant 32 : i32
        %add3A_281 = arith.addi %mul3A_279, %add3A_280 : i32
        %get3A_282 = arith.index_cast %add3A_281 : i32 to index
        %get3A_283 = tpu.vector_load %arg4[%get3A_282] {strides = array<i32>} : memref<1024xi32, #tpu.memory_space<vmem>>, vector<16xi32>,
        %get3A_284 = arith.index_cast %add3A_281 : i32 to index
        %get3A_285 = tpu.vector_load %arg5[%get3A_284] {strides = array<i32>} : memref<1024xi32, #tpu.memory_space<vmem>>, vector<16xi32>,
        %and3A_286 = arith.constant 2047 : i32
        %and3A_287 = vector.broadcast %and3A_286 : i32 to vector<16xi32>
        %and3A_288 = arith.andi %get3A_283, %and3A_287 : vector<16xi32>
        %broadcast_in_dim3A_289 = arith.constant true
        %broadcast_in_dim3A_290 = vector.broadcast %broadcast_in_dim3A_289 : i1 to vector<16xi1>
        %unique3A_291, %unique3A_292 = tpu.scan_count mask(%broadcast_in_dim3A_290 : vector<16xi1>) value(%and3A_288 : vector<16xi32>) : vector<16xi1>, vector<16xi32>
        %gather3A_293 = tpu.vector_load_idx %arg6[%and3A_288] : memref<2048xi32, #tpu.memory_space<vmem>>[vector<16xi32>], vector<16xi32>,
        %sub3A_294 = vector.broadcast %squeeze3A : i32 to vector<16xi32>
        %sub3A_295 = arith.subi %unique3A_292, %sub3A_294 : vector<16xi32>
        %add3A_296 = arith.addi %gather3A_293, %sub3A_295 : vector<16xi32>
        %add3A_297 = arith.constant 1 : i32
        %add3A_298 = vector.broadcast %add3A_297 : i32 to vector<16xi32>
        %add3A_299 = arith.addi %add3A_296, %add3A_298 : vector<16xi32>
        tpu.vector_store_idx %arg6[%and3A_288], %add3A_299 masked %unique3A_291 : memref<2048xi32, #tpu.memory_space<vmem>>[vector<16xi32>], vector<16xi32>, vector<16xi1>
        %swap3A_300 = arith.constant 0 : i32
        %swap3A_301 = arith.index_cast %swap3A_300 : i32 to index
        %swap3A_302 = arith.constant 32 : index
        %swap3A_303 = tpu.vector_load %arg8[%swap3A_301, %swap3A_302] {strides = array<i32>} : memref<2x64xi32, #tpu.memory_space<vmem>>, vector<16xi32>,
        tpu.vector_store %arg8[%swap3A_301, %swap3A_302], %add3A_296 {strides = array<i32>} : memref<2x64xi32, #tpu.memory_space<vmem>>, vector<16xi32>,
        %swap3A_304 = arith.constant 0 : i32
        %swap3A_305 = arith.index_cast %swap3A_304 : i32 to index
        %swap3A_306 = arith.constant 32 : index
        %swap3A_307 = tpu.vector_load %arg9[%swap3A_305, %swap3A_306] {strides = array<i32>} : memref<2x64xi32, #tpu.memory_space<vmem>>, vector<16xi32>,
        tpu.vector_store %arg9[%swap3A_305, %swap3A_306], %get3A_283 {strides = array<i32>} : memref<2x64xi32, #tpu.memory_space<vmem>>, vector<16xi32>,
        %swap3A_308 = arith.constant 0 : i32
        %swap3A_309 = arith.index_cast %swap3A_308 : i32 to index
        %swap3A_310 = arith.constant 32 : index
        %swap3A_311 = tpu.vector_load %arg10[%swap3A_309, %swap3A_310] {strides = array<i32>} : memref<2x64xi32, #tpu.memory_space<vmem>>, vector<16xi32>,
        tpu.vector_store %arg10[%swap3A_309, %swap3A_310], %get3A_285 {strides = array<i32>} : memref<2x64xi32, #tpu.memory_space<vmem>>, vector<16xi32>,
        %mul3A_312 = arith.constant 64 : i32
        %mul3A_313 = arith.muli %add3A_214, %mul3A_312 : i32
        %add3A_314 = arith.constant 48 : i32
        %add3A_315 = arith.addi %mul3A_313, %add3A_314 : i32
        %get3A_316 = arith.index_cast %add3A_315 : i32 to index
        %get3A_317 = tpu.vector_load %arg4[%get3A_316] {strides = array<i32>} : memref<1024xi32, #tpu.memory_space<vmem>>, vector<16xi32>,
        %get3A_318 = arith.index_cast %add3A_315 : i32 to index
        %get3A_319 = tpu.vector_load %arg5[%get3A_318] {strides = array<i32>} : memref<1024xi32, #tpu.memory_space<vmem>>, vector<16xi32>,
        %and3A_320 = arith.constant 2047 : i32
        %and3A_321 = vector.broadcast %and3A_320 : i32 to vector<16xi32>
        %and3A_322 = arith.andi %get3A_317, %and3A_321 : vector<16xi32>
        %broadcast_in_dim3A_323 = arith.constant true
        %broadcast_in_dim3A_324 = vector.broadcast %broadcast_in_dim3A_323 : i1 to vector<16xi1>
        %unique3A_325, %unique3A_326 = tpu.scan_count mask(%broadcast_in_dim3A_324 : vector<16xi1>) value(%and3A_322 : vector<16xi32>) : vector<16xi1>, vector<16xi32>
        %gather3A_327 = tpu.vector_load_idx %arg6[%and3A_322] : memref<2048xi32, #tpu.memory_space<vmem>>[vector<16xi32>], vector<16xi32>,
        %sub3A_328 = vector.broadcast %squeeze3A : i32 to vector<16xi32>
        %sub3A_329 = arith.subi %unique3A_326, %sub3A_328 : vector<16xi32>
        %add3A_330 = arith.addi %gather3A_327, %sub3A_329 : vector<16xi32>
        %add3A_331 = arith.constant 1 : i32
        %add3A_332 = vector.broadcast %add3A_331 : i32 to vector<16xi32>
        %add3A_333 = arith.addi %add3A_330, %add3A_332 : vector<16xi32>
        tpu.vector_store_idx %arg6[%and3A_322], %add3A_333 masked %unique3A_325 : memref<2048xi32, #tpu.memory_space<vmem>>[vector<16xi32>], vector<16xi32>, vector<16xi1>
        %swap3A_334 = arith.constant 0 : i32
        %swap3A_335 = arith.index_cast %swap3A_334 : i32 to index
        %swap3A_336 = arith.constant 48 : index
        %swap3A_337 = tpu.vector_load %arg8[%swap3A_335, %swap3A_336] {strides = array<i32>} : memref<2x64xi32, #tpu.memory_space<vmem>>, vector<16xi32>,
        tpu.vector_store %arg8[%swap3A_335, %swap3A_336], %add3A_330 {strides = array<i32>} : memref<2x64xi32, #tpu.memory_space<vmem>>, vector<16xi32>,
        %swap3A_338 = arith.constant 0 : i32
        %swap3A_339 = arith.index_cast %swap3A_338 : i32 to index
        %swap3A_340 = arith.constant 48 : index
        %swap3A_341 = tpu.vector_load %arg9[%swap3A_339, %swap3A_340] {strides = array<i32>} : memref<2x64xi32, #tpu.memory_space<vmem>>, vector<16xi32>,
        tpu.vector_store %arg9[%swap3A_339, %swap3A_340], %get3A_317 {strides = array<i32>} : memref<2x64xi32, #tpu.memory_space<vmem>>, vector<16xi32>,
        %swap3A_342 = arith.constant 0 : i32
        %swap3A_343 = arith.index_cast %swap3A_342 : i32 to index
        %swap3A_344 = arith.constant 48 : index
        %swap3A_345 = tpu.vector_load %arg10[%swap3A_343, %swap3A_344] {strides = array<i32>} : memref<2x64xi32, #tpu.memory_space<vmem>>, vector<16xi32>,
        tpu.vector_store %arg10[%swap3A_343, %swap3A_344], %get3A_319 {strides = array<i32>} : memref<2x64xi32, #tpu.memory_space<vmem>>, vector<16xi32>,
        %dma_start3A = arith.constant 0 : i32
        %dma_start3A_346 = arith.constant 0 : i32
        %dma_start3A_347 = arith.constant 0 : i32
        %dma_start3A_348 = tpu.memref_slice %arg9[%dma_start3A, %dma_start3A_347] : memref<2x64xi32, #tpu.memory_space<vmem>> -> memref<1x64xi32, #tpu.memory_space<vmem>>
        %dma_start3A_349 = tpu.memref_squeeze %dma_start3A_348 : memref<1x64xi32, #tpu.memory_space<vmem>> -> memref<64xi32, #tpu.memory_space<vmem>>
        %dma_start3A_350 = arith.constant 0 : i32
        %dma_start3A_351 = tpu.memref_slice %arg8[%dma_start3A_346, %dma_start3A_350] : memref<2x64xi32, #tpu.memory_space<vmem>> -> memref<1x64xi32, #tpu.memory_space<vmem>>
        %dma_start3A_352 = tpu.memref_squeeze %dma_start3A_351 : memref<1x64xi32, #tpu.memory_space<vmem>> -> memref<64xi32, #tpu.memory_space<vmem>>
        %dma_start3A_353 = arith.constant 0 : i32
        %dma_start3A_354 = tpu.memref_slice %arg13[%dma_start3A_353] : memref<16384xi32, #tpu.memory_space<vmem_shared>> -> memref<16384xi32, #tpu.memory_space<vmem_shared>>
        tpu.enqueue_indirect_dma source(%dma_start3A_349 : memref<64xi32, #tpu.memory_space<vmem>>) target(%dma_start3A_354 : memref<16384xi32, #tpu.memory_space<vmem_shared>>) offsets(%dma_start3A_352 : memref<64xi32, #tpu.memory_space<vmem>>) semaphore(%arg17 : memref<!tpu.dma_semaphore, #tpu.memory_space<semaphore_mem>>)
        %dma_start3A_355 = arith.constant 0 : i32
        %dma_start3A_356 = arith.constant 0 : i32
        %dma_start3A_357 = arith.constant 0 : i32
        %dma_start3A_358 = tpu.memref_slice %arg10[%dma_start3A_355, %dma_start3A_357] : memref<2x64xi32, #tpu.memory_space<vmem>> -> memref<1x64xi32, #tpu.memory_space<vmem>>
        %dma_start3A_359 = tpu.memref_squeeze %dma_start3A_358 : memref<1x64xi32, #tpu.memory_space<vmem>> -> memref<64xi32, #tpu.memory_space<vmem>>
        %dma_start3A_360 = arith.constant 0 : i32
        %dma_start3A_361 = tpu.memref_slice %arg8[%dma_start3A_356, %dma_start3A_360] : memref<2x64xi32, #tpu.memory_space<vmem>> -> memref<1x64xi32, #tpu.memory_space<vmem>>
        %dma_start3A_362 = tpu.memref_squeeze %dma_start3A_361 : memref<1x64xi32, #tpu.memory_space<vmem>> -> memref<64xi32, #tpu.memory_space<vmem>>
        %dma_start3A_363 = arith.constant 0 : i32
        %dma_start3A_364 = tpu.memref_slice %arg14[%dma_start3A_363] : memref<16384xi32, #tpu.memory_space<vmem_shared>> -> memref<16384xi32, #tpu.memory_space<vmem_shared>>
        tpu.enqueue_indirect_dma source(%dma_start3A_359 : memref<64xi32, #tpu.memory_space<vmem>>) target(%dma_start3A_364 : memref<16384xi32, #tpu.memory_space<vmem_shared>>) offsets(%dma_start3A_362 : memref<64xi32, #tpu.memory_space<vmem>>) semaphore(%arg17 : memref<!tpu.dma_semaphore, #tpu.memory_space<semaphore_mem>>)
        %gt3A_365 = arith.constant 0 : i32
        %gt3A_366 = arith.cmpi sgt, %scan3A_207, %gt3A_365 : i32
        %convert_element_type3A_367 = arith.extui %gt3A_366 : i1 to i32
        %cond3A_368 = arith.constant 0 : i32
        %cond3A_369 = arith.cmpi ne, %convert_element_type3A_367, %cond3A_368 : i32
        scf.if %cond3A_369 {
          %dma_wait3A_530 = arith.constant 0 : i32
          %dma_wait3A_531 = arith.constant 0 : i32
          %dma_wait3A_532 = tpu.memref_slice %arg10[%dma_wait3A_530, %dma_wait3A_531] : memref<2x64xi32, #tpu.memory_space<vmem>> -> memref<1x64xi32, #tpu.memory_space<vmem>>
          %dma_wait3A_533 = tpu.memref_squeeze %dma_wait3A_532 : memref<1x64xi32, #tpu.memory_space<vmem>> -> memref<64xi32, #tpu.memory_space<vmem>>
          %dma_wait3A_534 = arith.constant 0 : i32
          %dma_wait3A_535 = tpu.memref_slice %arg2[%dma_wait3A_534] : memref<16384xi32, #tpu.memory_space<hbm>> -> memref<64xi32, #tpu.memory_space<hbm>>
          %dma_wait3A_536 = arith.constant 0 : i32
          %dma_wait3A_537 = tpu.memref_slice %arg10[%dma_wait3A_530, %dma_wait3A_536] : memref<2x64xi32, #tpu.memory_space<vmem>> -> memref<1x64xi32, #tpu.memory_space<vmem>>
          %dma_wait3A_538 = tpu.memref_squeeze %dma_wait3A_537 : memref<1x64xi32, #tpu.memory_space<vmem>> -> memref<64xi32, #tpu.memory_space<vmem>>
          %dma_wait3A_539 = arith.constant 0 : i32
          %dma_wait3A_540 = tpu.memref_slice %arg2[%dma_wait3A_539] : memref<16384xi32, #tpu.memory_space<hbm>> -> memref<64xi32, #tpu.memory_space<hbm>>
          tpu.wait_dma2 semaphore(%arg17 : memref<!tpu.dma_semaphore, #tpu.memory_space<semaphore_mem>>) src(%dma_wait3A_540 : memref<64xi32, #tpu.memory_space<hbm>>) dst(%dma_wait3A_538 : memref<64xi32, #tpu.memory_space<vmem>>)
          %dma_wait3A_541 = arith.constant 0 : i32
          %dma_wait3A_542 = arith.constant 0 : i32
          %dma_wait3A_543 = tpu.memref_slice %arg10[%dma_wait3A_541, %dma_wait3A_542] : memref<2x64xi32, #tpu.memory_space<vmem>> -> memref<1x64xi32, #tpu.memory_space<vmem>>
          %dma_wait3A_544 = tpu.memref_squeeze %dma_wait3A_543 : memref<1x64xi32, #tpu.memory_space<vmem>> -> memref<64xi32, #tpu.memory_space<vmem>>
          %dma_wait3A_545 = arith.constant 0 : i32
          %dma_wait3A_546 = tpu.memref_slice %arg2[%dma_wait3A_545] : memref<16384xi32, #tpu.memory_space<hbm>> -> memref<64xi32, #tpu.memory_space<hbm>>
          %dma_wait3A_547 = arith.constant 0 : i32
          %dma_wait3A_548 = tpu.memref_slice %arg10[%dma_wait3A_541, %dma_wait3A_547] : memref<2x64xi32, #tpu.memory_space<vmem>> -> memref<1x64xi32, #tpu.memory_space<vmem>>
          %dma_wait3A_549 = tpu.memref_squeeze %dma_wait3A_548 : memref<1x64xi32, #tpu.memory_space<vmem>> -> memref<64xi32, #tpu.memory_space<vmem>>
          %dma_wait3A_550 = arith.constant 0 : i32
          %dma_wait3A_551 = tpu.memref_slice %arg2[%dma_wait3A_550] : memref<16384xi32, #tpu.memory_space<hbm>> -> memref<64xi32, #tpu.memory_space<hbm>>
          tpu.wait_dma2 semaphore(%arg17 : memref<!tpu.dma_semaphore, #tpu.memory_space<semaphore_mem>>) src(%dma_wait3A_551 : memref<64xi32, #tpu.memory_space<hbm>>) dst(%dma_wait3A_549 : memref<64xi32, #tpu.memory_space<vmem>>)
        } else {
        }
        %mul3A_370 = arith.constant 2 : i32
        %mul3A_371 = arith.muli %scan3A_207, %mul3A_370 : i32
        %add3A_372 = arith.constant 1 : i32
        %add3A_373 = arith.addi %mul3A_371, %add3A_372 : i32
        %mul3A_374 = arith.constant 64 : i32
        %mul3A_375 = arith.muli %add3A_373, %mul3A_374 : i32
        %add3A_376 = arith.constant 0 : i32
        %add3A_377 = arith.addi %mul3A_375, %add3A_376 : i32
        %get3A_378 = arith.index_cast %add3A_377 : i32 to index
        %get3A_379 = tpu.vector_load %arg4[%get3A_378] {strides = array<i32>} : memref<1024xi32, #tpu.memory_space<vmem>>, vector<16xi32>,
        %get3A_380 = arith.index_cast %add3A_377 : i32 to index
        %get3A_381 = tpu.vector_load %arg5[%get3A_380] {strides = array<i32>} : memref<1024xi32, #tpu.memory_space<vmem>>, vector<16xi32>,
        %and3A_382 = arith.constant 2047 : i32
        %and3A_383 = vector.broadcast %and3A_382 : i32 to vector<16xi32>
        %and3A_384 = arith.andi %get3A_379, %and3A_383 : vector<16xi32>
        %broadcast_in_dim3A_385 = arith.constant true
        %broadcast_in_dim3A_386 = vector.broadcast %broadcast_in_dim3A_385 : i1 to vector<16xi1>
        %unique3A_387, %unique3A_388 = tpu.scan_count mask(%broadcast_in_dim3A_386 : vector<16xi1>) value(%and3A_384 : vector<16xi32>) : vector<16xi1>, vector<16xi32>
        %gather3A_389 = tpu.vector_load_idx %arg6[%and3A_384] : memref<2048xi32, #tpu.memory_space<vmem>>[vector<16xi32>], vector<16xi32>,
        %sub3A_390 = vector.broadcast %squeeze3A : i32 to vector<16xi32>
        %sub3A_391 = arith.subi %unique3A_388, %sub3A_390 : vector<16xi32>
        %add3A_392 = arith.addi %gather3A_389, %sub3A_391 : vector<16xi32>
        %add3A_393 = arith.constant 1 : i32
        %add3A_394 = vector.broadcast %add3A_393 : i32 to vector<16xi32>
        %add3A_395 = arith.addi %add3A_392, %add3A_394 : vector<16xi32>
        tpu.vector_store_idx %arg6[%and3A_384], %add3A_395 masked %unique3A_387 : memref<2048xi32, #tpu.memory_space<vmem>>[vector<16xi32>], vector<16xi32>, vector<16xi1>
        %swap3A_396 = arith.constant 1 : i32
        %swap3A_397 = arith.index_cast %swap3A_396 : i32 to index
        %swap3A_398 = arith.constant 0 : index
        %swap3A_399 = tpu.vector_load %arg8[%swap3A_397, %swap3A_398] {strides = array<i32>} : memref<2x64xi32, #tpu.memory_space<vmem>>, vector<16xi32>,
        tpu.vector_store %arg8[%swap3A_397, %swap3A_398], %add3A_392 {strides = array<i32>} : memref<2x64xi32, #tpu.memory_space<vmem>>, vector<16xi32>,
        %swap3A_400 = arith.constant 1 : i32
        %swap3A_401 = arith.index_cast %swap3A_400 : i32 to index
        %swap3A_402 = arith.constant 0 : index
        %swap3A_403 = tpu.vector_load %arg9[%swap3A_401, %swap3A_402] {strides = array<i32>} : memref<2x64xi32, #tpu.memory_space<vmem>>, vector<16xi32>,
        tpu.vector_store %arg9[%swap3A_401, %swap3A_402], %get3A_379 {strides = array<i32>} : memref<2x64xi32, #tpu.memory_space<vmem>>, vector<16xi32>,
        %swap3A_404 = arith.constant 1 : i32
        %swap3A_405 = arith.index_cast %swap3A_404 : i32 to index
        %swap3A_406 = arith.constant 0 : index
        %swap3A_407 = tpu.vector_load %arg10[%swap3A_405, %swap3A_406] {strides = array<i32>} : memref<2x64xi32, #tpu.memory_space<vmem>>, vector<16xi32>,
        tpu.vector_store %arg10[%swap3A_405, %swap3A_406], %get3A_381 {strides = array<i32>} : memref<2x64xi32, #tpu.memory_space<vmem>>, vector<16xi32>,
        %mul3A_408 = arith.constant 64 : i32
        %mul3A_409 = arith.muli %add3A_373, %mul3A_408 : i32
        %add3A_410 = arith.constant 16 : i32
        %add3A_411 = arith.addi %mul3A_409, %add3A_410 : i32
        %get3A_412 = arith.index_cast %add3A_411 : i32 to index
        %get3A_413 = tpu.vector_load %arg4[%get3A_412] {strides = array<i32>} : memref<1024xi32, #tpu.memory_space<vmem>>, vector<16xi32>,
        %get3A_414 = arith.index_cast %add3A_411 : i32 to index
        %get3A_415 = tpu.vector_load %arg5[%get3A_414] {strides = array<i32>} : memref<1024xi32, #tpu.memory_space<vmem>>, vector<16xi32>,
        %and3A_416 = arith.constant 2047 : i32
        %and3A_417 = vector.broadcast %and3A_416 : i32 to vector<16xi32>
        %and3A_418 = arith.andi %get3A_413, %and3A_417 : vector<16xi32>
        %broadcast_in_dim3A_419 = arith.constant true
        %broadcast_in_dim3A_420 = vector.broadcast %broadcast_in_dim3A_419 : i1 to vector<16xi1>
        %unique3A_421, %unique3A_422 = tpu.scan_count mask(%broadcast_in_dim3A_420 : vector<16xi1>) value(%and3A_418 : vector<16xi32>) : vector<16xi1>, vector<16xi32>
        %gather3A_423 = tpu.vector_load_idx %arg6[%and3A_418] : memref<2048xi32, #tpu.memory_space<vmem>>[vector<16xi32>], vector<16xi32>,
        %sub3A_424 = vector.broadcast %squeeze3A : i32 to vector<16xi32>
        %sub3A_425 = arith.subi %unique3A_422, %sub3A_424 : vector<16xi32>
        %add3A_426 = arith.addi %gather3A_423, %sub3A_425 : vector<16xi32>
        %add3A_427 = arith.constant 1 : i32
        %add3A_428 = vector.broadcast %add3A_427 : i32 to vector<16xi32>
        %add3A_429 = arith.addi %add3A_426, %add3A_428 : vector<16xi32>
        tpu.vector_store_idx %arg6[%and3A_418], %add3A_429 masked %unique3A_421 : memref<2048xi32, #tpu.memory_space<vmem>>[vector<16xi32>], vector<16xi32>, vector<16xi1>
        %swap3A_430 = arith.constant 1 : i32
        %swap3A_431 = arith.index_cast %swap3A_430 : i32 to index
        %swap3A_432 = arith.constant 16 : index
        %swap3A_433 = tpu.vector_load %arg8[%swap3A_431, %swap3A_432] {strides = array<i32>} : memref<2x64xi32, #tpu.memory_space<vmem>>, vector<16xi32>,
        tpu.vector_store %arg8[%swap3A_431, %swap3A_432], %add3A_426 {strides = array<i32>} : memref<2x64xi32, #tpu.memory_space<vmem>>, vector<16xi32>,
        %swap3A_434 = arith.constant 1 : i32
        %swap3A_435 = arith.index_cast %swap3A_434 : i32 to index
        %swap3A_436 = arith.constant 16 : index
        %swap3A_437 = tpu.vector_load %arg9[%swap3A_435, %swap3A_436] {strides = array<i32>} : memref<2x64xi32, #tpu.memory_space<vmem>>, vector<16xi32>,
        tpu.vector_store %arg9[%swap3A_435, %swap3A_436], %get3A_413 {strides = array<i32>} : memref<2x64xi32, #tpu.memory_space<vmem>>, vector<16xi32>,
        %swap3A_438 = arith.constant 1 : i32
        %swap3A_439 = arith.index_cast %swap3A_438 : i32 to index
        %swap3A_440 = arith.constant 16 : index
        %swap3A_441 = tpu.vector_load %arg10[%swap3A_439, %swap3A_440] {strides = array<i32>} : memref<2x64xi32, #tpu.memory_space<vmem>>, vector<16xi32>,
        tpu.vector_store %arg10[%swap3A_439, %swap3A_440], %get3A_415 {strides = array<i32>} : memref<2x64xi32, #tpu.memory_space<vmem>>, vector<16xi32>,
        %mul3A_442 = arith.constant 64 : i32
        %mul3A_443 = arith.muli %add3A_373, %mul3A_442 : i32
        %add3A_444 = arith.constant 32 : i32
        %add3A_445 = arith.addi %mul3A_443, %add3A_444 : i32
        %get3A_446 = arith.index_cast %add3A_445 : i32 to index
        %get3A_447 = tpu.vector_load %arg4[%get3A_446] {strides = array<i32>} : memref<1024xi32, #tpu.memory_space<vmem>>, vector<16xi32>,
        %get3A_448 = arith.index_cast %add3A_445 : i32 to index
        %get3A_449 = tpu.vector_load %arg5[%get3A_448] {strides = array<i32>} : memref<1024xi32, #tpu.memory_space<vmem>>, vector<16xi32>,
        %and3A_450 = arith.constant 2047 : i32
        %and3A_451 = vector.broadcast %and3A_450 : i32 to vector<16xi32>
        %and3A_452 = arith.andi %get3A_447, %and3A_451 : vector<16xi32>
        %broadcast_in_dim3A_453 = arith.constant true
        %broadcast_in_dim3A_454 = vector.broadcast %broadcast_in_dim3A_453 : i1 to vector<16xi1>
        %unique3A_455, %unique3A_456 = tpu.scan_count mask(%broadcast_in_dim3A_454 : vector<16xi1>) value(%and3A_452 : vector<16xi32>) : vector<16xi1>, vector<16xi32>
        %gather3A_457 = tpu.vector_load_idx %arg6[%and3A_452] : memref<2048xi32, #tpu.memory_space<vmem>>[vector<16xi32>], vector<16xi32>,
        %sub3A_458 = vector.broadcast %squeeze3A : i32 to vector<16xi32>
        %sub3A_459 = arith.subi %unique3A_456, %sub3A_458 : vector<16xi32>
        %add3A_460 = arith.addi %gather3A_457, %sub3A_459 : vector<16xi32>
        %add3A_461 = arith.constant 1 : i32
        %add3A_462 = vector.broadcast %add3A_461 : i32 to vector<16xi32>
        %add3A_463 = arith.addi %add3A_460, %add3A_462 : vector<16xi32>
        tpu.vector_store_idx %arg6[%and3A_452], %add3A_463 masked %unique3A_455 : memref<2048xi32, #tpu.memory_space<vmem>>[vector<16xi32>], vector<16xi32>, vector<16xi1>
        %swap3A_464 = arith.constant 1 : i32
        %swap3A_465 = arith.index_cast %swap3A_464 : i32 to index
        %swap3A_466 = arith.constant 32 : index
        %swap3A_467 = tpu.vector_load %arg8[%swap3A_465, %swap3A_466] {strides = array<i32>} : memref<2x64xi32, #tpu.memory_space<vmem>>, vector<16xi32>,
        tpu.vector_store %arg8[%swap3A_465, %swap3A_466], %add3A_460 {strides = array<i32>} : memref<2x64xi32, #tpu.memory_space<vmem>>, vector<16xi32>,
        %swap3A_468 = arith.constant 1 : i32
        %swap3A_469 = arith.index_cast %swap3A_468 : i32 to index
        %swap3A_470 = arith.constant 32 : index
        %swap3A_471 = tpu.vector_load %arg9[%swap3A_469, %swap3A_470] {strides = array<i32>} : memref<2x64xi32, #tpu.memory_space<vmem>>, vector<16xi32>,
        tpu.vector_store %arg9[%swap3A_469, %swap3A_470], %get3A_447 {strides = array<i32>} : memref<2x64xi32, #tpu.memory_space<vmem>>, vector<16xi32>,
        %swap3A_472 = arith.constant 1 : i32
        %swap3A_473 = arith.index_cast %swap3A_472 : i32 to index
        %swap3A_474 = arith.constant 32 : index
        %swap3A_475 = tpu.vector_load %arg10[%swap3A_473, %swap3A_474] {strides = array<i32>} : memref<2x64xi32, #tpu.memory_space<vmem>>, vector<16xi32>,
        tpu.vector_store %arg10[%swap3A_473, %swap3A_474], %get3A_449 {strides = array<i32>} : memref<2x64xi32, #tpu.memory_space<vmem>>, vector<16xi32>,
        %mul3A_476 = arith.constant 64 : i32
        %mul3A_477 = arith.muli %add3A_373, %mul3A_476 : i32
        %add3A_478 = arith.constant 48 : i32
        %add3A_479 = arith.addi %mul3A_477, %add3A_478 : i32
        %get3A_480 = arith.index_cast %add3A_479 : i32 to index
        %get3A_481 = tpu.vector_load %arg4[%get3A_480] {strides = array<i32>} : memref<1024xi32, #tpu.memory_space<vmem>>, vector<16xi32>,
        %get3A_482 = arith.index_cast %add3A_479 : i32 to index
        %get3A_483 = tpu.vector_load %arg5[%get3A_482] {strides = array<i32>} : memref<1024xi32, #tpu.memory_space<vmem>>, vector<16xi32>,
        %and3A_484 = arith.constant 2047 : i32
        %and3A_485 = vector.broadcast %and3A_484 : i32 to vector<16xi32>
        %and3A_486 = arith.andi %get3A_481, %and3A_485 : vector<16xi32>
        %broadcast_in_dim3A_487 = arith.constant true
        %broadcast_in_dim3A_488 = vector.broadcast %broadcast_in_dim3A_487 : i1 to vector<16xi1>
        %unique3A_489, %unique3A_490 = tpu.scan_count mask(%broadcast_in_dim3A_488 : vector<16xi1>) value(%and3A_486 : vector<16xi32>) : vector<16xi1>, vector<16xi32>
        %gather3A_491 = tpu.vector_load_idx %arg6[%and3A_486] : memref<2048xi32, #tpu.memory_space<vmem>>[vector<16xi32>], vector<16xi32>,
        %sub3A_492 = vector.broadcast %squeeze3A : i32 to vector<16xi32>
        %sub3A_493 = arith.subi %unique3A_490, %sub3A_492 : vector<16xi32>
        %add3A_494 = arith.addi %gather3A_491, %sub3A_493 : vector<16xi32>
        %add3A_495 = arith.constant 1 : i32
        %add3A_496 = vector.broadcast %add3A_495 : i32 to vector<16xi32>
        %add3A_497 = arith.addi %add3A_494, %add3A_496 : vector<16xi32>
        tpu.vector_store_idx %arg6[%and3A_486], %add3A_497 masked %unique3A_489 : memref<2048xi32, #tpu.memory_space<vmem>>[vector<16xi32>], vector<16xi32>, vector<16xi1>
        %swap3A_498 = arith.constant 1 : i32
        %swap3A_499 = arith.index_cast %swap3A_498 : i32 to index
        %swap3A_500 = arith.constant 48 : index
        %swap3A_501 = tpu.vector_load %arg8[%swap3A_499, %swap3A_500] {strides = array<i32>} : memref<2x64xi32, #tpu.memory_space<vmem>>, vector<16xi32>,
        tpu.vector_store %arg8[%swap3A_499, %swap3A_500], %add3A_494 {strides = array<i32>} : memref<2x64xi32, #tpu.memory_space<vmem>>, vector<16xi32>,
        %swap3A_502 = arith.constant 1 : i32
        %swap3A_503 = arith.index_cast %swap3A_502 : i32 to index
        %swap3A_504 = arith.constant 48 : index
        %swap3A_505 = tpu.vector_load %arg9[%swap3A_503, %swap3A_504] {strides = array<i32>} : memref<2x64xi32, #tpu.memory_space<vmem>>, vector<16xi32>,
        tpu.vector_store %arg9[%swap3A_503, %swap3A_504], %get3A_481 {strides = array<i32>} : memref<2x64xi32, #tpu.memory_space<vmem>>, vector<16xi32>,
        %swap3A_506 = arith.constant 1 : i32
        %swap3A_507 = arith.index_cast %swap3A_506 : i32 to index
        %swap3A_508 = arith.constant 48 : index
        %swap3A_509 = tpu.vector_load %arg10[%swap3A_507, %swap3A_508] {strides = array<i32>} : memref<2x64xi32, #tpu.memory_space<vmem>>, vector<16xi32>,
        tpu.vector_store %arg10[%swap3A_507, %swap3A_508], %get3A_483 {strides = array<i32>} : memref<2x64xi32, #tpu.memory_space<vmem>>, vector<16xi32>,
        %dma_start3A_510 = arith.constant 1 : i32
        %dma_start3A_511 = arith.constant 1 : i32
        %dma_start3A_512 = arith.constant 0 : i32
        %dma_start3A_513 = tpu.memref_slice %arg9[%dma_start3A_510, %dma_start3A_512] : memref<2x64xi32, #tpu.memory_space<vmem>> -> memref<1x64xi32, #tpu.memory_space<vmem>>
        %dma_start3A_514 = tpu.memref_squeeze %dma_start3A_513 : memref<1x64xi32, #tpu.memory_space<vmem>> -> memref<64xi32, #tpu.memory_space<vmem>>
        %dma_start3A_515 = arith.constant 0 : i32
        %dma_start3A_516 = tpu.memref_slice %arg8[%dma_start3A_511, %dma_start3A_515] : memref<2x64xi32, #tpu.memory_space<vmem>> -> memref<1x64xi32, #tpu.memory_space<vmem>>
        %dma_start3A_517 = tpu.memref_squeeze %dma_start3A_516 : memref<1x64xi32, #tpu.memory_space<vmem>> -> memref<64xi32, #tpu.memory_space<vmem>>
        %dma_start3A_518 = arith.constant 0 : i32
        %dma_start3A_519 = tpu.memref_slice %arg13[%dma_start3A_518] : memref<16384xi32, #tpu.memory_space<vmem_shared>> -> memref<16384xi32, #tpu.memory_space<vmem_shared>>
        tpu.enqueue_indirect_dma source(%dma_start3A_514 : memref<64xi32, #tpu.memory_space<vmem>>) target(%dma_start3A_519 : memref<16384xi32, #tpu.memory_space<vmem_shared>>) offsets(%dma_start3A_517 : memref<64xi32, #tpu.memory_space<vmem>>) semaphore(%arg17 : memref<!tpu.dma_semaphore, #tpu.memory_space<semaphore_mem>>)
        %dma_start3A_520 = arith.constant 1 : i32
        %dma_start3A_521 = arith.constant 1 : i32
        %dma_start3A_522 = arith.constant 0 : i32
        %dma_start3A_523 = tpu.memref_slice %arg10[%dma_start3A_520, %dma_start3A_522] : memref<2x64xi32, #tpu.memory_space<vmem>> -> memref<1x64xi32, #tpu.memory_space<vmem>>
        %dma_start3A_524 = tpu.memref_squeeze %dma_start3A_523 : memref<1x64xi32, #tpu.memory_space<vmem>> -> memref<64xi32, #tpu.memory_space<vmem>>
        %dma_start3A_525 = arith.constant 0 : i32
        %dma_start3A_526 = tpu.memref_slice %arg8[%dma_start3A_521, %dma_start3A_525] : memref<2x64xi32, #tpu.memory_space<vmem>> -> memref<1x64xi32, #tpu.memory_space<vmem>>
        %dma_start3A_527 = tpu.memref_squeeze %dma_start3A_526 : memref<1x64xi32, #tpu.memory_space<vmem>> -> memref<64xi32, #tpu.memory_space<vmem>>
        %dma_start3A_528 = arith.constant 0 : i32
        %dma_start3A_529 = tpu.memref_slice %arg14[%dma_start3A_528] : memref<16384xi32, #tpu.memory_space<vmem_shared>> -> memref<16384xi32, #tpu.memory_space<vmem_shared>>
        tpu.enqueue_indirect_dma source(%dma_start3A_524 : memref<64xi32, #tpu.memory_space<vmem>>) target(%dma_start3A_529 : memref<16384xi32, #tpu.memory_space<vmem_shared>>) offsets(%dma_start3A_527 : memref<64xi32, #tpu.memory_space<vmem>>) semaphore(%arg17 : memref<!tpu.dma_semaphore, #tpu.memory_space<semaphore_mem>>)
      }
      %scan3A_36 = arith.constant 8 : i32
      %dma_wait3A = arith.constant 0 : i32
      %dma_wait3A_37 = arith.constant 0 : i32
      %dma_wait3A_38 = tpu.memref_slice %arg10[%dma_wait3A, %dma_wait3A_37] : memref<2x64xi32, #tpu.memory_space<vmem>> -> memref<1x64xi32, #tpu.memory_space<vmem>>
      %dma_wait3A_39 = tpu.memref_squeeze %dma_wait3A_38 : memref<1x64xi32, #tpu.memory_space<vmem>> -> memref<64xi32, #tpu.memory_space<vmem>>
      %dma_wait3A_40 = arith.constant 0 : i32
      %dma_wait3A_41 = tpu.memref_slice %arg2[%dma_wait3A_40] : memref<16384xi32, #tpu.memory_space<hbm>> -> memref<64xi32, #tpu.memory_space<hbm>>
      %dma_wait3A_42 = arith.constant 0 : i32
      %dma_wait3A_43 = tpu.memref_slice %arg10[%dma_wait3A, %dma_wait3A_42] : memref<2x64xi32, #tpu.memory_space<vmem>> -> memref<1x64xi32, #tpu.memory_space<vmem>>
      %dma_wait3A_44 = tpu.memref_squeeze %dma_wait3A_43 : memref<1x64xi32, #tpu.memory_space<vmem>> -> memref<64xi32, #tpu.memory_space<vmem>>
      %dma_wait3A_45 = arith.constant 0 : i32
      %dma_wait3A_46 = tpu.memref_slice %arg2[%dma_wait3A_45] : memref<16384xi32, #tpu.memory_space<hbm>> -> memref<64xi32, #tpu.memory_space<hbm>>
      tpu.wait_dma2 semaphore(%arg17 : memref<!tpu.dma_semaphore, #tpu.memory_space<semaphore_mem>>) src(%dma_wait3A_46 : memref<64xi32, #tpu.memory_space<hbm>>) dst(%dma_wait3A_44 : memref<64xi32, #tpu.memory_space<vmem>>)
      %dma_wait3A_47 = arith.constant 0 : i32
      %dma_wait3A_48 = arith.constant 0 : i32
      %dma_wait3A_49 = tpu.memref_slice %arg10[%dma_wait3A_47, %dma_wait3A_48] : memref<2x64xi32, #tpu.memory_space<vmem>> -> memref<1x64xi32, #tpu.memory_space<vmem>>
      %dma_wait3A_50 = tpu.memref_squeeze %dma_wait3A_49 : memref<1x64xi32, #tpu.memory_space<vmem>> -> memref<64xi32, #tpu.memory_space<vmem>>
      %dma_wait3A_51 = arith.constant 0 : i32
      %dma_wait3A_52 = tpu.memref_slice %arg2[%dma_wait3A_51] : memref<16384xi32, #tpu.memory_space<hbm>> -> memref<64xi32, #tpu.memory_space<hbm>>
      %dma_wait3A_53 = arith.constant 0 : i32
      %dma_wait3A_54 = tpu.memref_slice %arg10[%dma_wait3A_47, %dma_wait3A_53] : memref<2x64xi32, #tpu.memory_space<vmem>> -> memref<1x64xi32, #tpu.memory_space<vmem>>
      %dma_wait3A_55 = tpu.memref_squeeze %dma_wait3A_54 : memref<1x64xi32, #tpu.memory_space<vmem>> -> memref<64xi32, #tpu.memory_space<vmem>>
      %dma_wait3A_56 = arith.constant 0 : i32
      %dma_wait3A_57 = tpu.memref_slice %arg2[%dma_wait3A_56] : memref<16384xi32, #tpu.memory_space<hbm>> -> memref<64xi32, #tpu.memory_space<hbm>>
      tpu.wait_dma2 semaphore(%arg17 : memref<!tpu.dma_semaphore, #tpu.memory_space<semaphore_mem>>) src(%dma_wait3A_57 : memref<64xi32, #tpu.memory_space<hbm>>) dst(%dma_wait3A_55 : memref<64xi32, #tpu.memory_space<vmem>>)
      %dma_wait3A_58 = arith.constant 0 : i32
      %dma_wait3A_59 = arith.constant 0 : i32
      %dma_wait3A_60 = tpu.memref_slice %arg10[%dma_wait3A_58, %dma_wait3A_59] : memref<2x64xi32, #tpu.memory_space<vmem>> -> memref<1x64xi32, #tpu.memory_space<vmem>>
      %dma_wait3A_61 = tpu.memref_squeeze %dma_wait3A_60 : memref<1x64xi32, #tpu.memory_space<vmem>> -> memref<64xi32, #tpu.memory_space<vmem>>
      %dma_wait3A_62 = arith.constant 0 : i32
      %dma_wait3A_63 = tpu.memref_slice %arg2[%dma_wait3A_62] : memref<16384xi32, #tpu.memory_space<hbm>> -> memref<64xi32, #tpu.memory_space<hbm>>
      %dma_wait3A_64 = arith.constant 0 : i32
      %dma_wait3A_65 = tpu.memref_slice %arg10[%dma_wait3A_58, %dma_wait3A_64] : memref<2x64xi32, #tpu.memory_space<vmem>> -> memref<1x64xi32, #tpu.memory_space<vmem>>
      %dma_wait3A_66 = tpu.memref_squeeze %dma_wait3A_65 : memref<1x64xi32, #tpu.memory_space<vmem>> -> memref<64xi32, #tpu.memory_space<vmem>>
      %dma_wait3A_67 = arith.constant 0 : i32
      %dma_wait3A_68 = tpu.memref_slice %arg2[%dma_wait3A_67] : memref<16384xi32, #tpu.memory_space<hbm>> -> memref<64xi32, #tpu.memory_space<hbm>>
      tpu.wait_dma2 semaphore(%arg17 : memref<!tpu.dma_semaphore, #tpu.memory_space<semaphore_mem>>) src(%dma_wait3A_68 : memref<64xi32, #tpu.memory_space<hbm>>) dst(%dma_wait3A_66 : memref<64xi32, #tpu.memory_space<vmem>>)
      %dma_wait3A_69 = arith.constant 0 : i32
      %dma_wait3A_70 = arith.constant 0 : i32
      %dma_wait3A_71 = tpu.memref_slice %arg10[%dma_wait3A_69, %dma_wait3A_70] : memref<2x64xi32, #tpu.memory_space<vmem>> -> memref<1x64xi32, #tpu.memory_space<vmem>>
      %dma_wait3A_72 = tpu.memref_squeeze %dma_wait3A_71 : memref<1x64xi32, #tpu.memory_space<vmem>> -> memref<64xi32, #tpu.memory_space<vmem>>
      %dma_wait3A_73 = arith.constant 0 : i32
      %dma_wait3A_74 = tpu.memref_slice %arg2[%dma_wait3A_73] : memref<16384xi32, #tpu.memory_space<hbm>> -> memref<64xi32, #tpu.memory_space<hbm>>
      %dma_wait3A_75 = arith.constant 0 : i32
      %dma_wait3A_76 = tpu.memref_slice %arg10[%dma_wait3A_69, %dma_wait3A_75] : memref<2x64xi32, #tpu.memory_space<vmem>> -> memref<1x64xi32, #tpu.memory_space<vmem>>
      %dma_wait3A_77 = tpu.memref_squeeze %dma_wait3A_76 : memref<1x64xi32, #tpu.memory_space<vmem>> -> memref<64xi32, #tpu.memory_space<vmem>>
      %dma_wait3A_78 = arith.constant 0 : i32
      %dma_wait3A_79 = tpu.memref_slice %arg2[%dma_wait3A_78] : memref<16384xi32, #tpu.memory_space<hbm>> -> memref<64xi32, #tpu.memory_space<hbm>>
      tpu.wait_dma2 semaphore(%arg17 : memref<!tpu.dma_semaphore, #tpu.memory_space<semaphore_mem>>) src(%dma_wait3A_79 : memref<64xi32, #tpu.memory_space<hbm>>) dst(%dma_wait3A_77 : memref<64xi32, #tpu.memory_space<vmem>>)
      %barrier3A_80 = arith.constant 0 : index
      tpu.barrier barrier_id(%barrier3A_80)
      "tpu.region"() ({
        %run_scoped3A = tpu.sem_alloc : memref<!tpu.dma_semaphore, #tpu.memory_space<semaphore_mem>>
        %dma_start3A = tpu.memref_slice %arg13[%mul3A_2] : memref<16384xi32, #tpu.memory_space<vmem_shared>> -> memref<1024xi32, #tpu.memory_space<vmem_shared>>
        %dma_start3A_207 = tpu.memref_slice %arg13[%mul3A_2] : memref<16384xi32, #tpu.memory_space<vmem_shared>> -> memref<1024xi32, #tpu.memory_space<vmem_shared>>
        tpu.enqueue_dma source(%dma_start3A_207 : memref<1024xi32, #tpu.memory_space<vmem_shared>>) target(%arg4 : memref<1024xi32, #tpu.memory_space<vmem>>) target_semaphore(%run_scoped3A : memref<!tpu.dma_semaphore, #tpu.memory_space<semaphore_mem>>)
        %dma_wait3A_208 = tpu.memref_slice %arg13[%mul3A_2] : memref<16384xi32, #tpu.memory_space<vmem_shared>> -> memref<1024xi32, #tpu.memory_space<vmem_shared>>
        %dma_wait3A_209 = tpu.memref_slice %arg13[%mul3A_2] : memref<16384xi32, #tpu.memory_space<vmem_shared>> -> memref<1024xi32, #tpu.memory_space<vmem_shared>>
        tpu.wait_dma2 semaphore(%run_scoped3A : memref<!tpu.dma_semaphore, #tpu.memory_space<semaphore_mem>>) src(%dma_wait3A_209 : memref<1024xi32, #tpu.memory_space<vmem_shared>>) dst(%arg4 : memref<1024xi32, #tpu.memory_space<vmem>>)
        tpu.yield
      }) : () -> ()
      "tpu.region"() ({
        %run_scoped3A = tpu.sem_alloc : memref<!tpu.dma_semaphore, #tpu.memory_space<semaphore_mem>>
        %dma_start3A = tpu.memref_slice %arg14[%mul3A_2] : memref<16384xi32, #tpu.memory_space<vmem_shared>> -> memref<1024xi32, #tpu.memory_space<vmem_shared>>
        %dma_start3A_207 = tpu.memref_slice %arg14[%mul3A_2] : memref<16384xi32, #tpu.memory_space<vmem_shared>> -> memref<1024xi32, #tpu.memory_space<vmem_shared>>
        tpu.enqueue_dma source(%dma_start3A_207 : memref<1024xi32, #tpu.memory_space<vmem_shared>>) target(%arg5 : memref<1024xi32, #tpu.memory_space<vmem>>) target_semaphore(%run_scoped3A : memref<!tpu.dma_semaphore, #tpu.memory_space<semaphore_mem>>)
        %dma_wait3A_208 = tpu.memref_slice %arg14[%mul3A_2] : memref<16384xi32, #tpu.memory_space<vmem_shared>> -> memref<1024xi32, #tpu.memory_space<vmem_shared>>
        %dma_wait3A_209 = tpu.memref_slice %arg14[%mul3A_2] : memref<16384xi32, #tpu.memory_space<vmem_shared>> -> memref<1024xi32, #tpu.memory_space<vmem_shared>>
        tpu.wait_dma2 semaphore(%run_scoped3A : memref<!tpu.dma_semaphore, #tpu.memory_space<semaphore_mem>>) src(%dma_wait3A_209 : memref<1024xi32, #tpu.memory_space<vmem_shared>>) dst(%arg5 : memref<1024xi32, #tpu.memory_space<vmem>>)
        tpu.yield
      }) : () -> ()
      %barrier3A_81 = arith.constant 0 : index
      tpu.barrier barrier_id(%barrier3A_81)
      %scan3A_82 = arith.constant 0 : i32
      %scan3A_83 = arith.constant 0 : i32
      %scan3A_84 = arith.constant 128 : i32
      %scan3A_85 = arith.addi %scan3A_83, %scan3A_84 : i32
      %scan3A_86 = arith.constant 1 : i32
      scf.for %scan3A_207 = %scan3A_83 to %scan3A_85 step %scan3A_86  : i32 {
        %mul3A_208 = arith.constant 16 : i32
        %mul3A_209 = arith.muli %scan3A_207, %mul3A_208 : i32
        %swap3A = arith.index_cast %mul3A_209 : i32 to index
        %swap3A_210 = tpu.vector_load %arg6[%swap3A] {strides = array<i32>} : memref<2048xi32, #tpu.memory_space<vmem>>, vector<16xi32>,
        tpu.vector_store %arg6[%swap3A], %broadcast_in_dim3A_3 {strides = array<i32>} : memref<2048xi32, #tpu.memory_space<vmem>>, vector<16xi32>,
      }
      %scan3A_87 = arith.constant 128 : i32
      %scan3A_88 = arith.constant 0 : i32
      %scan3A_89 = arith.constant 0 : i32
      %scan3A_90 = arith.constant 64 : i32
      %scan3A_91 = arith.addi %scan3A_89, %scan3A_90 : i32
      %scan3A_92 = arith.constant 1 : i32
      scf.for %scan3A_207 = %scan3A_89 to %scan3A_91 step %scan3A_92  : i32 {
        %mul3A_208 = arith.constant 16 : i32
        %mul3A_209 = arith.muli %scan3A_207, %mul3A_208 : i32
        %get3A = arith.index_cast %mul3A_209 : i32 to index
        %get3A_210 = tpu.vector_load %arg4[%get3A] {strides = array<i32>} : memref<1024xi32, #tpu.memory_space<vmem>>, vector<16xi32>,
        %shift_right_arithmetic3A = arith.constant 11 : i32
        %shift_right_arithmetic3A_211 = vector.broadcast %shift_right_arithmetic3A : i32 to vector<16xi32>
        %shift_right_arithmetic3A_212 = arith.shrsi %get3A_210, %shift_right_arithmetic3A_211 : vector<16xi32>
        %and3A = arith.constant 2047 : i32
        %and3A_213 = vector.broadcast %and3A : i32 to vector<16xi32>
        %and3A_214 = arith.andi %shift_right_arithmetic3A_212, %and3A_213 : vector<16xi32>
        %broadcast_in_dim3A_215 = arith.constant true
        %broadcast_in_dim3A_216 = vector.broadcast %broadcast_in_dim3A_215 : i1 to vector<16xi1>
        %unique3A_217, %unique3A_218 = tpu.scan_count mask(%broadcast_in_dim3A_216 : vector<16xi1>) value(%and3A_214 : vector<16xi32>) : vector<16xi1>, vector<16xi32>
        %gather3A = tpu.vector_load_idx %arg6[%and3A_214] : memref<2048xi32, #tpu.memory_space<vmem>>[vector<16xi32>], vector<16xi32>,
        %sub3A = vector.broadcast %squeeze3A : i32 to vector<16xi32>
        %sub3A_219 = arith.subi %unique3A_218, %sub3A : vector<16xi32>
        %add3A = arith.addi %gather3A, %sub3A_219 : vector<16xi32>
        %add3A_220 = arith.constant 1 : i32
        %add3A_221 = vector.broadcast %add3A_220 : i32 to vector<16xi32>
        %add3A_222 = arith.addi %add3A, %add3A_221 : vector<16xi32>
        tpu.vector_store_idx %arg6[%and3A_214], %add3A_222 masked %unique3A_217 : memref<2048xi32, #tpu.memory_space<vmem>>[vector<16xi32>], vector<16xi32>, vector<16xi1>
      }
      %scan3A_93 = arith.constant 64 : i32
      "tpu.region"() ({
        %run_scoped3A = tpu.sem_alloc : memref<!tpu.dma_semaphore, #tpu.memory_space<semaphore_mem>>
        %dma_start3A = arith.constant 0 : i32
        %dma_start3A_207 = tpu.memref_slice %arg12[%arg1, %dma_start3A] : memref<16x2048xi32, #tpu.memory_space<vmem_shared>> -> memref<1x2048xi32, #tpu.memory_space<vmem_shared>>
        %dma_start3A_208 = tpu.memref_squeeze %dma_start3A_207 : memref<1x2048xi32, #tpu.memory_space<vmem_shared>> -> memref<2048xi32, #tpu.memory_space<vmem_shared>>
        %dma_start3A_209 = arith.constant 0 : i32
        %dma_start3A_210 = tpu.memref_slice %arg12[%arg1, %dma_start3A_209] : memref<16x2048xi32, #tpu.memory_space<vmem_shared>> -> memref<1x2048xi32, #tpu.memory_space<vmem_shared>>
        %dma_start3A_211 = tpu.memref_squeeze %dma_start3A_210 : memref<1x2048xi32, #tpu.memory_space<vmem_shared>> -> memref<2048xi32, #tpu.memory_space<vmem_shared>>
        tpu.enqueue_dma source(%arg6 : memref<2048xi32, #tpu.memory_space<vmem>>) target(%dma_start3A_211 : memref<2048xi32, #tpu.memory_space<vmem_shared>>) target_semaphore(%run_scoped3A : memref<!tpu.dma_semaphore, #tpu.memory_space<semaphore_mem>>)
        %dma_wait3A_212 = arith.constant 0 : i32
        %dma_wait3A_213 = tpu.memref_slice %arg12[%arg1, %dma_wait3A_212] : memref<16x2048xi32, #tpu.memory_space<vmem_shared>> -> memref<1x2048xi32, #tpu.memory_space<vmem_shared>>
        %dma_wait3A_214 = tpu.memref_squeeze %dma_wait3A_213 : memref<1x2048xi32, #tpu.memory_space<vmem_shared>> -> memref<2048xi32, #tpu.memory_space<vmem_shared>>
        %dma_wait3A_215 = arith.constant 0 : i32
        %dma_wait3A_216 = tpu.memref_slice %arg12[%arg1, %dma_wait3A_215] : memref<16x2048xi32, #tpu.memory_space<vmem_shared>> -> memref<1x2048xi32, #tpu.memory_space<vmem_shared>>
        %dma_wait3A_217 = tpu.memref_squeeze %dma_wait3A_216 : memref<1x2048xi32, #tpu.memory_space<vmem_shared>> -> memref<2048xi32, #tpu.memory_space<vmem_shared>>
        tpu.wait_dma2 semaphore(%run_scoped3A : memref<!tpu.dma_semaphore, #tpu.memory_space<semaphore_mem>>) src(%arg6 : memref<2048xi32, #tpu.memory_space<vmem>>) dst(%dma_wait3A_217 : memref<2048xi32, #tpu.memory_space<vmem_shared>>)
        tpu.yield
      }) : () -> ()
      %barrier3A_94 = arith.constant 0 : index
      tpu.barrier barrier_id(%barrier3A_94)
      "tpu.region"() ({
        %run_scoped3A = tpu.sem_alloc : memref<!tpu.dma_semaphore, #tpu.memory_space<semaphore_mem>>
        tpu.enqueue_dma source(%arg12 : memref<16x2048xi32, #tpu.memory_space<vmem_shared>>) target(%arg7 : memref<16x2048xi32, #tpu.memory_space<vmem>>) target_semaphore(%run_scoped3A : memref<!tpu.dma_semaphore, #tpu.memory_space<semaphore_mem>>)
        tpu.wait_dma2 semaphore(%run_scoped3A : memref<!tpu.dma_semaphore, #tpu.memory_space<semaphore_mem>>) src(%arg12 : memref<16x2048xi32, #tpu.memory_space<vmem_shared>>) dst(%arg7 : memref<16x2048xi32, #tpu.memory_space<vmem>>)
        tpu.yield
      }) : () -> ()
      %scan3A_95 = arith.constant 0 : i32
      %scan3A_96 = arith.constant 0 : i32
      %scan3A_97 = arith.constant 128 : i32
      %scan3A_98 = arith.addi %scan3A_96, %scan3A_97 : i32
      %scan3A_99 = arith.constant 1 : i32
      %scan3A_100 = scf.for %scan3A_207 = %scan3A_96 to %scan3A_98 step %scan3A_99 iter_args(%scan3A_208 = %scan3A_95) -> (i32)  : i32 {
        %mul3A_209 = arith.constant 16 : i32
        %mul3A_210 = arith.muli %scan3A_207, %mul3A_209 : i32
        %get3A = arith.constant 0 : i32
        %get3A_211 = arith.index_cast %get3A : i32 to index
        %get3A_212 = arith.index_cast %mul3A_210 : i32 to index
        %get3A_213 = tpu.vector_load %arg7[%get3A_211, %get3A_212] {strides = array<i32>} : memref<16x2048xi32, #tpu.memory_space<vmem>>, vector<16xi32>,
        %add3A = arith.addi %broadcast_in_dim3A_3, %get3A_213 : vector<16xi32>
        %gt3A = arith.constant 0 : i32
        %gt3A_214 = arith.cmpi sgt, %arg1, %gt3A : i32
        %jit3A = arith.constant 0 : i32
        %broadcast_in_dim3A_215 = vector.broadcast %jit3A : i32 to vector<16xi32>
        %select_n3A = arith.select %gt3A_214, %get3A_213, %broadcast_in_dim3A_215 : vector<16xi32>
        %add3A_216 = arith.addi %broadcast_in_dim3A_3, %select_n3A : vector<16xi32>
        %get3A_217 = arith.constant 1 : i32
        %get3A_218 = arith.index_cast %get3A_217 : i32 to index
        %get3A_219 = arith.index_cast %mul3A_210 : i32 to index
        %get3A_220 = tpu.vector_load %arg7[%get3A_218, %get3A_219] {strides = array<i32>} : memref<16x2048xi32, #tpu.memory_space<vmem>>, vector<16xi32>,
        %add3A_221 = arith.addi %add3A, %get3A_220 : vector<16xi32>
        %gt3A_222 = arith.constant 1 : i32
        %gt3A_223 = arith.cmpi sgt, %arg1, %gt3A_222 : i32
        %jit3A_224 = arith.constant 0 : i32
        %broadcast_in_dim3A_225 = vector.broadcast %jit3A_224 : i32 to vector<16xi32>
        %select_n3A_226 = arith.select %gt3A_223, %get3A_220, %broadcast_in_dim3A_225 : vector<16xi32>
        %add3A_227 = arith.addi %add3A_216, %select_n3A_226 : vector<16xi32>
        %get3A_228 = arith.constant 2 : i32
        %get3A_229 = arith.index_cast %get3A_228 : i32 to index
        %get3A_230 = arith.index_cast %mul3A_210 : i32 to index
        %get3A_231 = tpu.vector_load %arg7[%get3A_229, %get3A_230] {strides = array<i32>} : memref<16x2048xi32, #tpu.memory_space<vmem>>, vector<16xi32>,
        %add3A_232 = arith.addi %add3A_221, %get3A_231 : vector<16xi32>
        %gt3A_233 = arith.constant 2 : i32
        %gt3A_234 = arith.cmpi sgt, %arg1, %gt3A_233 : i32
        %jit3A_235 = arith.constant 0 : i32
        %broadcast_in_dim3A_236 = vector.broadcast %jit3A_235 : i32 to vector<16xi32>
        %select_n3A_237 = arith.select %gt3A_234, %get3A_231, %broadcast_in_dim3A_236 : vector<16xi32>
        %add3A_238 = arith.addi %add3A_227, %select_n3A_237 : vector<16xi32>
        %get3A_239 = arith.constant 3 : i32
        %get3A_240 = arith.index_cast %get3A_239 : i32 to index
        %get3A_241 = arith.index_cast %mul3A_210 : i32 to index
        %get3A_242 = tpu.vector_load %arg7[%get3A_240, %get3A_241] {strides = array<i32>} : memref<16x2048xi32, #tpu.memory_space<vmem>>, vector<16xi32>,
        %add3A_243 = arith.addi %add3A_232, %get3A_242 : vector<16xi32>
        %gt3A_244 = arith.constant 3 : i32
        %gt3A_245 = arith.cmpi sgt, %arg1, %gt3A_244 : i32
        %jit3A_246 = arith.constant 0 : i32
        %broadcast_in_dim3A_247 = vector.broadcast %jit3A_246 : i32 to vector<16xi32>
        %select_n3A_248 = arith.select %gt3A_245, %get3A_242, %broadcast_in_dim3A_247 : vector<16xi32>
        %add3A_249 = arith.addi %add3A_238, %select_n3A_248 : vector<16xi32>
        %get3A_250 = arith.constant 4 : i32
        %get3A_251 = arith.index_cast %get3A_250 : i32 to index
        %get3A_252 = arith.index_cast %mul3A_210 : i32 to index
        %get3A_253 = tpu.vector_load %arg7[%get3A_251, %get3A_252] {strides = array<i32>} : memref<16x2048xi32, #tpu.memory_space<vmem>>, vector<16xi32>,
        %add3A_254 = arith.addi %add3A_243, %get3A_253 : vector<16xi32>
        %gt3A_255 = arith.constant 4 : i32
        %gt3A_256 = arith.cmpi sgt, %arg1, %gt3A_255 : i32
        %jit3A_257 = arith.constant 0 : i32
        %broadcast_in_dim3A_258 = vector.broadcast %jit3A_257 : i32 to vector<16xi32>
        %select_n3A_259 = arith.select %gt3A_256, %get3A_253, %broadcast_in_dim3A_258 : vector<16xi32>
        %add3A_260 = arith.addi %add3A_249, %select_n3A_259 : vector<16xi32>
        %get3A_261 = arith.constant 5 : i32
        %get3A_262 = arith.index_cast %get3A_261 : i32 to index
        %get3A_263 = arith.index_cast %mul3A_210 : i32 to index
        %get3A_264 = tpu.vector_load %arg7[%get3A_262, %get3A_263] {strides = array<i32>} : memref<16x2048xi32, #tpu.memory_space<vmem>>, vector<16xi32>,
        %add3A_265 = arith.addi %add3A_254, %get3A_264 : vector<16xi32>
        %gt3A_266 = arith.constant 5 : i32
        %gt3A_267 = arith.cmpi sgt, %arg1, %gt3A_266 : i32
        %jit3A_268 = arith.constant 0 : i32
        %broadcast_in_dim3A_269 = vector.broadcast %jit3A_268 : i32 to vector<16xi32>
        %select_n3A_270 = arith.select %gt3A_267, %get3A_264, %broadcast_in_dim3A_269 : vector<16xi32>
        %add3A_271 = arith.addi %add3A_260, %select_n3A_270 : vector<16xi32>
        %get3A_272 = arith.constant 6 : i32
        %get3A_273 = arith.index_cast %get3A_272 : i32 to index
        %get3A_274 = arith.index_cast %mul3A_210 : i32 to index
        %get3A_275 = tpu.vector_load %arg7[%get3A_273, %get3A_274] {strides = array<i32>} : memref<16x2048xi32, #tpu.memory_space<vmem>>, vector<16xi32>,
        %add3A_276 = arith.addi %add3A_265, %get3A_275 : vector<16xi32>
        %gt3A_277 = arith.constant 6 : i32
        %gt3A_278 = arith.cmpi sgt, %arg1, %gt3A_277 : i32
        %jit3A_279 = arith.constant 0 : i32
        %broadcast_in_dim3A_280 = vector.broadcast %jit3A_279 : i32 to vector<16xi32>
        %select_n3A_281 = arith.select %gt3A_278, %get3A_275, %broadcast_in_dim3A_280 : vector<16xi32>
        %add3A_282 = arith.addi %add3A_271, %select_n3A_281 : vector<16xi32>
        %get3A_283 = arith.constant 7 : i32
        %get3A_284 = arith.index_cast %get3A_283 : i32 to index
        %get3A_285 = arith.index_cast %mul3A_210 : i32 to index
        %get3A_286 = tpu.vector_load %arg7[%get3A_284, %get3A_285] {strides = array<i32>} : memref<16x2048xi32, #tpu.memory_space<vmem>>, vector<16xi32>,
        %add3A_287 = arith.addi %add3A_276, %get3A_286 : vector<16xi32>
        %gt3A_288 = arith.constant 7 : i32
        %gt3A_289 = arith.cmpi sgt, %arg1, %gt3A_288 : i32
        %jit3A_290 = arith.constant 0 : i32
        %broadcast_in_dim3A_291 = vector.broadcast %jit3A_290 : i32 to vector<16xi32>
        %select_n3A_292 = arith.select %gt3A_289, %get3A_286, %broadcast_in_dim3A_291 : vector<16xi32>
        %add3A_293 = arith.addi %add3A_282, %select_n3A_292 : vector<16xi32>
        %get3A_294 = arith.constant 8 : i32
        %get3A_295 = arith.index_cast %get3A_294 : i32 to index
        %get3A_296 = arith.index_cast %mul3A_210 : i32 to index
        %get3A_297 = tpu.vector_load %arg7[%get3A_295, %get3A_296] {strides = array<i32>} : memref<16x2048xi32, #tpu.memory_space<vmem>>, vector<16xi32>,
        %add3A_298 = arith.addi %add3A_287, %get3A_297 : vector<16xi32>
        %gt3A_299 = arith.constant 8 : i32
        %gt3A_300 = arith.cmpi sgt, %arg1, %gt3A_299 : i32
        %jit3A_301 = arith.constant 0 : i32
        %broadcast_in_dim3A_302 = vector.broadcast %jit3A_301 : i32 to vector<16xi32>
        %select_n3A_303 = arith.select %gt3A_300, %get3A_297, %broadcast_in_dim3A_302 : vector<16xi32>
        %add3A_304 = arith.addi %add3A_293, %select_n3A_303 : vector<16xi32>
        %get3A_305 = arith.constant 9 : i32
        %get3A_306 = arith.index_cast %get3A_305 : i32 to index
        %get3A_307 = arith.index_cast %mul3A_210 : i32 to index
        %get3A_308 = tpu.vector_load %arg7[%get3A_306, %get3A_307] {strides = array<i32>} : memref<16x2048xi32, #tpu.memory_space<vmem>>, vector<16xi32>,
        %add3A_309 = arith.addi %add3A_298, %get3A_308 : vector<16xi32>
        %gt3A_310 = arith.constant 9 : i32
        %gt3A_311 = arith.cmpi sgt, %arg1, %gt3A_310 : i32
        %jit3A_312 = arith.constant 0 : i32
        %broadcast_in_dim3A_313 = vector.broadcast %jit3A_312 : i32 to vector<16xi32>
        %select_n3A_314 = arith.select %gt3A_311, %get3A_308, %broadcast_in_dim3A_313 : vector<16xi32>
        %add3A_315 = arith.addi %add3A_304, %select_n3A_314 : vector<16xi32>
        %get3A_316 = arith.constant 10 : i32
        %get3A_317 = arith.index_cast %get3A_316 : i32 to index
        %get3A_318 = arith.index_cast %mul3A_210 : i32 to index
        %get3A_319 = tpu.vector_load %arg7[%get3A_317, %get3A_318] {strides = array<i32>} : memref<16x2048xi32, #tpu.memory_space<vmem>>, vector<16xi32>,
        %add3A_320 = arith.addi %add3A_309, %get3A_319 : vector<16xi32>
        %gt3A_321 = arith.constant 10 : i32
        %gt3A_322 = arith.cmpi sgt, %arg1, %gt3A_321 : i32
        %jit3A_323 = arith.constant 0 : i32
        %broadcast_in_dim3A_324 = vector.broadcast %jit3A_323 : i32 to vector<16xi32>
        %select_n3A_325 = arith.select %gt3A_322, %get3A_319, %broadcast_in_dim3A_324 : vector<16xi32>
        %add3A_326 = arith.addi %add3A_315, %select_n3A_325 : vector<16xi32>
        %get3A_327 = arith.constant 11 : i32
        %get3A_328 = arith.index_cast %get3A_327 : i32 to index
        %get3A_329 = arith.index_cast %mul3A_210 : i32 to index
        %get3A_330 = tpu.vector_load %arg7[%get3A_328, %get3A_329] {strides = array<i32>} : memref<16x2048xi32, #tpu.memory_space<vmem>>, vector<16xi32>,
        %add3A_331 = arith.addi %add3A_320, %get3A_330 : vector<16xi32>
        %gt3A_332 = arith.constant 11 : i32
        %gt3A_333 = arith.cmpi sgt, %arg1, %gt3A_332 : i32
        %jit3A_334 = arith.constant 0 : i32
        %broadcast_in_dim3A_335 = vector.broadcast %jit3A_334 : i32 to vector<16xi32>
        %select_n3A_336 = arith.select %gt3A_333, %get3A_330, %broadcast_in_dim3A_335 : vector<16xi32>
        %add3A_337 = arith.addi %add3A_326, %select_n3A_336 : vector<16xi32>
        %get3A_338 = arith.constant 12 : i32
        %get3A_339 = arith.index_cast %get3A_338 : i32 to index
        %get3A_340 = arith.index_cast %mul3A_210 : i32 to index
        %get3A_341 = tpu.vector_load %arg7[%get3A_339, %get3A_340] {strides = array<i32>} : memref<16x2048xi32, #tpu.memory_space<vmem>>, vector<16xi32>,
        %add3A_342 = arith.addi %add3A_331, %get3A_341 : vector<16xi32>
        %gt3A_343 = arith.constant 12 : i32
        %gt3A_344 = arith.cmpi sgt, %arg1, %gt3A_343 : i32
        %jit3A_345 = arith.constant 0 : i32
        %broadcast_in_dim3A_346 = vector.broadcast %jit3A_345 : i32 to vector<16xi32>
        %select_n3A_347 = arith.select %gt3A_344, %get3A_341, %broadcast_in_dim3A_346 : vector<16xi32>
        %add3A_348 = arith.addi %add3A_337, %select_n3A_347 : vector<16xi32>
        %get3A_349 = arith.constant 13 : i32
        %get3A_350 = arith.index_cast %get3A_349 : i32 to index
        %get3A_351 = arith.index_cast %mul3A_210 : i32 to index
        %get3A_352 = tpu.vector_load %arg7[%get3A_350, %get3A_351] {strides = array<i32>} : memref<16x2048xi32, #tpu.memory_space<vmem>>, vector<16xi32>,
        %add3A_353 = arith.addi %add3A_342, %get3A_352 : vector<16xi32>
        %gt3A_354 = arith.constant 13 : i32
        %gt3A_355 = arith.cmpi sgt, %arg1, %gt3A_354 : i32
        %jit3A_356 = arith.constant 0 : i32
        %broadcast_in_dim3A_357 = vector.broadcast %jit3A_356 : i32 to vector<16xi32>
        %select_n3A_358 = arith.select %gt3A_355, %get3A_352, %broadcast_in_dim3A_357 : vector<16xi32>
        %add3A_359 = arith.addi %add3A_348, %select_n3A_358 : vector<16xi32>
        %get3A_360 = arith.constant 14 : i32
        %get3A_361 = arith.index_cast %get3A_360 : i32 to index
        %get3A_362 = arith.index_cast %mul3A_210 : i32 to index
        %get3A_363 = tpu.vector_load %arg7[%get3A_361, %get3A_362] {strides = array<i32>} : memref<16x2048xi32, #tpu.memory_space<vmem>>, vector<16xi32>,
        %add3A_364 = arith.addi %add3A_353, %get3A_363 : vector<16xi32>
        %gt3A_365 = arith.constant 14 : i32
        %gt3A_366 = arith.cmpi sgt, %arg1, %gt3A_365 : i32
        %jit3A_367 = arith.constant 0 : i32
        %broadcast_in_dim3A_368 = vector.broadcast %jit3A_367 : i32 to vector<16xi32>
        %select_n3A_369 = arith.select %gt3A_366, %get3A_363, %broadcast_in_dim3A_368 : vector<16xi32>
        %add3A_370 = arith.addi %add3A_359, %select_n3A_369 : vector<16xi32>
        %get3A_371 = arith.constant 15 : i32
        %get3A_372 = arith.index_cast %get3A_371 : i32 to index
        %get3A_373 = arith.index_cast %mul3A_210 : i32 to index
        %get3A_374 = tpu.vector_load %arg7[%get3A_372, %get3A_373] {strides = array<i32>} : memref<16x2048xi32, #tpu.memory_space<vmem>>, vector<16xi32>,
        %add3A_375 = arith.addi %add3A_364, %get3A_374 : vector<16xi32>
        %gt3A_376 = arith.constant 15 : i32
        %gt3A_377 = arith.cmpi sgt, %arg1, %gt3A_376 : i32
        %jit3A_378 = arith.constant 0 : i32
        %broadcast_in_dim3A_379 = vector.broadcast %jit3A_378 : i32 to vector<16xi32>
        %select_n3A_380 = arith.select %gt3A_377, %get3A_374, %broadcast_in_dim3A_379 : vector<16xi32>
        %add3A_381 = arith.addi %add3A_370, %select_n3A_380 : vector<16xi32>
        %broadcast_in_dim3A_382 = arith.constant true
        %broadcast_in_dim3A_383 = vector.broadcast %broadcast_in_dim3A_382 : i1 to vector<16xi1>
        %masked_cumsum3A = tpu.scan <sum>, %add3A_375 masked %broadcast_in_dim3A_383 : vector<16xi32>, vector<16xi1> -> vector<16xi32>
        %sub3A = arith.subi %masked_cumsum3A, %add3A_375 : vector<16xi32>
        %add3A_384 = arith.addi %sub3A, %add3A_381 : vector<16xi32>
        %add3A_385 = vector.broadcast %scan3A_208 : i32 to vector<16xi32>
        %add3A_386 = arith.addi %add3A_384, %add3A_385 : vector<16xi32>
        %swap3A = arith.index_cast %mul3A_210 : i32 to index
        %swap3A_387 = tpu.vector_load %arg6[%swap3A] {strides = array<i32>} : memref<2048xi32, #tpu.memory_space<vmem>>, vector<16xi32>,
        tpu.vector_store %arg6[%swap3A], %add3A_386 {strides = array<i32>} : memref<2048xi32, #tpu.memory_space<vmem>>, vector<16xi32>,
        %reduce_sum3A = arith.constant true
        %reduce_sum3A_388 = vector.broadcast %reduce_sum3A : i1 to vector<16xi1>
        %reduce_sum3A_389 = tpu.scan <sum>, %add3A_375 masked %reduce_sum3A_388 : vector<16xi32>, vector<16xi1> -> vector<16xi32>
        %reduce_sum3A_390 = vector.extract %reduce_sum3A_389[15] : i32 from vector<16xi32>
        %add3A_391 = arith.addi %scan3A_208, %reduce_sum3A_390 : i32
        scf.yield %add3A_391 : i32
      }
      %scan3A_101 = arith.constant 128 : i32
      %scan3A_102 = arith.constant 0 : i32
      %scan3A_103 = arith.constant 0 : i32
      %scan3A_104 = arith.constant 8 : i32
      %scan3A_105 = arith.addi %scan3A_103, %scan3A_104 : i32
      %scan3A_106 = arith.constant 1 : i32
      scf.for %scan3A_207 = %scan3A_103 to %scan3A_105 step %scan3A_106  : i32 {
        %gt3A = arith.constant 0 : i32
        %gt3A_208 = arith.cmpi sgt, %scan3A_207, %gt3A : i32
        %convert_element_type3A_209 = arith.extui %gt3A_208 : i1 to i32
        %cond3A_210 = arith.constant 0 : i32
        %cond3A_211 = arith.cmpi ne, %convert_element_type3A_209, %cond3A_210 : i32
        scf.if %cond3A_211 {
          %dma_wait3A_553 = arith.constant 0 : i32
          %dma_wait3A_554 = arith.constant 0 : i32
          %dma_wait3A_555 = tpu.memref_slice %arg10[%dma_wait3A_553, %dma_wait3A_554] : memref<2x64xi32, #tpu.memory_space<vmem>> -> memref<1x64xi32, #tpu.memory_space<vmem>>
          %dma_wait3A_556 = tpu.memref_squeeze %dma_wait3A_555 : memref<1x64xi32, #tpu.memory_space<vmem>> -> memref<64xi32, #tpu.memory_space<vmem>>
          %dma_wait3A_557 = arith.constant 0 : i32
          %dma_wait3A_558 = tpu.memref_slice %arg2[%dma_wait3A_557] : memref<16384xi32, #tpu.memory_space<hbm>> -> memref<64xi32, #tpu.memory_space<hbm>>
          %dma_wait3A_559 = arith.constant 0 : i32
          %dma_wait3A_560 = tpu.memref_slice %arg10[%dma_wait3A_553, %dma_wait3A_559] : memref<2x64xi32, #tpu.memory_space<vmem>> -> memref<1x64xi32, #tpu.memory_space<vmem>>
          %dma_wait3A_561 = tpu.memref_squeeze %dma_wait3A_560 : memref<1x64xi32, #tpu.memory_space<vmem>> -> memref<64xi32, #tpu.memory_space<vmem>>
          %dma_wait3A_562 = arith.constant 0 : i32
          %dma_wait3A_563 = tpu.memref_slice %arg2[%dma_wait3A_562] : memref<16384xi32, #tpu.memory_space<hbm>> -> memref<64xi32, #tpu.memory_space<hbm>>
          tpu.wait_dma2 semaphore(%arg17 : memref<!tpu.dma_semaphore, #tpu.memory_space<semaphore_mem>>) src(%dma_wait3A_563 : memref<64xi32, #tpu.memory_space<hbm>>) dst(%dma_wait3A_561 : memref<64xi32, #tpu.memory_space<vmem>>)
          %dma_wait3A_564 = arith.constant 0 : i32
          %dma_wait3A_565 = arith.constant 0 : i32
          %dma_wait3A_566 = tpu.memref_slice %arg10[%dma_wait3A_564, %dma_wait3A_565] : memref<2x64xi32, #tpu.memory_space<vmem>> -> memref<1x64xi32, #tpu.memory_space<vmem>>
          %dma_wait3A_567 = tpu.memref_squeeze %dma_wait3A_566 : memref<1x64xi32, #tpu.memory_space<vmem>> -> memref<64xi32, #tpu.memory_space<vmem>>
          %dma_wait3A_568 = arith.constant 0 : i32
          %dma_wait3A_569 = tpu.memref_slice %arg2[%dma_wait3A_568] : memref<16384xi32, #tpu.memory_space<hbm>> -> memref<64xi32, #tpu.memory_space<hbm>>
          %dma_wait3A_570 = arith.constant 0 : i32
          %dma_wait3A_571 = tpu.memref_slice %arg10[%dma_wait3A_564, %dma_wait3A_570] : memref<2x64xi32, #tpu.memory_space<vmem>> -> memref<1x64xi32, #tpu.memory_space<vmem>>
          %dma_wait3A_572 = tpu.memref_squeeze %dma_wait3A_571 : memref<1x64xi32, #tpu.memory_space<vmem>> -> memref<64xi32, #tpu.memory_space<vmem>>
          %dma_wait3A_573 = arith.constant 0 : i32
          %dma_wait3A_574 = tpu.memref_slice %arg2[%dma_wait3A_573] : memref<16384xi32, #tpu.memory_space<hbm>> -> memref<64xi32, #tpu.memory_space<hbm>>
          tpu.wait_dma2 semaphore(%arg17 : memref<!tpu.dma_semaphore, #tpu.memory_space<semaphore_mem>>) src(%dma_wait3A_574 : memref<64xi32, #tpu.memory_space<hbm>>) dst(%dma_wait3A_572 : memref<64xi32, #tpu.memory_space<vmem>>)
        } else {
        }
        %mul3A_212 = arith.constant 2 : i32
        %mul3A_213 = arith.muli %scan3A_207, %mul3A_212 : i32
        %add3A = arith.constant 0 : i32
        %add3A_214 = arith.addi %mul3A_213, %add3A : i32
        %mul3A_215 = arith.constant 64 : i32
        %mul3A_216 = arith.muli %add3A_214, %mul3A_215 : i32
        %add3A_217 = arith.constant 0 : i32
        %add3A_218 = arith.addi %mul3A_216, %add3A_217 : i32
        %get3A = arith.index_cast %add3A_218 : i32 to index
        %get3A_219 = tpu.vector_load %arg4[%get3A] {strides = array<i32>} : memref<1024xi32, #tpu.memory_space<vmem>>, vector<16xi32>,
        %get3A_220 = arith.index_cast %add3A_218 : i32 to index
        %get3A_221 = tpu.vector_load %arg5[%get3A_220] {strides = array<i32>} : memref<1024xi32, #tpu.memory_space<vmem>>, vector<16xi32>,
        %shift_right_arithmetic3A = arith.constant 11 : i32
        %shift_right_arithmetic3A_222 = vector.broadcast %shift_right_arithmetic3A : i32 to vector<16xi32>
        %shift_right_arithmetic3A_223 = arith.shrsi %get3A_219, %shift_right_arithmetic3A_222 : vector<16xi32>
        %and3A = arith.constant 2047 : i32
        %and3A_224 = vector.broadcast %and3A : i32 to vector<16xi32>
        %and3A_225 = arith.andi %shift_right_arithmetic3A_223, %and3A_224 : vector<16xi32>
        %broadcast_in_dim3A_226 = arith.constant true
        %broadcast_in_dim3A_227 = vector.broadcast %broadcast_in_dim3A_226 : i1 to vector<16xi1>
        %unique3A_228, %unique3A_229 = tpu.scan_count mask(%broadcast_in_dim3A_227 : vector<16xi1>) value(%and3A_225 : vector<16xi32>) : vector<16xi1>, vector<16xi32>
        %gather3A = tpu.vector_load_idx %arg6[%and3A_225] : memref<2048xi32, #tpu.memory_space<vmem>>[vector<16xi32>], vector<16xi32>,
        %sub3A = vector.broadcast %squeeze3A : i32 to vector<16xi32>
        %sub3A_230 = arith.subi %unique3A_229, %sub3A : vector<16xi32>
        %add3A_231 = arith.addi %gather3A, %sub3A_230 : vector<16xi32>
        %add3A_232 = arith.constant 1 : i32
        %add3A_233 = vector.broadcast %add3A_232 : i32 to vector<16xi32>
        %add3A_234 = arith.addi %add3A_231, %add3A_233 : vector<16xi32>
        tpu.vector_store_idx %arg6[%and3A_225], %add3A_234 masked %unique3A_228 : memref<2048xi32, #tpu.memory_space<vmem>>[vector<16xi32>], vector<16xi32>, vector<16xi1>
        %swap3A = arith.constant 0 : i32
        %swap3A_235 = arith.index_cast %swap3A : i32 to index
        %swap3A_236 = arith.constant 0 : index
        %swap3A_237 = tpu.vector_load %arg8[%swap3A_235, %swap3A_236] {strides = array<i32>} : memref<2x64xi32, #tpu.memory_space<vmem>>, vector<16xi32>,
        tpu.vector_store %arg8[%swap3A_235, %swap3A_236], %add3A_231 {strides = array<i32>} : memref<2x64xi32, #tpu.memory_space<vmem>>, vector<16xi32>,
        %swap3A_238 = arith.constant 0 : i32
        %swap3A_239 = arith.index_cast %swap3A_238 : i32 to index
        %swap3A_240 = arith.constant 0 : index
        %swap3A_241 = tpu.vector_load %arg9[%swap3A_239, %swap3A_240] {strides = array<i32>} : memref<2x64xi32, #tpu.memory_space<vmem>>, vector<16xi32>,
        tpu.vector_store %arg9[%swap3A_239, %swap3A_240], %get3A_219 {strides = array<i32>} : memref<2x64xi32, #tpu.memory_space<vmem>>, vector<16xi32>,
        %swap3A_242 = arith.constant 0 : i32
        %swap3A_243 = arith.index_cast %swap3A_242 : i32 to index
        %swap3A_244 = arith.constant 0 : index
        %swap3A_245 = tpu.vector_load %arg10[%swap3A_243, %swap3A_244] {strides = array<i32>} : memref<2x64xi32, #tpu.memory_space<vmem>>, vector<16xi32>,
        tpu.vector_store %arg10[%swap3A_243, %swap3A_244], %get3A_221 {strides = array<i32>} : memref<2x64xi32, #tpu.memory_space<vmem>>, vector<16xi32>,
        %mul3A_246 = arith.constant 64 : i32
        %mul3A_247 = arith.muli %add3A_214, %mul3A_246 : i32
        %add3A_248 = arith.constant 16 : i32
        %add3A_249 = arith.addi %mul3A_247, %add3A_248 : i32
        %get3A_250 = arith.index_cast %add3A_249 : i32 to index
        %get3A_251 = tpu.vector_load %arg4[%get3A_250] {strides = array<i32>} : memref<1024xi32, #tpu.memory_space<vmem>>, vector<16xi32>,
        %get3A_252 = arith.index_cast %add3A_249 : i32 to index
        %get3A_253 = tpu.vector_load %arg5[%get3A_252] {strides = array<i32>} : memref<1024xi32, #tpu.memory_space<vmem>>, vector<16xi32>,
        %shift_right_arithmetic3A_254 = arith.constant 11 : i32
        %shift_right_arithmetic3A_255 = vector.broadcast %shift_right_arithmetic3A_254 : i32 to vector<16xi32>
        %shift_right_arithmetic3A_256 = arith.shrsi %get3A_251, %shift_right_arithmetic3A_255 : vector<16xi32>
        %and3A_257 = arith.constant 2047 : i32
        %and3A_258 = vector.broadcast %and3A_257 : i32 to vector<16xi32>
        %and3A_259 = arith.andi %shift_right_arithmetic3A_256, %and3A_258 : vector<16xi32>
        %broadcast_in_dim3A_260 = arith.constant true
        %broadcast_in_dim3A_261 = vector.broadcast %broadcast_in_dim3A_260 : i1 to vector<16xi1>
        %unique3A_262, %unique3A_263 = tpu.scan_count mask(%broadcast_in_dim3A_261 : vector<16xi1>) value(%and3A_259 : vector<16xi32>) : vector<16xi1>, vector<16xi32>
        %gather3A_264 = tpu.vector_load_idx %arg6[%and3A_259] : memref<2048xi32, #tpu.memory_space<vmem>>[vector<16xi32>], vector<16xi32>,
        %sub3A_265 = vector.broadcast %squeeze3A : i32 to vector<16xi32>
        %sub3A_266 = arith.subi %unique3A_263, %sub3A_265 : vector<16xi32>
        %add3A_267 = arith.addi %gather3A_264, %sub3A_266 : vector<16xi32>
        %add3A_268 = arith.constant 1 : i32
        %add3A_269 = vector.broadcast %add3A_268 : i32 to vector<16xi32>
        %add3A_270 = arith.addi %add3A_267, %add3A_269 : vector<16xi32>
        tpu.vector_store_idx %arg6[%and3A_259], %add3A_270 masked %unique3A_262 : memref<2048xi32, #tpu.memory_space<vmem>>[vector<16xi32>], vector<16xi32>, vector<16xi1>
        %swap3A_271 = arith.constant 0 : i32
        %swap3A_272 = arith.index_cast %swap3A_271 : i32 to index
        %swap3A_273 = arith.constant 16 : index
        %swap3A_274 = tpu.vector_load %arg8[%swap3A_272, %swap3A_273] {strides = array<i32>} : memref<2x64xi32, #tpu.memory_space<vmem>>, vector<16xi32>,
        tpu.vector_store %arg8[%swap3A_272, %swap3A_273], %add3A_267 {strides = array<i32>} : memref<2x64xi32, #tpu.memory_space<vmem>>, vector<16xi32>,
        %swap3A_275 = arith.constant 0 : i32
        %swap3A_276 = arith.index_cast %swap3A_275 : i32 to index
        %swap3A_277 = arith.constant 16 : index
        %swap3A_278 = tpu.vector_load %arg9[%swap3A_276, %swap3A_277] {strides = array<i32>} : memref<2x64xi32, #tpu.memory_space<vmem>>, vector<16xi32>,
        tpu.vector_store %arg9[%swap3A_276, %swap3A_277], %get3A_251 {strides = array<i32>} : memref<2x64xi32, #tpu.memory_space<vmem>>, vector<16xi32>,
        %swap3A_279 = arith.constant 0 : i32
        %swap3A_280 = arith.index_cast %swap3A_279 : i32 to index
        %swap3A_281 = arith.constant 16 : index
        %swap3A_282 = tpu.vector_load %arg10[%swap3A_280, %swap3A_281] {strides = array<i32>} : memref<2x64xi32, #tpu.memory_space<vmem>>, vector<16xi32>,
        tpu.vector_store %arg10[%swap3A_280, %swap3A_281], %get3A_253 {strides = array<i32>} : memref<2x64xi32, #tpu.memory_space<vmem>>, vector<16xi32>,
        %mul3A_283 = arith.constant 64 : i32
        %mul3A_284 = arith.muli %add3A_214, %mul3A_283 : i32
        %add3A_285 = arith.constant 32 : i32
        %add3A_286 = arith.addi %mul3A_284, %add3A_285 : i32
        %get3A_287 = arith.index_cast %add3A_286 : i32 to index
        %get3A_288 = tpu.vector_load %arg4[%get3A_287] {strides = array<i32>} : memref<1024xi32, #tpu.memory_space<vmem>>, vector<16xi32>,
        %get3A_289 = arith.index_cast %add3A_286 : i32 to index
        %get3A_290 = tpu.vector_load %arg5[%get3A_289] {strides = array<i32>} : memref<1024xi32, #tpu.memory_space<vmem>>, vector<16xi32>,
        %shift_right_arithmetic3A_291 = arith.constant 11 : i32
        %shift_right_arithmetic3A_292 = vector.broadcast %shift_right_arithmetic3A_291 : i32 to vector<16xi32>
        %shift_right_arithmetic3A_293 = arith.shrsi %get3A_288, %shift_right_arithmetic3A_292 : vector<16xi32>
        %and3A_294 = arith.constant 2047 : i32
        %and3A_295 = vector.broadcast %and3A_294 : i32 to vector<16xi32>
        %and3A_296 = arith.andi %shift_right_arithmetic3A_293, %and3A_295 : vector<16xi32>
        %broadcast_in_dim3A_297 = arith.constant true
        %broadcast_in_dim3A_298 = vector.broadcast %broadcast_in_dim3A_297 : i1 to vector<16xi1>
        %unique3A_299, %unique3A_300 = tpu.scan_count mask(%broadcast_in_dim3A_298 : vector<16xi1>) value(%and3A_296 : vector<16xi32>) : vector<16xi1>, vector<16xi32>
        %gather3A_301 = tpu.vector_load_idx %arg6[%and3A_296] : memref<2048xi32, #tpu.memory_space<vmem>>[vector<16xi32>], vector<16xi32>,
        %sub3A_302 = vector.broadcast %squeeze3A : i32 to vector<16xi32>
        %sub3A_303 = arith.subi %unique3A_300, %sub3A_302 : vector<16xi32>
        %add3A_304 = arith.addi %gather3A_301, %sub3A_303 : vector<16xi32>
        %add3A_305 = arith.constant 1 : i32
        %add3A_306 = vector.broadcast %add3A_305 : i32 to vector<16xi32>
        %add3A_307 = arith.addi %add3A_304, %add3A_306 : vector<16xi32>
        tpu.vector_store_idx %arg6[%and3A_296], %add3A_307 masked %unique3A_299 : memref<2048xi32, #tpu.memory_space<vmem>>[vector<16xi32>], vector<16xi32>, vector<16xi1>
        %swap3A_308 = arith.constant 0 : i32
        %swap3A_309 = arith.index_cast %swap3A_308 : i32 to index
        %swap3A_310 = arith.constant 32 : index
        %swap3A_311 = tpu.vector_load %arg8[%swap3A_309, %swap3A_310] {strides = array<i32>} : memref<2x64xi32, #tpu.memory_space<vmem>>, vector<16xi32>,
        tpu.vector_store %arg8[%swap3A_309, %swap3A_310], %add3A_304 {strides = array<i32>} : memref<2x64xi32, #tpu.memory_space<vmem>>, vector<16xi32>,
        %swap3A_312 = arith.constant 0 : i32
        %swap3A_313 = arith.index_cast %swap3A_312 : i32 to index
        %swap3A_314 = arith.constant 32 : index
        %swap3A_315 = tpu.vector_load %arg9[%swap3A_313, %swap3A_314] {strides = array<i32>} : memref<2x64xi32, #tpu.memory_space<vmem>>, vector<16xi32>,
        tpu.vector_store %arg9[%swap3A_313, %swap3A_314], %get3A_288 {strides = array<i32>} : memref<2x64xi32, #tpu.memory_space<vmem>>, vector<16xi32>,
        %swap3A_316 = arith.constant 0 : i32
        %swap3A_317 = arith.index_cast %swap3A_316 : i32 to index
        %swap3A_318 = arith.constant 32 : index
        %swap3A_319 = tpu.vector_load %arg10[%swap3A_317, %swap3A_318] {strides = array<i32>} : memref<2x64xi32, #tpu.memory_space<vmem>>, vector<16xi32>,
        tpu.vector_store %arg10[%swap3A_317, %swap3A_318], %get3A_290 {strides = array<i32>} : memref<2x64xi32, #tpu.memory_space<vmem>>, vector<16xi32>,
        %mul3A_320 = arith.constant 64 : i32
        %mul3A_321 = arith.muli %add3A_214, %mul3A_320 : i32
        %add3A_322 = arith.constant 48 : i32
        %add3A_323 = arith.addi %mul3A_321, %add3A_322 : i32
        %get3A_324 = arith.index_cast %add3A_323 : i32 to index
        %get3A_325 = tpu.vector_load %arg4[%get3A_324] {strides = array<i32>} : memref<1024xi32, #tpu.memory_space<vmem>>, vector<16xi32>,
        %get3A_326 = arith.index_cast %add3A_323 : i32 to index
        %get3A_327 = tpu.vector_load %arg5[%get3A_326] {strides = array<i32>} : memref<1024xi32, #tpu.memory_space<vmem>>, vector<16xi32>,
        %shift_right_arithmetic3A_328 = arith.constant 11 : i32
        %shift_right_arithmetic3A_329 = vector.broadcast %shift_right_arithmetic3A_328 : i32 to vector<16xi32>
        %shift_right_arithmetic3A_330 = arith.shrsi %get3A_325, %shift_right_arithmetic3A_329 : vector<16xi32>
        %and3A_331 = arith.constant 2047 : i32
        %and3A_332 = vector.broadcast %and3A_331 : i32 to vector<16xi32>
        %and3A_333 = arith.andi %shift_right_arithmetic3A_330, %and3A_332 : vector<16xi32>
        %broadcast_in_dim3A_334 = arith.constant true
        %broadcast_in_dim3A_335 = vector.broadcast %broadcast_in_dim3A_334 : i1 to vector<16xi1>
        %unique3A_336, %unique3A_337 = tpu.scan_count mask(%broadcast_in_dim3A_335 : vector<16xi1>) value(%and3A_333 : vector<16xi32>) : vector<16xi1>, vector<16xi32>
        %gather3A_338 = tpu.vector_load_idx %arg6[%and3A_333] : memref<2048xi32, #tpu.memory_space<vmem>>[vector<16xi32>], vector<16xi32>,
        %sub3A_339 = vector.broadcast %squeeze3A : i32 to vector<16xi32>
        %sub3A_340 = arith.subi %unique3A_337, %sub3A_339 : vector<16xi32>
        %add3A_341 = arith.addi %gather3A_338, %sub3A_340 : vector<16xi32>
        %add3A_342 = arith.constant 1 : i32
        %add3A_343 = vector.broadcast %add3A_342 : i32 to vector<16xi32>
        %add3A_344 = arith.addi %add3A_341, %add3A_343 : vector<16xi32>
        tpu.vector_store_idx %arg6[%and3A_333], %add3A_344 masked %unique3A_336 : memref<2048xi32, #tpu.memory_space<vmem>>[vector<16xi32>], vector<16xi32>, vector<16xi1>
        %swap3A_345 = arith.constant 0 : i32
        %swap3A_346 = arith.index_cast %swap3A_345 : i32 to index
        %swap3A_347 = arith.constant 48 : index
        %swap3A_348 = tpu.vector_load %arg8[%swap3A_346, %swap3A_347] {strides = array<i32>} : memref<2x64xi32, #tpu.memory_space<vmem>>, vector<16xi32>,
        tpu.vector_store %arg8[%swap3A_346, %swap3A_347], %add3A_341 {strides = array<i32>} : memref<2x64xi32, #tpu.memory_space<vmem>>, vector<16xi32>,
        %swap3A_349 = arith.constant 0 : i32
        %swap3A_350 = arith.index_cast %swap3A_349 : i32 to index
        %swap3A_351 = arith.constant 48 : index
        %swap3A_352 = tpu.vector_load %arg9[%swap3A_350, %swap3A_351] {strides = array<i32>} : memref<2x64xi32, #tpu.memory_space<vmem>>, vector<16xi32>,
        tpu.vector_store %arg9[%swap3A_350, %swap3A_351], %get3A_325 {strides = array<i32>} : memref<2x64xi32, #tpu.memory_space<vmem>>, vector<16xi32>,
        %swap3A_353 = arith.constant 0 : i32
        %swap3A_354 = arith.index_cast %swap3A_353 : i32 to index
        %swap3A_355 = arith.constant 48 : index
        %swap3A_356 = tpu.vector_load %arg10[%swap3A_354, %swap3A_355] {strides = array<i32>} : memref<2x64xi32, #tpu.memory_space<vmem>>, vector<16xi32>,
        tpu.vector_store %arg10[%swap3A_354, %swap3A_355], %get3A_327 {strides = array<i32>} : memref<2x64xi32, #tpu.memory_space<vmem>>, vector<16xi32>,
        %dma_start3A = arith.constant 0 : i32
        %dma_start3A_357 = arith.constant 0 : i32
        %dma_start3A_358 = arith.constant 0 : i32
        %dma_start3A_359 = tpu.memref_slice %arg9[%dma_start3A, %dma_start3A_358] : memref<2x64xi32, #tpu.memory_space<vmem>> -> memref<1x64xi32, #tpu.memory_space<vmem>>
        %dma_start3A_360 = tpu.memref_squeeze %dma_start3A_359 : memref<1x64xi32, #tpu.memory_space<vmem>> -> memref<64xi32, #tpu.memory_space<vmem>>
        %dma_start3A_361 = arith.constant 0 : i32
        %dma_start3A_362 = tpu.memref_slice %arg8[%dma_start3A_357, %dma_start3A_361] : memref<2x64xi32, #tpu.memory_space<vmem>> -> memref<1x64xi32, #tpu.memory_space<vmem>>
        %dma_start3A_363 = tpu.memref_squeeze %dma_start3A_362 : memref<1x64xi32, #tpu.memory_space<vmem>> -> memref<64xi32, #tpu.memory_space<vmem>>
        %dma_start3A_364 = arith.constant 0 : i32
        %dma_start3A_365 = tpu.memref_slice %arg15[%dma_start3A_364] : memref<16384xi32, #tpu.memory_space<vmem_shared>> -> memref<16384xi32, #tpu.memory_space<vmem_shared>>
        tpu.enqueue_indirect_dma source(%dma_start3A_360 : memref<64xi32, #tpu.memory_space<vmem>>) target(%dma_start3A_365 : memref<16384xi32, #tpu.memory_space<vmem_shared>>) offsets(%dma_start3A_363 : memref<64xi32, #tpu.memory_space<vmem>>) semaphore(%arg17 : memref<!tpu.dma_semaphore, #tpu.memory_space<semaphore_mem>>)
        %dma_start3A_366 = arith.constant 0 : i32
        %dma_start3A_367 = arith.constant 0 : i32
        %dma_start3A_368 = arith.constant 0 : i32
        %dma_start3A_369 = tpu.memref_slice %arg10[%dma_start3A_366, %dma_start3A_368] : memref<2x64xi32, #tpu.memory_space<vmem>> -> memref<1x64xi32, #tpu.memory_space<vmem>>
        %dma_start3A_370 = tpu.memref_squeeze %dma_start3A_369 : memref<1x64xi32, #tpu.memory_space<vmem>> -> memref<64xi32, #tpu.memory_space<vmem>>
        %dma_start3A_371 = arith.constant 0 : i32
        %dma_start3A_372 = tpu.memref_slice %arg8[%dma_start3A_367, %dma_start3A_371] : memref<2x64xi32, #tpu.memory_space<vmem>> -> memref<1x64xi32, #tpu.memory_space<vmem>>
        %dma_start3A_373 = tpu.memref_squeeze %dma_start3A_372 : memref<1x64xi32, #tpu.memory_space<vmem>> -> memref<64xi32, #tpu.memory_space<vmem>>
        %dma_start3A_374 = arith.constant 0 : i32
        %dma_start3A_375 = tpu.memref_slice %arg16[%dma_start3A_374] : memref<16384xi32, #tpu.memory_space<vmem_shared>> -> memref<16384xi32, #tpu.memory_space<vmem_shared>>
        tpu.enqueue_indirect_dma source(%dma_start3A_370 : memref<64xi32, #tpu.memory_space<vmem>>) target(%dma_start3A_375 : memref<16384xi32, #tpu.memory_space<vmem_shared>>) offsets(%dma_start3A_373 : memref<64xi32, #tpu.memory_space<vmem>>) semaphore(%arg17 : memref<!tpu.dma_semaphore, #tpu.memory_space<semaphore_mem>>)
        %gt3A_376 = arith.constant 0 : i32
        %gt3A_377 = arith.cmpi sgt, %scan3A_207, %gt3A_376 : i32
        %convert_element_type3A_378 = arith.extui %gt3A_377 : i1 to i32
        %cond3A_379 = arith.constant 0 : i32
        %cond3A_380 = arith.cmpi ne, %convert_element_type3A_378, %cond3A_379 : i32
        scf.if %cond3A_380 {
          %dma_wait3A_553 = arith.constant 0 : i32
          %dma_wait3A_554 = arith.constant 0 : i32
          %dma_wait3A_555 = tpu.memref_slice %arg10[%dma_wait3A_553, %dma_wait3A_554] : memref<2x64xi32, #tpu.memory_space<vmem>> -> memref<1x64xi32, #tpu.memory_space<vmem>>
          %dma_wait3A_556 = tpu.memref_squeeze %dma_wait3A_555 : memref<1x64xi32, #tpu.memory_space<vmem>> -> memref<64xi32, #tpu.memory_space<vmem>>
          %dma_wait3A_557 = arith.constant 0 : i32
          %dma_wait3A_558 = tpu.memref_slice %arg2[%dma_wait3A_557] : memref<16384xi32, #tpu.memory_space<hbm>> -> memref<64xi32, #tpu.memory_space<hbm>>
          %dma_wait3A_559 = arith.constant 0 : i32
          %dma_wait3A_560 = tpu.memref_slice %arg10[%dma_wait3A_553, %dma_wait3A_559] : memref<2x64xi32, #tpu.memory_space<vmem>> -> memref<1x64xi32, #tpu.memory_space<vmem>>
          %dma_wait3A_561 = tpu.memref_squeeze %dma_wait3A_560 : memref<1x64xi32, #tpu.memory_space<vmem>> -> memref<64xi32, #tpu.memory_space<vmem>>
          %dma_wait3A_562 = arith.constant 0 : i32
          %dma_wait3A_563 = tpu.memref_slice %arg2[%dma_wait3A_562] : memref<16384xi32, #tpu.memory_space<hbm>> -> memref<64xi32, #tpu.memory_space<hbm>>
          tpu.wait_dma2 semaphore(%arg17 : memref<!tpu.dma_semaphore, #tpu.memory_space<semaphore_mem>>) src(%dma_wait3A_563 : memref<64xi32, #tpu.memory_space<hbm>>) dst(%dma_wait3A_561 : memref<64xi32, #tpu.memory_space<vmem>>)
          %dma_wait3A_564 = arith.constant 0 : i32
          %dma_wait3A_565 = arith.constant 0 : i32
          %dma_wait3A_566 = tpu.memref_slice %arg10[%dma_wait3A_564, %dma_wait3A_565] : memref<2x64xi32, #tpu.memory_space<vmem>> -> memref<1x64xi32, #tpu.memory_space<vmem>>
          %dma_wait3A_567 = tpu.memref_squeeze %dma_wait3A_566 : memref<1x64xi32, #tpu.memory_space<vmem>> -> memref<64xi32, #tpu.memory_space<vmem>>
          %dma_wait3A_568 = arith.constant 0 : i32
          %dma_wait3A_569 = tpu.memref_slice %arg2[%dma_wait3A_568] : memref<16384xi32, #tpu.memory_space<hbm>> -> memref<64xi32, #tpu.memory_space<hbm>>
          %dma_wait3A_570 = arith.constant 0 : i32
          %dma_wait3A_571 = tpu.memref_slice %arg10[%dma_wait3A_564, %dma_wait3A_570] : memref<2x64xi32, #tpu.memory_space<vmem>> -> memref<1x64xi32, #tpu.memory_space<vmem>>
          %dma_wait3A_572 = tpu.memref_squeeze %dma_wait3A_571 : memref<1x64xi32, #tpu.memory_space<vmem>> -> memref<64xi32, #tpu.memory_space<vmem>>
          %dma_wait3A_573 = arith.constant 0 : i32
          %dma_wait3A_574 = tpu.memref_slice %arg2[%dma_wait3A_573] : memref<16384xi32, #tpu.memory_space<hbm>> -> memref<64xi32, #tpu.memory_space<hbm>>
          tpu.wait_dma2 semaphore(%arg17 : memref<!tpu.dma_semaphore, #tpu.memory_space<semaphore_mem>>) src(%dma_wait3A_574 : memref<64xi32, #tpu.memory_space<hbm>>) dst(%dma_wait3A_572 : memref<64xi32, #tpu.memory_space<vmem>>)
        } else {
        }
        %mul3A_381 = arith.constant 2 : i32
        %mul3A_382 = arith.muli %scan3A_207, %mul3A_381 : i32
        %add3A_383 = arith.constant 1 : i32
        %add3A_384 = arith.addi %mul3A_382, %add3A_383 : i32
        %mul3A_385 = arith.constant 64 : i32
        %mul3A_386 = arith.muli %add3A_384, %mul3A_385 : i32
        %add3A_387 = arith.constant 0 : i32
        %add3A_388 = arith.addi %mul3A_386, %add3A_387 : i32
        %get3A_389 = arith.index_cast %add3A_388 : i32 to index
        %get3A_390 = tpu.vector_load %arg4[%get3A_389] {strides = array<i32>} : memref<1024xi32, #tpu.memory_space<vmem>>, vector<16xi32>,
        %get3A_391 = arith.index_cast %add3A_388 : i32 to index
        %get3A_392 = tpu.vector_load %arg5[%get3A_391] {strides = array<i32>} : memref<1024xi32, #tpu.memory_space<vmem>>, vector<16xi32>,
        %shift_right_arithmetic3A_393 = arith.constant 11 : i32
        %shift_right_arithmetic3A_394 = vector.broadcast %shift_right_arithmetic3A_393 : i32 to vector<16xi32>
        %shift_right_arithmetic3A_395 = arith.shrsi %get3A_390, %shift_right_arithmetic3A_394 : vector<16xi32>
        %and3A_396 = arith.constant 2047 : i32
        %and3A_397 = vector.broadcast %and3A_396 : i32 to vector<16xi32>
        %and3A_398 = arith.andi %shift_right_arithmetic3A_395, %and3A_397 : vector<16xi32>
        %broadcast_in_dim3A_399 = arith.constant true
        %broadcast_in_dim3A_400 = vector.broadcast %broadcast_in_dim3A_399 : i1 to vector<16xi1>
        %unique3A_401, %unique3A_402 = tpu.scan_count mask(%broadcast_in_dim3A_400 : vector<16xi1>) value(%and3A_398 : vector<16xi32>) : vector<16xi1>, vector<16xi32>
        %gather3A_403 = tpu.vector_load_idx %arg6[%and3A_398] : memref<2048xi32, #tpu.memory_space<vmem>>[vector<16xi32>], vector<16xi32>,
        %sub3A_404 = vector.broadcast %squeeze3A : i32 to vector<16xi32>
        %sub3A_405 = arith.subi %unique3A_402, %sub3A_404 : vector<16xi32>
        %add3A_406 = arith.addi %gather3A_403, %sub3A_405 : vector<16xi32>
        %add3A_407 = arith.constant 1 : i32
        %add3A_408 = vector.broadcast %add3A_407 : i32 to vector<16xi32>
        %add3A_409 = arith.addi %add3A_406, %add3A_408 : vector<16xi32>
        tpu.vector_store_idx %arg6[%and3A_398], %add3A_409 masked %unique3A_401 : memref<2048xi32, #tpu.memory_space<vmem>>[vector<16xi32>], vector<16xi32>, vector<16xi1>
        %swap3A_410 = arith.constant 1 : i32
        %swap3A_411 = arith.index_cast %swap3A_410 : i32 to index
        %swap3A_412 = arith.constant 0 : index
        %swap3A_413 = tpu.vector_load %arg8[%swap3A_411, %swap3A_412] {strides = array<i32>} : memref<2x64xi32, #tpu.memory_space<vmem>>, vector<16xi32>,
        tpu.vector_store %arg8[%swap3A_411, %swap3A_412], %add3A_406 {strides = array<i32>} : memref<2x64xi32, #tpu.memory_space<vmem>>, vector<16xi32>,
        %swap3A_414 = arith.constant 1 : i32
        %swap3A_415 = arith.index_cast %swap3A_414 : i32 to index
        %swap3A_416 = arith.constant 0 : index
        %swap3A_417 = tpu.vector_load %arg9[%swap3A_415, %swap3A_416] {strides = array<i32>} : memref<2x64xi32, #tpu.memory_space<vmem>>, vector<16xi32>,
        tpu.vector_store %arg9[%swap3A_415, %swap3A_416], %get3A_390 {strides = array<i32>} : memref<2x64xi32, #tpu.memory_space<vmem>>, vector<16xi32>,
        %swap3A_418 = arith.constant 1 : i32
        %swap3A_419 = arith.index_cast %swap3A_418 : i32 to index
        %swap3A_420 = arith.constant 0 : index
        %swap3A_421 = tpu.vector_load %arg10[%swap3A_419, %swap3A_420] {strides = array<i32>} : memref<2x64xi32, #tpu.memory_space<vmem>>, vector<16xi32>,
        tpu.vector_store %arg10[%swap3A_419, %swap3A_420], %get3A_392 {strides = array<i32>} : memref<2x64xi32, #tpu.memory_space<vmem>>, vector<16xi32>,
        %mul3A_422 = arith.constant 64 : i32
        %mul3A_423 = arith.muli %add3A_384, %mul3A_422 : i32
        %add3A_424 = arith.constant 16 : i32
        %add3A_425 = arith.addi %mul3A_423, %add3A_424 : i32
        %get3A_426 = arith.index_cast %add3A_425 : i32 to index
        %get3A_427 = tpu.vector_load %arg4[%get3A_426] {strides = array<i32>} : memref<1024xi32, #tpu.memory_space<vmem>>, vector<16xi32>,
        %get3A_428 = arith.index_cast %add3A_425 : i32 to index
        %get3A_429 = tpu.vector_load %arg5[%get3A_428] {strides = array<i32>} : memref<1024xi32, #tpu.memory_space<vmem>>, vector<16xi32>,
        %shift_right_arithmetic3A_430 = arith.constant 11 : i32
        %shift_right_arithmetic3A_431 = vector.broadcast %shift_right_arithmetic3A_430 : i32 to vector<16xi32>
        %shift_right_arithmetic3A_432 = arith.shrsi %get3A_427, %shift_right_arithmetic3A_431 : vector<16xi32>
        %and3A_433 = arith.constant 2047 : i32
        %and3A_434 = vector.broadcast %and3A_433 : i32 to vector<16xi32>
        %and3A_435 = arith.andi %shift_right_arithmetic3A_432, %and3A_434 : vector<16xi32>
        %broadcast_in_dim3A_436 = arith.constant true
        %broadcast_in_dim3A_437 = vector.broadcast %broadcast_in_dim3A_436 : i1 to vector<16xi1>
        %unique3A_438, %unique3A_439 = tpu.scan_count mask(%broadcast_in_dim3A_437 : vector<16xi1>) value(%and3A_435 : vector<16xi32>) : vector<16xi1>, vector<16xi32>
        %gather3A_440 = tpu.vector_load_idx %arg6[%and3A_435] : memref<2048xi32, #tpu.memory_space<vmem>>[vector<16xi32>], vector<16xi32>,
        %sub3A_441 = vector.broadcast %squeeze3A : i32 to vector<16xi32>
        %sub3A_442 = arith.subi %unique3A_439, %sub3A_441 : vector<16xi32>
        %add3A_443 = arith.addi %gather3A_440, %sub3A_442 : vector<16xi32>
        %add3A_444 = arith.constant 1 : i32
        %add3A_445 = vector.broadcast %add3A_444 : i32 to vector<16xi32>
        %add3A_446 = arith.addi %add3A_443, %add3A_445 : vector<16xi32>
        tpu.vector_store_idx %arg6[%and3A_435], %add3A_446 masked %unique3A_438 : memref<2048xi32, #tpu.memory_space<vmem>>[vector<16xi32>], vector<16xi32>, vector<16xi1>
        %swap3A_447 = arith.constant 1 : i32
        %swap3A_448 = arith.index_cast %swap3A_447 : i32 to index
        %swap3A_449 = arith.constant 16 : index
        %swap3A_450 = tpu.vector_load %arg8[%swap3A_448, %swap3A_449] {strides = array<i32>} : memref<2x64xi32, #tpu.memory_space<vmem>>, vector<16xi32>,
        tpu.vector_store %arg8[%swap3A_448, %swap3A_449], %add3A_443 {strides = array<i32>} : memref<2x64xi32, #tpu.memory_space<vmem>>, vector<16xi32>,
        %swap3A_451 = arith.constant 1 : i32
        %swap3A_452 = arith.index_cast %swap3A_451 : i32 to index
        %swap3A_453 = arith.constant 16 : index
        %swap3A_454 = tpu.vector_load %arg9[%swap3A_452, %swap3A_453] {strides = array<i32>} : memref<2x64xi32, #tpu.memory_space<vmem>>, vector<16xi32>,
        tpu.vector_store %arg9[%swap3A_452, %swap3A_453], %get3A_427 {strides = array<i32>} : memref<2x64xi32, #tpu.memory_space<vmem>>, vector<16xi32>,
        %swap3A_455 = arith.constant 1 : i32
        %swap3A_456 = arith.index_cast %swap3A_455 : i32 to index
        %swap3A_457 = arith.constant 16 : index
        %swap3A_458 = tpu.vector_load %arg10[%swap3A_456, %swap3A_457] {strides = array<i32>} : memref<2x64xi32, #tpu.memory_space<vmem>>, vector<16xi32>,
        tpu.vector_store %arg10[%swap3A_456, %swap3A_457], %get3A_429 {strides = array<i32>} : memref<2x64xi32, #tpu.memory_space<vmem>>, vector<16xi32>,
        %mul3A_459 = arith.constant 64 : i32
        %mul3A_460 = arith.muli %add3A_384, %mul3A_459 : i32
        %add3A_461 = arith.constant 32 : i32
        %add3A_462 = arith.addi %mul3A_460, %add3A_461 : i32
        %get3A_463 = arith.index_cast %add3A_462 : i32 to index
        %get3A_464 = tpu.vector_load %arg4[%get3A_463] {strides = array<i32>} : memref<1024xi32, #tpu.memory_space<vmem>>, vector<16xi32>,
        %get3A_465 = arith.index_cast %add3A_462 : i32 to index
        %get3A_466 = tpu.vector_load %arg5[%get3A_465] {strides = array<i32>} : memref<1024xi32, #tpu.memory_space<vmem>>, vector<16xi32>,
        %shift_right_arithmetic3A_467 = arith.constant 11 : i32
        %shift_right_arithmetic3A_468 = vector.broadcast %shift_right_arithmetic3A_467 : i32 to vector<16xi32>
        %shift_right_arithmetic3A_469 = arith.shrsi %get3A_464, %shift_right_arithmetic3A_468 : vector<16xi32>
        %and3A_470 = arith.constant 2047 : i32
        %and3A_471 = vector.broadcast %and3A_470 : i32 to vector<16xi32>
        %and3A_472 = arith.andi %shift_right_arithmetic3A_469, %and3A_471 : vector<16xi32>
        %broadcast_in_dim3A_473 = arith.constant true
        %broadcast_in_dim3A_474 = vector.broadcast %broadcast_in_dim3A_473 : i1 to vector<16xi1>
        %unique3A_475, %unique3A_476 = tpu.scan_count mask(%broadcast_in_dim3A_474 : vector<16xi1>) value(%and3A_472 : vector<16xi32>) : vector<16xi1>, vector<16xi32>
        %gather3A_477 = tpu.vector_load_idx %arg6[%and3A_472] : memref<2048xi32, #tpu.memory_space<vmem>>[vector<16xi32>], vector<16xi32>,
        %sub3A_478 = vector.broadcast %squeeze3A : i32 to vector<16xi32>
        %sub3A_479 = arith.subi %unique3A_476, %sub3A_478 : vector<16xi32>
        %add3A_480 = arith.addi %gather3A_477, %sub3A_479 : vector<16xi32>
        %add3A_481 = arith.constant 1 : i32
        %add3A_482 = vector.broadcast %add3A_481 : i32 to vector<16xi32>
        %add3A_483 = arith.addi %add3A_480, %add3A_482 : vector<16xi32>
        tpu.vector_store_idx %arg6[%and3A_472], %add3A_483 masked %unique3A_475 : memref<2048xi32, #tpu.memory_space<vmem>>[vector<16xi32>], vector<16xi32>, vector<16xi1>
        %swap3A_484 = arith.constant 1 : i32
        %swap3A_485 = arith.index_cast %swap3A_484 : i32 to index
        %swap3A_486 = arith.constant 32 : index
        %swap3A_487 = tpu.vector_load %arg8[%swap3A_485, %swap3A_486] {strides = array<i32>} : memref<2x64xi32, #tpu.memory_space<vmem>>, vector<16xi32>,
        tpu.vector_store %arg8[%swap3A_485, %swap3A_486], %add3A_480 {strides = array<i32>} : memref<2x64xi32, #tpu.memory_space<vmem>>, vector<16xi32>,
        %swap3A_488 = arith.constant 1 : i32
        %swap3A_489 = arith.index_cast %swap3A_488 : i32 to index
        %swap3A_490 = arith.constant 32 : index
        %swap3A_491 = tpu.vector_load %arg9[%swap3A_489, %swap3A_490] {strides = array<i32>} : memref<2x64xi32, #tpu.memory_space<vmem>>, vector<16xi32>,
        tpu.vector_store %arg9[%swap3A_489, %swap3A_490], %get3A_464 {strides = array<i32>} : memref<2x64xi32, #tpu.memory_space<vmem>>, vector<16xi32>,
        %swap3A_492 = arith.constant 1 : i32
        %swap3A_493 = arith.index_cast %swap3A_492 : i32 to index
        %swap3A_494 = arith.constant 32 : index
        %swap3A_495 = tpu.vector_load %arg10[%swap3A_493, %swap3A_494] {strides = array<i32>} : memref<2x64xi32, #tpu.memory_space<vmem>>, vector<16xi32>,
        tpu.vector_store %arg10[%swap3A_493, %swap3A_494], %get3A_466 {strides = array<i32>} : memref<2x64xi32, #tpu.memory_space<vmem>>, vector<16xi32>,
        %mul3A_496 = arith.constant 64 : i32
        %mul3A_497 = arith.muli %add3A_384, %mul3A_496 : i32
        %add3A_498 = arith.constant 48 : i32
        %add3A_499 = arith.addi %mul3A_497, %add3A_498 : i32
        %get3A_500 = arith.index_cast %add3A_499 : i32 to index
        %get3A_501 = tpu.vector_load %arg4[%get3A_500] {strides = array<i32>} : memref<1024xi32, #tpu.memory_space<vmem>>, vector<16xi32>,
        %get3A_502 = arith.index_cast %add3A_499 : i32 to index
        %get3A_503 = tpu.vector_load %arg5[%get3A_502] {strides = array<i32>} : memref<1024xi32, #tpu.memory_space<vmem>>, vector<16xi32>,
        %shift_right_arithmetic3A_504 = arith.constant 11 : i32
        %shift_right_arithmetic3A_505 = vector.broadcast %shift_right_arithmetic3A_504 : i32 to vector<16xi32>
        %shift_right_arithmetic3A_506 = arith.shrsi %get3A_501, %shift_right_arithmetic3A_505 : vector<16xi32>
        %and3A_507 = arith.constant 2047 : i32
        %and3A_508 = vector.broadcast %and3A_507 : i32 to vector<16xi32>
        %and3A_509 = arith.andi %shift_right_arithmetic3A_506, %and3A_508 : vector<16xi32>
        %broadcast_in_dim3A_510 = arith.constant true
        %broadcast_in_dim3A_511 = vector.broadcast %broadcast_in_dim3A_510 : i1 to vector<16xi1>
        %unique3A_512, %unique3A_513 = tpu.scan_count mask(%broadcast_in_dim3A_511 : vector<16xi1>) value(%and3A_509 : vector<16xi32>) : vector<16xi1>, vector<16xi32>
        %gather3A_514 = tpu.vector_load_idx %arg6[%and3A_509] : memref<2048xi32, #tpu.memory_space<vmem>>[vector<16xi32>], vector<16xi32>,
        %sub3A_515 = vector.broadcast %squeeze3A : i32 to vector<16xi32>
        %sub3A_516 = arith.subi %unique3A_513, %sub3A_515 : vector<16xi32>
        %add3A_517 = arith.addi %gather3A_514, %sub3A_516 : vector<16xi32>
        %add3A_518 = arith.constant 1 : i32
        %add3A_519 = vector.broadcast %add3A_518 : i32 to vector<16xi32>
        %add3A_520 = arith.addi %add3A_517, %add3A_519 : vector<16xi32>
        tpu.vector_store_idx %arg6[%and3A_509], %add3A_520 masked %unique3A_512 : memref<2048xi32, #tpu.memory_space<vmem>>[vector<16xi32>], vector<16xi32>, vector<16xi1>
        %swap3A_521 = arith.constant 1 : i32
        %swap3A_522 = arith.index_cast %swap3A_521 : i32 to index
        %swap3A_523 = arith.constant 48 : index
        %swap3A_524 = tpu.vector_load %arg8[%swap3A_522, %swap3A_523] {strides = array<i32>} : memref<2x64xi32, #tpu.memory_space<vmem>>, vector<16xi32>,
        tpu.vector_store %arg8[%swap3A_522, %swap3A_523], %add3A_517 {strides = array<i32>} : memref<2x64xi32, #tpu.memory_space<vmem>>, vector<16xi32>,
        %swap3A_525 = arith.constant 1 : i32
        %swap3A_526 = arith.index_cast %swap3A_525 : i32 to index
        %swap3A_527 = arith.constant 48 : index
        %swap3A_528 = tpu.vector_load %arg9[%swap3A_526, %swap3A_527] {strides = array<i32>} : memref<2x64xi32, #tpu.memory_space<vmem>>, vector<16xi32>,
        tpu.vector_store %arg9[%swap3A_526, %swap3A_527], %get3A_501 {strides = array<i32>} : memref<2x64xi32, #tpu.memory_space<vmem>>, vector<16xi32>,
        %swap3A_529 = arith.constant 1 : i32
        %swap3A_530 = arith.index_cast %swap3A_529 : i32 to index
        %swap3A_531 = arith.constant 48 : index
        %swap3A_532 = tpu.vector_load %arg10[%swap3A_530, %swap3A_531] {strides = array<i32>} : memref<2x64xi32, #tpu.memory_space<vmem>>, vector<16xi32>,
        tpu.vector_store %arg10[%swap3A_530, %swap3A_531], %get3A_503 {strides = array<i32>} : memref<2x64xi32, #tpu.memory_space<vmem>>, vector<16xi32>,
        %dma_start3A_533 = arith.constant 1 : i32
        %dma_start3A_534 = arith.constant 1 : i32
        %dma_start3A_535 = arith.constant 0 : i32
        %dma_start3A_536 = tpu.memref_slice %arg9[%dma_start3A_533, %dma_start3A_535] : memref<2x64xi32, #tpu.memory_space<vmem>> -> memref<1x64xi32, #tpu.memory_space<vmem>>
        %dma_start3A_537 = tpu.memref_squeeze %dma_start3A_536 : memref<1x64xi32, #tpu.memory_space<vmem>> -> memref<64xi32, #tpu.memory_space<vmem>>
        %dma_start3A_538 = arith.constant 0 : i32
        %dma_start3A_539 = tpu.memref_slice %arg8[%dma_start3A_534, %dma_start3A_538] : memref<2x64xi32, #tpu.memory_space<vmem>> -> memref<1x64xi32, #tpu.memory_space<vmem>>
        %dma_start3A_540 = tpu.memref_squeeze %dma_start3A_539 : memref<1x64xi32, #tpu.memory_space<vmem>> -> memref<64xi32, #tpu.memory_space<vmem>>
        %dma_start3A_541 = arith.constant 0 : i32
        %dma_start3A_542 = tpu.memref_slice %arg15[%dma_start3A_541] : memref<16384xi32, #tpu.memory_space<vmem_shared>> -> memref<16384xi32, #tpu.memory_space<vmem_shared>>
        tpu.enqueue_indirect_dma source(%dma_start3A_537 : memref<64xi32, #tpu.memory_space<vmem>>) target(%dma_start3A_542 : memref<16384xi32, #tpu.memory_space<vmem_shared>>) offsets(%dma_start3A_540 : memref<64xi32, #tpu.memory_space<vmem>>) semaphore(%arg17 : memref<!tpu.dma_semaphore, #tpu.memory_space<semaphore_mem>>)
        %dma_start3A_543 = arith.constant 1 : i32
        %dma_start3A_544 = arith.constant 1 : i32
        %dma_start3A_545 = arith.constant 0 : i32
        %dma_start3A_546 = tpu.memref_slice %arg10[%dma_start3A_543, %dma_start3A_545] : memref<2x64xi32, #tpu.memory_space<vmem>> -> memref<1x64xi32, #tpu.memory_space<vmem>>
        %dma_start3A_547 = tpu.memref_squeeze %dma_start3A_546 : memref<1x64xi32, #tpu.memory_space<vmem>> -> memref<64xi32, #tpu.memory_space<vmem>>
        %dma_start3A_548 = arith.constant 0 : i32
        %dma_start3A_549 = tpu.memref_slice %arg8[%dma_start3A_544, %dma_start3A_548] : memref<2x64xi32, #tpu.memory_space<vmem>> -> memref<1x64xi32, #tpu.memory_space<vmem>>
        %dma_start3A_550 = tpu.memref_squeeze %dma_start3A_549 : memref<1x64xi32, #tpu.memory_space<vmem>> -> memref<64xi32, #tpu.memory_space<vmem>>
        %dma_start3A_551 = arith.constant 0 : i32
        %dma_start3A_552 = tpu.memref_slice %arg16[%dma_start3A_551] : memref<16384xi32, #tpu.memory_space<vmem_shared>> -> memref<16384xi32, #tpu.memory_space<vmem_shared>>
        tpu.enqueue_indirect_dma source(%dma_start3A_547 : memref<64xi32, #tpu.memory_space<vmem>>) target(%dma_start3A_552 : memref<16384xi32, #tpu.memory_space<vmem_shared>>) offsets(%dma_start3A_550 : memref<64xi32, #tpu.memory_space<vmem>>) semaphore(%arg17 : memref<!tpu.dma_semaphore, #tpu.memory_space<semaphore_mem>>)
      }
      %scan3A_107 = arith.constant 8 : i32
      %dma_wait3A_108 = arith.constant 0 : i32
      %dma_wait3A_109 = arith.constant 0 : i32
      %dma_wait3A_110 = tpu.memref_slice %arg10[%dma_wait3A_108, %dma_wait3A_109] : memref<2x64xi32, #tpu.memory_space<vmem>> -> memref<1x64xi32, #tpu.memory_space<vmem>>
      %dma_wait3A_111 = tpu.memref_squeeze %dma_wait3A_110 : memref<1x64xi32, #tpu.memory_space<vmem>> -> memref<64xi32, #tpu.memory_space<vmem>>
      %dma_wait3A_112 = arith.constant 0 : i32
      %dma_wait3A_113 = tpu.memref_slice %arg2[%dma_wait3A_112] : memref<16384xi32, #tpu.memory_space<hbm>> -> memref<64xi32, #tpu.memory_space<hbm>>
      %dma_wait3A_114 = arith.constant 0 : i32
      %dma_wait3A_115 = tpu.memref_slice %arg10[%dma_wait3A_108, %dma_wait3A_114] : memref<2x64xi32, #tpu.memory_space<vmem>> -> memref<1x64xi32, #tpu.memory_space<vmem>>
      %dma_wait3A_116 = tpu.memref_squeeze %dma_wait3A_115 : memref<1x64xi32, #tpu.memory_space<vmem>> -> memref<64xi32, #tpu.memory_space<vmem>>
      %dma_wait3A_117 = arith.constant 0 : i32
      %dma_wait3A_118 = tpu.memref_slice %arg2[%dma_wait3A_117] : memref<16384xi32, #tpu.memory_space<hbm>> -> memref<64xi32, #tpu.memory_space<hbm>>
      tpu.wait_dma2 semaphore(%arg17 : memref<!tpu.dma_semaphore, #tpu.memory_space<semaphore_mem>>) src(%dma_wait3A_118 : memref<64xi32, #tpu.memory_space<hbm>>) dst(%dma_wait3A_116 : memref<64xi32, #tpu.memory_space<vmem>>)
      %dma_wait3A_119 = arith.constant 0 : i32
      %dma_wait3A_120 = arith.constant 0 : i32
      %dma_wait3A_121 = tpu.memref_slice %arg10[%dma_wait3A_119, %dma_wait3A_120] : memref<2x64xi32, #tpu.memory_space<vmem>> -> memref<1x64xi32, #tpu.memory_space<vmem>>
      %dma_wait3A_122 = tpu.memref_squeeze %dma_wait3A_121 : memref<1x64xi32, #tpu.memory_space<vmem>> -> memref<64xi32, #tpu.memory_space<vmem>>
      %dma_wait3A_123 = arith.constant 0 : i32
      %dma_wait3A_124 = tpu.memref_slice %arg2[%dma_wait3A_123] : memref<16384xi32, #tpu.memory_space<hbm>> -> memref<64xi32, #tpu.memory_space<hbm>>
      %dma_wait3A_125 = arith.constant 0 : i32
      %dma_wait3A_126 = tpu.memref_slice %arg10[%dma_wait3A_119, %dma_wait3A_125] : memref<2x64xi32, #tpu.memory_space<vmem>> -> memref<1x64xi32, #tpu.memory_space<vmem>>
      %dma_wait3A_127 = tpu.memref_squeeze %dma_wait3A_126 : memref<1x64xi32, #tpu.memory_space<vmem>> -> memref<64xi32, #tpu.memory_space<vmem>>
      %dma_wait3A_128 = arith.constant 0 : i32
      %dma_wait3A_129 = tpu.memref_slice %arg2[%dma_wait3A_128] : memref<16384xi32, #tpu.memory_space<hbm>> -> memref<64xi32, #tpu.memory_space<hbm>>
      tpu.wait_dma2 semaphore(%arg17 : memref<!tpu.dma_semaphore, #tpu.memory_space<semaphore_mem>>) src(%dma_wait3A_129 : memref<64xi32, #tpu.memory_space<hbm>>) dst(%dma_wait3A_127 : memref<64xi32, #tpu.memory_space<vmem>>)
      %dma_wait3A_130 = arith.constant 0 : i32
      %dma_wait3A_131 = arith.constant 0 : i32
      %dma_wait3A_132 = tpu.memref_slice %arg10[%dma_wait3A_130, %dma_wait3A_131] : memref<2x64xi32, #tpu.memory_space<vmem>> -> memref<1x64xi32, #tpu.memory_space<vmem>>
      %dma_wait3A_133 = tpu.memref_squeeze %dma_wait3A_132 : memref<1x64xi32, #tpu.memory_space<vmem>> -> memref<64xi32, #tpu.memory_space<vmem>>
      %dma_wait3A_134 = arith.constant 0 : i32
      %dma_wait3A_135 = tpu.memref_slice %arg2[%dma_wait3A_134] : memref<16384xi32, #tpu.memory_space<hbm>> -> memref<64xi32, #tpu.memory_space<hbm>>
      %dma_wait3A_136 = arith.constant 0 : i32
      %dma_wait3A_137 = tpu.memref_slice %arg10[%dma_wait3A_130, %dma_wait3A_136] : memref<2x64xi32, #tpu.memory_space<vmem>> -> memref<1x64xi32, #tpu.memory_space<vmem>>
      %dma_wait3A_138 = tpu.memref_squeeze %dma_wait3A_137 : memref<1x64xi32, #tpu.memory_space<vmem>> -> memref<64xi32, #tpu.memory_space<vmem>>
      %dma_wait3A_139 = arith.constant 0 : i32
      %dma_wait3A_140 = tpu.memref_slice %arg2[%dma_wait3A_139] : memref<16384xi32, #tpu.memory_space<hbm>> -> memref<64xi32, #tpu.memory_space<hbm>>
      tpu.wait_dma2 semaphore(%arg17 : memref<!tpu.dma_semaphore, #tpu.memory_space<semaphore_mem>>) src(%dma_wait3A_140 : memref<64xi32, #tpu.memory_space<hbm>>) dst(%dma_wait3A_138 : memref<64xi32, #tpu.memory_space<vmem>>)
      %dma_wait3A_141 = arith.constant 0 : i32
      %dma_wait3A_142 = arith.constant 0 : i32
      %dma_wait3A_143 = tpu.memref_slice %arg10[%dma_wait3A_141, %dma_wait3A_142] : memref<2x64xi32, #tpu.memory_space<vmem>> -> memref<1x64xi32, #tpu.memory_space<vmem>>
      %dma_wait3A_144 = tpu.memref_squeeze %dma_wait3A_143 : memref<1x64xi32, #tpu.memory_space<vmem>> -> memref<64xi32, #tpu.memory_space<vmem>>
      %dma_wait3A_145 = arith.constant 0 : i32
      %dma_wait3A_146 = tpu.memref_slice %arg2[%dma_wait3A_145] : memref<16384xi32, #tpu.memory_space<hbm>> -> memref<64xi32, #tpu.memory_space<hbm>>
      %dma_wait3A_147 = arith.constant 0 : i32
      %dma_wait3A_148 = tpu.memref_slice %arg10[%dma_wait3A_141, %dma_wait3A_147] : memref<2x64xi32, #tpu.memory_space<vmem>> -> memref<1x64xi32, #tpu.memory_space<vmem>>
      %dma_wait3A_149 = tpu.memref_squeeze %dma_wait3A_148 : memref<1x64xi32, #tpu.memory_space<vmem>> -> memref<64xi32, #tpu.memory_space<vmem>>
      %dma_wait3A_150 = arith.constant 0 : i32
      %dma_wait3A_151 = tpu.memref_slice %arg2[%dma_wait3A_150] : memref<16384xi32, #tpu.memory_space<hbm>> -> memref<64xi32, #tpu.memory_space<hbm>>
      tpu.wait_dma2 semaphore(%arg17 : memref<!tpu.dma_semaphore, #tpu.memory_space<semaphore_mem>>) src(%dma_wait3A_151 : memref<64xi32, #tpu.memory_space<hbm>>) dst(%dma_wait3A_149 : memref<64xi32, #tpu.memory_space<vmem>>)
      %barrier3A_152 = arith.constant 0 : index
      tpu.barrier barrier_id(%barrier3A_152)
      "tpu.region"() ({
        %run_scoped3A = tpu.sem_alloc : memref<!tpu.dma_semaphore, #tpu.memory_space<semaphore_mem>>
        %dma_start3A = tpu.memref_slice %arg15[%mul3A_2] : memref<16384xi32, #tpu.memory_space<vmem_shared>> -> memref<1024xi32, #tpu.memory_space<vmem_shared>>
        %dma_start3A_207 = tpu.memref_slice %arg15[%mul3A_2] : memref<16384xi32, #tpu.memory_space<vmem_shared>> -> memref<1024xi32, #tpu.memory_space<vmem_shared>>
        tpu.enqueue_dma source(%dma_start3A_207 : memref<1024xi32, #tpu.memory_space<vmem_shared>>) target(%arg4 : memref<1024xi32, #tpu.memory_space<vmem>>) target_semaphore(%run_scoped3A : memref<!tpu.dma_semaphore, #tpu.memory_space<semaphore_mem>>)
        %dma_wait3A_208 = tpu.memref_slice %arg15[%mul3A_2] : memref<16384xi32, #tpu.memory_space<vmem_shared>> -> memref<1024xi32, #tpu.memory_space<vmem_shared>>
        %dma_wait3A_209 = tpu.memref_slice %arg15[%mul3A_2] : memref<16384xi32, #tpu.memory_space<vmem_shared>> -> memref<1024xi32, #tpu.memory_space<vmem_shared>>
        tpu.wait_dma2 semaphore(%run_scoped3A : memref<!tpu.dma_semaphore, #tpu.memory_space<semaphore_mem>>) src(%dma_wait3A_209 : memref<1024xi32, #tpu.memory_space<vmem_shared>>) dst(%arg4 : memref<1024xi32, #tpu.memory_space<vmem>>)
        tpu.yield
      }) : () -> ()
      "tpu.region"() ({
        %run_scoped3A = tpu.sem_alloc : memref<!tpu.dma_semaphore, #tpu.memory_space<semaphore_mem>>
        %dma_start3A = tpu.memref_slice %arg16[%mul3A_2] : memref<16384xi32, #tpu.memory_space<vmem_shared>> -> memref<1024xi32, #tpu.memory_space<vmem_shared>>
        %dma_start3A_207 = tpu.memref_slice %arg16[%mul3A_2] : memref<16384xi32, #tpu.memory_space<vmem_shared>> -> memref<1024xi32, #tpu.memory_space<vmem_shared>>
        tpu.enqueue_dma source(%dma_start3A_207 : memref<1024xi32, #tpu.memory_space<vmem_shared>>) target(%arg5 : memref<1024xi32, #tpu.memory_space<vmem>>) target_semaphore(%run_scoped3A : memref<!tpu.dma_semaphore, #tpu.memory_space<semaphore_mem>>)
        %dma_wait3A_208 = tpu.memref_slice %arg16[%mul3A_2] : memref<16384xi32, #tpu.memory_space<vmem_shared>> -> memref<1024xi32, #tpu.memory_space<vmem_shared>>
        %dma_wait3A_209 = tpu.memref_slice %arg16[%mul3A_2] : memref<16384xi32, #tpu.memory_space<vmem_shared>> -> memref<1024xi32, #tpu.memory_space<vmem_shared>>
        tpu.wait_dma2 semaphore(%run_scoped3A : memref<!tpu.dma_semaphore, #tpu.memory_space<semaphore_mem>>) src(%dma_wait3A_209 : memref<1024xi32, #tpu.memory_space<vmem_shared>>) dst(%arg5 : memref<1024xi32, #tpu.memory_space<vmem>>)
        tpu.yield
      }) : () -> ()
      %barrier3A_153 = arith.constant 0 : index
      tpu.barrier barrier_id(%barrier3A_153)
      %scan3A_154 = arith.constant 0 : i32
      %scan3A_155 = arith.constant 0 : i32
      %scan3A_156 = arith.constant 128 : i32
      %scan3A_157 = arith.addi %scan3A_155, %scan3A_156 : i32
      %scan3A_158 = arith.constant 1 : i32
      scf.for %scan3A_207 = %scan3A_155 to %scan3A_157 step %scan3A_158  : i32 {
        %mul3A_208 = arith.constant 16 : i32
        %mul3A_209 = arith.muli %scan3A_207, %mul3A_208 : i32
        %swap3A = arith.index_cast %mul3A_209 : i32 to index
        %swap3A_210 = tpu.vector_load %arg6[%swap3A] {strides = array<i32>} : memref<2048xi32, #tpu.memory_space<vmem>>, vector<16xi32>,
        tpu.vector_store %arg6[%swap3A], %broadcast_in_dim3A_3 {strides = array<i32>} : memref<2048xi32, #tpu.memory_space<vmem>>, vector<16xi32>,
      }
      %scan3A_159 = arith.constant 128 : i32
      %scan3A_160 = arith.constant 0 : i32
      %scan3A_161 = arith.constant 0 : i32
      %scan3A_162 = arith.constant 64 : i32
      %scan3A_163 = arith.addi %scan3A_161, %scan3A_162 : i32
      %scan3A_164 = arith.constant 1 : i32
      scf.for %scan3A_207 = %scan3A_161 to %scan3A_163 step %scan3A_164  : i32 {
        %mul3A_208 = arith.constant 16 : i32
        %mul3A_209 = arith.muli %scan3A_207, %mul3A_208 : i32
        %get3A = arith.index_cast %mul3A_209 : i32 to index
        %get3A_210 = tpu.vector_load %arg4[%get3A] {strides = array<i32>} : memref<1024xi32, #tpu.memory_space<vmem>>, vector<16xi32>,
        %shift_right_arithmetic3A = arith.constant 22 : i32
        %shift_right_arithmetic3A_211 = vector.broadcast %shift_right_arithmetic3A : i32 to vector<16xi32>
        %shift_right_arithmetic3A_212 = arith.shrsi %get3A_210, %shift_right_arithmetic3A_211 : vector<16xi32>
        %broadcast_in_dim3A_213 = arith.constant true
        %broadcast_in_dim3A_214 = vector.broadcast %broadcast_in_dim3A_213 : i1 to vector<16xi1>
        %unique3A_215, %unique3A_216 = tpu.scan_count mask(%broadcast_in_dim3A_214 : vector<16xi1>) value(%shift_right_arithmetic3A_212 : vector<16xi32>) : vector<16xi1>, vector<16xi32>
        %gather3A = tpu.vector_load_idx %arg6[%shift_right_arithmetic3A_212] : memref<2048xi32, #tpu.memory_space<vmem>>[vector<16xi32>], vector<16xi32>,
        %sub3A = vector.broadcast %squeeze3A : i32 to vector<16xi32>
        %sub3A_217 = arith.subi %unique3A_216, %sub3A : vector<16xi32>
        %add3A = arith.addi %gather3A, %sub3A_217 : vector<16xi32>
        %add3A_218 = arith.constant 1 : i32
        %add3A_219 = vector.broadcast %add3A_218 : i32 to vector<16xi32>
        %add3A_220 = arith.addi %add3A, %add3A_219 : vector<16xi32>
        tpu.vector_store_idx %arg6[%shift_right_arithmetic3A_212], %add3A_220 masked %unique3A_215 : memref<2048xi32, #tpu.memory_space<vmem>>[vector<16xi32>], vector<16xi32>, vector<16xi1>
      }
      %scan3A_165 = arith.constant 64 : i32
      "tpu.region"() ({
        %run_scoped3A = tpu.sem_alloc : memref<!tpu.dma_semaphore, #tpu.memory_space<semaphore_mem>>
        %dma_start3A = arith.constant 0 : i32
        %dma_start3A_207 = tpu.memref_slice %arg12[%arg1, %dma_start3A] : memref<16x2048xi32, #tpu.memory_space<vmem_shared>> -> memref<1x2048xi32, #tpu.memory_space<vmem_shared>>
        %dma_start3A_208 = tpu.memref_squeeze %dma_start3A_207 : memref<1x2048xi32, #tpu.memory_space<vmem_shared>> -> memref<2048xi32, #tpu.memory_space<vmem_shared>>
        %dma_start3A_209 = arith.constant 0 : i32
        %dma_start3A_210 = tpu.memref_slice %arg12[%arg1, %dma_start3A_209] : memref<16x2048xi32, #tpu.memory_space<vmem_shared>> -> memref<1x2048xi32, #tpu.memory_space<vmem_shared>>
        %dma_start3A_211 = tpu.memref_squeeze %dma_start3A_210 : memref<1x2048xi32, #tpu.memory_space<vmem_shared>> -> memref<2048xi32, #tpu.memory_space<vmem_shared>>
        tpu.enqueue_dma source(%arg6 : memref<2048xi32, #tpu.memory_space<vmem>>) target(%dma_start3A_211 : memref<2048xi32, #tpu.memory_space<vmem_shared>>) target_semaphore(%run_scoped3A : memref<!tpu.dma_semaphore, #tpu.memory_space<semaphore_mem>>)
        %dma_wait3A_212 = arith.constant 0 : i32
        %dma_wait3A_213 = tpu.memref_slice %arg12[%arg1, %dma_wait3A_212] : memref<16x2048xi32, #tpu.memory_space<vmem_shared>> -> memref<1x2048xi32, #tpu.memory_space<vmem_shared>>
        %dma_wait3A_214 = tpu.memref_squeeze %dma_wait3A_213 : memref<1x2048xi32, #tpu.memory_space<vmem_shared>> -> memref<2048xi32, #tpu.memory_space<vmem_shared>>
        %dma_wait3A_215 = arith.constant 0 : i32
        %dma_wait3A_216 = tpu.memref_slice %arg12[%arg1, %dma_wait3A_215] : memref<16x2048xi32, #tpu.memory_space<vmem_shared>> -> memref<1x2048xi32, #tpu.memory_space<vmem_shared>>
        %dma_wait3A_217 = tpu.memref_squeeze %dma_wait3A_216 : memref<1x2048xi32, #tpu.memory_space<vmem_shared>> -> memref<2048xi32, #tpu.memory_space<vmem_shared>>
        tpu.wait_dma2 semaphore(%run_scoped3A : memref<!tpu.dma_semaphore, #tpu.memory_space<semaphore_mem>>) src(%arg6 : memref<2048xi32, #tpu.memory_space<vmem>>) dst(%dma_wait3A_217 : memref<2048xi32, #tpu.memory_space<vmem_shared>>)
        tpu.yield
      }) : () -> ()
      %barrier3A_166 = arith.constant 0 : index
      tpu.barrier barrier_id(%barrier3A_166)
      "tpu.region"() ({
        %run_scoped3A = tpu.sem_alloc : memref<!tpu.dma_semaphore, #tpu.memory_space<semaphore_mem>>
        tpu.enqueue_dma source(%arg12 : memref<16x2048xi32, #tpu.memory_space<vmem_shared>>) target(%arg7 : memref<16x2048xi32, #tpu.memory_space<vmem>>) target_semaphore(%run_scoped3A : memref<!tpu.dma_semaphore, #tpu.memory_space<semaphore_mem>>)
        tpu.wait_dma2 semaphore(%run_scoped3A : memref<!tpu.dma_semaphore, #tpu.memory_space<semaphore_mem>>) src(%arg12 : memref<16x2048xi32, #tpu.memory_space<vmem_shared>>) dst(%arg7 : memref<16x2048xi32, #tpu.memory_space<vmem>>)
        tpu.yield
      }) : () -> ()
      %scan3A_167 = arith.constant 0 : i32
      %scan3A_168 = arith.constant 0 : i32
      %scan3A_169 = arith.constant 128 : i32
      %scan3A_170 = arith.addi %scan3A_168, %scan3A_169 : i32
      %scan3A_171 = arith.constant 1 : i32
      %scan3A_172 = scf.for %scan3A_207 = %scan3A_168 to %scan3A_170 step %scan3A_171 iter_args(%scan3A_208 = %scan3A_167) -> (i32)  : i32 {
        %mul3A_209 = arith.constant 16 : i32
        %mul3A_210 = arith.muli %scan3A_207, %mul3A_209 : i32
        %get3A = arith.constant 0 : i32
        %get3A_211 = arith.index_cast %get3A : i32 to index
        %get3A_212 = arith.index_cast %mul3A_210 : i32 to index
        %get3A_213 = tpu.vector_load %arg7[%get3A_211, %get3A_212] {strides = array<i32>} : memref<16x2048xi32, #tpu.memory_space<vmem>>, vector<16xi32>,
        %add3A = arith.addi %broadcast_in_dim3A_3, %get3A_213 : vector<16xi32>
        %gt3A = arith.constant 0 : i32
        %gt3A_214 = arith.cmpi sgt, %arg1, %gt3A : i32
        %jit3A = arith.constant 0 : i32
        %broadcast_in_dim3A_215 = vector.broadcast %jit3A : i32 to vector<16xi32>
        %select_n3A = arith.select %gt3A_214, %get3A_213, %broadcast_in_dim3A_215 : vector<16xi32>
        %add3A_216 = arith.addi %broadcast_in_dim3A_3, %select_n3A : vector<16xi32>
        %get3A_217 = arith.constant 1 : i32
        %get3A_218 = arith.index_cast %get3A_217 : i32 to index
        %get3A_219 = arith.index_cast %mul3A_210 : i32 to index
        %get3A_220 = tpu.vector_load %arg7[%get3A_218, %get3A_219] {strides = array<i32>} : memref<16x2048xi32, #tpu.memory_space<vmem>>, vector<16xi32>,
        %add3A_221 = arith.addi %add3A, %get3A_220 : vector<16xi32>
        %gt3A_222 = arith.constant 1 : i32
        %gt3A_223 = arith.cmpi sgt, %arg1, %gt3A_222 : i32
        %jit3A_224 = arith.constant 0 : i32
        %broadcast_in_dim3A_225 = vector.broadcast %jit3A_224 : i32 to vector<16xi32>
        %select_n3A_226 = arith.select %gt3A_223, %get3A_220, %broadcast_in_dim3A_225 : vector<16xi32>
        %add3A_227 = arith.addi %add3A_216, %select_n3A_226 : vector<16xi32>
        %get3A_228 = arith.constant 2 : i32
        %get3A_229 = arith.index_cast %get3A_228 : i32 to index
        %get3A_230 = arith.index_cast %mul3A_210 : i32 to index
        %get3A_231 = tpu.vector_load %arg7[%get3A_229, %get3A_230] {strides = array<i32>} : memref<16x2048xi32, #tpu.memory_space<vmem>>, vector<16xi32>,
        %add3A_232 = arith.addi %add3A_221, %get3A_231 : vector<16xi32>
        %gt3A_233 = arith.constant 2 : i32
        %gt3A_234 = arith.cmpi sgt, %arg1, %gt3A_233 : i32
        %jit3A_235 = arith.constant 0 : i32
        %broadcast_in_dim3A_236 = vector.broadcast %jit3A_235 : i32 to vector<16xi32>
        %select_n3A_237 = arith.select %gt3A_234, %get3A_231, %broadcast_in_dim3A_236 : vector<16xi32>
        %add3A_238 = arith.addi %add3A_227, %select_n3A_237 : vector<16xi32>
        %get3A_239 = arith.constant 3 : i32
        %get3A_240 = arith.index_cast %get3A_239 : i32 to index
        %get3A_241 = arith.index_cast %mul3A_210 : i32 to index
        %get3A_242 = tpu.vector_load %arg7[%get3A_240, %get3A_241] {strides = array<i32>} : memref<16x2048xi32, #tpu.memory_space<vmem>>, vector<16xi32>,
        %add3A_243 = arith.addi %add3A_232, %get3A_242 : vector<16xi32>
        %gt3A_244 = arith.constant 3 : i32
        %gt3A_245 = arith.cmpi sgt, %arg1, %gt3A_244 : i32
        %jit3A_246 = arith.constant 0 : i32
        %broadcast_in_dim3A_247 = vector.broadcast %jit3A_246 : i32 to vector<16xi32>
        %select_n3A_248 = arith.select %gt3A_245, %get3A_242, %broadcast_in_dim3A_247 : vector<16xi32>
        %add3A_249 = arith.addi %add3A_238, %select_n3A_248 : vector<16xi32>
        %get3A_250 = arith.constant 4 : i32
        %get3A_251 = arith.index_cast %get3A_250 : i32 to index
        %get3A_252 = arith.index_cast %mul3A_210 : i32 to index
        %get3A_253 = tpu.vector_load %arg7[%get3A_251, %get3A_252] {strides = array<i32>} : memref<16x2048xi32, #tpu.memory_space<vmem>>, vector<16xi32>,
        %add3A_254 = arith.addi %add3A_243, %get3A_253 : vector<16xi32>
        %gt3A_255 = arith.constant 4 : i32
        %gt3A_256 = arith.cmpi sgt, %arg1, %gt3A_255 : i32
        %jit3A_257 = arith.constant 0 : i32
        %broadcast_in_dim3A_258 = vector.broadcast %jit3A_257 : i32 to vector<16xi32>
        %select_n3A_259 = arith.select %gt3A_256, %get3A_253, %broadcast_in_dim3A_258 : vector<16xi32>
        %add3A_260 = arith.addi %add3A_249, %select_n3A_259 : vector<16xi32>
        %get3A_261 = arith.constant 5 : i32
        %get3A_262 = arith.index_cast %get3A_261 : i32 to index
        %get3A_263 = arith.index_cast %mul3A_210 : i32 to index
        %get3A_264 = tpu.vector_load %arg7[%get3A_262, %get3A_263] {strides = array<i32>} : memref<16x2048xi32, #tpu.memory_space<vmem>>, vector<16xi32>,
        %add3A_265 = arith.addi %add3A_254, %get3A_264 : vector<16xi32>
        %gt3A_266 = arith.constant 5 : i32
        %gt3A_267 = arith.cmpi sgt, %arg1, %gt3A_266 : i32
        %jit3A_268 = arith.constant 0 : i32
        %broadcast_in_dim3A_269 = vector.broadcast %jit3A_268 : i32 to vector<16xi32>
        %select_n3A_270 = arith.select %gt3A_267, %get3A_264, %broadcast_in_dim3A_269 : vector<16xi32>
        %add3A_271 = arith.addi %add3A_260, %select_n3A_270 : vector<16xi32>
        %get3A_272 = arith.constant 6 : i32
        %get3A_273 = arith.index_cast %get3A_272 : i32 to index
        %get3A_274 = arith.index_cast %mul3A_210 : i32 to index
        %get3A_275 = tpu.vector_load %arg7[%get3A_273, %get3A_274] {strides = array<i32>} : memref<16x2048xi32, #tpu.memory_space<vmem>>, vector<16xi32>,
        %add3A_276 = arith.addi %add3A_265, %get3A_275 : vector<16xi32>
        %gt3A_277 = arith.constant 6 : i32
        %gt3A_278 = arith.cmpi sgt, %arg1, %gt3A_277 : i32
        %jit3A_279 = arith.constant 0 : i32
        %broadcast_in_dim3A_280 = vector.broadcast %jit3A_279 : i32 to vector<16xi32>
        %select_n3A_281 = arith.select %gt3A_278, %get3A_275, %broadcast_in_dim3A_280 : vector<16xi32>
        %add3A_282 = arith.addi %add3A_271, %select_n3A_281 : vector<16xi32>
        %get3A_283 = arith.constant 7 : i32
        %get3A_284 = arith.index_cast %get3A_283 : i32 to index
        %get3A_285 = arith.index_cast %mul3A_210 : i32 to index
        %get3A_286 = tpu.vector_load %arg7[%get3A_284, %get3A_285] {strides = array<i32>} : memref<16x2048xi32, #tpu.memory_space<vmem>>, vector<16xi32>,
        %add3A_287 = arith.addi %add3A_276, %get3A_286 : vector<16xi32>
        %gt3A_288 = arith.constant 7 : i32
        %gt3A_289 = arith.cmpi sgt, %arg1, %gt3A_288 : i32
        %jit3A_290 = arith.constant 0 : i32
        %broadcast_in_dim3A_291 = vector.broadcast %jit3A_290 : i32 to vector<16xi32>
        %select_n3A_292 = arith.select %gt3A_289, %get3A_286, %broadcast_in_dim3A_291 : vector<16xi32>
        %add3A_293 = arith.addi %add3A_282, %select_n3A_292 : vector<16xi32>
        %get3A_294 = arith.constant 8 : i32
        %get3A_295 = arith.index_cast %get3A_294 : i32 to index
        %get3A_296 = arith.index_cast %mul3A_210 : i32 to index
        %get3A_297 = tpu.vector_load %arg7[%get3A_295, %get3A_296] {strides = array<i32>} : memref<16x2048xi32, #tpu.memory_space<vmem>>, vector<16xi32>,
        %add3A_298 = arith.addi %add3A_287, %get3A_297 : vector<16xi32>
        %gt3A_299 = arith.constant 8 : i32
        %gt3A_300 = arith.cmpi sgt, %arg1, %gt3A_299 : i32
        %jit3A_301 = arith.constant 0 : i32
        %broadcast_in_dim3A_302 = vector.broadcast %jit3A_301 : i32 to vector<16xi32>
        %select_n3A_303 = arith.select %gt3A_300, %get3A_297, %broadcast_in_dim3A_302 : vector<16xi32>
        %add3A_304 = arith.addi %add3A_293, %select_n3A_303 : vector<16xi32>
        %get3A_305 = arith.constant 9 : i32
        %get3A_306 = arith.index_cast %get3A_305 : i32 to index
        %get3A_307 = arith.index_cast %mul3A_210 : i32 to index
        %get3A_308 = tpu.vector_load %arg7[%get3A_306, %get3A_307] {strides = array<i32>} : memref<16x2048xi32, #tpu.memory_space<vmem>>, vector<16xi32>,
        %add3A_309 = arith.addi %add3A_298, %get3A_308 : vector<16xi32>
        %gt3A_310 = arith.constant 9 : i32
        %gt3A_311 = arith.cmpi sgt, %arg1, %gt3A_310 : i32
        %jit3A_312 = arith.constant 0 : i32
        %broadcast_in_dim3A_313 = vector.broadcast %jit3A_312 : i32 to vector<16xi32>
        %select_n3A_314 = arith.select %gt3A_311, %get3A_308, %broadcast_in_dim3A_313 : vector<16xi32>
        %add3A_315 = arith.addi %add3A_304, %select_n3A_314 : vector<16xi32>
        %get3A_316 = arith.constant 10 : i32
        %get3A_317 = arith.index_cast %get3A_316 : i32 to index
        %get3A_318 = arith.index_cast %mul3A_210 : i32 to index
        %get3A_319 = tpu.vector_load %arg7[%get3A_317, %get3A_318] {strides = array<i32>} : memref<16x2048xi32, #tpu.memory_space<vmem>>, vector<16xi32>,
        %add3A_320 = arith.addi %add3A_309, %get3A_319 : vector<16xi32>
        %gt3A_321 = arith.constant 10 : i32
        %gt3A_322 = arith.cmpi sgt, %arg1, %gt3A_321 : i32
        %jit3A_323 = arith.constant 0 : i32
        %broadcast_in_dim3A_324 = vector.broadcast %jit3A_323 : i32 to vector<16xi32>
        %select_n3A_325 = arith.select %gt3A_322, %get3A_319, %broadcast_in_dim3A_324 : vector<16xi32>
        %add3A_326 = arith.addi %add3A_315, %select_n3A_325 : vector<16xi32>
        %get3A_327 = arith.constant 11 : i32
        %get3A_328 = arith.index_cast %get3A_327 : i32 to index
        %get3A_329 = arith.index_cast %mul3A_210 : i32 to index
        %get3A_330 = tpu.vector_load %arg7[%get3A_328, %get3A_329] {strides = array<i32>} : memref<16x2048xi32, #tpu.memory_space<vmem>>, vector<16xi32>,
        %add3A_331 = arith.addi %add3A_320, %get3A_330 : vector<16xi32>
        %gt3A_332 = arith.constant 11 : i32
        %gt3A_333 = arith.cmpi sgt, %arg1, %gt3A_332 : i32
        %jit3A_334 = arith.constant 0 : i32
        %broadcast_in_dim3A_335 = vector.broadcast %jit3A_334 : i32 to vector<16xi32>
        %select_n3A_336 = arith.select %gt3A_333, %get3A_330, %broadcast_in_dim3A_335 : vector<16xi32>
        %add3A_337 = arith.addi %add3A_326, %select_n3A_336 : vector<16xi32>
        %get3A_338 = arith.constant 12 : i32
        %get3A_339 = arith.index_cast %get3A_338 : i32 to index
        %get3A_340 = arith.index_cast %mul3A_210 : i32 to index
        %get3A_341 = tpu.vector_load %arg7[%get3A_339, %get3A_340] {strides = array<i32>} : memref<16x2048xi32, #tpu.memory_space<vmem>>, vector<16xi32>,
        %add3A_342 = arith.addi %add3A_331, %get3A_341 : vector<16xi32>
        %gt3A_343 = arith.constant 12 : i32
        %gt3A_344 = arith.cmpi sgt, %arg1, %gt3A_343 : i32
        %jit3A_345 = arith.constant 0 : i32
        %broadcast_in_dim3A_346 = vector.broadcast %jit3A_345 : i32 to vector<16xi32>
        %select_n3A_347 = arith.select %gt3A_344, %get3A_341, %broadcast_in_dim3A_346 : vector<16xi32>
        %add3A_348 = arith.addi %add3A_337, %select_n3A_347 : vector<16xi32>
        %get3A_349 = arith.constant 13 : i32
        %get3A_350 = arith.index_cast %get3A_349 : i32 to index
        %get3A_351 = arith.index_cast %mul3A_210 : i32 to index
        %get3A_352 = tpu.vector_load %arg7[%get3A_350, %get3A_351] {strides = array<i32>} : memref<16x2048xi32, #tpu.memory_space<vmem>>, vector<16xi32>,
        %add3A_353 = arith.addi %add3A_342, %get3A_352 : vector<16xi32>
        %gt3A_354 = arith.constant 13 : i32
        %gt3A_355 = arith.cmpi sgt, %arg1, %gt3A_354 : i32
        %jit3A_356 = arith.constant 0 : i32
        %broadcast_in_dim3A_357 = vector.broadcast %jit3A_356 : i32 to vector<16xi32>
        %select_n3A_358 = arith.select %gt3A_355, %get3A_352, %broadcast_in_dim3A_357 : vector<16xi32>
        %add3A_359 = arith.addi %add3A_348, %select_n3A_358 : vector<16xi32>
        %get3A_360 = arith.constant 14 : i32
        %get3A_361 = arith.index_cast %get3A_360 : i32 to index
        %get3A_362 = arith.index_cast %mul3A_210 : i32 to index
        %get3A_363 = tpu.vector_load %arg7[%get3A_361, %get3A_362] {strides = array<i32>} : memref<16x2048xi32, #tpu.memory_space<vmem>>, vector<16xi32>,
        %add3A_364 = arith.addi %add3A_353, %get3A_363 : vector<16xi32>
        %gt3A_365 = arith.constant 14 : i32
        %gt3A_366 = arith.cmpi sgt, %arg1, %gt3A_365 : i32
        %jit3A_367 = arith.constant 0 : i32
        %broadcast_in_dim3A_368 = vector.broadcast %jit3A_367 : i32 to vector<16xi32>
        %select_n3A_369 = arith.select %gt3A_366, %get3A_363, %broadcast_in_dim3A_368 : vector<16xi32>
        %add3A_370 = arith.addi %add3A_359, %select_n3A_369 : vector<16xi32>
        %get3A_371 = arith.constant 15 : i32
        %get3A_372 = arith.index_cast %get3A_371 : i32 to index
        %get3A_373 = arith.index_cast %mul3A_210 : i32 to index
        %get3A_374 = tpu.vector_load %arg7[%get3A_372, %get3A_373] {strides = array<i32>} : memref<16x2048xi32, #tpu.memory_space<vmem>>, vector<16xi32>,
        %add3A_375 = arith.addi %add3A_364, %get3A_374 : vector<16xi32>
        %gt3A_376 = arith.constant 15 : i32
        %gt3A_377 = arith.cmpi sgt, %arg1, %gt3A_376 : i32
        %jit3A_378 = arith.constant 0 : i32
        %broadcast_in_dim3A_379 = vector.broadcast %jit3A_378 : i32 to vector<16xi32>
        %select_n3A_380 = arith.select %gt3A_377, %get3A_374, %broadcast_in_dim3A_379 : vector<16xi32>
        %add3A_381 = arith.addi %add3A_370, %select_n3A_380 : vector<16xi32>
        %broadcast_in_dim3A_382 = arith.constant true
        %broadcast_in_dim3A_383 = vector.broadcast %broadcast_in_dim3A_382 : i1 to vector<16xi1>
        %masked_cumsum3A = tpu.scan <sum>, %add3A_375 masked %broadcast_in_dim3A_383 : vector<16xi32>, vector<16xi1> -> vector<16xi32>
        %sub3A = arith.subi %masked_cumsum3A, %add3A_375 : vector<16xi32>
        %add3A_384 = arith.addi %sub3A, %add3A_381 : vector<16xi32>
        %add3A_385 = vector.broadcast %scan3A_208 : i32 to vector<16xi32>
        %add3A_386 = arith.addi %add3A_384, %add3A_385 : vector<16xi32>
        %swap3A = arith.index_cast %mul3A_210 : i32 to index
        %swap3A_387 = tpu.vector_load %arg6[%swap3A] {strides = array<i32>} : memref<2048xi32, #tpu.memory_space<vmem>>, vector<16xi32>,
        tpu.vector_store %arg6[%swap3A], %add3A_386 {strides = array<i32>} : memref<2048xi32, #tpu.memory_space<vmem>>, vector<16xi32>,
        %reduce_sum3A = arith.constant true
        %reduce_sum3A_388 = vector.broadcast %reduce_sum3A : i1 to vector<16xi1>
        %reduce_sum3A_389 = tpu.scan <sum>, %add3A_375 masked %reduce_sum3A_388 : vector<16xi32>, vector<16xi1> -> vector<16xi32>
        %reduce_sum3A_390 = vector.extract %reduce_sum3A_389[15] : i32 from vector<16xi32>
        %add3A_391 = arith.addi %scan3A_208, %reduce_sum3A_390 : i32
        scf.yield %add3A_391 : i32
      }
      %scan3A_173 = arith.constant 128 : i32
      %scan3A_174 = arith.constant 0 : i32
      %scan3A_175 = arith.constant 0 : i32
      %scan3A_176 = arith.constant 8 : i32
      %scan3A_177 = arith.addi %scan3A_175, %scan3A_176 : i32
      %scan3A_178 = arith.constant 1 : i32
      scf.for %scan3A_207 = %scan3A_175 to %scan3A_177 step %scan3A_178  : i32 {
        %gt3A = arith.constant 0 : i32
        %gt3A_208 = arith.cmpi sgt, %scan3A_207, %gt3A : i32
        %convert_element_type3A_209 = arith.extui %gt3A_208 : i1 to i32
        %cond3A_210 = arith.constant 0 : i32
        %cond3A_211 = arith.cmpi ne, %convert_element_type3A_209, %cond3A_210 : i32
        scf.if %cond3A_211 {
          %dma_wait3A_478 = arith.constant 0 : i32
          %dma_wait3A_479 = arith.constant 0 : i32
          %dma_wait3A_480 = tpu.memref_slice %arg10[%dma_wait3A_478, %dma_wait3A_479] : memref<2x64xi32, #tpu.memory_space<vmem>> -> memref<1x64xi32, #tpu.memory_space<vmem>>
          %dma_wait3A_481 = tpu.memref_squeeze %dma_wait3A_480 : memref<1x64xi32, #tpu.memory_space<vmem>> -> memref<64xi32, #tpu.memory_space<vmem>>
          %dma_wait3A_482 = arith.constant 0 : i32
          %dma_wait3A_483 = tpu.memref_slice %arg2[%dma_wait3A_482] : memref<16384xi32, #tpu.memory_space<hbm>> -> memref<64xi32, #tpu.memory_space<hbm>>
          %dma_wait3A_484 = arith.constant 0 : i32
          %dma_wait3A_485 = tpu.memref_slice %arg10[%dma_wait3A_478, %dma_wait3A_484] : memref<2x64xi32, #tpu.memory_space<vmem>> -> memref<1x64xi32, #tpu.memory_space<vmem>>
          %dma_wait3A_486 = tpu.memref_squeeze %dma_wait3A_485 : memref<1x64xi32, #tpu.memory_space<vmem>> -> memref<64xi32, #tpu.memory_space<vmem>>
          %dma_wait3A_487 = arith.constant 0 : i32
          %dma_wait3A_488 = tpu.memref_slice %arg2[%dma_wait3A_487] : memref<16384xi32, #tpu.memory_space<hbm>> -> memref<64xi32, #tpu.memory_space<hbm>>
          tpu.wait_dma2 semaphore(%arg17 : memref<!tpu.dma_semaphore, #tpu.memory_space<semaphore_mem>>) src(%dma_wait3A_488 : memref<64xi32, #tpu.memory_space<hbm>>) dst(%dma_wait3A_486 : memref<64xi32, #tpu.memory_space<vmem>>)
        } else {
        }
        %mul3A_212 = arith.constant 2 : i32
        %mul3A_213 = arith.muli %scan3A_207, %mul3A_212 : i32
        %add3A = arith.constant 0 : i32
        %add3A_214 = arith.addi %mul3A_213, %add3A : i32
        %mul3A_215 = arith.constant 64 : i32
        %mul3A_216 = arith.muli %add3A_214, %mul3A_215 : i32
        %add3A_217 = arith.constant 0 : i32
        %add3A_218 = arith.addi %mul3A_216, %add3A_217 : i32
        %get3A = arith.index_cast %add3A_218 : i32 to index
        %get3A_219 = tpu.vector_load %arg4[%get3A] {strides = array<i32>} : memref<1024xi32, #tpu.memory_space<vmem>>, vector<16xi32>,
        %get3A_220 = arith.index_cast %add3A_218 : i32 to index
        %get3A_221 = tpu.vector_load %arg5[%get3A_220] {strides = array<i32>} : memref<1024xi32, #tpu.memory_space<vmem>>, vector<16xi32>,
        %shift_right_arithmetic3A = arith.constant 22 : i32
        %shift_right_arithmetic3A_222 = vector.broadcast %shift_right_arithmetic3A : i32 to vector<16xi32>
        %shift_right_arithmetic3A_223 = arith.shrsi %get3A_219, %shift_right_arithmetic3A_222 : vector<16xi32>
        %broadcast_in_dim3A_224 = arith.constant true
        %broadcast_in_dim3A_225 = vector.broadcast %broadcast_in_dim3A_224 : i1 to vector<16xi1>
        %unique3A_226, %unique3A_227 = tpu.scan_count mask(%broadcast_in_dim3A_225 : vector<16xi1>) value(%shift_right_arithmetic3A_223 : vector<16xi32>) : vector<16xi1>, vector<16xi32>
        %gather3A = tpu.vector_load_idx %arg6[%shift_right_arithmetic3A_223] : memref<2048xi32, #tpu.memory_space<vmem>>[vector<16xi32>], vector<16xi32>,
        %sub3A = vector.broadcast %squeeze3A : i32 to vector<16xi32>
        %sub3A_228 = arith.subi %unique3A_227, %sub3A : vector<16xi32>
        %add3A_229 = arith.addi %gather3A, %sub3A_228 : vector<16xi32>
        %add3A_230 = arith.constant 1 : i32
        %add3A_231 = vector.broadcast %add3A_230 : i32 to vector<16xi32>
        %add3A_232 = arith.addi %add3A_229, %add3A_231 : vector<16xi32>
        tpu.vector_store_idx %arg6[%shift_right_arithmetic3A_223], %add3A_232 masked %unique3A_226 : memref<2048xi32, #tpu.memory_space<vmem>>[vector<16xi32>], vector<16xi32>, vector<16xi1>
        %swap3A = arith.constant 0 : i32
        %swap3A_233 = arith.index_cast %swap3A : i32 to index
        %swap3A_234 = arith.constant 0 : index
        %swap3A_235 = tpu.vector_load %arg8[%swap3A_233, %swap3A_234] {strides = array<i32>} : memref<2x64xi32, #tpu.memory_space<vmem>>, vector<16xi32>,
        tpu.vector_store %arg8[%swap3A_233, %swap3A_234], %add3A_229 {strides = array<i32>} : memref<2x64xi32, #tpu.memory_space<vmem>>, vector<16xi32>,
        %swap3A_236 = arith.constant 0 : i32
        %swap3A_237 = arith.index_cast %swap3A_236 : i32 to index
        %swap3A_238 = arith.constant 0 : index
        %swap3A_239 = tpu.vector_load %arg10[%swap3A_237, %swap3A_238] {strides = array<i32>} : memref<2x64xi32, #tpu.memory_space<vmem>>, vector<16xi32>,
        tpu.vector_store %arg10[%swap3A_237, %swap3A_238], %get3A_221 {strides = array<i32>} : memref<2x64xi32, #tpu.memory_space<vmem>>, vector<16xi32>,
        %mul3A_240 = arith.constant 64 : i32
        %mul3A_241 = arith.muli %add3A_214, %mul3A_240 : i32
        %add3A_242 = arith.constant 16 : i32
        %add3A_243 = arith.addi %mul3A_241, %add3A_242 : i32
        %get3A_244 = arith.index_cast %add3A_243 : i32 to index
        %get3A_245 = tpu.vector_load %arg4[%get3A_244] {strides = array<i32>} : memref<1024xi32, #tpu.memory_space<vmem>>, vector<16xi32>,
        %get3A_246 = arith.index_cast %add3A_243 : i32 to index
        %get3A_247 = tpu.vector_load %arg5[%get3A_246] {strides = array<i32>} : memref<1024xi32, #tpu.memory_space<vmem>>, vector<16xi32>,
        %shift_right_arithmetic3A_248 = arith.constant 22 : i32
        %shift_right_arithmetic3A_249 = vector.broadcast %shift_right_arithmetic3A_248 : i32 to vector<16xi32>
        %shift_right_arithmetic3A_250 = arith.shrsi %get3A_245, %shift_right_arithmetic3A_249 : vector<16xi32>
        %broadcast_in_dim3A_251 = arith.constant true
        %broadcast_in_dim3A_252 = vector.broadcast %broadcast_in_dim3A_251 : i1 to vector<16xi1>
        %unique3A_253, %unique3A_254 = tpu.scan_count mask(%broadcast_in_dim3A_252 : vector<16xi1>) value(%shift_right_arithmetic3A_250 : vector<16xi32>) : vector<16xi1>, vector<16xi32>
        %gather3A_255 = tpu.vector_load_idx %arg6[%shift_right_arithmetic3A_250] : memref<2048xi32, #tpu.memory_space<vmem>>[vector<16xi32>], vector<16xi32>,
        %sub3A_256 = vector.broadcast %squeeze3A : i32 to vector<16xi32>
        %sub3A_257 = arith.subi %unique3A_254, %sub3A_256 : vector<16xi32>
        %add3A_258 = arith.addi %gather3A_255, %sub3A_257 : vector<16xi32>
        %add3A_259 = arith.constant 1 : i32
        %add3A_260 = vector.broadcast %add3A_259 : i32 to vector<16xi32>
        %add3A_261 = arith.addi %add3A_258, %add3A_260 : vector<16xi32>
        tpu.vector_store_idx %arg6[%shift_right_arithmetic3A_250], %add3A_261 masked %unique3A_253 : memref<2048xi32, #tpu.memory_space<vmem>>[vector<16xi32>], vector<16xi32>, vector<16xi1>
        %swap3A_262 = arith.constant 0 : i32
        %swap3A_263 = arith.index_cast %swap3A_262 : i32 to index
        %swap3A_264 = arith.constant 16 : index
        %swap3A_265 = tpu.vector_load %arg8[%swap3A_263, %swap3A_264] {strides = array<i32>} : memref<2x64xi32, #tpu.memory_space<vmem>>, vector<16xi32>,
        tpu.vector_store %arg8[%swap3A_263, %swap3A_264], %add3A_258 {strides = array<i32>} : memref<2x64xi32, #tpu.memory_space<vmem>>, vector<16xi32>,
        %swap3A_266 = arith.constant 0 : i32
        %swap3A_267 = arith.index_cast %swap3A_266 : i32 to index
        %swap3A_268 = arith.constant 16 : index
        %swap3A_269 = tpu.vector_load %arg10[%swap3A_267, %swap3A_268] {strides = array<i32>} : memref<2x64xi32, #tpu.memory_space<vmem>>, vector<16xi32>,
        tpu.vector_store %arg10[%swap3A_267, %swap3A_268], %get3A_247 {strides = array<i32>} : memref<2x64xi32, #tpu.memory_space<vmem>>, vector<16xi32>,
        %mul3A_270 = arith.constant 64 : i32
        %mul3A_271 = arith.muli %add3A_214, %mul3A_270 : i32
        %add3A_272 = arith.constant 32 : i32
        %add3A_273 = arith.addi %mul3A_271, %add3A_272 : i32
        %get3A_274 = arith.index_cast %add3A_273 : i32 to index
        %get3A_275 = tpu.vector_load %arg4[%get3A_274] {strides = array<i32>} : memref<1024xi32, #tpu.memory_space<vmem>>, vector<16xi32>,
        %get3A_276 = arith.index_cast %add3A_273 : i32 to index
        %get3A_277 = tpu.vector_load %arg5[%get3A_276] {strides = array<i32>} : memref<1024xi32, #tpu.memory_space<vmem>>, vector<16xi32>,
        %shift_right_arithmetic3A_278 = arith.constant 22 : i32
        %shift_right_arithmetic3A_279 = vector.broadcast %shift_right_arithmetic3A_278 : i32 to vector<16xi32>
        %shift_right_arithmetic3A_280 = arith.shrsi %get3A_275, %shift_right_arithmetic3A_279 : vector<16xi32>
        %broadcast_in_dim3A_281 = arith.constant true
        %broadcast_in_dim3A_282 = vector.broadcast %broadcast_in_dim3A_281 : i1 to vector<16xi1>
        %unique3A_283, %unique3A_284 = tpu.scan_count mask(%broadcast_in_dim3A_282 : vector<16xi1>) value(%shift_right_arithmetic3A_280 : vector<16xi32>) : vector<16xi1>, vector<16xi32>
        %gather3A_285 = tpu.vector_load_idx %arg6[%shift_right_arithmetic3A_280] : memref<2048xi32, #tpu.memory_space<vmem>>[vector<16xi32>], vector<16xi32>,
        %sub3A_286 = vector.broadcast %squeeze3A : i32 to vector<16xi32>
        %sub3A_287 = arith.subi %unique3A_284, %sub3A_286 : vector<16xi32>
        %add3A_288 = arith.addi %gather3A_285, %sub3A_287 : vector<16xi32>
        %add3A_289 = arith.constant 1 : i32
        %add3A_290 = vector.broadcast %add3A_289 : i32 to vector<16xi32>
        %add3A_291 = arith.addi %add3A_288, %add3A_290 : vector<16xi32>
        tpu.vector_store_idx %arg6[%shift_right_arithmetic3A_280], %add3A_291 masked %unique3A_283 : memref<2048xi32, #tpu.memory_space<vmem>>[vector<16xi32>], vector<16xi32>, vector<16xi1>
        %swap3A_292 = arith.constant 0 : i32
        %swap3A_293 = arith.index_cast %swap3A_292 : i32 to index
        %swap3A_294 = arith.constant 32 : index
        %swap3A_295 = tpu.vector_load %arg8[%swap3A_293, %swap3A_294] {strides = array<i32>} : memref<2x64xi32, #tpu.memory_space<vmem>>, vector<16xi32>,
        tpu.vector_store %arg8[%swap3A_293, %swap3A_294], %add3A_288 {strides = array<i32>} : memref<2x64xi32, #tpu.memory_space<vmem>>, vector<16xi32>,
        %swap3A_296 = arith.constant 0 : i32
        %swap3A_297 = arith.index_cast %swap3A_296 : i32 to index
        %swap3A_298 = arith.constant 32 : index
        %swap3A_299 = tpu.vector_load %arg10[%swap3A_297, %swap3A_298] {strides = array<i32>} : memref<2x64xi32, #tpu.memory_space<vmem>>, vector<16xi32>,
        tpu.vector_store %arg10[%swap3A_297, %swap3A_298], %get3A_277 {strides = array<i32>} : memref<2x64xi32, #tpu.memory_space<vmem>>, vector<16xi32>,
        %mul3A_300 = arith.constant 64 : i32
        %mul3A_301 = arith.muli %add3A_214, %mul3A_300 : i32
        %add3A_302 = arith.constant 48 : i32
        %add3A_303 = arith.addi %mul3A_301, %add3A_302 : i32
        %get3A_304 = arith.index_cast %add3A_303 : i32 to index
        %get3A_305 = tpu.vector_load %arg4[%get3A_304] {strides = array<i32>} : memref<1024xi32, #tpu.memory_space<vmem>>, vector<16xi32>,
        %get3A_306 = arith.index_cast %add3A_303 : i32 to index
        %get3A_307 = tpu.vector_load %arg5[%get3A_306] {strides = array<i32>} : memref<1024xi32, #tpu.memory_space<vmem>>, vector<16xi32>,
        %shift_right_arithmetic3A_308 = arith.constant 22 : i32
        %shift_right_arithmetic3A_309 = vector.broadcast %shift_right_arithmetic3A_308 : i32 to vector<16xi32>
        %shift_right_arithmetic3A_310 = arith.shrsi %get3A_305, %shift_right_arithmetic3A_309 : vector<16xi32>
        %broadcast_in_dim3A_311 = arith.constant true
        %broadcast_in_dim3A_312 = vector.broadcast %broadcast_in_dim3A_311 : i1 to vector<16xi1>
        %unique3A_313, %unique3A_314 = tpu.scan_count mask(%broadcast_in_dim3A_312 : vector<16xi1>) value(%shift_right_arithmetic3A_310 : vector<16xi32>) : vector<16xi1>, vector<16xi32>
        %gather3A_315 = tpu.vector_load_idx %arg6[%shift_right_arithmetic3A_310] : memref<2048xi32, #tpu.memory_space<vmem>>[vector<16xi32>], vector<16xi32>,
        %sub3A_316 = vector.broadcast %squeeze3A : i32 to vector<16xi32>
        %sub3A_317 = arith.subi %unique3A_314, %sub3A_316 : vector<16xi32>
        %add3A_318 = arith.addi %gather3A_315, %sub3A_317 : vector<16xi32>
        %add3A_319 = arith.constant 1 : i32
        %add3A_320 = vector.broadcast %add3A_319 : i32 to vector<16xi32>
        %add3A_321 = arith.addi %add3A_318, %add3A_320 : vector<16xi32>
        tpu.vector_store_idx %arg6[%shift_right_arithmetic3A_310], %add3A_321 masked %unique3A_313 : memref<2048xi32, #tpu.memory_space<vmem>>[vector<16xi32>], vector<16xi32>, vector<16xi1>
        %swap3A_322 = arith.constant 0 : i32
        %swap3A_323 = arith.index_cast %swap3A_322 : i32 to index
        %swap3A_324 = arith.constant 48 : index
        %swap3A_325 = tpu.vector_load %arg8[%swap3A_323, %swap3A_324] {strides = array<i32>} : memref<2x64xi32, #tpu.memory_space<vmem>>, vector<16xi32>,
        tpu.vector_store %arg8[%swap3A_323, %swap3A_324], %add3A_318 {strides = array<i32>} : memref<2x64xi32, #tpu.memory_space<vmem>>, vector<16xi32>,
        %swap3A_326 = arith.constant 0 : i32
        %swap3A_327 = arith.index_cast %swap3A_326 : i32 to index
        %swap3A_328 = arith.constant 48 : index
        %swap3A_329 = tpu.vector_load %arg10[%swap3A_327, %swap3A_328] {strides = array<i32>} : memref<2x64xi32, #tpu.memory_space<vmem>>, vector<16xi32>,
        tpu.vector_store %arg10[%swap3A_327, %swap3A_328], %get3A_307 {strides = array<i32>} : memref<2x64xi32, #tpu.memory_space<vmem>>, vector<16xi32>,
        %dma_start3A = arith.constant 0 : i32
        %dma_start3A_330 = arith.constant 0 : i32
        %dma_start3A_331 = arith.constant 0 : i32
        %dma_start3A_332 = tpu.memref_slice %arg10[%dma_start3A, %dma_start3A_331] : memref<2x64xi32, #tpu.memory_space<vmem>> -> memref<1x64xi32, #tpu.memory_space<vmem>>
        %dma_start3A_333 = tpu.memref_squeeze %dma_start3A_332 : memref<1x64xi32, #tpu.memory_space<vmem>> -> memref<64xi32, #tpu.memory_space<vmem>>
        %dma_start3A_334 = arith.constant 0 : i32
        %dma_start3A_335 = tpu.memref_slice %arg8[%dma_start3A_330, %dma_start3A_334] : memref<2x64xi32, #tpu.memory_space<vmem>> -> memref<1x64xi32, #tpu.memory_space<vmem>>
        %dma_start3A_336 = tpu.memref_squeeze %dma_start3A_335 : memref<1x64xi32, #tpu.memory_space<vmem>> -> memref<64xi32, #tpu.memory_space<vmem>>
        %dma_start3A_337 = arith.constant 0 : i32
        %dma_start3A_338 = tpu.memref_slice %arg14[%dma_start3A_337] : memref<16384xi32, #tpu.memory_space<vmem_shared>> -> memref<16384xi32, #tpu.memory_space<vmem_shared>>
        tpu.enqueue_indirect_dma source(%dma_start3A_333 : memref<64xi32, #tpu.memory_space<vmem>>) target(%dma_start3A_338 : memref<16384xi32, #tpu.memory_space<vmem_shared>>) offsets(%dma_start3A_336 : memref<64xi32, #tpu.memory_space<vmem>>) semaphore(%arg17 : memref<!tpu.dma_semaphore, #tpu.memory_space<semaphore_mem>>)
        %gt3A_339 = arith.constant 0 : i32
        %gt3A_340 = arith.cmpi sgt, %scan3A_207, %gt3A_339 : i32
        %convert_element_type3A_341 = arith.extui %gt3A_340 : i1 to i32
        %cond3A_342 = arith.constant 0 : i32
        %cond3A_343 = arith.cmpi ne, %convert_element_type3A_341, %cond3A_342 : i32
        scf.if %cond3A_343 {
          %dma_wait3A_478 = arith.constant 0 : i32
          %dma_wait3A_479 = arith.constant 0 : i32
          %dma_wait3A_480 = tpu.memref_slice %arg10[%dma_wait3A_478, %dma_wait3A_479] : memref<2x64xi32, #tpu.memory_space<vmem>> -> memref<1x64xi32, #tpu.memory_space<vmem>>
          %dma_wait3A_481 = tpu.memref_squeeze %dma_wait3A_480 : memref<1x64xi32, #tpu.memory_space<vmem>> -> memref<64xi32, #tpu.memory_space<vmem>>
          %dma_wait3A_482 = arith.constant 0 : i32
          %dma_wait3A_483 = tpu.memref_slice %arg2[%dma_wait3A_482] : memref<16384xi32, #tpu.memory_space<hbm>> -> memref<64xi32, #tpu.memory_space<hbm>>
          %dma_wait3A_484 = arith.constant 0 : i32
          %dma_wait3A_485 = tpu.memref_slice %arg10[%dma_wait3A_478, %dma_wait3A_484] : memref<2x64xi32, #tpu.memory_space<vmem>> -> memref<1x64xi32, #tpu.memory_space<vmem>>
          %dma_wait3A_486 = tpu.memref_squeeze %dma_wait3A_485 : memref<1x64xi32, #tpu.memory_space<vmem>> -> memref<64xi32, #tpu.memory_space<vmem>>
          %dma_wait3A_487 = arith.constant 0 : i32
          %dma_wait3A_488 = tpu.memref_slice %arg2[%dma_wait3A_487] : memref<16384xi32, #tpu.memory_space<hbm>> -> memref<64xi32, #tpu.memory_space<hbm>>
          tpu.wait_dma2 semaphore(%arg17 : memref<!tpu.dma_semaphore, #tpu.memory_space<semaphore_mem>>) src(%dma_wait3A_488 : memref<64xi32, #tpu.memory_space<hbm>>) dst(%dma_wait3A_486 : memref<64xi32, #tpu.memory_space<vmem>>)
        } else {
        }
        %mul3A_344 = arith.constant 2 : i32
        %mul3A_345 = arith.muli %scan3A_207, %mul3A_344 : i32
        %add3A_346 = arith.constant 1 : i32
        %add3A_347 = arith.addi %mul3A_345, %add3A_346 : i32
        %mul3A_348 = arith.constant 64 : i32
        %mul3A_349 = arith.muli %add3A_347, %mul3A_348 : i32
        %add3A_350 = arith.constant 0 : i32
        %add3A_351 = arith.addi %mul3A_349, %add3A_350 : i32
        %get3A_352 = arith.index_cast %add3A_351 : i32 to index
        %get3A_353 = tpu.vector_load %arg4[%get3A_352] {strides = array<i32>} : memref<1024xi32, #tpu.memory_space<vmem>>, vector<16xi32>,
        %get3A_354 = arith.index_cast %add3A_351 : i32 to index
        %get3A_355 = tpu.vector_load %arg5[%get3A_354] {strides = array<i32>} : memref<1024xi32, #tpu.memory_space<vmem>>, vector<16xi32>,
        %shift_right_arithmetic3A_356 = arith.constant 22 : i32
        %shift_right_arithmetic3A_357 = vector.broadcast %shift_right_arithmetic3A_356 : i32 to vector<16xi32>
        %shift_right_arithmetic3A_358 = arith.shrsi %get3A_353, %shift_right_arithmetic3A_357 : vector<16xi32>
        %broadcast_in_dim3A_359 = arith.constant true
        %broadcast_in_dim3A_360 = vector.broadcast %broadcast_in_dim3A_359 : i1 to vector<16xi1>
        %unique3A_361, %unique3A_362 = tpu.scan_count mask(%broadcast_in_dim3A_360 : vector<16xi1>) value(%shift_right_arithmetic3A_358 : vector<16xi32>) : vector<16xi1>, vector<16xi32>
        %gather3A_363 = tpu.vector_load_idx %arg6[%shift_right_arithmetic3A_358] : memref<2048xi32, #tpu.memory_space<vmem>>[vector<16xi32>], vector<16xi32>,
        %sub3A_364 = vector.broadcast %squeeze3A : i32 to vector<16xi32>
        %sub3A_365 = arith.subi %unique3A_362, %sub3A_364 : vector<16xi32>
        %add3A_366 = arith.addi %gather3A_363, %sub3A_365 : vector<16xi32>
        %add3A_367 = arith.constant 1 : i32
        %add3A_368 = vector.broadcast %add3A_367 : i32 to vector<16xi32>
        %add3A_369 = arith.addi %add3A_366, %add3A_368 : vector<16xi32>
        tpu.vector_store_idx %arg6[%shift_right_arithmetic3A_358], %add3A_369 masked %unique3A_361 : memref<2048xi32, #tpu.memory_space<vmem>>[vector<16xi32>], vector<16xi32>, vector<16xi1>
        %swap3A_370 = arith.constant 1 : i32
        %swap3A_371 = arith.index_cast %swap3A_370 : i32 to index
        %swap3A_372 = arith.constant 0 : index
        %swap3A_373 = tpu.vector_load %arg8[%swap3A_371, %swap3A_372] {strides = array<i32>} : memref<2x64xi32, #tpu.memory_space<vmem>>, vector<16xi32>,
        tpu.vector_store %arg8[%swap3A_371, %swap3A_372], %add3A_366 {strides = array<i32>} : memref<2x64xi32, #tpu.memory_space<vmem>>, vector<16xi32>,
        %swap3A_374 = arith.constant 1 : i32
        %swap3A_375 = arith.index_cast %swap3A_374 : i32 to index
        %swap3A_376 = arith.constant 0 : index
        %swap3A_377 = tpu.vector_load %arg10[%swap3A_375, %swap3A_376] {strides = array<i32>} : memref<2x64xi32, #tpu.memory_space<vmem>>, vector<16xi32>,
        tpu.vector_store %arg10[%swap3A_375, %swap3A_376], %get3A_355 {strides = array<i32>} : memref<2x64xi32, #tpu.memory_space<vmem>>, vector<16xi32>,
        %mul3A_378 = arith.constant 64 : i32
        %mul3A_379 = arith.muli %add3A_347, %mul3A_378 : i32
        %add3A_380 = arith.constant 16 : i32
        %add3A_381 = arith.addi %mul3A_379, %add3A_380 : i32
        %get3A_382 = arith.index_cast %add3A_381 : i32 to index
        %get3A_383 = tpu.vector_load %arg4[%get3A_382] {strides = array<i32>} : memref<1024xi32, #tpu.memory_space<vmem>>, vector<16xi32>,
        %get3A_384 = arith.index_cast %add3A_381 : i32 to index
        %get3A_385 = tpu.vector_load %arg5[%get3A_384] {strides = array<i32>} : memref<1024xi32, #tpu.memory_space<vmem>>, vector<16xi32>,
        %shift_right_arithmetic3A_386 = arith.constant 22 : i32
        %shift_right_arithmetic3A_387 = vector.broadcast %shift_right_arithmetic3A_386 : i32 to vector<16xi32>
        %shift_right_arithmetic3A_388 = arith.shrsi %get3A_383, %shift_right_arithmetic3A_387 : vector<16xi32>
        %broadcast_in_dim3A_389 = arith.constant true
        %broadcast_in_dim3A_390 = vector.broadcast %broadcast_in_dim3A_389 : i1 to vector<16xi1>
        %unique3A_391, %unique3A_392 = tpu.scan_count mask(%broadcast_in_dim3A_390 : vector<16xi1>) value(%shift_right_arithmetic3A_388 : vector<16xi32>) : vector<16xi1>, vector<16xi32>
        %gather3A_393 = tpu.vector_load_idx %arg6[%shift_right_arithmetic3A_388] : memref<2048xi32, #tpu.memory_space<vmem>>[vector<16xi32>], vector<16xi32>,
        %sub3A_394 = vector.broadcast %squeeze3A : i32 to vector<16xi32>
        %sub3A_395 = arith.subi %unique3A_392, %sub3A_394 : vector<16xi32>
        %add3A_396 = arith.addi %gather3A_393, %sub3A_395 : vector<16xi32>
        %add3A_397 = arith.constant 1 : i32
        %add3A_398 = vector.broadcast %add3A_397 : i32 to vector<16xi32>
        %add3A_399 = arith.addi %add3A_396, %add3A_398 : vector<16xi32>
        tpu.vector_store_idx %arg6[%shift_right_arithmetic3A_388], %add3A_399 masked %unique3A_391 : memref<2048xi32, #tpu.memory_space<vmem>>[vector<16xi32>], vector<16xi32>, vector<16xi1>
        %swap3A_400 = arith.constant 1 : i32
        %swap3A_401 = arith.index_cast %swap3A_400 : i32 to index
        %swap3A_402 = arith.constant 16 : index
        %swap3A_403 = tpu.vector_load %arg8[%swap3A_401, %swap3A_402] {strides = array<i32>} : memref<2x64xi32, #tpu.memory_space<vmem>>, vector<16xi32>,
        tpu.vector_store %arg8[%swap3A_401, %swap3A_402], %add3A_396 {strides = array<i32>} : memref<2x64xi32, #tpu.memory_space<vmem>>, vector<16xi32>,
        %swap3A_404 = arith.constant 1 : i32
        %swap3A_405 = arith.index_cast %swap3A_404 : i32 to index
        %swap3A_406 = arith.constant 16 : index
        %swap3A_407 = tpu.vector_load %arg10[%swap3A_405, %swap3A_406] {strides = array<i32>} : memref<2x64xi32, #tpu.memory_space<vmem>>, vector<16xi32>,
        tpu.vector_store %arg10[%swap3A_405, %swap3A_406], %get3A_385 {strides = array<i32>} : memref<2x64xi32, #tpu.memory_space<vmem>>, vector<16xi32>,
        %mul3A_408 = arith.constant 64 : i32
        %mul3A_409 = arith.muli %add3A_347, %mul3A_408 : i32
        %add3A_410 = arith.constant 32 : i32
        %add3A_411 = arith.addi %mul3A_409, %add3A_410 : i32
        %get3A_412 = arith.index_cast %add3A_411 : i32 to index
        %get3A_413 = tpu.vector_load %arg4[%get3A_412] {strides = array<i32>} : memref<1024xi32, #tpu.memory_space<vmem>>, vector<16xi32>,
        %get3A_414 = arith.index_cast %add3A_411 : i32 to index
        %get3A_415 = tpu.vector_load %arg5[%get3A_414] {strides = array<i32>} : memref<1024xi32, #tpu.memory_space<vmem>>, vector<16xi32>,
        %shift_right_arithmetic3A_416 = arith.constant 22 : i32
        %shift_right_arithmetic3A_417 = vector.broadcast %shift_right_arithmetic3A_416 : i32 to vector<16xi32>
        %shift_right_arithmetic3A_418 = arith.shrsi %get3A_413, %shift_right_arithmetic3A_417 : vector<16xi32>
        %broadcast_in_dim3A_419 = arith.constant true
        %broadcast_in_dim3A_420 = vector.broadcast %broadcast_in_dim3A_419 : i1 to vector<16xi1>
        %unique3A_421, %unique3A_422 = tpu.scan_count mask(%broadcast_in_dim3A_420 : vector<16xi1>) value(%shift_right_arithmetic3A_418 : vector<16xi32>) : vector<16xi1>, vector<16xi32>
        %gather3A_423 = tpu.vector_load_idx %arg6[%shift_right_arithmetic3A_418] : memref<2048xi32, #tpu.memory_space<vmem>>[vector<16xi32>], vector<16xi32>,
        %sub3A_424 = vector.broadcast %squeeze3A : i32 to vector<16xi32>
        %sub3A_425 = arith.subi %unique3A_422, %sub3A_424 : vector<16xi32>
        %add3A_426 = arith.addi %gather3A_423, %sub3A_425 : vector<16xi32>
        %add3A_427 = arith.constant 1 : i32
        %add3A_428 = vector.broadcast %add3A_427 : i32 to vector<16xi32>
        %add3A_429 = arith.addi %add3A_426, %add3A_428 : vector<16xi32>
        tpu.vector_store_idx %arg6[%shift_right_arithmetic3A_418], %add3A_429 masked %unique3A_421 : memref<2048xi32, #tpu.memory_space<vmem>>[vector<16xi32>], vector<16xi32>, vector<16xi1>
        %swap3A_430 = arith.constant 1 : i32
        %swap3A_431 = arith.index_cast %swap3A_430 : i32 to index
        %swap3A_432 = arith.constant 32 : index
        %swap3A_433 = tpu.vector_load %arg8[%swap3A_431, %swap3A_432] {strides = array<i32>} : memref<2x64xi32, #tpu.memory_space<vmem>>, vector<16xi32>,
        tpu.vector_store %arg8[%swap3A_431, %swap3A_432], %add3A_426 {strides = array<i32>} : memref<2x64xi32, #tpu.memory_space<vmem>>, vector<16xi32>,
        %swap3A_434 = arith.constant 1 : i32
        %swap3A_435 = arith.index_cast %swap3A_434 : i32 to index
        %swap3A_436 = arith.constant 32 : index
        %swap3A_437 = tpu.vector_load %arg10[%swap3A_435, %swap3A_436] {strides = array<i32>} : memref<2x64xi32, #tpu.memory_space<vmem>>, vector<16xi32>,
        tpu.vector_store %arg10[%swap3A_435, %swap3A_436], %get3A_415 {strides = array<i32>} : memref<2x64xi32, #tpu.memory_space<vmem>>, vector<16xi32>,
        %mul3A_438 = arith.constant 64 : i32
        %mul3A_439 = arith.muli %add3A_347, %mul3A_438 : i32
        %add3A_440 = arith.constant 48 : i32
        %add3A_441 = arith.addi %mul3A_439, %add3A_440 : i32
        %get3A_442 = arith.index_cast %add3A_441 : i32 to index
        %get3A_443 = tpu.vector_load %arg4[%get3A_442] {strides = array<i32>} : memref<1024xi32, #tpu.memory_space<vmem>>, vector<16xi32>,
        %get3A_444 = arith.index_cast %add3A_441 : i32 to index
        %get3A_445 = tpu.vector_load %arg5[%get3A_444] {strides = array<i32>} : memref<1024xi32, #tpu.memory_space<vmem>>, vector<16xi32>,
        %shift_right_arithmetic3A_446 = arith.constant 22 : i32
        %shift_right_arithmetic3A_447 = vector.broadcast %shift_right_arithmetic3A_446 : i32 to vector<16xi32>
        %shift_right_arithmetic3A_448 = arith.shrsi %get3A_443, %shift_right_arithmetic3A_447 : vector<16xi32>
        %broadcast_in_dim3A_449 = arith.constant true
        %broadcast_in_dim3A_450 = vector.broadcast %broadcast_in_dim3A_449 : i1 to vector<16xi1>
        %unique3A_451, %unique3A_452 = tpu.scan_count mask(%broadcast_in_dim3A_450 : vector<16xi1>) value(%shift_right_arithmetic3A_448 : vector<16xi32>) : vector<16xi1>, vector<16xi32>
        %gather3A_453 = tpu.vector_load_idx %arg6[%shift_right_arithmetic3A_448] : memref<2048xi32, #tpu.memory_space<vmem>>[vector<16xi32>], vector<16xi32>,
        %sub3A_454 = vector.broadcast %squeeze3A : i32 to vector<16xi32>
        %sub3A_455 = arith.subi %unique3A_452, %sub3A_454 : vector<16xi32>
        %add3A_456 = arith.addi %gather3A_453, %sub3A_455 : vector<16xi32>
        %add3A_457 = arith.constant 1 : i32
        %add3A_458 = vector.broadcast %add3A_457 : i32 to vector<16xi32>
        %add3A_459 = arith.addi %add3A_456, %add3A_458 : vector<16xi32>
        tpu.vector_store_idx %arg6[%shift_right_arithmetic3A_448], %add3A_459 masked %unique3A_451 : memref<2048xi32, #tpu.memory_space<vmem>>[vector<16xi32>], vector<16xi32>, vector<16xi1>
        %swap3A_460 = arith.constant 1 : i32
        %swap3A_461 = arith.index_cast %swap3A_460 : i32 to index
        %swap3A_462 = arith.constant 48 : index
        %swap3A_463 = tpu.vector_load %arg8[%swap3A_461, %swap3A_462] {strides = array<i32>} : memref<2x64xi32, #tpu.memory_space<vmem>>, vector<16xi32>,
        tpu.vector_store %arg8[%swap3A_461, %swap3A_462], %add3A_456 {strides = array<i32>} : memref<2x64xi32, #tpu.memory_space<vmem>>, vector<16xi32>,
        %swap3A_464 = arith.constant 1 : i32
        %swap3A_465 = arith.index_cast %swap3A_464 : i32 to index
        %swap3A_466 = arith.constant 48 : index
        %swap3A_467 = tpu.vector_load %arg10[%swap3A_465, %swap3A_466] {strides = array<i32>} : memref<2x64xi32, #tpu.memory_space<vmem>>, vector<16xi32>,
        tpu.vector_store %arg10[%swap3A_465, %swap3A_466], %get3A_445 {strides = array<i32>} : memref<2x64xi32, #tpu.memory_space<vmem>>, vector<16xi32>,
        %dma_start3A_468 = arith.constant 1 : i32
        %dma_start3A_469 = arith.constant 1 : i32
        %dma_start3A_470 = arith.constant 0 : i32
        %dma_start3A_471 = tpu.memref_slice %arg10[%dma_start3A_468, %dma_start3A_470] : memref<2x64xi32, #tpu.memory_space<vmem>> -> memref<1x64xi32, #tpu.memory_space<vmem>>
        %dma_start3A_472 = tpu.memref_squeeze %dma_start3A_471 : memref<1x64xi32, #tpu.memory_space<vmem>> -> memref<64xi32, #tpu.memory_space<vmem>>
        %dma_start3A_473 = arith.constant 0 : i32
        %dma_start3A_474 = tpu.memref_slice %arg8[%dma_start3A_469, %dma_start3A_473] : memref<2x64xi32, #tpu.memory_space<vmem>> -> memref<1x64xi32, #tpu.memory_space<vmem>>
        %dma_start3A_475 = tpu.memref_squeeze %dma_start3A_474 : memref<1x64xi32, #tpu.memory_space<vmem>> -> memref<64xi32, #tpu.memory_space<vmem>>
        %dma_start3A_476 = arith.constant 0 : i32
        %dma_start3A_477 = tpu.memref_slice %arg14[%dma_start3A_476] : memref<16384xi32, #tpu.memory_space<vmem_shared>> -> memref<16384xi32, #tpu.memory_space<vmem_shared>>
        tpu.enqueue_indirect_dma source(%dma_start3A_472 : memref<64xi32, #tpu.memory_space<vmem>>) target(%dma_start3A_477 : memref<16384xi32, #tpu.memory_space<vmem_shared>>) offsets(%dma_start3A_475 : memref<64xi32, #tpu.memory_space<vmem>>) semaphore(%arg17 : memref<!tpu.dma_semaphore, #tpu.memory_space<semaphore_mem>>)
      }
      %scan3A_179 = arith.constant 8 : i32
      %dma_wait3A_180 = arith.constant 0 : i32
      %dma_wait3A_181 = arith.constant 0 : i32
      %dma_wait3A_182 = tpu.memref_slice %arg10[%dma_wait3A_180, %dma_wait3A_181] : memref<2x64xi32, #tpu.memory_space<vmem>> -> memref<1x64xi32, #tpu.memory_space<vmem>>
      %dma_wait3A_183 = tpu.memref_squeeze %dma_wait3A_182 : memref<1x64xi32, #tpu.memory_space<vmem>> -> memref<64xi32, #tpu.memory_space<vmem>>
      %dma_wait3A_184 = arith.constant 0 : i32
      %dma_wait3A_185 = tpu.memref_slice %arg2[%dma_wait3A_184] : memref<16384xi32, #tpu.memory_space<hbm>> -> memref<64xi32, #tpu.memory_space<hbm>>
      %dma_wait3A_186 = arith.constant 0 : i32
      %dma_wait3A_187 = tpu.memref_slice %arg10[%dma_wait3A_180, %dma_wait3A_186] : memref<2x64xi32, #tpu.memory_space<vmem>> -> memref<1x64xi32, #tpu.memory_space<vmem>>
      %dma_wait3A_188 = tpu.memref_squeeze %dma_wait3A_187 : memref<1x64xi32, #tpu.memory_space<vmem>> -> memref<64xi32, #tpu.memory_space<vmem>>
      %dma_wait3A_189 = arith.constant 0 : i32
      %dma_wait3A_190 = tpu.memref_slice %arg2[%dma_wait3A_189] : memref<16384xi32, #tpu.memory_space<hbm>> -> memref<64xi32, #tpu.memory_space<hbm>>
      tpu.wait_dma2 semaphore(%arg17 : memref<!tpu.dma_semaphore, #tpu.memory_space<semaphore_mem>>) src(%dma_wait3A_190 : memref<64xi32, #tpu.memory_space<hbm>>) dst(%dma_wait3A_188 : memref<64xi32, #tpu.memory_space<vmem>>)
      %dma_wait3A_191 = arith.constant 0 : i32
      %dma_wait3A_192 = arith.constant 0 : i32
      %dma_wait3A_193 = tpu.memref_slice %arg10[%dma_wait3A_191, %dma_wait3A_192] : memref<2x64xi32, #tpu.memory_space<vmem>> -> memref<1x64xi32, #tpu.memory_space<vmem>>
      %dma_wait3A_194 = tpu.memref_squeeze %dma_wait3A_193 : memref<1x64xi32, #tpu.memory_space<vmem>> -> memref<64xi32, #tpu.memory_space<vmem>>
      %dma_wait3A_195 = arith.constant 0 : i32
      %dma_wait3A_196 = tpu.memref_slice %arg2[%dma_wait3A_195] : memref<16384xi32, #tpu.memory_space<hbm>> -> memref<64xi32, #tpu.memory_space<hbm>>
      %dma_wait3A_197 = arith.constant 0 : i32
      %dma_wait3A_198 = tpu.memref_slice %arg10[%dma_wait3A_191, %dma_wait3A_197] : memref<2x64xi32, #tpu.memory_space<vmem>> -> memref<1x64xi32, #tpu.memory_space<vmem>>
      %dma_wait3A_199 = tpu.memref_squeeze %dma_wait3A_198 : memref<1x64xi32, #tpu.memory_space<vmem>> -> memref<64xi32, #tpu.memory_space<vmem>>
      %dma_wait3A_200 = arith.constant 0 : i32
      %dma_wait3A_201 = tpu.memref_slice %arg2[%dma_wait3A_200] : memref<16384xi32, #tpu.memory_space<hbm>> -> memref<64xi32, #tpu.memory_space<hbm>>
      tpu.wait_dma2 semaphore(%arg17 : memref<!tpu.dma_semaphore, #tpu.memory_space<semaphore_mem>>) src(%dma_wait3A_201 : memref<64xi32, #tpu.memory_space<hbm>>) dst(%dma_wait3A_199 : memref<64xi32, #tpu.memory_space<vmem>>)
      %barrier3A_202 = arith.constant 0 : index
      tpu.barrier barrier_id(%barrier3A_202)
      %mul3A_203 = arith.constant 512 : i32
      %mul3A_204 = arith.muli %arg1, %mul3A_203 : i32
      "tpu.region"() ({
        %run_scoped3A = tpu.sem_alloc : memref<!tpu.dma_semaphore, #tpu.memory_space<semaphore_mem>>
        %dma_start3A = tpu.memref_slice %arg14[%mul3A_204] : memref<16384xi32, #tpu.memory_space<vmem_shared>> -> memref<512xi32, #tpu.memory_space<vmem_shared>>
        %dma_start3A_207 = tpu.memref_slice %arg14[%mul3A_204] : memref<16384xi32, #tpu.memory_space<vmem_shared>> -> memref<512xi32, #tpu.memory_space<vmem_shared>>
        tpu.enqueue_dma source(%dma_start3A_207 : memref<512xi32, #tpu.memory_space<vmem_shared>>) target(%arg11 : memref<512xi32, #tpu.memory_space<vmem>>) target_semaphore(%run_scoped3A : memref<!tpu.dma_semaphore, #tpu.memory_space<semaphore_mem>>)
        %dma_wait3A_208 = tpu.memref_slice %arg14[%mul3A_204] : memref<16384xi32, #tpu.memory_space<vmem_shared>> -> memref<512xi32, #tpu.memory_space<vmem_shared>>
        %dma_wait3A_209 = tpu.memref_slice %arg14[%mul3A_204] : memref<16384xi32, #tpu.memory_space<vmem_shared>> -> memref<512xi32, #tpu.memory_space<vmem_shared>>
        tpu.wait_dma2 semaphore(%run_scoped3A : memref<!tpu.dma_semaphore, #tpu.memory_space<semaphore_mem>>) src(%dma_wait3A_209 : memref<512xi32, #tpu.memory_space<vmem_shared>>) dst(%arg11 : memref<512xi32, #tpu.memory_space<vmem>>)
        tpu.yield
      }) : () -> ()
      %mul3A_205 = arith.constant 512 : i32
      %mul3A_206 = arith.muli %arg1, %mul3A_205 : i32
      "tpu.region"() ({
        %run_scoped3A = tpu.sem_alloc : memref<!tpu.dma_semaphore, #tpu.memory_space<semaphore_mem>>
        %dma_start3A = tpu.memref_slice %arg3[%mul3A_206] : memref<8192xi32, #tpu.memory_space<hbm>> -> memref<512xi32, #tpu.memory_space<hbm>>
        %dma_start3A_207 = tpu.memref_slice %arg3[%mul3A_206] : memref<8192xi32, #tpu.memory_space<hbm>> -> memref<512xi32, #tpu.memory_space<hbm>>
        tpu.enqueue_dma source(%arg11 : memref<512xi32, #tpu.memory_space<vmem>>) target(%dma_start3A_207 : memref<512xi32, #tpu.memory_space<hbm>>) target_semaphore(%run_scoped3A : memref<!tpu.dma_semaphore, #tpu.memory_space<semaphore_mem>>)
        %dma_wait3A_208 = tpu.memref_slice %arg3[%mul3A_206] : memref<8192xi32, #tpu.memory_space<hbm>> -> memref<512xi32, #tpu.memory_space<hbm>>
        %dma_wait3A_209 = tpu.memref_slice %arg3[%mul3A_206] : memref<8192xi32, #tpu.memory_space<hbm>> -> memref<512xi32, #tpu.memory_space<hbm>>
        tpu.wait_dma2 semaphore(%run_scoped3A : memref<!tpu.dma_semaphore, #tpu.memory_space<semaphore_mem>>) src(%arg11 : memref<512xi32, #tpu.memory_space<vmem>>) dst(%dma_wait3A_209 : memref<512xi32, #tpu.memory_space<hbm>>)
        tpu.yield
      }) : () -> ()
    } else {
    }
    return
  }
}

module attributes {stable_mosaic.version = 14 : i64} {
  func.func @_loss_body(%arg0: i32, %arg1: memref<1000x1024xf32, #tpu.memory_space<vmem>>, %arg2: memref<1000x1024xf32, #tpu.memory_space<vmem>>, %arg3: memref<1000x1024xf32, #tpu.memory_space<vmem>>, %arg4: memref<1024xf32, #tpu.memory_space<vmem>>, %arg5: memref<1024x1024xf32, #tpu.memory_space<vmem>>) attributes {dimension_semantics = [#tpu.dimension_semantics<arbitrary>], iteration_bounds = array<i64: 16>, scalar_prefetch = 0 : i64, scratch_operands = 0 : i64, tpu.core_type = #tpu.core_type<tc>, window_params = [{transform_indices = @transform_0, window_bounds = array<i64: 1000, 1024>}, {transform_indices = @transform_1, window_bounds = array<i64: 1000, 1024>}, {transform_indices = @transform_2, window_bounds = array<i64: 1000, 1024>}, {transform_indices = @transform_3, window_bounds = array<i64: 1024>}, {transform_indices = @transform_4, window_bounds = array<i64: 1024, 1024>}]} {
    %get3A = arith.constant 0 : index
    %get3A_0 = arith.constant 0 : index
    %get3A_1 = vector.load %arg3[%get3A, %get3A_0] : memref<1000x1024xf32, #tpu.memory_space<vmem>>, vector<1000x1024xf32>
    %get3A_2 = arith.constant 0 : index
    %get3A_3 = arith.constant 0 : index
    %get3A_4 = vector.load %arg2[%get3A_2, %get3A_3] : memref<1000x1024xf32, #tpu.memory_space<vmem>>, vector<1000x1024xf32>
    %log3A = math.log %get3A_4 : vector<1000x1024xf32>
    %mul3A = arith.mulf %get3A_1, %log3A : vector<1000x1024xf32>
    %reduce_sum3A = arith.constant dense<0.000000e+00> : vector<1024xf32>
    %reduce_sum3A_5 = vector.multi_reduction <add>, %mul3A, %reduce_sum3A [0] : vector<1000x1024xf32> to vector<1024xf32>
    %get3A_6 = arith.constant 0 : index
    %get3A_7 = arith.constant 0 : index
    %get3A_8 = vector.load %arg1[%get3A_6, %get3A_7] : memref<1000x1024xf32, #tpu.memory_space<vmem>>, vector<1000x1024xf32>
    %log3A_9 = math.log %get3A_8 : vector<1000x1024xf32>
    %mul3A_10 = arith.mulf %get3A_1, %log3A_9 : vector<1000x1024xf32>
    %reduce_sum3A_11 = arith.constant dense<0.000000e+00> : vector<1024xf32>
    %reduce_sum3A_12 = vector.multi_reduction <add>, %mul3A_10, %reduce_sum3A_11 [0] : vector<1000x1024xf32> to vector<1024xf32>
    %neg3A = arith.constant 0.000000e+00 : f32
    %neg3A_13 = vector.broadcast %neg3A : f32 to vector<1024xf32>
    %neg3A_14 = arith.subf %neg3A_13, %reduce_sum3A_5 : vector<1024xf32>
    %add3A = arith.addf %neg3A_14, %reduce_sum3A_12 : vector<1024xf32>
    %abs3A = math.absf %add3A : vector<1024xf32>
    %swap3A = arith.constant 0 : index
    %swap3A_15 = vector.load %arg4[%swap3A] : memref<1024xf32, #tpu.memory_space<vmem>>, vector<1024xf32>
    tpu.vector_store %arg4[%swap3A], %abs3A {strides = array<i32>} : memref<1024xf32, #tpu.memory_space<vmem>>, vector<1024xf32>,
    %transpose3A = tpu.transpose %get3A_1, [1, 0] : vector<1000x1024xf32> -> vector<1024x1000xf32>
    %broadcast_in_dim3A = arith.constant 0.000000e+00 : f32
    %broadcast_in_dim3A_16 = vector.broadcast %broadcast_in_dim3A : f32 to vector<1024x24xf32>
    %concatenate3A = tpu.concatenate %transpose3A, %broadcast_in_dim3A_16 in 1 : vector<1024x1000xf32>, vector<1024x24xf32> -> vector<1024x1024xf32>
    %swap3A_17 = arith.constant 0 : index
    %swap3A_18 = arith.constant 0 : index
    %swap3A_19 = vector.load %arg5[%swap3A_17, %swap3A_18] : memref<1024x1024xf32, #tpu.memory_space<vmem>>, vector<1024x1024xf32>
    tpu.vector_store %arg5[%swap3A_17, %swap3A_18], %concatenate3A {strides = array<i32>} : memref<1024x1024xf32, #tpu.memory_space<vmem>>, vector<1024x1024xf32>,
    return
  }
  func.func @transform_0(%arg0: i32) -> (i32, i32) {
    %c0_i32 = arith.constant 0 : i32
    %c0_i32_0 = arith.constant 0 : i32
    return %c0_i32, %arg0 : i32, i32
  }
  func.func @transform_1(%arg0: i32) -> (i32, i32) {
    %c0_i32 = arith.constant 0 : i32
    %c0_i32_0 = arith.constant 0 : i32
    return %c0_i32, %arg0 : i32, i32
  }
  func.func @transform_2(%arg0: i32) -> (i32, i32) {
    %c0_i32 = arith.constant 0 : i32
    %c0_i32_0 = arith.constant 0 : i32
    return %c0_i32, %arg0 : i32, i32
  }
  func.func @transform_3(%arg0: i32) -> i32 {
    %c0_i32 = arith.constant 0 : i32
    return %arg0 : i32
  }
  func.func @transform_4(%arg0: i32) -> (i32, i32) {
    %c0_i32 = arith.constant 0 : i32
    %c0_i32_0 = arith.constant 0 : i32
    return %arg0, %c0_i32 : i32, i32
  }
}

</mosaic_0001>

<sc_bundles>
// kernel: kernel.5.cloned.1.call-start
scs
__scs_entry_jumppad:
0x0: {  	(pc) =	sbr.rel $0x88, $3  }
0x1: {  	(tag) =	ssettag $0x0;
	lr =	simm.s32 $0x1  }
0x2: {  	[smem:$0x3F9D] =	sst lr;
	_ =	strace $0xD0000000  }
0x3: {  	_ = 	snop  }
0x4: {  	_ = 	snop  }
0x5: {  	_ = 	snop  }
0x6: {  	_ = 	snop  }
0x7: {  	_ = 	snop  }
__scs_overlays_trampoline_lowered:
0x8: {  	[smem:$0x3FAC] =	sst s0  }
0x9: {  	[smem:$0x3FAD] =	sst s1  }
0xa: {  	[smem:$0x3FAE] =	sst s2  }
0xb: {  	[smem:$0x3FAF] =	sst s3  }
0xc: {  	[smem:$0x3FB0] =	sst s4  }
0xd: {  	[smem:$0x3FB1] =	sst s5  }
0xe: {  	[smem:$0x3FB2] =	sst s6  }
0xf: {  	[smem:$0x3FB3] =	sst s7  }
0x10: {  	[smem:$0x3FB4] =	sst s8  }
0x11: {  	[smem:$0x3FB5] =	sst s9;
	s0 =	simm.s32 @!p0 $0x0  }
0x12: {  	s1 =	sld [smem:$0x3F9B];
	s0 =	simm.s32 @p0 $0x1  }
0x13: {  	[smem:$0x3FB6] =	sst s0;
	s0 =	simm.s32 @!p1 $0x0  }
0x14: {  	s2 =	sld [smem:$0x3F9A];
	s0 =	simm.s32 @p1 $0x1  }
0x15: {  	[smem:$0x3FB7] =	sst s0;
	s0 =	simm.s32 @!p2 $0x0  }
0x16: {  	s3 =	sld [smem:$0x3FDB];
	s0 =	simm.s32 @p2 $0x1  }
0x17: {  	s4 =	simm.s32 $0x1BF5;
	[smem:$0x3FB9] =	sst s0  }
0x18: {  	s0 =	sld [smem:$0x3F9C];
	_ =	swait.ge [sflag:s4], $0x0  }
0x19: {  	s7 =	sld [smem:$0x3F9D]  }
0x1a: {  	s8 =	sadd.s32 $0xFFFFE003, lr  }
0x1b: {  	s9 =	sadd.s32 $0xFFFFFEF7, lr;
	s5 =	simm.s32 $0xFFFFFFFF;
	p2 =	slt.u32 s8, $0xFFFFF086  }
0x1c: {  	p1 =	slt.u32 s9, $0xF7A;
	s5 =	simm.s32 @!p2 $0x0  }
0x1d: {  	s5 =	simm.s32 @p1 $0x1;
	p0 =	seq.s32 s7, s2  }
0x1e: {  	s7 =	smul.u32 @!p0 $0xF7A, s2;
	p2 =	seq.s32 @!p0 s5, $0x0  }
0x1f: {  	s9 =	smul.u32 $0xF7A, s1;
	s8 =	simm.s32 @!p0 $0x1BF5;
	p2 =	por !p2, p0  }
0x20: {  	[sflag:s8] =	ssyncset.s32 @!p0 $0xFFFFF086;
	s6 =	sadd.s32 @!p0 s3, s7;
	s7 =	simm.s32 @!p0 $0x108  }
0x21: {  	s3 =	sadd.s32 s3, s9;
	s6 =	sadd.s32 @!p0 $0x88, s6;
	s7 =	simm.s32 @p2 $0x1082  }
0x22: {  	[simem:s7], [sflag:s8] =	dma.local @!p0 [hbm:s6], $0xF7A  }
0x23: {  	s9 =	sor.u32 $0xD0000000, s2;
	s6 =	simm.s32 $0x108;
	_ =	swait.ge @!p0 [sflag:s8], $0x0  }
0x24: {  	s3 =	sadd.s32 $0x88, s3;
	s6 =	simm.s32 @!p1 $0x1082;
	[sflag:s4] =	ssyncset.s32 $0xFFFFF086  }
0x25: {  	[simem:s6], [sflag:s4] =	dma.local [hbm:s3], $0xF7A  }
0x26: {  	[smem:$0x3F9D] =	sst s1;
	(tag) =	ssettag s2;
	_ =	strace s9  }
0x27: {  	s1 =	sld [smem:$0x3FAD]  }
0x28: {  	s2 =	sld [smem:$0x3FAE]  }
0x29: {  	s4 =	sld [smem:$0x3FB0]  }
0x2a: {  	p0 =	seq.s32 s5, $0x0;
	s5 =	sld [smem:$0x3FB1]  }
0x2b: {  	s6 =	sld [smem:$0x3FB2]  }
0x2c: {  	s7 =	sld [smem:$0x3FB3]  }
0x2d: {  	s3 =	simm.s32 $0x108;
	s8 =	sld [smem:$0x3FB4]  }
0x2e: {  	s3 =	simm.s32 @!p0 $0x1082;
	s9 =	sld [smem:$0x3FB5]  }
0x2f: {  	lr =	sadd.s32 s0, s3;
	s0 =	sld [smem:$0x3FAC]  }
0x30: {  	s3 =	sld [smem:$0x3FAF]  }
0x31: {  	[smem:$0x3FB8] =	sst s10  }
0x32: {  	s10 =	sld [smem:$0x3FB6];
	_ =	sdelay $0x3  }
0x33: {  	p0 =	seq.s32 s10, $0x1;
	s10 =	sld [smem:$0x3FB8];
	_ =	sdelay $0x3  }
0x34: {  	[smem:$0x3FB8] =	sst s10  }
0x35: {  	s10 =	sld [smem:$0x3FB7];
	_ =	sdelay $0x3  }
0x36: {  	p1 =	seq.s32 s10, $0x1;
	s10 =	sld [smem:$0x3FB8];
	_ =	sdelay $0x3  }
0x37: {  	[smem:$0x3FB8] =	sst s10  }
0x38: {  	s10 =	sld [smem:$0x3FB9]  }
0x39: {  	_ = 	snop;
	(pc) =	sbr.ind lr, $3  }
0x3a: {  	_ = 	snop  }
0x3b: {  	_ = 	snop  }
0x3c: {  	p2 =	seq.s32 s10, $0x1;
	s10 =	sld [smem:$0x3FB8]  }
0x3d: {  	_ =	shalt  }
0x3e: {  	_ =	shalt  }
0x3f: {  	_ =	shalt  }
0x40: {  	_ =	shalt  }
0x41: {  	_ =	shalt  }
0x42: {  	_ =	shalt  }
0x43: {  	_ =	shalt  }
0x44: {  	_ =	shalt  }
0x45: {  	_ =	shalt  }
0x46: {  	_ =	shalt  }
0x47: {  	_ =	shalt  }
0x48: {  	_ =	shalt  }
0x49: {  	_ =	shalt  }
0x4a: {  	_ =	shalt  }
0x4b: {  	_ =	shalt  }
0x4c: {  	_ =	shalt  }
0x4d: {  	_ =	shalt  }
0x4e: {  	_ =	shalt  }
0x4f: {  	_ =	shalt  }
0x50: {  	_ =	shalt  }
0x51: {  	_ =	shalt  }
0x52: {  	_ =	shalt  }
0x53: {  	_ =	shalt  }
0x54: {  	_ =	shalt  }
0x55: {  	_ =	shalt  }
0x56: {  	_ =	shalt  }
0x57: {  	_ =	shalt  }
0x58: {  	_ =	shalt  }
0x59: {  	_ =	shalt  }
0x5a: {  	_ =	shalt  }
0x5b: {  	_ =	shalt  }
0x5c: {  	_ =	shalt  }
0x5d: {  	_ =	shalt  }
0x5e: {  	_ =	shalt  }
0x5f: {  	_ =	shalt  }
0x60: {  	_ =	shalt  }
0x61: {  	_ =	shalt  }
0x62: {  	_ =	shalt  }
0x63: {  	_ =	shalt  }
0x64: {  	_ =	shalt  }
0x65: {  	_ =	shalt  }
0x66: {  	_ =	shalt  }
0x67: {  	_ =	shalt  }
0x68: {  	_ =	shalt  }
0x69: {  	_ =	shalt  }
0x6a: {  	_ =	shalt  }
0x6b: {  	_ =	shalt  }
0x6c: {  	_ =	shalt  }
0x6d: {  	_ =	shalt  }
0x6e: {  	_ =	shalt  }
0x6f: {  	_ =	shalt  }
0x70: {  	_ =	shalt  }
0x71: {  	_ =	shalt  }
0x72: {  	_ =	shalt  }
0x73: {  	_ =	shalt  }
0x74: {  	_ =	shalt  }
0x75: {  	_ =	shalt  }
0x76: {  	_ =	shalt  }
0x77: {  	_ =	shalt  }
0x78: {  	_ =	shalt  }
0x79: {  	_ =	shalt  }
0x7a: {  	_ =	shalt  }
0x7b: {  	_ =	shalt  }
0x7c: {  	_ =	shalt  }
0x7d: {  	_ =	shalt  }
0x7e: {  	_ =	shalt  }
0x7f: {  	_ =	shalt  }
0x80: {  	_ =	shalt  }
0x81: {  	_ =	shalt  }
0x82: {  	_ =	shalt  }
0x83: {  	_ =	shalt  }
0x84: {  	_ =	shalt  }
0x85: {  	_ =	shalt  }
0x86: {  	_ =	shalt  }
0x87: {  	_ =	shalt  }
.Lfunc_end0:
.L_simem_size_0:
called_computation_lowered:
.L_overlay_start_0:
0x88: {  	s2 =	sld [smem:$0x3FD9]  }
0x89: {  	s3 =	sld [smem:$0x3FFE];
	_ =	sdelay $0x1  }
0x8a: {  	s1 =	srdreg.scid  }
0x8b: {  	s0 =	sand.u32 $0x1, s1  }
0x8c: {  	s15 =	sshll.u32 s0, $0xA;
	s2 =	sadd.s32 s3, s2  }
0x8d: {  	s2 =	sadd.s32 s2, s15  }
0x8e: {  	[smem:$0x3FC4] =	sst s2  }
0x8f: {  	_ = 	snop  }
0x90: {  	s2 =	sld [smem:$0x3FD0];
	_ =	sdelay $0x2  }
0x91: {  	s16 =	simm.s32 $0xA;
	s4 =	simm.s32 $0x10  }
0x92: {  	[smem:s4], [sflag:s16] =	dma.local [hbm:s2], $0x1  }
0x93: {  	_ =	swait.eq [sflag:s16], $0x1  }
0x94: {  	[sflag:s16] =	ssyncset.done $0x0  }
0x95: {  	s17 =	sld [smem:$0x10];
	[sflag:s16] =	ssyncadd.s32 $0xFFFFFFFF  }
0x96: {  	s18 =	sld [smem:$0x11];
	(tm) =	ssettm $0x1  }
0x97: {  	s19 =	sld [smem:$0x3FFB];
	_ =	sdelay $0x3  }
0x98: {  	_ =	strace s19  }
0x99: {  	s4 =	sld [smem:$0x3FFC];
	_ =	sdelay $0x3  }
0x9a: {  	_ =	strace s4  }
0x9b: {  	s4 =	sld [smem:$0x3FFD];
	_ =	sdelay $0x3  }
0x9c: {  	_ =	strace s4  }
0x9d: {  	_ =	strace $0x8FFFFFFF  }
0x9e: {  	s20 =	sld [smem:$0x3FDB];
	_ =	sdelay $0x1  }
0x9f: {  	s5 =	simm.s32 $_scs_section_size  }
0xa0: {  	s6 =	simm.s32 $_size__tile_overlayer_lowered;
	s7 =	simm.s32 $_tile_overlayer_lowered  }
0xa1: {  	s23 =	simm.s32 $0x1BFF;
	s22 =	sshll.u32 s7, $0x1;
	s4 =	sadd.s32 s5, s20  }
0xa2: {  	s8 =	simm.s32 $0x0;
	s21 =	sshll.u32 s6, $0x1;
	s6 =	sadd.s32 s22, s4  }
0xa3: {  	[timem:s8], [sflag:s23] =	dma.local [hbm:s6], s21  }
0xa4: {  	_ =	swait.ge [sflag:s23], s21  }
0xa5: {  	s5 =	ssub.s32 $0x0, s21;
	[sflag:s23] =	ssyncset.done $0x0  }
0xa6: {  	[sflag:s23] =	ssyncadd.s32 s5;
	_ =	sdelay $0x1  }
0xa7: {  	s24 =	simm.s32 $0x1B8B  }
0xa8: {  	_ =	swait.ge [sflag:s24], $0x1  }
0xa9: {  	[sflag:s24] =	ssyncset.done $0x0  }
0xaa: {  	s25 =	simm.s32 $0x1B8E;
	[sflag:s24] =	ssyncadd.s32 $0xFFFFFFFF  }
0xab: {  	s26 =	simm.s32 $execute0_lowered;
	[smem:$0x3FD2] =	sst s25  }
0xac: {  	s5 =	sshll.u32 s26, $0x1;
	_ =	strace $0x80000046;
	[dreg:$0x1] =	wrdreg $0xFFFFFFFF  }
0xad: {  	s28 =	simm.s32 $_size_execute0_lowered;
	s4 =	sadd.s32 s4, s5;
	[dreg:$0x0] =	wrdreg $0x0  }
0xae: {  	s5 =	sshll.u32 s28, $0x1;
	[dreg:$0x2] =	wrdreg s4  }
0xaf: {  	[dreg:$0x3] =	wrdreg s5  }
0xb0: {  	[dreg:$0x4] =	wrdreg $0xC0  }
0xb1: {  	_ =	task [dreg:s8], $0x5FFFF  }
0xb2: {  	[dreg:$0x1] =	wrdreg $0xFFFFFFFF  }
0xb3: {  	[dreg:$0x0] =	wrdreg $0x60  }
0xb4: {  	[dreg:$0x2] =	wrdreg s17  }
0xb5: {  	[dreg:$0x3] =	wrdreg s18  }
0xb6: {  	[dreg:$0x4] =	wrdreg $0x95000  }
0xb7: {  	[dreg:$0x5] =	wrdreg $0x9D000  }
0xb8: {  	[dreg:$0x6] =	wrdreg $0xA1000  }
0xb9: {  	[dreg:$0x7] =	wrdreg $0xA5000  }
0xba: {  	[dreg:$0x8] =	wrdreg $0xA9000  }
0xbb: {  	[dreg:$0x9] =	wrdreg $0x9  }
0xbc: {  	_ =	task.clear_ibuf [dreg:s8], $0xAFFFF;
	_ =	strace $0x90000046  }
0xbd: {  	s29 =	simm.s32 $0x9;
	_ =	strace $0x80000048  }
0xbe: {  	_ =	swait.ge [sflag:s29], $0x1  }
0xbf: {  	[sflag:s29] =	ssyncadd.s32 $0xFFFFFFFF  }
0xc0: {  	_ =	strace $0x90000048  }
0xc1: {  	_ =	sfence  }
0xc2: {  	s30 =	sld [smem:$0x0];
	_ =	sdelay $0x2  }
0xc3: {  	s31 =	sshll.u32 s1, $0xD;
	s1 =	sshrl.u32 s1, $0x2  }
0xc4: {  	s3 =	sand.u32 $0x4000, s31;
	s1 =	sadd.s32 s1, s30  }
0xc5: {  	s0 =	sor.u32 s3, s0;
	s1 =	sshll.u32 s1, $0x11  }
0xc6: {  	s0 =	sor.u32 s1, s0  }
0xc7: {  	s0 =	sadd.s32 $0x8F2B, s0  }
0xc8: {  	[sflag:s0] =	ssyncadd.remote.s32 $0x1  }
0xc9: {  	_ =	sfence.sel $0xFFFF  }
0xca: {  	[dreg:$0x0] =	wrdreg $0xFFFFFFFF;
	(pc) =	sbr.abs _section_cstart, $3  }
0xcb: {  	[dreg:$0x1] =	wrdreg $0xFFFFFFFF  }
0xcc: {  	_ =	task.clear_ibuf [dreg:s8], $0x2FFFF;
	_ =	strace $0x9FFFFFFF  }
0xcd: {  	(tm) =	ssettm $0x7FFFFFFF  }
tec
execute0_lowered:
.L_overlay_start_1:
0x0: {  	(tag) =	ssettag $0x1  }
0x1: {  	s4 =	rddreg [dreg:$0x0]  }
0x2: {  	s3 =	rddreg [dreg:$0x1]  }
0x3: {  	s5 =	rddreg [dreg:$0x2]  }
0x4: {  	s11 =	rddreg [dreg:$0x3]  }
0x5: {  	s2 =	rddreg [dreg:$0x4]  }
0x6: {  	s7 =	rddreg [dreg:$0x5]  }
0x7: {  	s8 =	rddreg [dreg:$0x6];
	s14 =	simm.s32 $0x0  }
0x8: {  	[smem:$0x7FF] =	sst s14  }
0x9: {  	s0 =	rddreg [dreg:$0x7];
	v0 =	vimm.s32 $0x0;
	_ =	strace $0x80000047  }
0xa: {  	(xrf1) =	vunique.msk.u32 $0xffff, v0;
	_ =	sdelay $0x6  }
0xb: {  	s1 =	srdreg.scid  }
0xc: {  	s1 =	sand.u32 $0x1, s1  }
0xd: {  	p0 =	seq.s32 s1, $0x1  }
.Ltmp0:
0xe: {  	_ = 	snop;
	(pc) =	sbr.rel @p0 .LBB2_28-.Ltmp0, $2  }
0xf: {  	_ =	sdelay $0x2  }
0x10: {  	s1 =	stileid.u32;
	_, v0, _ =	vpop (xrf1)  }
0x11: {  	s16 =	sshll.u32 s1, $0xB;
	s9 =	sshll.u32 s1, $0x7  }
0x12: {  	s15 =	sshll.u32 s1, $0xA;
	s17 =	simm.s32 $0x2;
	s31 =	sshll.u32 s1, $0x6  }
0x13: {  	s6 =	sand.u32 $0x4000, s16;
	s10 =	sand.u32 $0x380, s9;
	s4 =	sadd.s32 s4, s9  }
0x14: {  	s13 =	sadd.s32 s15, s11;
	s12 =	sadd.s32 s15, s2;
	s9 =	sadd.s32 s15, s8  }
0x15: {  	[tilespmem:s14], [sflag:$0x2] =	stream.linear.gather [hbm4b:s4+s14], $0x400, $0x38;
	[tilespmem:$0xAD00] =	vst v63  }
0x16: {  	s30 =	sshrl.u32 s16, $0x2;
	s3 =	sadd.s32 s3, s31;
	_ =	swait.ge [sflag:s17], $0x400  }
0x17: {  	v1 =	vsub.s32 $0x1, v0;
	s6 =	sadd.s32 s6, s5;
	s4 =	sadd.s32 s30, s2;
	[sflag:s17] =	ssyncset.done $0x0  }
0x18: {  	v0 =	vbroadcast v0, $0x0;
	v2 =	vlaneseq.u32;
	v1 =	vbroadcast v1, $0x0;
	s6 =	sadd.s32 s10, s6;
	s10 =	sadd.s32 s15, s7;
	[sflag:s17] =	ssyncadd.s32 $0xFFFFFC00  }
.LBB2_2:
0x19: {  	p0 =	sne.s32 s14, $0xFC0  }
.Ltmp1:
0x1a: {  	_ = 	snop;
	(pc) =	sbr.rel @p0 .LBB2_2-.Ltmp1, $3  }
0x1b: {  	_ =	sdelay $0x1  }
0x1c: {  	v3 =	vor.u32 s15, v2;
	s16 =	sshra.s32 s14, $0x2  }
0x1d: {  	s15 =	sadd.s32 $0x10, s15;
	s14 =	sadd.s32 $0x40, s14;
	[tilespmem:s16+$0x400] =	vst v3  }
0x1e: {  	s14 =	simm.s32 $0x0;
	v2 =	vimm.s32 $0x0  }
.LBB2_4:
0x1f: {  	p0 =	sne.s32 s14, $0x1FC0  }
.Ltmp2:
0x20: {  	_ = 	snop;
	(pc) =	sbr.rel @p0 .LBB2_4-.Ltmp2, $3  }
0x21: {  	_ =	sdelay $0x1  }
0x22: {  	s15 =	sshra.s32 s14, $0x2  }
0x23: {  	s14 =	sadd.s32 $0x40, s14;
	[tilespmem:s15+$0x800] =	vst v2  }
0x24: {  	s14 =	simm.s32 $0x800;
	s16 =	simm.s32 $0x0;
	s15 =	simm.s32 $0x40  }
.LBB2_6:
0x25: {  	p0 =	sne.s32 s15, $0xFC0;
	v2 =	vld [tilespmem:s16+$0x0];
	_ =	sdelay $0x4  }
0x26: {  	v2 =	vand.u32 $0x7FF, v2  }
0x27: {  	(xrf1) =	vunique.msk.u32 $0xffff, v2;
	_ =	sdelay $0xb  }
0x28: {  	v3 =	vld.idx.msk [tilespmem:v2+s14+$0x0], $0xffff;
	_ =	sdelay $0x1  }
0x29: {  	_, v4, vm0 =	vpop (xrf1);
	_ =	sdelay $0x1  }
.Ltmp3:
0x2a: {  	(pc) =	sbr.rel @p0 .LBB2_6-.Ltmp3, $4  }
0x2b: {  	_ = 	snop  }
0x2c: {  	v3 =	vadd.s32 v3, v1  }
0x2d: {  	v3 =	vadd.s32 v4, v3  }
0x2e: {  	s16 =	sshra.s32 s15, $0x2;
	s15 =	sadd.s32 $0x40, s15;
	[tilespmem:v2+s14+$0x0] =	vst.idx.msk vm0, v3  }
0x2f: {  	v2 =	vld [tilespmem:s16+$0x0];
	_ =	sdelay $0x4  }
0x30: {  	v2 =	vand.u32 $0x7FF, v2  }
0x31: {  	(xrf1) =	vunique.msk.u32 $0xffff, v2;
	_ =	sdelay $0xc  }
0x32: {  	v3 =	vld.idx.msk [tilespmem:v2+s14+$0x0], $0xffff  }
0x33: {  	_, v4, vm0 =	vpop (xrf1);
	_ =	sdelay $0x3  }
0x34: {  	v3 =	vadd.s32 v3, v1  }
0x35: {  	s15 =	simm.s32 $0x80;
	v3 =	vadd.s32 v4, v3  }
0x36: {  	s25 =	simm.s32 $0x400;
	s26 =	simm.s32 $0x2;
	[tilespmem:v2+s14+$0x0] =	vst.idx.msk vm0, v3;
	s14 =	simm.s32 $0x800  }
0x37: {  	[spmem:s6] =	stream.strided.scatter [tilespmem:s14], [sflag:$0x2], $0x800, s25, s15, $0x38;
	[tilespmem:$0xAD00] =	vst v63  }
0x38: {  	_ =	swait.ge [sflag:s26], $0x800  }
0x39: {  	[sflag:s26] =	ssyncset.done $0x0  }
0x3a: {  	[sflag:s26] =	ssyncadd.s32 $0xFFFFF800  }
0x3b: {  	s28 =	simm.s32 $0x1000;
	[bflag:$0x0] =	sbarrier.arrive $0xFFFF  }
0x3c: {  	[tilespmem:s28], [sflag:$0x2] =	stream.linear.gather [spmem:s5], $0x8000, $0x38;
	[tilespmem:$0xAD00] =	vst v63  }
0x3d: {  	s15 =	simm.s32 $0x0;
	_ =	swait.ge [sflag:s26], $0x8000  }
0x3e: {  	s17 =	sand.u32 $0x70, s15;
	s18 =	sand.u32 $0x3C00, s15;
	[sflag:s26] =	ssyncset.done $0x0  }
0x3f: {  	s29 =	sor.u32 s17, s18;
	[sflag:s26] =	ssyncadd.s32 $0xFFFF8000  }
0x40: {  	v2 =	vld [tilespmem:s29+$0x1080]  }
0x41: {  	v3 =	vld [tilespmem:s29+$0x1000]  }
0x42: {  	p0 =	seq.s32 s1, $0x0;
	v54 =	vld [tilespmem:s29+$0x1100]  }
0x43: {  	s17 =	simm.s32 @!p0 $0x0;
	v5 =	vld [tilespmem:s29+$0x1180]  }
0x44: {  	p1 =	sgt.u32 s1, $0x1;
	s17 =	simm.s32 @p0 $0x1;
	v6 =	vld [tilespmem:s29+$0x1200]  }
0x45: {  	[smem:$0x7F4] =	sst s17;
	s17 =	simm.s32 @!p1 $0x0;
	v7 =	vld [tilespmem:s29+$0x1280]  }
0x46: {  	s17 =	simm.s32 @p1 $0x1;
	v9 =	vld [tilespmem:s29+$0x1300];
	v8 =	vadd.s32 v3, v2;
	v3 =	vpsel p0, $0x0, v3;
	p0 =	sgt.u32 s1, $0x2  }
0x47: {  	v10 =	vld [tilespmem:s29+$0x1380];
	[smem:$0x7F5] =	sst s17;
	v8 =	vadd.s32 v54, v8;
	s17 =	simm.s32 @!p0 $0x0  }
0x48: {  	v11 =	vld [tilespmem:s29+$0x5000];
	v2 =	vpsel !p1, $0x0, v2;
	p1 =	sgt.u32 s1, $0x3;
	v8 =	vadd.s32 v5, v8;
	s17 =	simm.s32 @p0 $0x1  }
0x49: {  	v12 =	vld [tilespmem:s29+$0x5080];
	v3 =	vadd.s32 s15, v3;
	v4 =	vpsel !p0, $0x0, v54;
	v8 =	vadd.s32 v6, v8;
	[smem:$0x7F6] =	sst s17;
	s17 =	simm.s32 @!p1 $0x0  }
0x4a: {  	v13 =	vld [tilespmem:s29+$0x5100];
	v2 =	vadd.s32 v2, v3;
	p0 =	sgt.u32 s1, $0x4;
	v3 =	vpsel !p1, $0x0, v5;
	v8 =	vadd.s32 v7, v8;
	s17 =	simm.s32 @p1 $0x1;
	p1 =	sgt.u32 s1, $0x5  }
0x4b: {  	v14 =	vld [tilespmem:s29+$0x5180];
	v8 =	vadd.s32 v9, v8;
	[smem:$0x7F7] =	sst s17;
	s17 =	simm.s32 @!p0 $0x0;
	s16 =	simm.s32 @!p1 $0x0  }
0x4c: {  	v15 =	vld [tilespmem:s29+$0x5200];
	v57 =	vpsel !p0, $0x0, v6;
	v8 =	vadd.s32 v10, v8;
	s17 =	simm.s32 @p0 $0x1;
	p0 =	sgt.u32 s1, $0x6;
	s16 =	simm.s32 @p1 $0x1  }
0x4d: {  	v16 =	vld [tilespmem:s29+$0x5280];
	v2 =	vadd.s32 v4, v2;
	v8 =	vadd.s32 v11, v8;
	[smem:$0x7F9] =	sst s16;
	s16 =	simm.s32 @!p0 $0x0  }
0x4e: {  	v56 =	vld [tilespmem:s29+$0x5300];
	v2 =	vadd.s32 v3, v2;
	v59 =	vpsel !p0, $0x0, v9;
	v55 =	vadd.s32 v12, v8;
	s16 =	simm.s32 @p0 $0x1;
	p0 =	sgt.u32 s1, $0x7  }
0x4f: {  	v58 =	vld [tilespmem:s29+$0x5380];
	v3 =	vpsel !p1, $0x0, v7;
	v2 =	vadd.s32 v57, v2;
	v5 =	vadd.s32 v13, v55;
	[smem:$0x7FA] =	sst s16;
	s16 =	simm.s32 @!p0 $0x0  }
0x50: {  	v2 =	vadd.s32 v3, v2;
	v3 =	vpsel !p0, $0x0, v10;
	v5 =	vadd.s32 v14, v5;
	s16 =	simm.s32 @p0 $0x1;
	p0 =	sgt.u32 s1, $0x8  }
0x51: {  	v5 =	vadd.s32 v15, v5;
	[smem:$0x7FB] =	sst s16;
	s16 =	simm.s32 @!p0 $0x0  }
0x52: {  	v2 =	vadd.s32 v59, v2;
	v60 =	vpsel !p0, $0x0, v11;
	v5 =	vadd.s32 v16, v5;
	s16 =	simm.s32 @p0 $0x1;
	p0 =	sgt.u32 s1, $0x9  }
0x53: {  	v2 =	vadd.s32 v3, v2;
	[smem:$0x7FC] =	sst s16;
	v5 =	vadd.s32 v56, v5;
	s16 =	simm.s32 @!p0 $0x0  }
0x54: {  	v2 =	vadd.s32 v60, v2;
	v3 =	vpsel !p0, $0x0, v12;
	s16 =	simm.s32 @p0 $0x1;
	v5 =	vadd.s32 v58, v5;
	p0 =	sgt.u32 s1, $0xA  }
0x55: {  	p6 =	sgt.u32 s1, $0xB;
	v2 =	vadd.s32 v3, v2;
	v61 =	vpsel !p0, $0x0, v13;
	(xrf0) =	vadd.scan.msk.s32 $0xffff, v5  }
0x56: {  	p2 =	sgt.u32 s1, $0xC;
	v3 =	vpsel !p6, $0x0, v14;
	v2 =	vadd.s32 v61, v2  }
0x57: {  	p3 =	sgt.u32 s1, $0xD;
	v62 =	vpsel !p2, $0x0, v15;
	v2 =	vadd.s32 v3, v2  }
0x58: {  	p4 =	seq.s32 s1, $0xF;
	v3 =	vpsel !p3, $0x0, v16;
	v2 =	vadd.s32 v62, v2  }
0x59: {  	v63 =	vpsel !p4, $0x0, v56;
	v2 =	vadd.s32 v3, v2  }
0x5a: {  	v2 =	vadd.s32 v63, v2  }
0x5b: {  	s30 =	simm.s32 $0x10;
	[smem:$0x7FD] =	sst s16;
	s16 =	simm.s32 $0x80;
	v3, _, _ =	vpop (xrf0);
	v2 =	vsub.s32 v2, v5  }
0x5c: {  	[smem:$0x7F8] =	sst s17;
	s17 =	sand.u32 $0x70, s30;
	s31 =	sand.u32 $0x3C00, s16;
	v2 =	vadd.s32 v3, v2  }
0x5d: {  	s18 =	sor.u32 s17, s31;
	s17 =	simm.s32 $0x20;
	(v2sf) =	vpush v3, $0xF;
	[tilespmem:s14+$0x0] =	vst v2  }
.LBB2_8:
0x5e: {  	_ =	sdelay $0x3  }
0x5f: {  	v2 =	vld [tilespmem:s18+$0x1080]  }
0x60: {  	v3 =	vld [tilespmem:s18+$0x1000];
	s19 =	sld [smem:$0x7F5]  }
0x61: {  	v4 =	vld [tilespmem:s18+$0x1100];
	s20 =	sld [smem:$0x7F4]  }
0x62: {  	v5 =	vld [tilespmem:s18+$0x1180]  }
0x63: {  	v6 =	vld [tilespmem:s18+$0x1200];
	p5 =	seq.s32 s19, $0x1  }
0x64: {  	v8 =	vld [tilespmem:s18+$0x1280];
	v7 =	vpsel !p5, $0x0, v2;
	p5 =	seq.s32 s20, $0x1  }
0x65: {  	v2 =	vadd.s32 v3, v2;
	v9 =	vpsel p5, $0x0, v3;
	v3 =	vld [tilespmem:s18+$0x1300]  }
0x66: {  	v10 =	vld [tilespmem:s18+$0x1380];
	v2 =	vadd.s32 v4, v2  }
0x67: {  	v11 =	vld [tilespmem:s18+$0x5000];
	v2 =	vadd.s32 v5, v2  }
0x68: {  	s21 =	sld [smem:$0x7F6];
	v12 =	vld [tilespmem:s18+$0x5080];
	v2 =	vadd.s32 v6, v2  }
0x69: {  	s22 =	sld [smem:$0x7F7];
	v13 =	vld [tilespmem:s18+$0x5100];
	v2 =	vadd.s32 v8, v2;
	s26 =	spop (v2sf)  }
0x6a: {  	s23 =	sld [smem:$0x7F8];
	v14 =	vld [tilespmem:s18+$0x5180];
	v2 =	vadd.s32 v3, v2;
	s15 =	sadd.s32 s15, s26  }
0x6b: {  	s24 =	sld [smem:$0x7F9];
	v15 =	vld [tilespmem:s18+$0x5200];
	p5 =	seq.s32 s21, $0x1;
	v2 =	vadd.s32 v10, v2;
	v9 =	vadd.s32 s15, v9  }
0x6c: {  	s25 =	sld [smem:$0x7FA];
	v16 =	vld [tilespmem:s18+$0x5280];
	v4 =	vpsel !p5, $0x0, v4;
	p5 =	seq.s32 s22, $0x1;
	v2 =	vadd.s32 v11, v2;
	v7 =	vadd.s32 v7, v9  }
0x6d: {  	v17 =	vld [tilespmem:s18+$0x5300];
	s20 =	sld [smem:$0x7FB];
	v5 =	vpsel !p5, $0x0, v5;
	p5 =	seq.s32 s23, $0x1;
	v2 =	vadd.s32 v12, v2;
	v4 =	vadd.s32 v4, v7  }
0x6e: {  	s28 =	sld [smem:$0x7FC];
	v58 =	vld [tilespmem:s18+$0x5380];
	v6 =	vpsel !p5, $0x0, v6;
	p5 =	seq.s32 s24, $0x1;
	v2 =	vadd.s32 v13, v2;
	v4 =	vadd.s32 v5, v4  }
0x6f: {  	s29 =	sld [smem:$0x7FD];
	v8 =	vpsel !p5, $0x0, v8;
	p5 =	seq.s32 s25, $0x1;
	v2 =	vadd.s32 v14, v2;
	v4 =	vadd.s32 v6, v4  }
0x70: {  	v3 =	vpsel !p5, $0x0, v3;
	p5 =	seq.s32 s20, $0x1;
	v2 =	vadd.s32 v15, v2;
	v4 =	vadd.s32 v8, v4  }
0x71: {  	v10 =	vpsel !p5, $0x0, v10;
	p5 =	seq.s32 s28, $0x1;
	v2 =	vadd.s32 v16, v2;
	v3 =	vadd.s32 v3, v4  }
0x72: {  	v11 =	vpsel !p5, $0x0, v11;
	p5 =	seq.s32 s29, $0x1;
	v2 =	vadd.s32 v17, v2;
	v3 =	vadd.s32 v10, v3  }
0x73: {  	v12 =	vpsel !p5, $0x0, v12;
	v2 =	vadd.s32 v58, v2;
	v3 =	vadd.s32 v11, v3  }
0x74: {  	v57 =	vpsel !p0, $0x0, v13;
	(xrf0) =	vadd.scan.msk.s32 $0xffff, v2;
	v3 =	vadd.s32 v12, v3  }
0x75: {  	v59 =	vpsel !p6, $0x0, v14;
	v3 =	vadd.s32 v57, v3  }
0x76: {  	v60 =	vpsel !p2, $0x0, v15;
	v3 =	vadd.s32 v59, v3  }
0x77: {  	p1 =	sne.s32 s17, $0x7F0;
	v61 =	vpsel !p3, $0x0, v16;
	v3 =	vadd.s32 v60, v3  }
.Ltmp4:
0x78: {  	v62 =	vpsel !p4, $0x0, v17;
	v3 =	vadd.s32 v61, v3;
	(pc) =	sbr.rel @p1 .LBB2_8-.Ltmp4, $4  }
0x79: {  	v3 =	vadd.s32 v62, v3  }
0x7a: {  	s16 =	sadd.s32 $0x80, s16;
	v63, _, _ =	vpop (xrf0);
	v2 =	vsub.s32 v3, v2  }
0x7b: {  	s14 =	sadd.s32 $0x10, s14;
	s30 =	sand.u32 $0x70, s17;
	s31 =	sand.u32 $0x3C00, s16;
	v2 =	vadd.s32 v63, v2  }
0x7c: {  	s17 =	sadd.s32 $0x10, s17;
	s18 =	sor.u32 s30, s31;
	(v2sf) =	vpush v63, $0xF;
	[tilespmem:s14+$0x0] =	vst v2  }
0x7d: {  	v2 =	vld [tilespmem:s18+$0x1080]  }
0x7e: {  	v3 =	vld [tilespmem:s18+$0x1000]  }
0x7f: {  	v4 =	vld [tilespmem:s18+$0x1100]  }
0x80: {  	v5 =	vld [tilespmem:s18+$0x1180]  }
0x81: {  	v6 =	vld [tilespmem:s18+$0x1200]  }
0x82: {  	v7 =	vld [tilespmem:s18+$0x1280]  }
0x83: {  	v9 =	vld [tilespmem:s18+$0x1300];
	v8 =	vadd.s32 v3, v2  }
0x84: {  	v10 =	vld [tilespmem:s18+$0x1380];
	v8 =	vadd.s32 v4, v8  }
0x85: {  	v11 =	vld [tilespmem:s18+$0x5000];
	v8 =	vadd.s32 v5, v8  }
0x86: {  	v12 =	vld [tilespmem:s18+$0x5080];
	v8 =	vadd.s32 v6, v8  }
0x87: {  	v13 =	vld [tilespmem:s18+$0x5100];
	v8 =	vadd.s32 v7, v8  }
0x88: {  	v14 =	vld [tilespmem:s18+$0x5180];
	v8 =	vadd.s32 v9, v8  }
0x89: {  	v15 =	vld [tilespmem:s18+$0x5200];
	v8 =	vadd.s32 v10, v8  }
0x8a: {  	v16 =	vld [tilespmem:s18+$0x5280];
	v8 =	vadd.s32 v11, v8  }
0x8b: {  	v17 =	vld [tilespmem:s18+$0x5300];
	v8 =	vadd.s32 v12, v8  }
0x8c: {  	v18 =	vld [tilespmem:s18+$0x5380];
	v8 =	vadd.s32 v13, v8  }
0x8d: {  	v8 =	vadd.s32 v14, v8  }
0x8e: {  	v8 =	vadd.s32 v15, v8  }
0x8f: {  	v8 =	vadd.s32 v16, v8  }
0x90: {  	v8 =	vadd.s32 v17, v8  }
0x91: {  	v8 =	vadd.s32 v18, v8  }
0x92: {  	s17 =	sld [smem:$0x7F4];
	(xrf0) =	vadd.scan.msk.s32 $0xffff, v8  }
0x93: {  	s21 =	sld [smem:$0x7F5]  }
0x94: {  	s22 =	sld [smem:$0x7F6]  }
0x95: {  	s23 =	sld [smem:$0x7F7];
	p1 =	seq.s32 s17, $0x1;
	s16 =	spop (v2sf)  }
0x96: {  	s24 =	sld [smem:$0x7F8];
	p5 =	seq.s32 s21, $0x1;
	v3 =	vpsel p1, $0x0, v3;
	s15 =	sadd.s32 s15, s16  }
0x97: {  	s25 =	sld [smem:$0x7F9];
	v2 =	vpsel !p5, $0x0, v2;
	p5 =	seq.s32 s22, $0x1;
	v3 =	vadd.s32 s15, v3  }
0x98: {  	s26 =	sld [smem:$0x7FA];
	v2 =	vadd.s32 v2, v3;
	v3 =	vpsel !p5, $0x0, v4;
	p5 =	seq.s32 s23, $0x1;
	v57, _, _ =	vpop (xrf0)  }
0x99: {  	s28 =	sld [smem:$0x7FB];
	v58 =	vpsel !p5, $0x0, v5;
	v2 =	vadd.s32 v3, v2;
	p5 =	seq.s32 s24, $0x1;
	(v2sf) =	vpush v57, $0xF  }
0x9a: {  	s29 =	sld [smem:$0x7FC];
	v3 =	vpsel !p5, $0x0, v6;
	v2 =	vadd.s32 v58, v2;
	p5 =	seq.s32 s25, $0x1  }
0x9b: {  	s30 =	sld [smem:$0x7FD];
	v59 =	vpsel !p5, $0x0, v7;
	v2 =	vadd.s32 v3, v2;
	p5 =	seq.s32 s26, $0x1  }
0x9c: {  	v3 =	vpsel !p5, $0x0, v9;
	v2 =	vadd.s32 v59, v2;
	p5 =	seq.s32 s28, $0x1  }
0x9d: {  	s15 =	simm.s32 @!p0 $0x0;
	v60 =	vpsel !p5, $0x0, v10;
	v2 =	vadd.s32 v3, v2;
	p5 =	seq.s32 s29, $0x1  }
0x9e: {  	s15 =	simm.s32 @p0 $0x1;
	v3 =	vpsel !p5, $0x0, v11;
	v2 =	vadd.s32 v60, v2;
	p5 =	seq.s32 s30, $0x1  }
0x9f: {  	[smem:$0x7EF] =	sst s15;
	s15 =	simm.s32 @!p6 $0x0;
	v61 =	vpsel !p5, $0x0, v12;
	v2 =	vadd.s32 v3, v2  }
0xa0: {  	s15 =	simm.s32 @p6 $0x1;
	v3 =	vpsel !p0, $0x0, v13;
	v2 =	vadd.s32 v61, v2  }
0xa1: {  	v62 =	vpsel !p6, $0x0, v14;
	[smem:$0x7F0] =	sst s15;
	s15 =	simm.s32 @!p2 $0x0;
	v2 =	vadd.s32 v3, v2  }
0xa2: {  	s15 =	simm.s32 @p2 $0x1;
	v3 =	vpsel !p2, $0x0, v15;
	v2 =	vadd.s32 v62, v2  }
0xa3: {  	s20 =	sadd.s32 $0x10, s14;
	v63 =	vpsel !p3, $0x0, v16;
	[smem:$0x7F1] =	sst s15;
	s15 =	simm.s32 @!p3 $0x0;
	v2 =	vadd.s32 v3, v2  }
0xa4: {  	s14 =	simm.s32 $0x0;
	s18 =	simm.s32 $0x9100;
	s15 =	simm.s32 @p3 $0x1;
	v3 =	vpsel !p4, $0x0, v17;
	v2 =	vadd.s32 v63, v2  }
0xa5: {  	s19 =	simm.s32 $0x9200;
	[smem:$0x7F2] =	sst s15;
	s15 =	simm.s32 @!p4 $0x0;
	v2 =	vadd.s32 v3, v2  }
0xa6: {  	s17 =	simm.s32 $0x9000;
	s21 =	simm.s32 $0x9180;
	s15 =	simm.s32 @p4 $0x1;
	v2 =	vsub.s32 v2, v8  }
0xa7: {  	s22 =	simm.s32 $0x9280;
	s16 =	simm.s32 $0x40;
	[smem:$0x7F3] =	sst s15;
	v2 =	vadd.s32 v57, v2  }
0xa8: {  	s15 =	simm.s32 $0x800;
	[tilespmem:s20+$0x0] =	vst v2;
	s20 =	simm.s32 $0x9080;
	s31 =	spop (v2sf)  }
.LBB2_10:
0xa9: {  	p1 =	seq.s32 s14, $0x0  }
0xaa: {  	s24 =	simm.s32 @!p1 $0x1  }
0xab: {  	_ =	swait.ge @!p1 [sflag:s24], $0x40  }
0xac: {  	[sflag:s24] =	ssyncset.done @!p1 $0x0  }
0xad: {  	[sflag:s24] =	ssyncadd.s32 @!p1 $0xFFFFFFC0  }
0xae: {  	_ =	swait.ge @!p1 [sflag:s24], $0x40  }
0xaf: {  	[sflag:s24] =	ssyncset.done @!p1 $0x0  }
0xb0: {  	s23 =	sshra.s32 s14, $0x2;
	[sflag:s24] =	ssyncadd.s32 @!p1 $0xFFFFFFC0  }
0xb1: {  	v2 =	vld [tilespmem:s23+$0x0];
	_ =	sdelay $0x4  }
0xb2: {  	v3 =	vand.u32 $0x7FF, v2  }
0xb3: {  	(xrf1) =	vunique.msk.u32 $0xffff, v3;
	_ =	sdelay $0xc  }
0xb4: {  	v4 =	vld.idx.msk [tilespmem:v3+s15+$0x0], $0xffff  }
0xb5: {  	_, v5, vm0 =	vpop (xrf1);
	_ =	sdelay $0x2  }
0xb6: {  	v5 =	vsub.s32 v5, v0  }
0xb7: {  	v6 =	vld [tilespmem:s23+$0x400];
	v4 =	vadd.s32 v4, v5  }
0xb8: {  	v5 =	vadd.s32 $0x1, v4  }
0xb9: {  	[tilespmem:v3+s15+$0x0] =	vst.idx.msk vm0, v5  }
0xba: {  	[tilespmem:$0x9000] =	vst v4  }
0xbb: {  	[tilespmem:$0x9100] =	vst v2  }
0xbc: {  	[tilespmem:$0x9200] =	vst v6  }
0xbd: {  	v2 =	vld [tilespmem:s23+$0x10];
	_ =	sdelay $0x4  }
0xbe: {  	v3 =	vand.u32 $0x7FF, v2  }
0xbf: {  	(xrf1) =	vunique.msk.u32 $0xffff, v3;
	_ =	sdelay $0xc  }
0xc0: {  	v4 =	vld.idx.msk [tilespmem:v3+s15+$0x0], $0xffff  }
0xc1: {  	_, v5, vm0 =	vpop (xrf1);
	_ =	sdelay $0x2  }
0xc2: {  	v5 =	vsub.s32 v5, v0  }
0xc3: {  	v6 =	vld [tilespmem:s23+$0x410];
	v4 =	vadd.s32 v4, v5  }
0xc4: {  	v5 =	vadd.s32 $0x1, v4  }
0xc5: {  	[tilespmem:v3+s15+$0x0] =	vst.idx.msk vm0, v5  }
0xc6: {  	[tilespmem:$0x9010] =	vst v4  }
0xc7: {  	[tilespmem:$0x9110] =	vst v2  }
0xc8: {  	[tilespmem:$0x9210] =	vst v6  }
0xc9: {  	v2 =	vld [tilespmem:s23+$0x20];
	_ =	sdelay $0x4  }
0xca: {  	v3 =	vand.u32 $0x7FF, v2  }
0xcb: {  	(xrf1) =	vunique.msk.u32 $0xffff, v3;
	_ =	sdelay $0xc  }
0xcc: {  	v4 =	vld.idx.msk [tilespmem:v3+s15+$0x0], $0xffff  }
0xcd: {  	_, v5, vm0 =	vpop (xrf1);
	_ =	sdelay $0x2  }
0xce: {  	v5 =	vsub.s32 v5, v0  }
0xcf: {  	v6 =	vld [tilespmem:s23+$0x420];
	v4 =	vadd.s32 v4, v5  }
0xd0: {  	v5 =	vadd.s32 $0x1, v4  }
0xd1: {  	[tilespmem:v3+s15+$0x0] =	vst.idx.msk vm0, v5  }
0xd2: {  	[tilespmem:$0x9020] =	vst v4  }
0xd3: {  	[tilespmem:$0x9120] =	vst v2  }
0xd4: {  	[tilespmem:$0x9220] =	vst v6  }
0xd5: {  	v2 =	vld [tilespmem:s23+$0x30];
	_ =	sdelay $0x4  }
0xd6: {  	v3 =	vand.u32 $0x7FF, v2  }
0xd7: {  	(xrf1) =	vunique.msk.u32 $0xffff, v3;
	_ =	sdelay $0xc  }
0xd8: {  	v4 =	vld.idx.msk [tilespmem:v3+s15+$0x0], $0xffff  }
0xd9: {  	_, v5, vm0 =	vpop (xrf1);
	_ =	sdelay $0x2  }
0xda: {  	v5 =	vsub.s32 v5, v0  }
0xdb: {  	v6 =	vld [tilespmem:s23+$0x430];
	v4 =	vadd.s32 v4, v5  }
0xdc: {  	v5 =	vadd.s32 $0x1, v4  }
0xdd: {  	[tilespmem:v3+s15+$0x0] =	vst.idx.msk vm0, v5  }
0xde: {  	[tilespmem:$0x9030] =	vst v4  }
0xdf: {  	[tilespmem:$0x9130] =	vst v2  }
0xe0: {  	[tilespmem:$0x9230] =	vst v6  }
0xe1: {  	[spmem:s11] =	stream.indirect.scatter [tilespmem:s18], [sflag:$0x1], $0x1, s17, s16, $0xb8;
	[tilespmem:$0xAD00] =	vst v63  }
0xe2: {  	_ = 	snop  }
0xe3: {  	[spmem:s2] =	stream.indirect.scatter [tilespmem:s19], [sflag:$0x1], $0x1, s17, s16, $0xb8;
	[tilespmem:$0xAD00] =	vst v63  }
0xe4: {  	_ =	swait.ge @!p1 [sflag:s24], $0x40  }
0xe5: {  	[sflag:s24] =	ssyncset.done @!p1 $0x0  }
0xe6: {  	[sflag:s24] =	ssyncadd.s32 @!p1 $0xFFFFFFC0  }
0xe7: {  	_ =	swait.ge @!p1 [sflag:s24], $0x40  }
0xe8: {  	[sflag:s24] =	ssyncset.done @!p1 $0x0  }
0xe9: {  	[sflag:s24] =	ssyncadd.s32 @!p1 $0xFFFFFFC0  }
0xea: {  	v2 =	vld [tilespmem:s23+$0x40];
	_ =	sdelay $0x4  }
0xeb: {  	v3 =	vand.u32 $0x7FF, v2  }
0xec: {  	(xrf1) =	vunique.msk.u32 $0xffff, v3;
	_ =	sdelay $0xc  }
0xed: {  	v62 =	vld.idx.msk [tilespmem:v3+s15+$0x0], $0xffff  }
0xee: {  	_, v5, vm0 =	vpop (xrf1);
	_ =	sdelay $0x2  }
0xef: {  	v5 =	vsub.s32 v5, v0  }
0xf0: {  	v63 =	vld [tilespmem:s23+$0x440];
	v4 =	vadd.s32 v62, v5  }
0xf1: {  	v5 =	vadd.s32 $0x1, v4  }
0xf2: {  	[tilespmem:v3+s15+$0x0] =	vst.idx.msk vm0, v5  }
0xf3: {  	[tilespmem:$0x9080] =	vst v4  }
0xf4: {  	[tilespmem:$0x9180] =	vst v2  }
0xf5: {  	[tilespmem:$0x9280] =	vst v63  }
0xf6: {  	v2 =	vld [tilespmem:s23+$0x50];
	_ =	sdelay $0x4  }
0xf7: {  	v3 =	vand.u32 $0x7FF, v2  }
0xf8: {  	(xrf1) =	vunique.msk.u32 $0xffff, v3;
	_ =	sdelay $0xc  }
0xf9: {  	v4 =	vld.idx.msk [tilespmem:v3+s15+$0x0], $0xffff  }
0xfa: {  	_, v5, vm0 =	vpop (xrf1);
	_ =	sdelay $0x2  }
0xfb: {  	v5 =	vsub.s32 v5, v0  }
0xfc: {  	v6 =	vld [tilespmem:s23+$0x450];
	v4 =	vadd.s32 v4, v5  }
0xfd: {  	v5 =	vadd.s32 $0x1, v4  }
0xfe: {  	[tilespmem:v3+s15+$0x0] =	vst.idx.msk vm0, v5  }
0xff: {  	[tilespmem:$0x9090] =	vst v4  }
0x100: {  	[tilespmem:$0x9190] =	vst v2  }
0x101: {  	[tilespmem:$0x9290] =	vst v6  }
0x102: {  	v2 =	vld [tilespmem:s23+$0x60];
	_ =	sdelay $0x4  }
0x103: {  	v3 =	vand.u32 $0x7FF, v2  }
0x104: {  	(xrf1) =	vunique.msk.u32 $0xffff, v3;
	_ =	sdelay $0xc  }
0x105: {  	v4 =	vld.idx.msk [tilespmem:v3+s15+$0x0], $0xffff  }
0x106: {  	_, v5, vm0 =	vpop (xrf1);
	_ =	sdelay $0x2  }
0x107: {  	v5 =	vsub.s32 v5, v0  }
0x108: {  	v6 =	vld [tilespmem:s23+$0x460];
	v4 =	vadd.s32 v4, v5  }
0x109: {  	v5 =	vadd.s32 $0x1, v4  }
0x10a: {  	[tilespmem:v3+s15+$0x0] =	vst.idx.msk vm0, v5  }
0x10b: {  	[tilespmem:$0x90A0] =	vst v4  }
0x10c: {  	[tilespmem:$0x91A0] =	vst v2  }
0x10d: {  	[tilespmem:$0x92A0] =	vst v6  }
0x10e: {  	v2 =	vld [tilespmem:s23+$0x70];
	_ =	sdelay $0x4  }
0x10f: {  	v3 =	vand.u32 $0x7FF, v2  }
0x110: {  	(xrf1) =	vunique.msk.u32 $0xffff, v3;
	_ =	sdelay $0xc  }
0x111: {  	v4 =	vld.idx.msk [tilespmem:v3+s15+$0x0], $0xffff  }
0x112: {  	_, v5, vm0 =	vpop (xrf1);
	_ =	sdelay $0x2  }
0x113: {  	v5 =	vsub.s32 v5, v0  }
0x114: {  	v6 =	vld [tilespmem:s23+$0x470];
	v4 =	vadd.s32 v4, v5  }
0x115: {  	v5 =	vadd.s32 $0x1, v4  }
0x116: {  	s14 =	sadd.s32 $0x200, s14;
	[tilespmem:v3+s15+$0x0] =	vst.idx.msk vm0, v5  }
0x117: {  	p1 =	sne.s32 s14, $0x1000;
	[tilespmem:$0x90B0] =	vst v4  }
.Ltmp5:
0x118: {  	[tilespmem:$0x91B0] =	vst v2;
	(pc) =	sbr.rel @p1 .LBB2_10-.Ltmp5, $4  }
0x119: {  	[tilespmem:$0x92B0] =	vst v6  }
0x11a: {  	[spmem:s11] =	stream.indirect.scatter [tilespmem:s21], [sflag:$0x1], $0x1, s20, s16, $0xb8;
	[tilespmem:$0xAD00] =	vst v63  }
0x11b: {  	_ = 	snop  }
0x11c: {  	[spmem:s2] =	stream.indirect.scatter [tilespmem:s22], [sflag:$0x1], $0x1, s20, s16, $0xb8;
	[tilespmem:$0xAD00] =	vst v63  }
0x11d: {  	s11 =	simm.s32 $0x1  }
0x11e: {  	_ =	swait.ge [sflag:s11], $0x40  }
0x11f: {  	[sflag:s11] =	ssyncset.done $0x0  }
0x120: {  	[sflag:s11] =	ssyncadd.s32 $0xFFFFFFC0  }
0x121: {  	_ =	swait.ge [sflag:s11], $0x40  }
0x122: {  	[sflag:s11] =	ssyncset.done $0x0  }
0x123: {  	[sflag:s11] =	ssyncadd.s32 $0xFFFFFFC0  }
0x124: {  	_ =	swait.ge [sflag:s11], $0x40  }
0x125: {  	[sflag:s11] =	ssyncset.done $0x0  }
0x126: {  	[sflag:s11] =	ssyncadd.s32 $0xFFFFFFC0  }
0x127: {  	_ =	swait.ge [sflag:s11], $0x40  }
0x128: {  	[sflag:s11] =	ssyncset.done $0x0  }
0x129: {  	[sflag:s11] =	ssyncadd.s32 $0xFFFFFFC0  }
0x12a: {  	s31 =	simm.s32 $0x2;
	s11 =	simm.s32 $0x0;
	[bflag:$0x0] =	sbarrier.arrive $0xFFFF  }
0x12b: {  	[tilespmem:s11], [sflag:$0x2] =	stream.linear.gather [spmem:s13], $0x400, $0x38;
	[tilespmem:$0xAD00] =	vst v63  }
0x12c: {  	_ =	swait.ge [sflag:s31], $0x400  }
0x12d: {  	[sflag:s31] =	ssyncset.done $0x0  }
0x12e: {  	s14 =	simm.s32 $0x400;
	[sflag:s31] =	ssyncadd.s32 $0xFFFFFC00  }
0x12f: {  	[tilespmem:s14], [sflag:$0x2] =	stream.linear.gather [spmem:s12], $0x400, $0x38;
	[tilespmem:$0xAD00] =	vst v63  }
0x130: {  	_ =	swait.ge [sflag:s31], $0x400  }
0x131: {  	[sflag:s31] =	ssyncset.done $0x0  }
0x132: {  	[sflag:s31] =	ssyncadd.s32 $0xFFFFFC00  }
0x133: {  	v2 =	vimm.s32 $0x0;
	[bflag:$0x0] =	sbarrier.arrive $0xFFFF  }
.LBB2_12:
0x134: {  	p1 =	sne.s32 s11, $0x1FC0  }
.Ltmp6:
0x135: {  	_ = 	snop;
	(pc) =	sbr.rel @p1 .LBB2_12-.Ltmp6, $3  }
0x136: {  	_ =	sdelay $0x1  }
0x137: {  	s12 =	sshra.s32 s11, $0x2  }
0x138: {  	s11 =	sadd.s32 $0x40, s11;
	[tilespmem:s12+$0x800] =	vst v2  }
0x139: {  	s14 =	sld [smem:$0x7F4];
	_ =	sdelay $0x1  }
0x13a: {  	s11 =	simm.s32 $0x800  }
0x13b: {  	s13 =	simm.s32 $0x0;
	s12 =	simm.s32 $0x40;
	p3 =	seq.s32 s14, $0x1  }
.LBB2_14:
0x13c: {  	p1 =	sne.s32 s12, $0xFC0;
	v2 =	vld [tilespmem:s13+$0x0];
	_ =	sdelay $0x4  }
0x13d: {  	v2 =	vshrl.u32 v2, $0xB  }
0x13e: {  	v2 =	vand.u32 $0x7FF, v2  }
0x13f: {  	(xrf1) =	vunique.msk.u32 $0xffff, v2;
	_ =	sdelay $0xb  }
0x140: {  	v3 =	vld.idx.msk [tilespmem:v2+s11+$0x0], $0xffff;
	_ =	sdelay $0x1  }
0x141: {  	_, v4, vm0 =	vpop (xrf1);
	_ =	sdelay $0x1  }
.Ltmp7:
0x142: {  	(pc) =	sbr.rel @p1 .LBB2_14-.Ltmp7, $4  }
0x143: {  	_ = 	snop  }
0x144: {  	v3 =	vadd.s32 v3, v1  }
0x145: {  	v3 =	vadd.s32 v4, v3  }
0x146: {  	s13 =	sshra.s32 s12, $0x2;
	s12 =	sadd.s32 $0x40, s12;
	[tilespmem:v2+s11+$0x0] =	vst.idx.msk vm0, v3  }
0x147: {  	v2 =	vld [tilespmem:s13+$0x0];
	_ =	sdelay $0x4  }
0x148: {  	v2 =	vshrl.u32 v2, $0xB  }
0x149: {  	v2 =	vand.u32 $0x7FF, v2  }
0x14a: {  	(xrf1) =	vunique.msk.u32 $0xffff, v2;
	_ =	sdelay $0xc  }
0x14b: {  	v3 =	vld.idx.msk [tilespmem:v2+s11+$0x0], $0xffff  }
0x14c: {  	_, v4, vm0 =	vpop (xrf1);
	_ =	sdelay $0x3  }
0x14d: {  	v3 =	vadd.s32 v3, v1  }
0x14e: {  	s12 =	simm.s32 $0x80;
	v3 =	vadd.s32 v4, v3  }
0x14f: {  	s28 =	simm.s32 $0x400;
	s29 =	simm.s32 $0x2;
	[tilespmem:v2+s11+$0x0] =	vst.idx.msk vm0, v3;
	s11 =	simm.s32 $0x800  }
0x150: {  	[spmem:s6] =	stream.strided.scatter [tilespmem:s11], [sflag:$0x2], $0x800, s28, s12, $0x38;
	[tilespmem:$0xAD00] =	vst v63  }
0x151: {  	_ =	swait.ge [sflag:s29], $0x800  }
0x152: {  	[sflag:s29] =	ssyncset.done $0x0  }
0x153: {  	[sflag:s29] =	ssyncadd.s32 $0xFFFFF800  }
0x154: {  	s30 =	simm.s32 $0x1000;
	[bflag:$0x0] =	sbarrier.arrive $0xFFFF  }
0x155: {  	[tilespmem:s30], [sflag:$0x2] =	stream.linear.gather [spmem:s5], $0x8000, $0x38;
	[tilespmem:$0xAD00] =	vst v63  }
0x156: {  	s12 =	simm.s32 $0x0;
	_ =	swait.ge [sflag:s29], $0x8000  }
0x157: {  	s14 =	sand.u32 $0x70, s12;
	s15 =	sand.u32 $0x3C00, s12;
	[sflag:s29] =	ssyncset.done $0x0  }
0x158: {  	s31 =	sor.u32 s14, s15;
	[sflag:s29] =	ssyncadd.s32 $0xFFFF8000  }
0x159: {  	v2 =	vld [tilespmem:s31+$0x1080]  }
0x15a: {  	v3 =	vld [tilespmem:s31+$0x1000]  }
0x15b: {  	v54 =	vld [tilespmem:s31+$0x1100]  }
0x15c: {  	v5 =	vld [tilespmem:s31+$0x1180]  }
0x15d: {  	v6 =	vld [tilespmem:s31+$0x1200]  }
0x15e: {  	v7 =	vld [tilespmem:s31+$0x1280]  }
0x15f: {  	v9 =	vld [tilespmem:s31+$0x1300];
	v8 =	vadd.s32 v3, v2  }
0x160: {  	v10 =	vld [tilespmem:s31+$0x1380];
	v8 =	vadd.s32 v54, v8  }
0x161: {  	s15 =	sld [smem:$0x7F5];
	v11 =	vld [tilespmem:s31+$0x5000];
	v8 =	vadd.s32 v5, v8  }
0x162: {  	s16 =	sld [smem:$0x7F6];
	v12 =	vld [tilespmem:s31+$0x5080];
	v8 =	vadd.s32 v6, v8  }
0x163: {  	s17 =	sld [smem:$0x7F7];
	v13 =	vld [tilespmem:s31+$0x5100];
	v8 =	vadd.s32 v7, v8  }
0x164: {  	s18 =	sld [smem:$0x7F8];
	v14 =	vld [tilespmem:s31+$0x5180];
	p0 =	seq.s32 s15, $0x1;
	v3 =	vpsel p3, $0x0, v3;
	v8 =	vadd.s32 v9, v8  }
0x165: {  	s19 =	sld [smem:$0x7F9];
	v15 =	vld [tilespmem:s31+$0x5200];
	p5 =	seq.s32 s16, $0x1;
	v2 =	vpsel !p0, $0x0, v2;
	v3 =	vadd.s32 s12, v3;
	v8 =	vadd.s32 v10, v8  }
0x166: {  	s20 =	sld [smem:$0x7FA];
	v16 =	vld [tilespmem:s31+$0x5280];
	p6 =	seq.s32 s17, $0x1;
	v4 =	vpsel !p5, $0x0, v54;
	v2 =	vadd.s32 v2, v3;
	v8 =	vadd.s32 v11, v8  }
0x167: {  	s21 =	sld [smem:$0x7FB];
	v56 =	vld [tilespmem:s31+$0x5300];
	p1 =	seq.s32 s18, $0x1;
	v3 =	vpsel !p6, $0x0, v5;
	v2 =	vadd.s32 v4, v2;
	v55 =	vadd.s32 v12, v8  }
0x168: {  	s22 =	sld [smem:$0x7FC];
	v58 =	vld [tilespmem:s31+$0x5380];
	p2 =	seq.s32 s19, $0x1;
	v57 =	vpsel !p1, $0x0, v6;
	v2 =	vadd.s32 v3, v2;
	v5 =	vadd.s32 v13, v55  }
0x169: {  	s23 =	sld [smem:$0x7FD];
	p3 =	seq.s32 s20, $0x1;
	v3 =	vpsel !p2, $0x0, v7;
	v2 =	vadd.s32 v57, v2;
	v5 =	vadd.s32 v14, v5  }
0x16a: {  	s24 =	sld [smem:$0x7EF];
	p4 =	seq.s32 s21, $0x1;
	v59 =	vpsel !p3, $0x0, v9;
	v2 =	vadd.s32 v3, v2;
	v5 =	vadd.s32 v15, v5  }
0x16b: {  	s25 =	sld [smem:$0x7F0];
	p5 =	seq.s32 s22, $0x1;
	v3 =	vpsel !p4, $0x0, v10;
	v2 =	vadd.s32 v59, v2;
	v5 =	vadd.s32 v16, v5  }
0x16c: {  	s26 =	sld [smem:$0x7F1];
	v60 =	vpsel !p5, $0x0, v11;
	p6 =	seq.s32 s23, $0x1;
	v2 =	vadd.s32 v3, v2;
	v5 =	vadd.s32 v56, v5  }
0x16d: {  	s28 =	sld [smem:$0x7F2];
	v3 =	vpsel !p6, $0x0, v12;
	p6 =	seq.s32 s24, $0x1;
	v2 =	vadd.s32 v60, v2;
	v5 =	vadd.s32 v58, v5  }
0x16e: {  	s29 =	sld [smem:$0x7F3];
	p0 =	seq.s32 s25, $0x1;
	v61 =	vpsel !p6, $0x0, v13;
	v2 =	vadd.s32 v3, v2;
	(xrf0) =	vadd.scan.msk.s32 $0xffff, v5  }
0x16f: {  	p2 =	seq.s32 s26, $0x1;
	v3 =	vpsel !p0, $0x0, v14;
	v2 =	vadd.s32 v61, v2  }
0x170: {  	v62 =	vpsel !p2, $0x0, v15;
	p4 =	seq.s32 s28, $0x1;
	v2 =	vadd.s32 v3, v2  }
0x171: {  	p5 =	seq.s32 s29, $0x1;
	v3 =	vpsel !p4, $0x0, v16;
	v2 =	vadd.s32 v62, v2  }
0x172: {  	v63 =	vpsel !p5, $0x0, v56;
	v2 =	vadd.s32 v3, v2  }
0x173: {  	v2 =	vadd.s32 v63, v2  }
0x174: {  	s13 =	simm.s32 $0x80;
	s30 =	simm.s32 $0x10;
	v2 =	vsub.s32 v2, v5;
	v3, _, _ =	vpop (xrf0)  }
0x175: {  	s14 =	sand.u32 $0x70, s30;
	s31 =	sand.u32 $0x3C00, s13;
	v2 =	vadd.s32 v3, v2  }
0x176: {  	s15 =	sor.u32 s14, s31;
	s14 =	simm.s32 $0x20;
	(v2sf) =	vpush v3, $0xF;
	[tilespmem:s11+$0x0] =	vst v2  }
.LBB2_16:
0x177: {  	_ =	sdelay $0x3  }
0x178: {  	v2 =	vld [tilespmem:s15+$0x1080]  }
0x179: {  	v3 =	vld [tilespmem:s15+$0x1000];
	s16 =	sld [smem:$0x7F5]  }
0x17a: {  	v4 =	vld [tilespmem:s15+$0x1100];
	s20 =	sld [smem:$0x7F4]  }
0x17b: {  	v5 =	vld [tilespmem:s15+$0x1180]  }
0x17c: {  	v6 =	vld [tilespmem:s15+$0x1200];
	p3 =	seq.s32 s16, $0x1  }
0x17d: {  	v8 =	vld [tilespmem:s15+$0x1280];
	v7 =	vpsel !p3, $0x0, v2;
	p3 =	seq.s32 s20, $0x1  }
0x17e: {  	v2 =	vadd.s32 v3, v2;
	v9 =	vpsel p3, $0x0, v3;
	v3 =	vld [tilespmem:s15+$0x1300]  }
0x17f: {  	v10 =	vld [tilespmem:s15+$0x1380];
	v2 =	vadd.s32 v4, v2  }
0x180: {  	v11 =	vld [tilespmem:s15+$0x5000];
	v2 =	vadd.s32 v5, v2  }
0x181: {  	s21 =	sld [smem:$0x7F6];
	v12 =	vld [tilespmem:s15+$0x5080];
	v2 =	vadd.s32 v6, v2  }
0x182: {  	s22 =	sld [smem:$0x7F7];
	v13 =	vld [tilespmem:s15+$0x5100];
	v2 =	vadd.s32 v8, v2;
	s26 =	spop (v2sf)  }
0x183: {  	s23 =	sld [smem:$0x7F8];
	v14 =	vld [tilespmem:s15+$0x5180];
	v2 =	vadd.s32 v3, v2;
	s12 =	sadd.s32 s12, s26  }
0x184: {  	s24 =	sld [smem:$0x7F9];
	v15 =	vld [tilespmem:s15+$0x5200];
	p3 =	seq.s32 s21, $0x1;
	v2 =	vadd.s32 v10, v2;
	v9 =	vadd.s32 s12, v9  }
0x185: {  	s25 =	sld [smem:$0x7FA];
	v16 =	vld [tilespmem:s15+$0x5280];
	v4 =	vpsel !p3, $0x0, v4;
	p3 =	seq.s32 s22, $0x1;
	v2 =	vadd.s32 v11, v2;
	v7 =	vadd.s32 v7, v9  }
0x186: {  	s17 =	sld [smem:$0x7FB];
	v17 =	vld [tilespmem:s15+$0x5300];
	v5 =	vpsel !p3, $0x0, v5;
	p3 =	seq.s32 s23, $0x1;
	v2 =	vadd.s32 v12, v2;
	v4 =	vadd.s32 v4, v7  }
0x187: {  	s28 =	sld [smem:$0x7FC];
	v58 =	vld [tilespmem:s15+$0x5380];
	v6 =	vpsel !p3, $0x0, v6;
	p3 =	seq.s32 s24, $0x1;
	v2 =	vadd.s32 v13, v2;
	v4 =	vadd.s32 v5, v4  }
0x188: {  	s29 =	sld [smem:$0x7FD];
	v8 =	vpsel !p3, $0x0, v8;
	p3 =	seq.s32 s25, $0x1;
	v2 =	vadd.s32 v14, v2;
	v4 =	vadd.s32 v6, v4  }
0x189: {  	v3 =	vpsel !p3, $0x0, v3;
	p3 =	seq.s32 s17, $0x1;
	v2 =	vadd.s32 v15, v2;
	v4 =	vadd.s32 v8, v4  }
0x18a: {  	v10 =	vpsel !p3, $0x0, v10;
	p3 =	seq.s32 s28, $0x1;
	v2 =	vadd.s32 v16, v2;
	v3 =	vadd.s32 v3, v4  }
0x18b: {  	v11 =	vpsel !p3, $0x0, v11;
	p3 =	seq.s32 s29, $0x1;
	v2 =	vadd.s32 v17, v2;
	v3 =	vadd.s32 v10, v3  }
0x18c: {  	v12 =	vpsel !p3, $0x0, v12;
	v2 =	vadd.s32 v58, v2;
	v3 =	vadd.s32 v11, v3  }
0x18d: {  	v57 =	vpsel !p6, $0x0, v13;
	(xrf0) =	vadd.scan.msk.s32 $0xffff, v2;
	v3 =	vadd.s32 v12, v3  }
0x18e: {  	v59 =	vpsel !p0, $0x0, v14;
	v3 =	vadd.s32 v57, v3  }
0x18f: {  	v60 =	vpsel !p2, $0x0, v15;
	v3 =	vadd.s32 v59, v3  }
0x190: {  	p1 =	sne.s32 s14, $0x7F0;
	v61 =	vpsel !p4, $0x0, v16;
	v3 =	vadd.s32 v60, v3  }
.Ltmp8:
0x191: {  	v62 =	vpsel !p5, $0x0, v17;
	v3 =	vadd.s32 v61, v3;
	(pc) =	sbr.rel @p1 .LBB2_16-.Ltmp8, $4  }
0x192: {  	v3 =	vadd.s32 v62, v3  }
0x193: {  	s13 =	sadd.s32 $0x80, s13;
	v63, _, _ =	vpop (xrf0);
	v2 =	vsub.s32 v3, v2  }
0x194: {  	s11 =	sadd.s32 $0x10, s11;
	s30 =	sand.u32 $0x70, s14;
	s31 =	sand.u32 $0x3C00, s13;
	v2 =	vadd.s32 v63, v2  }
0x195: {  	s14 =	sadd.s32 $0x10, s14;
	s15 =	sor.u32 s30, s31;
	(v2sf) =	vpush v63, $0xF;
	[tilespmem:s11+$0x0] =	vst v2  }
0x196: {  	v2 =	vld [tilespmem:s15+$0x1080]  }
0x197: {  	v3 =	vld [tilespmem:s15+$0x1000]  }
0x198: {  	v4 =	vld [tilespmem:s15+$0x1100]  }
0x199: {  	v5 =	vld [tilespmem:s15+$0x1180]  }
0x19a: {  	v6 =	vld [tilespmem:s15+$0x1200]  }
0x19b: {  	v7 =	vld [tilespmem:s15+$0x1280]  }
0x19c: {  	v9 =	vld [tilespmem:s15+$0x1300];
	v8 =	vadd.s32 v3, v2  }
0x19d: {  	v10 =	vld [tilespmem:s15+$0x1380];
	v8 =	vadd.s32 v4, v8  }
0x19e: {  	v11 =	vld [tilespmem:s15+$0x5000];
	v8 =	vadd.s32 v5, v8  }
0x19f: {  	v12 =	vld [tilespmem:s15+$0x5080];
	v8 =	vadd.s32 v6, v8  }
0x1a0: {  	v13 =	vld [tilespmem:s15+$0x5100];
	v8 =	vadd.s32 v7, v8  }
0x1a1: {  	v14 =	vld [tilespmem:s15+$0x5180];
	v8 =	vadd.s32 v9, v8  }
0x1a2: {  	v15 =	vld [tilespmem:s15+$0x5200];
	v8 =	vadd.s32 v10, v8  }
0x1a3: {  	v16 =	vld [tilespmem:s15+$0x5280];
	v8 =	vadd.s32 v11, v8  }
0x1a4: {  	v17 =	vld [tilespmem:s15+$0x5300];
	v8 =	vadd.s32 v12, v8  }
0x1a5: {  	v18 =	vld [tilespmem:s15+$0x5380];
	v8 =	vadd.s32 v13, v8  }
0x1a6: {  	v8 =	vadd.s32 v14, v8  }
0x1a7: {  	v8 =	vadd.s32 v15, v8  }
0x1a8: {  	v8 =	vadd.s32 v16, v8  }
0x1a9: {  	v8 =	vadd.s32 v17, v8  }
0x1aa: {  	v8 =	vadd.s32 v18, v8  }
0x1ab: {  	s14 =	sld [smem:$0x7F4];
	(xrf0) =	vadd.scan.msk.s32 $0xffff, v8  }
0x1ac: {  	s21 =	sld [smem:$0x7F5]  }
0x1ad: {  	s22 =	sld [smem:$0x7F6]  }
0x1ae: {  	s23 =	sld [smem:$0x7F7];
	p1 =	seq.s32 s14, $0x1;
	s13 =	spop (v2sf)  }
0x1af: {  	s24 =	sld [smem:$0x7F8];
	p3 =	seq.s32 s21, $0x1;
	v3 =	vpsel p1, $0x0, v3;
	s12 =	sadd.s32 s12, s13  }
0x1b0: {  	s25 =	sld [smem:$0x7F9];
	v2 =	vpsel !p3, $0x0, v2;
	p3 =	seq.s32 s22, $0x1;
	v3 =	vadd.s32 s12, v3  }
0x1b1: {  	s26 =	sld [smem:$0x7FA];
	v2 =	vadd.s32 v2, v3;
	v3 =	vpsel !p3, $0x0, v4;
	p3 =	seq.s32 s23, $0x1;
	v57, _, _ =	vpop (xrf0)  }
0x1b2: {  	s28 =	sld [smem:$0x7FB];
	v58 =	vpsel !p3, $0x0, v5;
	v2 =	vadd.s32 v3, v2;
	p3 =	seq.s32 s24, $0x1;
	(v2sf) =	vpush v57, $0xF  }
0x1b3: {  	s29 =	sld [smem:$0x7FC];
	v3 =	vpsel !p3, $0x0, v6;
	v2 =	vadd.s32 v58, v2;
	p3 =	seq.s32 s25, $0x1  }
0x1b4: {  	s30 =	sld [smem:$0x7FD];
	v59 =	vpsel !p3, $0x0, v7;
	v2 =	vadd.s32 v3, v2;
	p3 =	seq.s32 s26, $0x1  }
0x1b5: {  	v3 =	vpsel !p3, $0x0, v9;
	v2 =	vadd.s32 v59, v2;
	p3 =	seq.s32 s28, $0x1  }
0x1b6: {  	v60 =	vpsel !p3, $0x0, v10;
	v2 =	vadd.s32 v3, v2;
	p3 =	seq.s32 s29, $0x1  }
0x1b7: {  	v3 =	vpsel !p3, $0x0, v11;
	v2 =	vadd.s32 v60, v2;
	p3 =	seq.s32 s30, $0x1  }
0x1b8: {  	v61 =	vpsel !p3, $0x0, v12;
	v2 =	vadd.s32 v3, v2  }
0x1b9: {  	v3 =	vpsel !p6, $0x0, v13;
	v2 =	vadd.s32 v61, v2  }
0x1ba: {  	v62 =	vpsel !p0, $0x0, v14;
	v2 =	vadd.s32 v3, v2  }
0x1bb: {  	v3 =	vpsel !p2, $0x0, v15;
	v2 =	vadd.s32 v62, v2  }
0x1bc: {  	v63 =	vpsel !p4, $0x0, v16;
	v2 =	vadd.s32 v3, v2  }
0x1bd: {  	v3 =	vpsel !p5, $0x0, v17;
	v2 =	vadd.s32 v63, v2  }
0x1be: {  	s17 =	sadd.s32 $0x10, s11;
	s11 =	simm.s32 $0x0;
	v2 =	vadd.s32 v3, v2  }
0x1bf: {  	s15 =	simm.s32 $0x9100;
	s16 =	simm.s32 $0x9200;
	s18 =	simm.s32 $0x9180;
	v2 =	vsub.s32 v2, v8  }
0x1c0: {  	s19 =	simm.s32 $0x9280;
	s14 =	simm.s32 $0x9000;
	s13 =	simm.s32 $0x40;
	v2 =	vadd.s32 v57, v2  }
0x1c1: {  	s12 =	simm.s32 $0x800;
	[tilespmem:s17+$0x0] =	vst v2;
	s17 =	simm.s32 $0x9080;
	s31 =	spop (v2sf)  }
.LBB2_18:
0x1c2: {  	p1 =	seq.s32 s11, $0x0  }
0x1c3: {  	s21 =	simm.s32 @!p1 $0x1  }
0x1c4: {  	_ =	swait.ge @!p1 [sflag:s21], $0x40  }
0x1c5: {  	[sflag:s21] =	ssyncset.done @!p1 $0x0  }
0x1c6: {  	[sflag:s21] =	ssyncadd.s32 @!p1 $0xFFFFFFC0  }
0x1c7: {  	_ =	swait.ge @!p1 [sflag:s21], $0x40  }
0x1c8: {  	[sflag:s21] =	ssyncset.done @!p1 $0x0  }
0x1c9: {  	s20 =	sshra.s32 s11, $0x2;
	[sflag:s21] =	ssyncadd.s32 @!p1 $0xFFFFFFC0  }
0x1ca: {  	v2 =	vld [tilespmem:s20+$0x0];
	_ =	sdelay $0x4  }
0x1cb: {  	v3 =	vshrl.u32 v2, $0xB  }
0x1cc: {  	v3 =	vand.u32 $0x7FF, v3  }
0x1cd: {  	(xrf1) =	vunique.msk.u32 $0xffff, v3;
	_ =	sdelay $0xc  }
0x1ce: {  	v4 =	vld.idx.msk [tilespmem:v3+s12+$0x0], $0xffff  }
0x1cf: {  	_, v5, vm0 =	vpop (xrf1);
	_ =	sdelay $0x2  }
0x1d0: {  	v5 =	vsub.s32 v5, v0  }
0x1d1: {  	v6 =	vld [tilespmem:s20+$0x400];
	v4 =	vadd.s32 v4, v5  }
0x1d2: {  	v5 =	vadd.s32 $0x1, v4  }
0x1d3: {  	[tilespmem:v3+s12+$0x0] =	vst.idx.msk vm0, v5  }
0x1d4: {  	[tilespmem:$0x9000] =	vst v4  }
0x1d5: {  	[tilespmem:$0x9100] =	vst v2  }
0x1d6: {  	[tilespmem:$0x9200] =	vst v6  }
0x1d7: {  	v2 =	vld [tilespmem:s20+$0x10];
	_ =	sdelay $0x4  }
0x1d8: {  	v3 =	vshrl.u32 v2, $0xB  }
0x1d9: {  	v3 =	vand.u32 $0x7FF, v3  }
0x1da: {  	(xrf1) =	vunique.msk.u32 $0xffff, v3;
	_ =	sdelay $0xc  }
0x1db: {  	v4 =	vld.idx.msk [tilespmem:v3+s12+$0x0], $0xffff  }
0x1dc: {  	_, v5, vm0 =	vpop (xrf1);
	_ =	sdelay $0x2  }
0x1dd: {  	v5 =	vsub.s32 v5, v0  }
0x1de: {  	v6 =	vld [tilespmem:s20+$0x410];
	v4 =	vadd.s32 v4, v5  }
0x1df: {  	v5 =	vadd.s32 $0x1, v4  }
0x1e0: {  	[tilespmem:v3+s12+$0x0] =	vst.idx.msk vm0, v5  }
0x1e1: {  	[tilespmem:$0x9010] =	vst v4  }
0x1e2: {  	[tilespmem:$0x9110] =	vst v2  }
0x1e3: {  	[tilespmem:$0x9210] =	vst v6  }
0x1e4: {  	v2 =	vld [tilespmem:s20+$0x20];
	_ =	sdelay $0x4  }
0x1e5: {  	v3 =	vshrl.u32 v2, $0xB  }
0x1e6: {  	v3 =	vand.u32 $0x7FF, v3  }
0x1e7: {  	(xrf1) =	vunique.msk.u32 $0xffff, v3;
	_ =	sdelay $0xc  }
0x1e8: {  	v4 =	vld.idx.msk [tilespmem:v3+s12+$0x0], $0xffff  }
0x1e9: {  	_, v5, vm0 =	vpop (xrf1);
	_ =	sdelay $0x2  }
0x1ea: {  	v5 =	vsub.s32 v5, v0  }
0x1eb: {  	v6 =	vld [tilespmem:s20+$0x420];
	v4 =	vadd.s32 v4, v5  }
0x1ec: {  	v5 =	vadd.s32 $0x1, v4  }
0x1ed: {  	[tilespmem:v3+s12+$0x0] =	vst.idx.msk vm0, v5  }
0x1ee: {  	[tilespmem:$0x9020] =	vst v4  }
0x1ef: {  	[tilespmem:$0x9120] =	vst v2  }
0x1f0: {  	[tilespmem:$0x9220] =	vst v6  }
0x1f1: {  	v2 =	vld [tilespmem:s20+$0x30];
	_ =	sdelay $0x4  }
0x1f2: {  	v3 =	vshrl.u32 v2, $0xB  }
0x1f3: {  	v3 =	vand.u32 $0x7FF, v3  }
0x1f4: {  	(xrf1) =	vunique.msk.u32 $0xffff, v3;
	_ =	sdelay $0xc  }
0x1f5: {  	v4 =	vld.idx.msk [tilespmem:v3+s12+$0x0], $0xffff  }
0x1f6: {  	_, v5, vm0 =	vpop (xrf1);
	_ =	sdelay $0x2  }
0x1f7: {  	v5 =	vsub.s32 v5, v0  }
0x1f8: {  	v6 =	vld [tilespmem:s20+$0x430];
	v4 =	vadd.s32 v4, v5  }
0x1f9: {  	v5 =	vadd.s32 $0x1, v4  }
0x1fa: {  	[tilespmem:v3+s12+$0x0] =	vst.idx.msk vm0, v5  }
0x1fb: {  	[tilespmem:$0x9030] =	vst v4  }
0x1fc: {  	[tilespmem:$0x9130] =	vst v2  }
0x1fd: {  	[tilespmem:$0x9230] =	vst v6  }
0x1fe: {  	[spmem:s7] =	stream.indirect.scatter [tilespmem:s15], [sflag:$0x1], $0x1, s14, s13, $0xb8;
	[tilespmem:$0xAD00] =	vst v63  }
0x1ff: {  	_ = 	snop  }
0x200: {  	[spmem:s8] =	stream.indirect.scatter [tilespmem:s16], [sflag:$0x1], $0x1, s14, s13, $0xb8;
	[tilespmem:$0xAD00] =	vst v63  }
0x201: {  	_ =	swait.ge @!p1 [sflag:s21], $0x40  }
0x202: {  	[sflag:s21] =	ssyncset.done @!p1 $0x0  }
0x203: {  	[sflag:s21] =	ssyncadd.s32 @!p1 $0xFFFFFFC0  }
0x204: {  	_ =	swait.ge @!p1 [sflag:s21], $0x40  }
0x205: {  	[sflag:s21] =	ssyncset.done @!p1 $0x0  }
0x206: {  	[sflag:s21] =	ssyncadd.s32 @!p1 $0xFFFFFFC0  }
0x207: {  	v2 =	vld [tilespmem:s20+$0x40];
	_ =	sdelay $0x4  }
0x208: {  	v3 =	vshrl.u32 v2, $0xB  }
0x209: {  	v3 =	vand.u32 $0x7FF, v3  }
0x20a: {  	(xrf1) =	vunique.msk.u32 $0xffff, v3;
	_ =	sdelay $0xc  }
0x20b: {  	v62 =	vld.idx.msk [tilespmem:v3+s12+$0x0], $0xffff  }
0x20c: {  	_, v5, vm0 =	vpop (xrf1);
	_ =	sdelay $0x2  }
0x20d: {  	v5 =	vsub.s32 v5, v0  }
0x20e: {  	v63 =	vld [tilespmem:s20+$0x440];
	v4 =	vadd.s32 v62, v5  }
0x20f: {  	v5 =	vadd.s32 $0x1, v4  }
0x210: {  	[tilespmem:v3+s12+$0x0] =	vst.idx.msk vm0, v5  }
0x211: {  	[tilespmem:$0x9080] =	vst v4  }
0x212: {  	[tilespmem:$0x9180] =	vst v2  }
0x213: {  	[tilespmem:$0x9280] =	vst v63  }
0x214: {  	v2 =	vld [tilespmem:s20+$0x50];
	_ =	sdelay $0x4  }
0x215: {  	v3 =	vshrl.u32 v2, $0xB  }
0x216: {  	v3 =	vand.u32 $0x7FF, v3  }
0x217: {  	(xrf1) =	vunique.msk.u32 $0xffff, v3;
	_ =	sdelay $0xc  }
0x218: {  	v4 =	vld.idx.msk [tilespmem:v3+s12+$0x0], $0xffff  }
0x219: {  	_, v5, vm0 =	vpop (xrf1);
	_ =	sdelay $0x2  }
0x21a: {  	v5 =	vsub.s32 v5, v0  }
0x21b: {  	v6 =	vld [tilespmem:s20+$0x450];
	v4 =	vadd.s32 v4, v5  }
0x21c: {  	v5 =	vadd.s32 $0x1, v4  }
0x21d: {  	[tilespmem:v3+s12+$0x0] =	vst.idx.msk vm0, v5  }
0x21e: {  	[tilespmem:$0x9090] =	vst v4  }
0x21f: {  	[tilespmem:$0x9190] =	vst v2  }
0x220: {  	[tilespmem:$0x9290] =	vst v6  }
0x221: {  	v2 =	vld [tilespmem:s20+$0x60];
	_ =	sdelay $0x4  }
0x222: {  	v3 =	vshrl.u32 v2, $0xB  }
0x223: {  	v3 =	vand.u32 $0x7FF, v3  }
0x224: {  	(xrf1) =	vunique.msk.u32 $0xffff, v3;
	_ =	sdelay $0xc  }
0x225: {  	v4 =	vld.idx.msk [tilespmem:v3+s12+$0x0], $0xffff  }
0x226: {  	_, v5, vm0 =	vpop (xrf1);
	_ =	sdelay $0x2  }
0x227: {  	v5 =	vsub.s32 v5, v0  }
0x228: {  	v6 =	vld [tilespmem:s20+$0x460];
	v4 =	vadd.s32 v4, v5  }
0x229: {  	v5 =	vadd.s32 $0x1, v4  }
0x22a: {  	[tilespmem:v3+s12+$0x0] =	vst.idx.msk vm0, v5  }
0x22b: {  	[tilespmem:$0x90A0] =	vst v4  }
0x22c: {  	[tilespmem:$0x91A0] =	vst v2  }
0x22d: {  	[tilespmem:$0x92A0] =	vst v6  }
0x22e: {  	v2 =	vld [tilespmem:s20+$0x70];
	_ =	sdelay $0x4  }
0x22f: {  	v3 =	vshrl.u32 v2, $0xB  }
0x230: {  	v3 =	vand.u32 $0x7FF, v3  }
0x231: {  	(xrf1) =	vunique.msk.u32 $0xffff, v3;
	_ =	sdelay $0xc  }
0x232: {  	v4 =	vld.idx.msk [tilespmem:v3+s12+$0x0], $0xffff  }
0x233: {  	_, v5, vm0 =	vpop (xrf1);
	_ =	sdelay $0x2  }
0x234: {  	v5 =	vsub.s32 v5, v0  }
0x235: {  	v6 =	vld [tilespmem:s20+$0x470];
	v4 =	vadd.s32 v4, v5  }
0x236: {  	v5 =	vadd.s32 $0x1, v4  }
0x237: {  	s11 =	sadd.s32 $0x200, s11;
	[tilespmem:v3+s12+$0x0] =	vst.idx.msk vm0, v5  }
0x238: {  	p1 =	sne.s32 s11, $0x1000;
	[tilespmem:$0x90B0] =	vst v4  }
.Ltmp9:
0x239: {  	[tilespmem:$0x91B0] =	vst v2;
	(pc) =	sbr.rel @p1 .LBB2_18-.Ltmp9, $4  }
0x23a: {  	[tilespmem:$0x92B0] =	vst v6  }
0x23b: {  	[spmem:s7] =	stream.indirect.scatter [tilespmem:s18], [sflag:$0x1], $0x1, s17, s13, $0xb8;
	[tilespmem:$0xAD00] =	vst v63  }
0x23c: {  	_ = 	snop  }
0x23d: {  	[spmem:s8] =	stream.indirect.scatter [tilespmem:s19], [sflag:$0x1], $0x1, s17, s13, $0xb8;
	[tilespmem:$0xAD00] =	vst v63  }
0x23e: {  	s7 =	simm.s32 $0x1  }
0x23f: {  	_ =	swait.ge [sflag:s7], $0x40  }
0x240: {  	[sflag:s7] =	ssyncset.done $0x0  }
0x241: {  	[sflag:s7] =	ssyncadd.s32 $0xFFFFFFC0  }
0x242: {  	_ =	swait.ge [sflag:s7], $0x40  }
0x243: {  	[sflag:s7] =	ssyncset.done $0x0  }
0x244: {  	[sflag:s7] =	ssyncadd.s32 $0xFFFFFFC0  }
0x245: {  	_ =	swait.ge [sflag:s7], $0x40  }
0x246: {  	[sflag:s7] =	ssyncset.done $0x0  }
0x247: {  	[sflag:s7] =	ssyncadd.s32 $0xFFFFFFC0  }
0x248: {  	_ =	swait.ge [sflag:s7], $0x40  }
0x249: {  	[sflag:s7] =	ssyncset.done $0x0  }
0x24a: {  	[sflag:s7] =	ssyncadd.s32 $0xFFFFFFC0  }
0x24b: {  	s8 =	simm.s32 $0x2;
	s7 =	simm.s32 $0x0;
	[bflag:$0x0] =	sbarrier.arrive $0xFFFF  }
0x24c: {  	[tilespmem:s7], [sflag:$0x2] =	stream.linear.gather [spmem:s10], $0x400, $0x38;
	[tilespmem:$0xAD00] =	vst v63  }
0x24d: {  	_ =	swait.ge [sflag:s8], $0x400  }
0x24e: {  	[sflag:s8] =	ssyncset.done $0x0  }
0x24f: {  	s31 =	simm.s32 $0x400;
	[sflag:s8] =	ssyncadd.s32 $0xFFFFFC00  }
0x250: {  	[tilespmem:s31], [sflag:$0x2] =	stream.linear.gather [spmem:s9], $0x400, $0x38;
	[tilespmem:$0xAD00] =	vst v63  }
0x251: {  	_ =	swait.ge [sflag:s8], $0x400  }
0x252: {  	[sflag:s8] =	ssyncset.done $0x0  }
0x253: {  	[sflag:s8] =	ssyncadd.s32 $0xFFFFFC00  }
0x254: {  	v2 =	vimm.s32 $0x0;
	[bflag:$0x0] =	sbarrier.arrive $0xFFFF  }
.LBB2_20:
0x255: {  	p1 =	sne.s32 s7, $0x1FC0  }
.Ltmp10:
0x256: {  	_ = 	snop;
	(pc) =	sbr.rel @p1 .LBB2_20-.Ltmp10, $3  }
0x257: {  	_ =	sdelay $0x1  }
0x258: {  	s8 =	sshra.s32 s7, $0x2  }
0x259: {  	s7 =	sadd.s32 $0x40, s7;
	[tilespmem:s8+$0x800] =	vst v2  }
0x25a: {  	s10 =	sld [smem:$0x7F4];
	_ =	sdelay $0x1  }
0x25b: {  	s7 =	simm.s32 $0x800  }
0x25c: {  	s9 =	simm.s32 $0x0;
	s8 =	simm.s32 $0x40;
	p3 =	seq.s32 s10, $0x1  }
.LBB2_22:
0x25d: {  	p1 =	sne.s32 s8, $0xFC0;
	v2 =	vld [tilespmem:s9+$0x0];
	_ =	sdelay $0x4  }
0x25e: {  	v2 =	vshra.s32 v2, $0x16  }
0x25f: {  	(xrf1) =	vunique.msk.u32 $0xffff, v2;
	_ =	sdelay $0xb  }
0x260: {  	v3 =	vld.idx.msk [tilespmem:v2+s7+$0x0], $0xffff;
	_ =	sdelay $0x1  }
0x261: {  	_, v4, vm0 =	vpop (xrf1);
	_ =	sdelay $0x1  }
.Ltmp11:
0x262: {  	(pc) =	sbr.rel @p1 .LBB2_22-.Ltmp11, $4  }
0x263: {  	_ = 	snop  }
0x264: {  	v3 =	vadd.s32 v3, v1  }
0x265: {  	v3 =	vadd.s32 v4, v3  }
0x266: {  	s9 =	sshra.s32 s8, $0x2;
	s8 =	sadd.s32 $0x40, s8;
	[tilespmem:v2+s7+$0x0] =	vst.idx.msk vm0, v3  }
0x267: {  	v2 =	vld [tilespmem:s9+$0x0];
	_ =	sdelay $0x4  }
0x268: {  	v2 =	vshra.s32 v2, $0x16  }
0x269: {  	(xrf1) =	vunique.msk.u32 $0xffff, v2;
	_ =	sdelay $0xc  }
0x26a: {  	v3 =	vld.idx.msk [tilespmem:v2+s7+$0x0], $0xffff  }
0x26b: {  	_, v4, vm0 =	vpop (xrf1);
	_ =	sdelay $0x3  }
0x26c: {  	v1 =	vadd.s32 v3, v1  }
0x26d: {  	s8 =	simm.s32 $0x80;
	v1 =	vadd.s32 v4, v1  }
0x26e: {  	s31 =	simm.s32 $0x400;
	s10 =	simm.s32 $0x2;
	[tilespmem:v2+s7+$0x0] =	vst.idx.msk vm0, v1;
	s7 =	simm.s32 $0x800  }
0x26f: {  	[spmem:s6] =	stream.strided.scatter [tilespmem:s7], [sflag:$0x2], $0x800, s31, s8, $0x38;
	[tilespmem:$0xAD00] =	vst v63  }
0x270: {  	_ =	swait.ge [sflag:s10], $0x800  }
0x271: {  	[sflag:s10] =	ssyncset.done $0x0  }
0x272: {  	[sflag:s10] =	ssyncadd.s32 $0xFFFFF800  }
0x273: {  	s11 =	simm.s32 $0x1000;
	[bflag:$0x0] =	sbarrier.arrive $0xFFFF  }
0x274: {  	[tilespmem:s11], [sflag:$0x2] =	stream.linear.gather [spmem:s5], $0x8000, $0x38;
	[tilespmem:$0xAD00] =	vst v63  }
0x275: {  	s5 =	simm.s32 $0x0;
	_ =	swait.ge [sflag:s10], $0x8000  }
0x276: {  	s12 =	sand.u32 $0x70, s5;
	s13 =	sand.u32 $0x3C00, s5;
	[sflag:s10] =	ssyncset.done $0x0  }
0x277: {  	s14 =	sor.u32 s12, s13;
	[sflag:s10] =	ssyncadd.s32 $0xFFFF8000  }
0x278: {  	v1 =	vld [tilespmem:s14+$0x1080]  }
0x279: {  	v2 =	vld [tilespmem:s14+$0x1000]  }
0x27a: {  	v3 =	vld [tilespmem:s14+$0x1100]  }
0x27b: {  	v60 =	vld [tilespmem:s14+$0x1180]  }
0x27c: {  	v5 =	vld [tilespmem:s14+$0x1200]  }
0x27d: {  	v6 =	vld [tilespmem:s14+$0x1280]  }
0x27e: {  	v8 =	vld [tilespmem:s14+$0x1300];
	v7 =	vadd.s32 v2, v1  }
0x27f: {  	v9 =	vld [tilespmem:s14+$0x1380];
	v7 =	vadd.s32 v3, v7  }
0x280: {  	s15 =	sld [smem:$0x7F5];
	v10 =	vld [tilespmem:s14+$0x5000];
	v7 =	vadd.s32 v60, v7  }
0x281: {  	s16 =	sld [smem:$0x7F6];
	v11 =	vld [tilespmem:s14+$0x5080];
	v7 =	vadd.s32 v5, v7  }
0x282: {  	s17 =	sld [smem:$0x7F7];
	v12 =	vld [tilespmem:s14+$0x5100];
	v7 =	vadd.s32 v6, v7  }
0x283: {  	s18 =	sld [smem:$0x7F8];
	v13 =	vld [tilespmem:s14+$0x5180];
	p0 =	seq.s32 s15, $0x1;
	v2 =	vpsel p3, $0x0, v2;
	v7 =	vadd.s32 v8, v7  }
0x284: {  	s19 =	sld [smem:$0x7F9];
	v14 =	vld [tilespmem:s14+$0x5200];
	p5 =	seq.s32 s16, $0x1;
	v1 =	vpsel !p0, $0x0, v1;
	v2 =	vadd.s32 s5, v2;
	v7 =	vadd.s32 v9, v7  }
0x285: {  	s20 =	sld [smem:$0x7FA];
	v15 =	vld [tilespmem:s14+$0x5280];
	p6 =	seq.s32 s17, $0x1;
	v3 =	vpsel !p5, $0x0, v3;
	v1 =	vadd.s32 v1, v2;
	v7 =	vadd.s32 v10, v7  }
0x286: {  	s21 =	sld [smem:$0x7FB];
	v62 =	vld [tilespmem:s14+$0x5300];
	p1 =	seq.s32 s18, $0x1;
	v2 =	vpsel !p6, $0x0, v60;
	v1 =	vadd.s32 v3, v1;
	v61 =	vadd.s32 v11, v7  }
0x287: {  	s22 =	sld [smem:$0x7FC];
	v63 =	vld [tilespmem:s14+$0x5380];
	p2 =	seq.s32 s19, $0x1;
	v3 =	vpsel !p1, $0x0, v5;
	v1 =	vadd.s32 v2, v1;
	v4 =	vadd.s32 v12, v61  }
0x288: {  	s23 =	sld [smem:$0x7FD];
	p3 =	seq.s32 s20, $0x1;
	v2 =	vpsel !p2, $0x0, v6;
	v1 =	vadd.s32 v3, v1;
	v4 =	vadd.s32 v13, v4  }
0x289: {  	s24 =	sld [smem:$0x7EF];
	p4 =	seq.s32 s21, $0x1;
	v3 =	vpsel !p3, $0x0, v8;
	v1 =	vadd.s32 v2, v1;
	v4 =	vadd.s32 v14, v4  }
0x28a: {  	s25 =	sld [smem:$0x7F0];
	p5 =	seq.s32 s22, $0x1;
	v2 =	vpsel !p4, $0x0, v9;
	v1 =	vadd.s32 v3, v1;
	v4 =	vadd.s32 v15, v4  }
0x28b: {  	s26 =	sld [smem:$0x7F1];
	p6 =	seq.s32 s23, $0x1;
	v3 =	vpsel !p5, $0x0, v10;
	v1 =	vadd.s32 v2, v1;
	v4 =	vadd.s32 v62, v4  }
0x28c: {  	s28 =	sld [smem:$0x7F2];
	v2 =	vpsel !p6, $0x0, v11;
	p6 =	seq.s32 s24, $0x1;
	v1 =	vadd.s32 v3, v1;
	v4 =	vadd.s32 v63, v4  }
0x28d: {  	s29 =	sld [smem:$0x7F3];
	p0 =	seq.s32 s25, $0x1;
	v3 =	vpsel !p6, $0x0, v12;
	v1 =	vadd.s32 v2, v1;
	(xrf0) =	vadd.scan.msk.s32 $0xffff, v4  }
0x28e: {  	p2 =	seq.s32 s26, $0x1;
	v2 =	vpsel !p0, $0x0, v13;
	v1 =	vadd.s32 v3, v1  }
0x28f: {  	p4 =	seq.s32 s28, $0x1;
	v3 =	vpsel !p2, $0x0, v14;
	v1 =	vadd.s32 v2, v1  }
0x290: {  	p5 =	seq.s32 s29, $0x1;
	v2 =	vpsel !p4, $0x0, v15;
	v1 =	vadd.s32 v3, v1  }
0x291: {  	v3 =	vpsel !p5, $0x0, v62;
	v1 =	vadd.s32 v2, v1  }
0x292: {  	v1 =	vadd.s32 v3, v1  }
0x293: {  	s30 =	simm.s32 $0x10;
	s6 =	simm.s32 $0x80;
	v1 =	vsub.s32 v1, v4;
	v2, _, _ =	vpop (xrf0)  }
0x294: {  	s8 =	sand.u32 $0x70, s30;
	s31 =	sand.u32 $0x3C00, s6;
	v1 =	vadd.s32 v2, v1  }
0x295: {  	s9 =	sor.u32 s8, s31;
	s8 =	simm.s32 $0x20;
	(v2sf) =	vpush v2, $0xF;
	[tilespmem:s7+$0x0] =	vst v1  }
.LBB2_24:
0x296: {  	_ =	sdelay $0x3  }
0x297: {  	v1 =	vld [tilespmem:s9+$0x1080]  }
0x298: {  	v2 =	vld [tilespmem:s9+$0x1000];
	s10 =	sld [smem:$0x7F5]  }
0x299: {  	v3 =	vld [tilespmem:s9+$0x1100];
	s20 =	sld [smem:$0x7F4]  }
0x29a: {  	v4 =	vld [tilespmem:s9+$0x1180]  }
0x29b: {  	v5 =	vld [tilespmem:s9+$0x1200];
	p3 =	seq.s32 s10, $0x1  }
0x29c: {  	v7 =	vld [tilespmem:s9+$0x1280];
	v6 =	vpsel !p3, $0x0, v1;
	p3 =	seq.s32 s20, $0x1  }
0x29d: {  	v1 =	vadd.s32 v2, v1;
	v8 =	vpsel p3, $0x0, v2;
	v2 =	vld [tilespmem:s9+$0x1300]  }
0x29e: {  	v9 =	vld [tilespmem:s9+$0x1380];
	v1 =	vadd.s32 v3, v1  }
0x29f: {  	v10 =	vld [tilespmem:s9+$0x5000];
	v1 =	vadd.s32 v4, v1  }
0x2a0: {  	s21 =	sld [smem:$0x7F6];
	v11 =	vld [tilespmem:s9+$0x5080];
	v1 =	vadd.s32 v5, v1  }
0x2a1: {  	s22 =	sld [smem:$0x7F7];
	v12 =	vld [tilespmem:s9+$0x5100];
	v1 =	vadd.s32 v7, v1;
	s26 =	spop (v2sf)  }
0x2a2: {  	s23 =	sld [smem:$0x7F8];
	v13 =	vld [tilespmem:s9+$0x5180];
	v1 =	vadd.s32 v2, v1;
	s5 =	sadd.s32 s5, s26  }
0x2a3: {  	s24 =	sld [smem:$0x7F9];
	v14 =	vld [tilespmem:s9+$0x5200];
	p3 =	seq.s32 s21, $0x1;
	v1 =	vadd.s32 v9, v1;
	v8 =	vadd.s32 s5, v8  }
0x2a4: {  	s25 =	sld [smem:$0x7FA];
	v15 =	vld [tilespmem:s9+$0x5280];
	v3 =	vpsel !p3, $0x0, v3;
	p3 =	seq.s32 s22, $0x1;
	v1 =	vadd.s32 v10, v1;
	v6 =	vadd.s32 v6, v8  }
0x2a5: {  	s11 =	sld [smem:$0x7FB];
	v16 =	vld [tilespmem:s9+$0x5300];
	v4 =	vpsel !p3, $0x0, v4;
	p3 =	seq.s32 s23, $0x1;
	v1 =	vadd.s32 v11, v1;
	v3 =	vadd.s32 v3, v6  }
0x2a6: {  	s28 =	sld [smem:$0x7FC];
	v59 =	vld [tilespmem:s9+$0x5380];
	v5 =	vpsel !p3, $0x0, v5;
	p3 =	seq.s32 s24, $0x1;
	v1 =	vadd.s32 v12, v1;
	v3 =	vadd.s32 v4, v3  }
0x2a7: {  	s29 =	sld [smem:$0x7FD];
	v7 =	vpsel !p3, $0x0, v7;
	p3 =	seq.s32 s25, $0x1;
	v1 =	vadd.s32 v13, v1;
	v3 =	vadd.s32 v5, v3  }
0x2a8: {  	v2 =	vpsel !p3, $0x0, v2;
	p3 =	seq.s32 s11, $0x1;
	v1 =	vadd.s32 v14, v1;
	v3 =	vadd.s32 v7, v3  }
0x2a9: {  	v9 =	vpsel !p3, $0x0, v9;
	p3 =	seq.s32 s28, $0x1;
	v1 =	vadd.s32 v15, v1;
	v2 =	vadd.s32 v2, v3  }
0x2aa: {  	v10 =	vpsel !p3, $0x0, v10;
	p3 =	seq.s32 s29, $0x1;
	v1 =	vadd.s32 v16, v1;
	v2 =	vadd.s32 v9, v2  }
0x2ab: {  	v11 =	vpsel !p3, $0x0, v11;
	v1 =	vadd.s32 v59, v1;
	v2 =	vadd.s32 v10, v2  }
0x2ac: {  	v58 =	vpsel !p6, $0x0, v12;
	(xrf0) =	vadd.scan.msk.s32 $0xffff, v1;
	v2 =	vadd.s32 v11, v2  }
0x2ad: {  	v60 =	vpsel !p0, $0x0, v13;
	v2 =	vadd.s32 v58, v2  }
0x2ae: {  	v61 =	vpsel !p2, $0x0, v14;
	v2 =	vadd.s32 v60, v2  }
0x2af: {  	p1 =	sne.s32 s8, $0x7F0;
	v62 =	vpsel !p4, $0x0, v15;
	v2 =	vadd.s32 v61, v2  }
.Ltmp12:
0x2b0: {  	v63 =	vpsel !p5, $0x0, v16;
	v2 =	vadd.s32 v62, v2;
	(pc) =	sbr.rel @p1 .LBB2_24-.Ltmp12, $4  }
0x2b1: {  	v2 =	vadd.s32 v63, v2  }
0x2b2: {  	s6 =	sadd.s32 $0x80, s6;
	v3, _, _ =	vpop (xrf0);
	v1 =	vsub.s32 v2, v1  }
0x2b3: {  	s7 =	sadd.s32 $0x10, s7;
	s30 =	sand.u32 $0x70, s8;
	s31 =	sand.u32 $0x3C00, s6;
	v1 =	vadd.s32 v3, v1  }
0x2b4: {  	s8 =	sadd.s32 $0x10, s8;
	s9 =	sor.u32 s30, s31;
	(v2sf) =	vpush v3, $0xF;
	[tilespmem:s7+$0x0] =	vst v1  }
0x2b5: {  	v1 =	vld [tilespmem:s9+$0x1080]  }
0x2b6: {  	v2 =	vld [tilespmem:s9+$0x1000]  }
0x2b7: {  	v3 =	vld [tilespmem:s9+$0x1100]  }
0x2b8: {  	v4 =	vld [tilespmem:s9+$0x1180]  }
0x2b9: {  	v5 =	vld [tilespmem:s9+$0x1200]  }
0x2ba: {  	v6 =	vld [tilespmem:s9+$0x1280]  }
0x2bb: {  	v8 =	vld [tilespmem:s9+$0x1300];
	v7 =	vadd.s32 v2, v1  }
0x2bc: {  	v9 =	vld [tilespmem:s9+$0x1380];
	v7 =	vadd.s32 v3, v7  }
0x2bd: {  	v10 =	vld [tilespmem:s9+$0x5000];
	v7 =	vadd.s32 v4, v7  }
0x2be: {  	v11 =	vld [tilespmem:s9+$0x5080];
	v7 =	vadd.s32 v5, v7  }
0x2bf: {  	v12 =	vld [tilespmem:s9+$0x5100];
	v7 =	vadd.s32 v6, v7  }
0x2c0: {  	v13 =	vld [tilespmem:s9+$0x5180];
	v7 =	vadd.s32 v8, v7  }
0x2c1: {  	v14 =	vld [tilespmem:s9+$0x5200];
	v7 =	vadd.s32 v9, v7  }
0x2c2: {  	v15 =	vld [tilespmem:s9+$0x5280];
	v7 =	vadd.s32 v10, v7  }
0x2c3: {  	v16 =	vld [tilespmem:s9+$0x5300];
	v7 =	vadd.s32 v11, v7  }
0x2c4: {  	v17 =	vld [tilespmem:s9+$0x5380];
	v7 =	vadd.s32 v12, v7  }
0x2c5: {  	v7 =	vadd.s32 v13, v7  }
0x2c6: {  	v7 =	vadd.s32 v14, v7  }
0x2c7: {  	v7 =	vadd.s32 v15, v7  }
0x2c8: {  	v7 =	vadd.s32 v16, v7  }
0x2c9: {  	v7 =	vadd.s32 v17, v7  }
0x2ca: {  	s8 =	sld [smem:$0x7F4];
	(xrf0) =	vadd.scan.msk.s32 $0xffff, v7  }
0x2cb: {  	s20 =	sld [smem:$0x7F5]  }
0x2cc: {  	s21 =	sld [smem:$0x7F6]  }
0x2cd: {  	s22 =	sld [smem:$0x7F7];
	p1 =	seq.s32 s8, $0x1;
	s6 =	spop (v2sf)  }
0x2ce: {  	s23 =	sld [smem:$0x7F8];
	p3 =	seq.s32 s20, $0x1;
	v2 =	vpsel p1, $0x0, v2;
	s5 =	sadd.s32 s5, s6  }
0x2cf: {  	s24 =	sld [smem:$0x7F9];
	v1 =	vpsel !p3, $0x0, v1;
	p3 =	seq.s32 s21, $0x1;
	v2 =	vadd.s32 s5, v2  }
0x2d0: {  	s25 =	sld [smem:$0x7FA];
	v3 =	vpsel !p3, $0x0, v3;
	p3 =	seq.s32 s22, $0x1;
	v1 =	vadd.s32 v1, v2;
	v63, _, _ =	vpop (xrf0)  }
0x2d1: {  	s26 =	sld [smem:$0x7FB];
	v2 =	vpsel !p3, $0x0, v4;
	p3 =	seq.s32 s23, $0x1;
	v1 =	vadd.s32 v3, v1;
	(v2sf) =	vpush v63, $0xF  }
0x2d2: {  	s28 =	sld [smem:$0x7FC];
	v3 =	vpsel !p3, $0x0, v5;
	p3 =	seq.s32 s24, $0x1;
	v1 =	vadd.s32 v2, v1  }
0x2d3: {  	s29 =	sld [smem:$0x7FD];
	v2 =	vpsel !p3, $0x0, v6;
	p3 =	seq.s32 s25, $0x1;
	v1 =	vadd.s32 v3, v1  }
0x2d4: {  	v3 =	vpsel !p3, $0x0, v8;
	p3 =	seq.s32 s26, $0x1;
	v1 =	vadd.s32 v2, v1  }
0x2d5: {  	v2 =	vpsel !p3, $0x0, v9;
	p3 =	seq.s32 s28, $0x1;
	v1 =	vadd.s32 v3, v1  }
0x2d6: {  	v3 =	vpsel !p3, $0x0, v10;
	p3 =	seq.s32 s29, $0x1;
	v1 =	vadd.s32 v2, v1  }
0x2d7: {  	v2 =	vpsel !p3, $0x0, v11;
	v1 =	vadd.s32 v3, v1  }
0x2d8: {  	v3 =	vpsel !p6, $0x0, v12;
	v1 =	vadd.s32 v2, v1  }
0x2d9: {  	v2 =	vpsel !p0, $0x0, v13;
	v1 =	vadd.s32 v3, v1  }
0x2da: {  	v3 =	vpsel !p2, $0x0, v14;
	v1 =	vadd.s32 v2, v1  }
0x2db: {  	v2 =	vpsel !p4, $0x0, v15;
	v1 =	vadd.s32 v3, v1  }
0x2dc: {  	v3 =	vpsel !p5, $0x0, v16;
	v1 =	vadd.s32 v2, v1  }
0x2dd: {  	v1 =	vadd.s32 v3, v1  }
0x2de: {  	s30 =	sadd.s32 $0x10, s7;
	s7 =	simm.s32 $0x40;
	s9 =	simm.s32 $0x9200;
	v1 =	vsub.s32 v1, v7  }
0x2df: {  	s10 =	simm.s32 $0x9080;
	s11 =	simm.s32 $0x9280;
	s8 =	simm.s32 $0x9000;
	v1 =	vadd.s32 v63, v1  }
0x2e0: {  	s6 =	simm.s32 $0x800;
	s5 =	simm.s32 $0x0;
	[tilespmem:s30+$0x0] =	vst v1;
	s31 =	spop (v2sf)  }
.LBB2_26:
0x2e1: {  	p0 =	seq.s32 s5, $0x0  }
0x2e2: {  	s13 =	simm.s32 @!p0 $0x1  }
0x2e3: {  	_ =	swait.ge @!p0 [sflag:s13], $0x40  }
0x2e4: {  	[sflag:s13] =	ssyncset.done @!p0 $0x0  }
0x2e5: {  	s12 =	sshra.s32 s5, $0x2;
	[sflag:s13] =	ssyncadd.s32 @!p0 $0xFFFFFFC0  }
0x2e6: {  	v1 =	vld [tilespmem:s12+$0x0];
	_ =	sdelay $0x4  }
0x2e7: {  	v1 =	vshra.s32 v1, $0x16  }
0x2e8: {  	(xrf1) =	vunique.msk.u32 $0xffff, v1;
	_ =	sdelay $0xc  }
0x2e9: {  	v2 =	vld.idx.msk [tilespmem:v1+s6+$0x0], $0xffff  }
0x2ea: {  	_, v3, vm0 =	vpop (xrf1);
	_ =	sdelay $0x2  }
0x2eb: {  	v4 =	vld [tilespmem:s12+$0x400];
	v3 =	vsub.s32 v3, v0  }
0x2ec: {  	v2 =	vadd.s32 v2, v3  }
0x2ed: {  	v3 =	vadd.s32 $0x1, v2  }
0x2ee: {  	[tilespmem:v1+s6+$0x0] =	vst.idx.msk vm0, v3  }
0x2ef: {  	[tilespmem:$0x9000] =	vst v2  }
0x2f0: {  	[tilespmem:$0x9200] =	vst v4  }
0x2f1: {  	v1 =	vld [tilespmem:s12+$0x10];
	_ =	sdelay $0x4  }
0x2f2: {  	v1 =	vshra.s32 v1, $0x16  }
0x2f3: {  	(xrf1) =	vunique.msk.u32 $0xffff, v1;
	_ =	sdelay $0xc  }
0x2f4: {  	v2 =	vld.idx.msk [tilespmem:v1+s6+$0x0], $0xffff  }
0x2f5: {  	_, v3, vm0 =	vpop (xrf1);
	_ =	sdelay $0x2  }
0x2f6: {  	v4 =	vld [tilespmem:s12+$0x410];
	v3 =	vsub.s32 v3, v0  }
0x2f7: {  	v2 =	vadd.s32 v2, v3  }
0x2f8: {  	v3 =	vadd.s32 $0x1, v2  }
0x2f9: {  	[tilespmem:v1+s6+$0x0] =	vst.idx.msk vm0, v3  }
0x2fa: {  	[tilespmem:$0x9010] =	vst v2  }
0x2fb: {  	[tilespmem:$0x9210] =	vst v4  }
0x2fc: {  	v1 =	vld [tilespmem:s12+$0x20];
	_ =	sdelay $0x4  }
0x2fd: {  	v1 =	vshra.s32 v1, $0x16  }
0x2fe: {  	(xrf1) =	vunique.msk.u32 $0xffff, v1;
	_ =	sdelay $0xc  }
0x2ff: {  	v2 =	vld.idx.msk [tilespmem:v1+s6+$0x0], $0xffff  }
0x300: {  	_, v3, vm0 =	vpop (xrf1);
	_ =	sdelay $0x2  }
0x301: {  	v4 =	vld [tilespmem:s12+$0x420];
	v3 =	vsub.s32 v3, v0  }
0x302: {  	v2 =	vadd.s32 v2, v3  }
0x303: {  	v3 =	vadd.s32 $0x1, v2  }
0x304: {  	[tilespmem:v1+s6+$0x0] =	vst.idx.msk vm0, v3  }
0x305: {  	[tilespmem:$0x9020] =	vst v2  }
0x306: {  	[tilespmem:$0x9220] =	vst v4  }
0x307: {  	v1 =	vld [tilespmem:s12+$0x30];
	_ =	sdelay $0x4  }
0x308: {  	v1 =	vshra.s32 v1, $0x16  }
0x309: {  	(xrf1) =	vunique.msk.u32 $0xffff, v1;
	_ =	sdelay $0xc  }
0x30a: {  	v2 =	vld.idx.msk [tilespmem:v1+s6+$0x0], $0xffff  }
0x30b: {  	_, v3, vm0 =	vpop (xrf1);
	_ =	sdelay $0x2  }
0x30c: {  	v4 =	vld [tilespmem:s12+$0x430];
	v3 =	vsub.s32 v3, v0  }
0x30d: {  	v2 =	vadd.s32 v2, v3  }
0x30e: {  	v3 =	vadd.s32 $0x1, v2  }
0x30f: {  	[tilespmem:v1+s6+$0x0] =	vst.idx.msk vm0, v3  }
0x310: {  	[tilespmem:$0x9030] =	vst v2  }
0x311: {  	[tilespmem:$0x9230] =	vst v4  }
0x312: {  	[spmem:s2] =	stream.indirect.scatter [tilespmem:s9], [sflag:$0x1], $0x1, s8, s7, $0xb8;
	[tilespmem:$0xAD00] =	vst v63  }
0x313: {  	_ =	swait.ge @!p0 [sflag:s13], $0x40  }
0x314: {  	[sflag:s13] =	ssyncset.done @!p0 $0x0  }
0x315: {  	[sflag:s13] =	ssyncadd.s32 @!p0 $0xFFFFFFC0  }
0x316: {  	v1 =	vld [tilespmem:s12+$0x40];
	_ =	sdelay $0x4  }
0x317: {  	v1 =	vshra.s32 v1, $0x16  }
0x318: {  	(xrf1) =	vunique.msk.u32 $0xffff, v1;
	_ =	sdelay $0xc  }
0x319: {  	v2 =	vld.idx.msk [tilespmem:v1+s6+$0x0], $0xffff  }
0x31a: {  	_, v3, vm0 =	vpop (xrf1);
	_ =	sdelay $0x2  }
0x31b: {  	v63 =	vld [tilespmem:s12+$0x440];
	v3 =	vsub.s32 v3, v0  }
0x31c: {  	v2 =	vadd.s32 v2, v3  }
0x31d: {  	v3 =	vadd.s32 $0x1, v2  }
0x31e: {  	[tilespmem:v1+s6+$0x0] =	vst.idx.msk vm0, v3  }
0x31f: {  	[tilespmem:$0x9080] =	vst v2  }
0x320: {  	[tilespmem:$0x9280] =	vst v63  }
0x321: {  	v1 =	vld [tilespmem:s12+$0x50];
	_ =	sdelay $0x4  }
0x322: {  	v1 =	vshra.s32 v1, $0x16  }
0x323: {  	(xrf1) =	vunique.msk.u32 $0xffff, v1;
	_ =	sdelay $0xc  }
0x324: {  	v2 =	vld.idx.msk [tilespmem:v1+s6+$0x0], $0xffff  }
0x325: {  	_, v3, vm0 =	vpop (xrf1);
	_ =	sdelay $0x2  }
0x326: {  	v4 =	vld [tilespmem:s12+$0x450];
	v3 =	vsub.s32 v3, v0  }
0x327: {  	v2 =	vadd.s32 v2, v3  }
0x328: {  	v3 =	vadd.s32 $0x1, v2  }
0x329: {  	[tilespmem:v1+s6+$0x0] =	vst.idx.msk vm0, v3  }
0x32a: {  	[tilespmem:$0x9090] =	vst v2  }
0x32b: {  	[tilespmem:$0x9290] =	vst v4  }
0x32c: {  	v1 =	vld [tilespmem:s12+$0x60];
	_ =	sdelay $0x4  }
0x32d: {  	v1 =	vshra.s32 v1, $0x16  }
0x32e: {  	(xrf1) =	vunique.msk.u32 $0xffff, v1;
	_ =	sdelay $0xc  }
0x32f: {  	v2 =	vld.idx.msk [tilespmem:v1+s6+$0x0], $0xffff  }
0x330: {  	_, v3, vm0 =	vpop (xrf1);
	_ =	sdelay $0x2  }
0x331: {  	v4 =	vld [tilespmem:s12+$0x460];
	v3 =	vsub.s32 v3, v0  }
0x332: {  	v2 =	vadd.s32 v2, v3  }
0x333: {  	v3 =	vadd.s32 $0x1, v2  }
0x334: {  	[tilespmem:v1+s6+$0x0] =	vst.idx.msk vm0, v3  }
0x335: {  	[tilespmem:$0x90A0] =	vst v2  }
0x336: {  	[tilespmem:$0x92A0] =	vst v4  }
0x337: {  	v1 =	vld [tilespmem:s12+$0x70];
	_ =	sdelay $0x4  }
0x338: {  	v1 =	vshra.s32 v1, $0x16  }
0x339: {  	(xrf1) =	vunique.msk.u32 $0xffff, v1;
	_ =	sdelay $0xc  }
0x33a: {  	v2 =	vld.idx.msk [tilespmem:v1+s6+$0x0], $0xffff  }
0x33b: {  	_, v3, vm0 =	vpop (xrf1);
	_ =	sdelay $0x2  }
0x33c: {  	s5 =	sadd.s32 $0x200, s5;
	v4 =	vld [tilespmem:s12+$0x470];
	v3 =	vsub.s32 v3, v0  }
0x33d: {  	p0 =	sne.s32 s5, $0x1000;
	v2 =	vadd.s32 v2, v3  }
.Ltmp13:
0x33e: {  	v3 =	vadd.s32 $0x1, v2;
	(pc) =	sbr.rel @p0 .LBB2_26-.Ltmp13, $4  }
0x33f: {  	[tilespmem:v1+s6+$0x0] =	vst.idx.msk vm0, v3  }
0x340: {  	[tilespmem:$0x90B0] =	vst v2  }
0x341: {  	[tilespmem:$0x92B0] =	vst v4  }
0x342: {  	[spmem:s2] =	stream.indirect.scatter [tilespmem:s11], [sflag:$0x1], $0x1, s10, s7, $0xb8;
	[tilespmem:$0xAD00] =	vst v63  }
0x343: {  	s2 =	simm.s32 $0x1  }
0x344: {  	_ =	swait.ge [sflag:s2], $0x40  }
0x345: {  	[sflag:s2] =	ssyncset.done $0x0  }
0x346: {  	[sflag:s2] =	ssyncadd.s32 $0xFFFFFFC0  }
0x347: {  	_ =	swait.ge [sflag:s2], $0x40  }
0x348: {  	[sflag:s2] =	ssyncset.done $0x0  }
0x349: {  	[sflag:s2] =	ssyncadd.s32 $0xFFFFFFC0  }
0x34a: {  	s30 =	simm.s32 $0x9300;
	s31 =	simm.s32 $0x2;
	[bflag:$0x0] =	sbarrier.arrive $0xFFFF  }
0x34b: {  	[tilespmem:s30], [sflag:$0x2] =	stream.linear.gather [spmem:s4], $0x200, $0x38;
	[tilespmem:$0xAD00] =	vst v63  }
0x34c: {  	_ =	swait.ge [sflag:s31], $0x200  }
0x34d: {  	[sflag:s31] =	ssyncset.done $0x0  }
0x34e: {  	s5 =	simm.s32 $0x0;
	[sflag:s31] =	ssyncadd.s32 $0xFFFFFE00  }
0x34f: {  	[hbm4b:s3+s5] =	stream.linear.scatter [tilespmem:s30], [sflag:$0x2], $0x200, $0x38;
	[tilespmem:$0xAD00] =	vst v63  }
0x350: {  	_ =	swait.ge [sflag:s31], $0x200  }
0x351: {  	[sflag:s31] =	ssyncset.done $0x0  }
0x352: {  	[sflag:s31] =	ssyncadd.s32 $0xFFFFFE00  }
.LBB2_28:
0x353: {  	_ =	sfence.sel $0x180000  }
0x354: {  	[bflag:$0x0] =	sbarrier.arrive $0xFFFF  }
0x355: {  	p0 =	sne.s32 s1, $0x0;
	_ =	strace $0x90000047  }
0x356: {  	s0 =	sadd.s32 @!p0 $0x100000, s0;
	[bflag:$0x2] =	sbarrier.arrive $0xFFFF  }
0x357: {  	[sflag:s0] =	ssyncadd.tile.s32 @!p0 $0x1;
	_ =	shalt  }
.Lfunc_end2:
_tile_overlayer_lowered:
.L_overlay_start_2:
0x358: {  	(tag) =	ssettag $0x2  }
0x359: {  	s0 =	rddreg [dreg:$0x0];
	s2 =	stileid.u32  }
0x35a: {  	s1 =	rddreg [dreg:$0x1];
	p0 =	sne.s32 s2, $0x0  }
0x35b: {  	s3 =	rddreg [dreg:$0x2];
	[bflag:$0x3] =	sbarrier.arrive $0xFFFF;
	s2 =	simm.s32 @!p0 $0x1C02  }
0x35c: {  	[timem:s3], [sflag:s2] =	dma.local @!p0 [hbm:s0], s1  }
0x35d: {  	s0 =	simm.s32 @!p0 $0x2  }
0x35e: {  	_ =	swait.ge @!p0 [sflag:s0], s1  }
0x35f: {  	s1 =	ssub.s32 @!p0 $0x0, s1;
	[sflag:s0] =	ssyncset.done @!p0 $0x0  }
0x360: {  	[sflag:s0] =	ssyncadd.s32 @!p0 s1  }
0x361: {  	[bflag:$0x3] =	sbarrier.arrive $0xFFFF  }
0x362: {  	_ =	shalt  }

// kernel: kernel.8.cloned.1.call-start
scs
__scs_entry_jumppad:
0x0: {  	(pc) =	sbr.rel $0x88, $3  }
0x1: {  	(tag) =	ssettag $0x0;
	lr =	simm.s32 $0x1  }
0x2: {  	[smem:$0x3F9D] =	sst lr;
	_ =	strace $0xD0000000  }
0x3: {  	_ = 	snop  }
0x4: {  	_ = 	snop  }
0x5: {  	_ = 	snop  }
0x6: {  	_ = 	snop  }
0x7: {  	_ = 	snop  }
__scs_overlays_trampoline_lowered:
0x8: {  	[smem:$0x3FAC] =	sst s0  }
0x9: {  	[smem:$0x3FAD] =	sst s1  }
0xa: {  	[smem:$0x3FAE] =	sst s2  }
0xb: {  	[smem:$0x3FAF] =	sst s3  }
0xc: {  	[smem:$0x3FB0] =	sst s4  }
0xd: {  	[smem:$0x3FB1] =	sst s5  }
0xe: {  	[smem:$0x3FB2] =	sst s6  }
0xf: {  	[smem:$0x3FB3] =	sst s7  }
0x10: {  	[smem:$0x3FB4] =	sst s8  }
0x11: {  	[smem:$0x3FB5] =	sst s9;
	s0 =	simm.s32 @!p0 $0x0  }
0x12: {  	s1 =	sld [smem:$0x3F9B];
	s0 =	simm.s32 @p0 $0x1  }
0x13: {  	[smem:$0x3FB6] =	sst s0;
	s0 =	simm.s32 @!p1 $0x0  }
0x14: {  	s2 =	sld [smem:$0x3F9A];
	s0 =	simm.s32 @p1 $0x1  }
0x15: {  	[smem:$0x3FB7] =	sst s0;
	s0 =	simm.s32 @!p2 $0x0  }
0x16: {  	s3 =	sld [smem:$0x3FDB];
	s0 =	simm.s32 @p2 $0x1  }
0x17: {  	s4 =	simm.s32 $0x1BF5;
	[smem:$0x3FB9] =	sst s0  }
0x18: {  	s0 =	sld [smem:$0x3F9C];
	_ =	swait.ge [sflag:s4], $0x0  }
0x19: {  	s7 =	sld [smem:$0x3F9D]  }
0x1a: {  	s8 =	sadd.s32 $0xFFFFE003, lr  }
0x1b: {  	s9 =	sadd.s32 $0xFFFFFEF7, lr;
	s5 =	simm.s32 $0xFFFFFFFF;
	p2 =	slt.u32 s8, $0xFFFFF086  }
0x1c: {  	p1 =	slt.u32 s9, $0xF7A;
	s5 =	simm.s32 @!p2 $0x0  }
0x1d: {  	s5 =	simm.s32 @p1 $0x1;
	p0 =	seq.s32 s7, s2  }
0x1e: {  	s7 =	smul.u32 @!p0 $0xF7A, s2;
	p2 =	seq.s32 @!p0 s5, $0x0  }
0x1f: {  	s9 =	smul.u32 $0xF7A, s1;
	s8 =	simm.s32 @!p0 $0x1BF5;
	p2 =	por !p2, p0  }
0x20: {  	[sflag:s8] =	ssyncset.s32 @!p0 $0xFFFFF086;
	s6 =	sadd.s32 @!p0 s3, s7;
	s7 =	simm.s32 @!p0 $0x108  }
0x21: {  	s3 =	sadd.s32 s3, s9;
	s6 =	sadd.s32 @!p0 $0x88, s6;
	s7 =	simm.s32 @p2 $0x1082  }
0x22: {  	[simem:s7], [sflag:s8] =	dma.local @!p0 [hbm:s6], $0xF7A  }
0x23: {  	s9 =	sor.u32 $0xD0000000, s2;
	s6 =	simm.s32 $0x108;
	_ =	swait.ge @!p0 [sflag:s8], $0x0  }
0x24: {  	s3 =	sadd.s32 $0x88, s3;
	s6 =	simm.s32 @!p1 $0x1082;
	[sflag:s4] =	ssyncset.s32 $0xFFFFF086  }
0x25: {  	[simem:s6], [sflag:s4] =	dma.local [hbm:s3], $0xF7A  }
0x26: {  	[smem:$0x3F9D] =	sst s1;
	(tag) =	ssettag s2;
	_ =	strace s9  }
0x27: {  	s1 =	sld [smem:$0x3FAD]  }
0x28: {  	s2 =	sld [smem:$0x3FAE]  }
0x29: {  	s4 =	sld [smem:$0x3FB0]  }
0x2a: {  	p0 =	seq.s32 s5, $0x0;
	s5 =	sld [smem:$0x3FB1]  }
0x2b: {  	s6 =	sld [smem:$0x3FB2]  }
0x2c: {  	s7 =	sld [smem:$0x3FB3]  }
0x2d: {  	s3 =	simm.s32 $0x108;
	s8 =	sld [smem:$0x3FB4]  }
0x2e: {  	s3 =	simm.s32 @!p0 $0x1082;
	s9 =	sld [smem:$0x3FB5]  }
0x2f: {  	lr =	sadd.s32 s0, s3;
	s0 =	sld [smem:$0x3FAC]  }
0x30: {  	s3 =	sld [smem:$0x3FAF]  }
0x31: {  	[smem:$0x3FB8] =	sst s10  }
0x32: {  	s10 =	sld [smem:$0x3FB6];
	_ =	sdelay $0x3  }
0x33: {  	p0 =	seq.s32 s10, $0x1;
	s10 =	sld [smem:$0x3FB8];
	_ =	sdelay $0x3  }
0x34: {  	[smem:$0x3FB8] =	sst s10  }
0x35: {  	s10 =	sld [smem:$0x3FB7];
	_ =	sdelay $0x3  }
0x36: {  	p1 =	seq.s32 s10, $0x1;
	s10 =	sld [smem:$0x3FB8];
	_ =	sdelay $0x3  }
0x37: {  	[smem:$0x3FB8] =	sst s10  }
0x38: {  	s10 =	sld [smem:$0x3FB9]  }
0x39: {  	_ = 	snop;
	(pc) =	sbr.ind lr, $3  }
0x3a: {  	_ = 	snop  }
0x3b: {  	_ = 	snop  }
0x3c: {  	p2 =	seq.s32 s10, $0x1;
	s10 =	sld [smem:$0x3FB8]  }
0x3d: {  	_ =	shalt  }
0x3e: {  	_ =	shalt  }
0x3f: {  	_ =	shalt  }
0x40: {  	_ =	shalt  }
0x41: {  	_ =	shalt  }
0x42: {  	_ =	shalt  }
0x43: {  	_ =	shalt  }
0x44: {  	_ =	shalt  }
0x45: {  	_ =	shalt  }
0x46: {  	_ =	shalt  }
0x47: {  	_ =	shalt  }
0x48: {  	_ =	shalt  }
0x49: {  	_ =	shalt  }
0x4a: {  	_ =	shalt  }
0x4b: {  	_ =	shalt  }
0x4c: {  	_ =	shalt  }
0x4d: {  	_ =	shalt  }
0x4e: {  	_ =	shalt  }
0x4f: {  	_ =	shalt  }
0x50: {  	_ =	shalt  }
0x51: {  	_ =	shalt  }
0x52: {  	_ =	shalt  }
0x53: {  	_ =	shalt  }
0x54: {  	_ =	shalt  }
0x55: {  	_ =	shalt  }
0x56: {  	_ =	shalt  }
0x57: {  	_ =	shalt  }
0x58: {  	_ =	shalt  }
0x59: {  	_ =	shalt  }
0x5a: {  	_ =	shalt  }
0x5b: {  	_ =	shalt  }
0x5c: {  	_ =	shalt  }
0x5d: {  	_ =	shalt  }
0x5e: {  	_ =	shalt  }
0x5f: {  	_ =	shalt  }
0x60: {  	_ =	shalt  }
0x61: {  	_ =	shalt  }
0x62: {  	_ =	shalt  }
0x63: {  	_ =	shalt  }
0x64: {  	_ =	shalt  }
0x65: {  	_ =	shalt  }
0x66: {  	_ =	shalt  }
0x67: {  	_ =	shalt  }
0x68: {  	_ =	shalt  }
0x69: {  	_ =	shalt  }
0x6a: {  	_ =	shalt  }
0x6b: {  	_ =	shalt  }
0x6c: {  	_ =	shalt  }
0x6d: {  	_ =	shalt  }
0x6e: {  	_ =	shalt  }
0x6f: {  	_ =	shalt  }
0x70: {  	_ =	shalt  }
0x71: {  	_ =	shalt  }
0x72: {  	_ =	shalt  }
0x73: {  	_ =	shalt  }
0x74: {  	_ =	shalt  }
0x75: {  	_ =	shalt  }
0x76: {  	_ =	shalt  }
0x77: {  	_ =	shalt  }
0x78: {  	_ =	shalt  }
0x79: {  	_ =	shalt  }
0x7a: {  	_ =	shalt  }
0x7b: {  	_ =	shalt  }
0x7c: {  	_ =	shalt  }
0x7d: {  	_ =	shalt  }
0x7e: {  	_ =	shalt  }
0x7f: {  	_ =	shalt  }
0x80: {  	_ =	shalt  }
0x81: {  	_ =	shalt  }
0x82: {  	_ =	shalt  }
0x83: {  	_ =	shalt  }
0x84: {  	_ =	shalt  }
0x85: {  	_ =	shalt  }
0x86: {  	_ =	shalt  }
0x87: {  	_ =	shalt  }
.Lfunc_end0:
.L_simem_size_0:
called_computation.1_lowered:
.L_overlay_start_0:
0x88: {  	s2 =	sld [smem:$0x3FD9]  }
0x89: {  	s3 =	sld [smem:$0x3FFE];
	_ =	sdelay $0x1  }
0x8a: {  	s1 =	srdreg.scid  }
0x8b: {  	s0 =	sand.u32 $0x1, s1  }
0x8c: {  	s14 =	sshll.u32 s0, $0xA;
	s2 =	sadd.s32 s3, s2  }
0x8d: {  	s2 =	sadd.s32 s2, s14  }
0x8e: {  	[smem:$0x3FC4] =	sst s2  }
0x8f: {  	_ = 	snop  }
0x90: {  	s2 =	sld [smem:$0x3FD0];
	_ =	sdelay $0x2  }
0x91: {  	s4 =	simm.s32 $0xA;
	s5 =	simm.s32 $0x10;
	s15 =	sld [smem:$0x3FC9]  }
0x92: {  	[smem:s5], [sflag:s4] =	dma.local [hbm:s2], $0x1  }
0x93: {  	_ =	swait.eq [sflag:s4], $0x1  }
0x94: {  	[sflag:s4] =	ssyncset.done $0x0  }
0x95: {  	s16 =	sld [smem:$0x10];
	[sflag:s4] =	ssyncadd.s32 $0xFFFFFFFF  }
0x96: {  	s17 =	sld [smem:$0x11];
	(tm) =	ssettm $0x1  }
0x97: {  	s18 =	sld [smem:$0x3FFB];
	_ =	sdelay $0x3  }
0x98: {  	_ =	strace s18  }
0x99: {  	s5 =	sld [smem:$0x3FFC];
	_ =	sdelay $0x3  }
0x9a: {  	_ =	strace s5  }
0x9b: {  	s5 =	sld [smem:$0x3FFD];
	_ =	sdelay $0x3  }
0x9c: {  	_ =	strace s5  }
0x9d: {  	_ =	strace $0x8FFFFFFF  }
0x9e: {  	s19 =	sld [smem:$0x3FDB];
	_ =	sdelay $0x1  }
0x9f: {  	s6 =	simm.s32 $_scs_section_size  }
0xa0: {  	s7 =	simm.s32 $_size__tile_overlayer_lowered;
	s8 =	simm.s32 $_tile_overlayer_lowered  }
0xa1: {  	s22 =	simm.s32 $0x1BFF;
	s21 =	sshll.u32 s8, $0x1;
	s5 =	sadd.s32 s6, s19  }
0xa2: {  	s9 =	simm.s32 $0x0;
	s20 =	sshll.u32 s7, $0x1;
	s7 =	sadd.s32 s21, s5  }
0xa3: {  	[timem:s9], [sflag:s22] =	dma.local [hbm:s7], s20  }
0xa4: {  	_ =	swait.ge [sflag:s22], s20  }
0xa5: {  	s6 =	ssub.s32 $0x0, s20;
	[sflag:s22] =	ssyncset.done $0x0  }
0xa6: {  	[sflag:s22] =	ssyncadd.s32 s6;
	_ =	sdelay $0x1  }
0xa7: {  	s23 =	simm.s32 $0x1B8B  }
0xa8: {  	_ =	swait.ge [sflag:s23], $0x1  }
0xa9: {  	[sflag:s23] =	ssyncset.done $0x0  }
0xaa: {  	s25 =	simm.s32 $0x1B8E;
	s24 =	sld [smem:$0x3FFE];
	[sflag:s23] =	ssyncadd.s32 $0xFFFFFFFF  }
0xab: {  	s26 =	simm.s32 $execute0_lowered;
	[smem:$0x3FD2] =	sst s25  }
0xac: {  	s7 =	sshll.u32 s26, $0x1;
	_ =	strace $0x80000049;
	[dreg:$0x1] =	wrdreg $0xFFFFFFFF  }
0xad: {  	s28 =	simm.s32 $_size_execute0_lowered;
	s5 =	sadd.s32 s5, s7;
	[dreg:$0x0] =	wrdreg $0x0  }
0xae: {  	s7 =	sshll.u32 s28, $0x1;
	[dreg:$0x2] =	wrdreg s5  }
0xaf: {  	[dreg:$0x3] =	wrdreg s7  }
0xb0: {  	[dreg:$0x4] =	wrdreg $0xC0  }
0xb1: {  	_ =	task [dreg:s9], $0x5FFFF  }
0xb2: {  	[dreg:$0x1] =	wrdreg $0xFFFFFFFF  }
0xb3: {  	[dreg:$0x0] =	wrdreg $0x60  }
0xb4: {  	[dreg:$0x2] =	wrdreg s17  }
0xb5: {  	[dreg:$0x3] =	wrdreg s15  }
0xb6: {  	[dreg:$0x4] =	wrdreg s24  }
0xb7: {  	[dreg:$0x5] =	wrdreg s16  }
0xb8: {  	[dreg:$0x6] =	wrdreg $0x9  }
0xb9: {  	_ =	task.clear_ibuf [dreg:s9], $0x7FFFF;
	_ =	strace $0x90000049  }
0xba: {  	s29 =	simm.s32 $0x9;
	_ =	strace $0x8000004B  }
0xbb: {  	_ =	swait.ge [sflag:s29], $0x1  }
0xbc: {  	[sflag:s29] =	ssyncadd.s32 $0xFFFFFFFF  }
0xbd: {  	_ =	strace $0x9000004B  }
0xbe: {  	_ =	sfence  }
0xbf: {  	s30 =	sld [smem:$0x0];
	_ =	sdelay $0x2  }
0xc0: {  	s31 =	sshll.u32 s1, $0xD;
	s1 =	sshrl.u32 s1, $0x2  }
0xc1: {  	s3 =	sand.u32 $0x4000, s31;
	s1 =	sadd.s32 s1, s30  }
0xc2: {  	s0 =	sor.u32 s3, s0;
	s1 =	sshll.u32 s1, $0x11  }
0xc3: {  	s0 =	sor.u32 s1, s0  }
0xc4: {  	s0 =	sadd.s32 $0x8F2B, s0  }
0xc5: {  	[sflag:s0] =	ssyncadd.remote.s32 $0x1  }
0xc6: {  	_ =	sfence.sel $0xFFFF  }
0xc7: {  	[dreg:$0x0] =	wrdreg $0xFFFFFFFF;
	(pc) =	sbr.abs _section_cstart, $3  }
0xc8: {  	[dreg:$0x1] =	wrdreg $0xFFFFFFFF  }
0xc9: {  	_ =	task.clear_ibuf [dreg:s9], $0x2FFFF;
	_ =	strace $0x9FFFFFFF  }
0xca: {  	(tm) =	ssettm $0x7FFFFFFF  }
0xcb: {  	_ =	shalt  }
tec
execute0_lowered:
.L_overlay_start_1:
0x0: {  	(tag) =	ssettag $0x1  }
0x1: {  	s0 =	rddreg [dreg:$0x0]  }
0x2: {  	s1 =	srdreg.scid;
	s2 =	rddreg [dreg:$0x2]  }
0x3: {  	s3 =	stileid.u32;
	s8 =	rddreg [dreg:$0x3];
	s26 =	simm.s32 $0x4100  }
0x4: {  	s12 =	simm.s32 $0x8100;
	s29 =	simm.s32 $0x10100;
	s28 =	simm.s32 $0x9900  }
0x5: {  	s30 =	simm.s32 $0xA100;
	s31 =	simm.s32 $0xA900;
	s10 =	simm.s32 $0xC900  }
0x6: {  	s11 =	simm.s32 $0xD100;
	s13 =	simm.s32 $0xD900;
	s1 =	sand.u32 $0x1, s1  }
0x7: {  	s4 =	sshll.u32 s3, $0x9;
	s3 =	simm.s32 $0x0;
	s5 =	sshll.u32 s1, $0x8  }
0x8: {  	s14 =	simm.s32 $0xE100;
	[smem:$0x7FF] =	sst s3;
	s7 =	sor.u32 s5, s4  }
0x9: {  	_ =	strace $0x8000004A;
	[dreg:$0xf] =	wrdreg s26;
	s5 =	sshrl.u32 s7, $0x3  }
0xa: {  	s4 =	sshll.u32 s7, $0x7;
	s24 =	sshll.u32 s7, $0x4;
	s0 =	sadd.s32 s0, s5  }
0xb: {  	s9 =	sadd.s32 s4, s2;
	s25 =	sadd.s32 s8, s24;
	[dreg:$0x5] =	wrdreg s0  }
0xc: {  	s6 =	sadd.s32 $0x1000, s2;
	s15 =	sadd.s32 $0x200E00, s9;
	[dreg:$0xe] =	wrdreg s25  }
0xd: {  	s1 =	ssub.s32 $0x2, s1;
	s16 =	sadd.s32 $0x201E00, s9;
	[dreg:$0x6] =	wrdreg s15  }
0xe: {  	s18 =	sshrl.u32 s1, $0x1;
	s17 =	sadd.s32 $0x202E00, s9;
	[dreg:$0x7] =	wrdreg s16  }
0xf: {  	s1 =	ssub.s32 s1, s18;
	s19 =	sadd.s32 $0x203E00, s9;
	[dreg:$0x8] =	wrdreg s17  }
0x10: {  	s7 =	sadd.s32 $0x1100, s2;
	s20 =	sadd.s32 $0x204E00, s9;
	[dreg:$0x9] =	wrdreg s19  }
0x11: {  	s4 =	sadd.s32 $0xE00, s2;
	s21 =	sadd.s32 $0x205E00, s9;
	[dreg:$0xa] =	wrdreg s20  }
0x12: {  	s5 =	sadd.s32 $0xF00, s2;
	s22 =	sadd.s32 $0x206E00, s9;
	[dreg:$0xb] =	wrdreg s21  }
0x13: {  	s8 =	smax.u32 s1, $0x1;
	s23 =	sadd.s32 $0x207E00, s9;
	[dreg:$0xc] =	wrdreg s22  }
0x14: {  	v2 =	vlaneseq.u32;
	s9 =	simm.s32 $0x4;
	[dreg:$0xd] =	wrdreg s23;
	s21 =	simm.s32 $0x2  }
0x15: {  	vm0 =	vmmov $0xffff;
	v1 =	vshrl.u32 v2, $0x3;
	s22 =	simm.s32 $0x3;
	s19 =	simm.s32 $0xB900;
	s20 =	simm.s32 $0xC100  }
0x16: {  	v0 =	vand.u32 $0x7, v2;
	v2 =	vor.u32 $0x8, v2;
	v1 =	vmul.u32 $0x8, v1;
	s15 =	simm.s32 $0xE900;
	s16 =	simm.s32 $0xF100;
	s17 =	simm.s32 $0xF900  }
.LBB2_1:
0x17: {  	s24 =	rddreg [dreg:$0x5]  }
0x18: {  	[tilespmem:s3], [sflag:$0x4] =	stream.linear.gather [hbm4b:s24+s3], $0x100, $0x38;
	[tilespmem:$0x18100] =	vst v63  }
0x19: {  	_ =	swait.ge [sflag:s9], $0x100  }
0x1a: {  	[sflag:s9] =	ssyncset.done $0x0  }
0x1b: {  	[sflag:s9] =	ssyncadd.s32 $0xFFFFFF00  }
0x1c: {  	s26 =	simm.s32 $0x80;
	s0 =	simm.s32 $0x100;
	s25 =	rddreg [dreg:$0x1]  }
0x1d: {  	[tilespmem:s0], [sflag:$0x1] =	stream.indirect.gather [hbm4b:s25+s26], $0x80, s3, s26, $0xb8;
	[tilespmem:$0x18100] =	vst v63  }
0x1e: {  	s18 =	rddreg [dreg:$0xf]  }
0x1f: {  	[tilespmem:s18], [sflag:$0x1] =	stream.indirect.gather [hbm4b:s25+s26], $0x80, s26, s26, $0xb8;
	[tilespmem:$0x18100] =	vst v63  }
0x20: {  	v3 =	vld [tilespmem:$0x0];
	_ =	sdelay $0x4  }
0x21: {  	v4 =	vshll.u32 v3, $0x3  }
0x22: {  	v3 =	vand.u32 $0x7, v3;
	v4 =	vand.u32 $0xFFFFFFC0, v4  }
0x23: {  	v3 =	vor.u32 v3, v4  }
0x24: {  	v4 =	vperm.xlane v3, v0;
	_ =	sdelay $0x1  }
0x25: {  	v4 =	vadd.s32 v1, v4;
	_ =	sdelay $0x4  }
0x26: {  	[tilespmem:s12], [sflag:$0x2] =	stream.indirect_vreg.gather [hbm4b:s4+s3], $0x80, v4, vm0, $0xb8;
	[tilespmem:$0x18100] =	vst v63  }
0x27: {  	s25 =	simm.s32 $0x8900;
	v3 =	vperm.xlane v3, v2  }
0x28: {  	[tilespmem:s25], [sflag:$0x2] =	stream.indirect_vreg.gather [hbm4b:s5+s3], $0x80, v4, vm0, $0xb8;
	[tilespmem:$0x18100] =	vst v63  }
0x29: {  	s26 =	simm.s32 $0x9100;
	v3 =	vadd.s32 v1, v3  }
0x2a: {  	[tilespmem:s26], [sflag:$0x2] =	stream.indirect_vreg.gather [hbm4b:s6+s3], $0x80, v4, vm0, $0xb8;
	[tilespmem:$0x18100] =	vst v63  }
0x2b: {  	_ = 	snop  }
0x2c: {  	[tilespmem:s28], [sflag:$0x2] =	stream.indirect_vreg.gather [hbm4b:s7+s3], $0x80, v4, vm0, $0xb8;
	[tilespmem:$0x18100] =	vst v63  }
0x2d: {  	_ = 	snop  }
0x2e: {  	[tilespmem:s30], [sflag:$0x2] =	stream.indirect_vreg.gather [hbm4b:s4+s3], $0x80, v3, vm0, $0xb8;
	[tilespmem:$0x18100] =	vst v63  }
0x2f: {  	_ = 	snop  }
0x30: {  	[tilespmem:s31], [sflag:$0x2] =	stream.indirect_vreg.gather [hbm4b:s5+s3], $0x80, v3, vm0, $0xb8;
	[tilespmem:$0x18100] =	vst v63  }
0x31: {  	s2 =	simm.s32 $0xB100  }
0x32: {  	[tilespmem:s2], [sflag:$0x2] =	stream.indirect_vreg.gather [hbm4b:s6+s3], $0x80, v3, vm0, $0xb8;
	[tilespmem:$0x18100] =	vst v63  }
0x33: {  	_ = 	snop  }
0x34: {  	[tilespmem:s19], [sflag:$0x2] =	stream.indirect_vreg.gather [hbm4b:s7+s3], $0x80, v3, vm0, $0xb8;
	[tilespmem:$0x18100] =	vst v63  }
0x35: {  	v3 =	vld [tilespmem:$0x10];
	_ =	sdelay $0x4  }
0x36: {  	v49 =	vshll.u32 v3, $0x3  }
0x37: {  	v3 =	vand.u32 $0x7, v3;
	v4 =	vand.u32 $0xFFFFFFC0, v49  }
0x38: {  	v3 =	vor.u32 v3, v4  }
0x39: {  	v4 =	vperm.xlane v3, v0;
	_ =	sdelay $0x1  }
0x3a: {  	v4 =	vadd.s32 v1, v4;
	_ =	sdelay $0x4  }
0x3b: {  	[tilespmem:s20], [sflag:$0x2] =	stream.indirect_vreg.gather [hbm4b:s4+s3], $0x80, v4, vm0, $0xb8;
	[tilespmem:$0x18100] =	vst v63  }
0x3c: {  	v3 =	vperm.xlane v3, v2  }
0x3d: {  	[tilespmem:s10], [sflag:$0x2] =	stream.indirect_vreg.gather [hbm4b:s5+s3], $0x80, v4, vm0, $0xb8;
	[tilespmem:$0x18100] =	vst v63  }
0x3e: {  	v3 =	vadd.s32 v1, v3  }
0x3f: {  	[tilespmem:s11], [sflag:$0x2] =	stream.indirect_vreg.gather [hbm4b:s6+s3], $0x80, v4, vm0, $0xb8;
	[tilespmem:$0x18100] =	vst v63  }
0x40: {  	_ = 	snop  }
0x41: {  	[tilespmem:s13], [sflag:$0x2] =	stream.indirect_vreg.gather [hbm4b:s7+s3], $0x80, v4, vm0, $0xb8;
	[tilespmem:$0x18100] =	vst v63  }
0x42: {  	_ = 	snop  }
0x43: {  	[tilespmem:s14], [sflag:$0x2] =	stream.indirect_vreg.gather [hbm4b:s4+s3], $0x80, v3, vm0, $0xb8;
	[tilespmem:$0x18100] =	vst v63  }
0x44: {  	_ = 	snop  }
0x45: {  	[tilespmem:s15], [sflag:$0x2] =	stream.indirect_vreg.gather [hbm4b:s5+s3], $0x80, v3, vm0, $0xb8;
	[tilespmem:$0x18100] =	vst v63  }
0x46: {  	_ = 	snop  }
0x47: {  	[tilespmem:s16], [sflag:$0x2] =	stream.indirect_vreg.gather [hbm4b:s6+s3], $0x80, v3, vm0, $0xb8;
	[tilespmem:$0x18100] =	vst v63  }
0x48: {  	_ = 	snop  }
0x49: {  	[tilespmem:s17], [sflag:$0x2] =	stream.indirect_vreg.gather [hbm4b:s7+s3], $0x80, v3, vm0, $0xb8;
	[tilespmem:$0x18100] =	vst v63  }
0x4a: {  	v3 =	vld [tilespmem:$0x20];
	_ =	sdelay $0x4  }
0x4b: {  	v50 =	vshll.u32 v3, $0x3  }
0x4c: {  	v3 =	vand.u32 $0x7, v3;
	v4 =	vand.u32 $0xFFFFFFC0, v50  }
0x4d: {  	v3 =	vor.u32 v3, v4  }
0x4e: {  	v4 =	vperm.xlane v3, v0;
	_ =	sdelay $0x1  }
0x4f: {  	v4 =	vadd.s32 v1, v4;
	_ =	sdelay $0x4  }
0x50: {  	[tilespmem:s29], [sflag:$0x3] =	stream.indirect_vreg.gather [hbm4b:s4+s3], $0x80, v4, vm0, $0xb8;
	[tilespmem:$0x18100] =	vst v63  }
0x51: {  	s18 =	simm.s32 $0x10900;
	v3 =	vperm.xlane v3, v2  }
0x52: {  	[tilespmem:s18], [sflag:$0x3] =	stream.indirect_vreg.gather [hbm4b:s5+s3], $0x80, v4, vm0, $0xb8;
	[tilespmem:$0x18100] =	vst v63  }
0x53: {  	s23 =	simm.s32 $0x11100;
	v3 =	vadd.s32 v1, v3  }
0x54: {  	[tilespmem:s23], [sflag:$0x3] =	stream.indirect_vreg.gather [hbm4b:s6+s3], $0x80, v4, vm0, $0xb8;
	[tilespmem:$0x18100] =	vst v63  }
0x55: {  	s24 =	simm.s32 $0x11900  }
0x56: {  	[tilespmem:s24], [sflag:$0x3] =	stream.indirect_vreg.gather [hbm4b:s7+s3], $0x80, v4, vm0, $0xb8;
	[tilespmem:$0x18100] =	vst v63  }
0x57: {  	s1 =	simm.s32 $0x12100  }
0x58: {  	[tilespmem:s1], [sflag:$0x3] =	stream.indirect_vreg.gather [hbm4b:s4+s3], $0x80, v3, vm0, $0xb8;
	[tilespmem:$0x18100] =	vst v63  }
0x59: {  	s23 =	simm.s32 $0x12900  }
0x5a: {  	[tilespmem:s23], [sflag:$0x3] =	stream.indirect_vreg.gather [hbm4b:s5+s3], $0x80, v3, vm0, $0xb8;
	[tilespmem:$0x18100] =	vst v63  }
0x5b: {  	s1 =	simm.s32 $0x13100  }
0x5c: {  	[tilespmem:s1], [sflag:$0x3] =	stream.indirect_vreg.gather [hbm4b:s6+s3], $0x80, v3, vm0, $0xb8;
	[tilespmem:$0x18100] =	vst v63  }
0x5d: {  	s18 =	simm.s32 $0x13900  }
0x5e: {  	[tilespmem:s18], [sflag:$0x3] =	stream.indirect_vreg.gather [hbm4b:s7+s3], $0x80, v3, vm0, $0xb8;
	[tilespmem:$0x18100] =	vst v63  }
0x5f: {  	v3 =	vld [tilespmem:$0x30];
	_ =	sdelay $0x4  }
0x60: {  	v51 =	vshll.u32 v3, $0x3  }
0x61: {  	v3 =	vand.u32 $0x7, v3;
	v4 =	vand.u32 $0xFFFFFFC0, v51  }
0x62: {  	v3 =	vor.u32 v3, v4  }
0x63: {  	v4 =	vperm.xlane v3, v0;
	_ =	sdelay $0x1  }
0x64: {  	v4 =	vadd.s32 v1, v4;
	_ =	sdelay $0x3  }
0x65: {  	s23 =	simm.s32 $0x14100  }
0x66: {  	[tilespmem:s23], [sflag:$0x3] =	stream.indirect_vreg.gather [hbm4b:s4+s3], $0x80, v4, vm0, $0xb8;
	[tilespmem:$0x18100] =	vst v63  }
0x67: {  	s1 =	simm.s32 $0x14900;
	v3 =	vperm.xlane v3, v2  }
0x68: {  	[tilespmem:s1], [sflag:$0x3] =	stream.indirect_vreg.gather [hbm4b:s5+s3], $0x80, v4, vm0, $0xb8;
	[tilespmem:$0x18100] =	vst v63  }
0x69: {  	v3 =	vadd.s32 v1, v3;
	s1 =	simm.s32 $0x15100  }
0x6a: {  	[tilespmem:s1], [sflag:$0x3] =	stream.indirect_vreg.gather [hbm4b:s6+s3], $0x80, v4, vm0, $0xb8;
	[tilespmem:$0x18100] =	vst v63  }
0x6b: {  	s1 =	simm.s32 $0x15900  }
0x6c: {  	[tilespmem:s1], [sflag:$0x3] =	stream.indirect_vreg.gather [hbm4b:s7+s3], $0x80, v4, vm0, $0xb8;
	[tilespmem:$0x18100] =	vst v63  }
0x6d: {  	s1 =	simm.s32 $0x16100  }
0x6e: {  	[tilespmem:s1], [sflag:$0x3] =	stream.indirect_vreg.gather [hbm4b:s4+s3], $0x80, v3, vm0, $0xb8;
	[tilespmem:$0x18100] =	vst v63  }
0x6f: {  	s1 =	simm.s32 $0x16900  }
0x70: {  	[tilespmem:s1], [sflag:$0x3] =	stream.indirect_vreg.gather [hbm4b:s5+s3], $0x80, v3, vm0, $0xb8;
	[tilespmem:$0x18100] =	vst v63  }
0x71: {  	s1 =	simm.s32 $0x17100  }
0x72: {  	[tilespmem:s1], [sflag:$0x3] =	stream.indirect_vreg.gather [hbm4b:s6+s3], $0x80, v3, vm0, $0xb8;
	[tilespmem:$0x18100] =	vst v63  }
0x73: {  	s1 =	simm.s32 $0x17900  }
0x74: {  	[tilespmem:s1], [sflag:$0x3] =	stream.indirect_vreg.gather [hbm4b:s7+s3], $0x80, v3, vm0, $0xb8;
	[tilespmem:$0x18100] =	vst v63  }
0x75: {  	_ =	swait.ge [sflag:s21], $0x8000  }
0x76: {  	[sflag:s21] =	ssyncset.done $0x0  }
0x77: {  	s1 =	rddreg [dreg:$0x6];
	[sflag:s21] =	ssyncadd.s32 $0xFFFF8000  }
0x78: {  	[hbm4b:s1+s3] =	stream.linear.scatter [tilespmem:s12], [sflag:$0x4], $0x8000, $0x38;
	[tilespmem:$0x18100] =	vst v63  }
0x79: {  	_ =	swait.ge [sflag:s9], $0x8000  }
0x7a: {  	[sflag:s9] =	ssyncset.done $0x0  }
0x7b: {  	[sflag:s9] =	ssyncadd.s32 $0xFFFF8000  }
0x7c: {  	v3 =	vld [tilespmem:$0x40];
	_ =	sdelay $0x4  }
0x7d: {  	v52 =	vshll.u32 v3, $0x3  }
0x7e: {  	v3 =	vand.u32 $0x7, v3;
	v4 =	vand.u32 $0xFFFFFFC0, v52  }
0x7f: {  	v3 =	vor.u32 v3, v4  }
0x80: {  	v4 =	vperm.xlane v3, v0;
	_ =	sdelay $0x1  }
0x81: {  	v4 =	vadd.s32 v1, v4;
	_ =	sdelay $0x4  }
0x82: {  	[tilespmem:s12], [sflag:$0x2] =	stream.indirect_vreg.gather [hbm4b:s4+s3], $0x80, v4, vm0, $0xb8;
	[tilespmem:$0x18100] =	vst v63  }
0x83: {  	v3 =	vperm.xlane v3, v2  }
0x84: {  	[tilespmem:s25], [sflag:$0x2] =	stream.indirect_vreg.gather [hbm4b:s5+s3], $0x80, v4, vm0, $0xb8;
	[tilespmem:$0x18100] =	vst v63  }
0x85: {  	v3 =	vadd.s32 v1, v3  }
0x86: {  	[tilespmem:s26], [sflag:$0x2] =	stream.indirect_vreg.gather [hbm4b:s6+s3], $0x80, v4, vm0, $0xb8;
	[tilespmem:$0x18100] =	vst v63  }
0x87: {  	_ = 	snop  }
0x88: {  	[tilespmem:s28], [sflag:$0x2] =	stream.indirect_vreg.gather [hbm4b:s7+s3], $0x80, v4, vm0, $0xb8;
	[tilespmem:$0x18100] =	vst v63  }
0x89: {  	_ = 	snop  }
0x8a: {  	[tilespmem:s30], [sflag:$0x2] =	stream.indirect_vreg.gather [hbm4b:s4+s3], $0x80, v3, vm0, $0xb8;
	[tilespmem:$0x18100] =	vst v63  }
0x8b: {  	_ = 	snop  }
0x8c: {  	[tilespmem:s31], [sflag:$0x2] =	stream.indirect_vreg.gather [hbm4b:s5+s3], $0x80, v3, vm0, $0xb8;
	[tilespmem:$0x18100] =	vst v63  }
0x8d: {  	_ = 	snop  }
0x8e: {  	[tilespmem:s2], [sflag:$0x2] =	stream.indirect_vreg.gather [hbm4b:s6+s3], $0x80, v3, vm0, $0xb8;
	[tilespmem:$0x18100] =	vst v63  }
0x8f: {  	_ = 	snop  }
0x90: {  	[tilespmem:s19], [sflag:$0x2] =	stream.indirect_vreg.gather [hbm4b:s7+s3], $0x80, v3, vm0, $0xb8;
	[tilespmem:$0x18100] =	vst v63  }
0x91: {  	v3 =	vld [tilespmem:$0x50];
	_ =	sdelay $0x4  }
0x92: {  	v53 =	vshll.u32 v3, $0x3  }
0x93: {  	v3 =	vand.u32 $0x7, v3;
	v4 =	vand.u32 $0xFFFFFFC0, v53  }
0x94: {  	v3 =	vor.u32 v3, v4  }
0x95: {  	v4 =	vperm.xlane v3, v0;
	_ =	sdelay $0x1  }
0x96: {  	v4 =	vadd.s32 v1, v4;
	_ =	sdelay $0x4  }
0x97: {  	[tilespmem:s20], [sflag:$0x2] =	stream.indirect_vreg.gather [hbm4b:s4+s3], $0x80, v4, vm0, $0xb8;
	[tilespmem:$0x18100] =	vst v63  }
0x98: {  	v3 =	vperm.xlane v3, v2  }
0x99: {  	[tilespmem:s10], [sflag:$0x2] =	stream.indirect_vreg.gather [hbm4b:s5+s3], $0x80, v4, vm0, $0xb8;
	[tilespmem:$0x18100] =	vst v63  }
0x9a: {  	v3 =	vadd.s32 v1, v3  }
0x9b: {  	[tilespmem:s11], [sflag:$0x2] =	stream.indirect_vreg.gather [hbm4b:s6+s3], $0x80, v4, vm0, $0xb8;
	[tilespmem:$0x18100] =	vst v63  }
0x9c: {  	_ = 	snop  }
0x9d: {  	[tilespmem:s13], [sflag:$0x2] =	stream.indirect_vreg.gather [hbm4b:s7+s3], $0x80, v4, vm0, $0xb8;
	[tilespmem:$0x18100] =	vst v63  }
0x9e: {  	_ = 	snop  }
0x9f: {  	[tilespmem:s14], [sflag:$0x2] =	stream.indirect_vreg.gather [hbm4b:s4+s3], $0x80, v3, vm0, $0xb8;
	[tilespmem:$0x18100] =	vst v63  }
0xa0: {  	_ = 	snop  }
0xa1: {  	[tilespmem:s15], [sflag:$0x2] =	stream.indirect_vreg.gather [hbm4b:s5+s3], $0x80, v3, vm0, $0xb8;
	[tilespmem:$0x18100] =	vst v63  }
0xa2: {  	_ = 	snop  }
0xa3: {  	[tilespmem:s16], [sflag:$0x2] =	stream.indirect_vreg.gather [hbm4b:s6+s3], $0x80, v3, vm0, $0xb8;
	[tilespmem:$0x18100] =	vst v63  }
0xa4: {  	_ = 	snop  }
0xa5: {  	[tilespmem:s17], [sflag:$0x2] =	stream.indirect_vreg.gather [hbm4b:s7+s3], $0x80, v3, vm0, $0xb8;
	[tilespmem:$0x18100] =	vst v63  }
0xa6: {  	_ =	swait.ge [sflag:s22], $0x8000  }
0xa7: {  	[sflag:s22] =	ssyncset.done $0x0  }
0xa8: {  	s1 =	rddreg [dreg:$0x7];
	[sflag:s22] =	ssyncadd.s32 $0xFFFF8000  }
0xa9: {  	[hbm4b:s1+s3] =	stream.linear.scatter [tilespmem:s29], [sflag:$0x4], $0x8000, $0x38;
	[tilespmem:$0x18100] =	vst v63  }
0xaa: {  	_ =	swait.ge [sflag:s9], $0x8000  }
0xab: {  	[sflag:s9] =	ssyncset.done $0x0  }
0xac: {  	[sflag:s9] =	ssyncadd.s32 $0xFFFF8000  }
0xad: {  	v3 =	vld [tilespmem:$0x60];
	_ =	sdelay $0x4  }
0xae: {  	v54 =	vshll.u32 v3, $0x3  }
0xaf: {  	v3 =	vand.u32 $0x7, v3;
	v4 =	vand.u32 $0xFFFFFFC0, v54  }
0xb0: {  	v3 =	vor.u32 v3, v4  }
0xb1: {  	v4 =	vperm.xlane v3, v0;
	_ =	sdelay $0x1  }
0xb2: {  	v4 =	vadd.s32 v1, v4;
	_ =	sdelay $0x4  }
0xb3: {  	[tilespmem:s29], [sflag:$0x3] =	stream.indirect_vreg.gather [hbm4b:s4+s3], $0x80, v4, vm0, $0xb8;
	[tilespmem:$0x18100] =	vst v63  }
0xb4: {  	s0 =	simm.s32 $0x10900;
	v3 =	vperm.xlane v3, v2  }
0xb5: {  	[tilespmem:s0], [sflag:$0x3] =	stream.indirect_vreg.gather [hbm4b:s5+s3], $0x80, v4, vm0, $0xb8;
	[tilespmem:$0x18100] =	vst v63  }
0xb6: {  	v3 =	vadd.s32 v1, v3;
	s0 =	simm.s32 $0x11100  }
0xb7: {  	[tilespmem:s0], [sflag:$0x3] =	stream.indirect_vreg.gather [hbm4b:s6+s3], $0x80, v4, vm0, $0xb8;
	[tilespmem:$0x18100] =	vst v63  }
0xb8: {  	s1 =	simm.s32 $0x11900  }
0xb9: {  	[tilespmem:s1], [sflag:$0x3] =	stream.indirect_vreg.gather [hbm4b:s7+s3], $0x80, v4, vm0, $0xb8;
	[tilespmem:$0x18100] =	vst v63  }
0xba: {  	s24 =	simm.s32 $0x12100  }
0xbb: {  	[tilespmem:s24], [sflag:$0x3] =	stream.indirect_vreg.gather [hbm4b:s4+s3], $0x80, v3, vm0, $0xb8;
	[tilespmem:$0x18100] =	vst v63  }
0xbc: {  	s24 =	simm.s32 $0x12900  }
0xbd: {  	[tilespmem:s24], [sflag:$0x3] =	stream.indirect_vreg.gather [hbm4b:s5+s3], $0x80, v3, vm0, $0xb8;
	[tilespmem:$0x18100] =	vst v63  }
0xbe: {  	s24 =	simm.s32 $0x13100  }
0xbf: {  	[tilespmem:s24], [sflag:$0x3] =	stream.indirect_vreg.gather [hbm4b:s6+s3], $0x80, v3, vm0, $0xb8;
	[tilespmem:$0x18100] =	vst v63  }
0xc0: {  	s18 =	simm.s32 $0x13900  }
0xc1: {  	[tilespmem:s18], [sflag:$0x3] =	stream.indirect_vreg.gather [hbm4b:s7+s3], $0x80, v3, vm0, $0xb8;
	[tilespmem:$0x18100] =	vst v63  }
0xc2: {  	v3 =	vld [tilespmem:$0x70];
	_ =	sdelay $0x4  }
0xc3: {  	v55 =	vshll.u32 v3, $0x3  }
0xc4: {  	v3 =	vand.u32 $0x7, v3;
	v4 =	vand.u32 $0xFFFFFFC0, v55  }
0xc5: {  	v3 =	vor.u32 v3, v4  }
0xc6: {  	v4 =	vperm.xlane v3, v0;
	_ =	sdelay $0x1  }
0xc7: {  	v4 =	vadd.s32 v1, v4;
	_ =	sdelay $0x3  }
0xc8: {  	s23 =	simm.s32 $0x14100  }
0xc9: {  	[tilespmem:s23], [sflag:$0x3] =	stream.indirect_vreg.gather [hbm4b:s4+s3], $0x80, v4, vm0, $0xb8;
	[tilespmem:$0x18100] =	vst v63  }
0xca: {  	s24 =	simm.s32 $0x14900;
	v3 =	vperm.xlane v3, v2  }
0xcb: {  	[tilespmem:s24], [sflag:$0x3] =	stream.indirect_vreg.gather [hbm4b:s5+s3], $0x80, v4, vm0, $0xb8;
	[tilespmem:$0x18100] =	vst v63  }
0xcc: {  	v3 =	vadd.s32 v1, v3;
	s23 =	simm.s32 $0x15100  }
0xcd: {  	[tilespmem:s23], [sflag:$0x3] =	stream.indirect_vreg.gather [hbm4b:s6+s3], $0x80, v4, vm0, $0xb8;
	[tilespmem:$0x18100] =	vst v63  }
0xce: {  	s24 =	simm.s32 $0x15900  }
0xcf: {  	[tilespmem:s24], [sflag:$0x3] =	stream.indirect_vreg.gather [hbm4b:s7+s3], $0x80, v4, vm0, $0xb8;
	[tilespmem:$0x18100] =	vst v63  }
0xd0: {  	s23 =	simm.s32 $0x16100  }
0xd1: {  	[tilespmem:s23], [sflag:$0x3] =	stream.indirect_vreg.gather [hbm4b:s4+s3], $0x80, v3, vm0, $0xb8;
	[tilespmem:$0x18100] =	vst v63  }
0xd2: {  	s24 =	simm.s32 $0x16900  }
0xd3: {  	[tilespmem:s24], [sflag:$0x3] =	stream.indirect_vreg.gather [hbm4b:s5+s3], $0x80, v3, vm0, $0xb8;
	[tilespmem:$0x18100] =	vst v63  }
0xd4: {  	s23 =	simm.s32 $0x17100  }
0xd5: {  	[tilespmem:s23], [sflag:$0x3] =	stream.indirect_vreg.gather [hbm4b:s6+s3], $0x80, v3, vm0, $0xb8;
	[tilespmem:$0x18100] =	vst v63  }
0xd6: {  	s24 =	simm.s32 $0x17900  }
0xd7: {  	[tilespmem:s24], [sflag:$0x3] =	stream.indirect_vreg.gather [hbm4b:s7+s3], $0x80, v3, vm0, $0xb8;
	[tilespmem:$0x18100] =	vst v63  }
0xd8: {  	_ =	swait.ge [sflag:s21], $0x8000  }
0xd9: {  	[sflag:s21] =	ssyncset.done $0x0  }
0xda: {  	s23 =	rddreg [dreg:$0x8];
	[sflag:s21] =	ssyncadd.s32 $0xFFFF8000  }
0xdb: {  	[hbm4b:s23+s3] =	stream.linear.scatter [tilespmem:s12], [sflag:$0x4], $0x8000, $0x38;
	[tilespmem:$0x18100] =	vst v63  }
0xdc: {  	_ =	swait.ge [sflag:s9], $0x8000  }
0xdd: {  	[sflag:s9] =	ssyncset.done $0x0  }
0xde: {  	[sflag:s9] =	ssyncadd.s32 $0xFFFF8000  }
0xdf: {  	v3 =	vld [tilespmem:$0x80];
	_ =	sdelay $0x4  }
0xe0: {  	v56 =	vshll.u32 v3, $0x3  }
0xe1: {  	v3 =	vand.u32 $0x7, v3;
	v4 =	vand.u32 $0xFFFFFFC0, v56  }
0xe2: {  	v3 =	vor.u32 v3, v4  }
0xe3: {  	v4 =	vperm.xlane v3, v0;
	_ =	sdelay $0x1  }
0xe4: {  	v4 =	vadd.s32 v1, v4;
	_ =	sdelay $0x4  }
0xe5: {  	[tilespmem:s12], [sflag:$0x2] =	stream.indirect_vreg.gather [hbm4b:s4+s3], $0x80, v4, vm0, $0xb8;
	[tilespmem:$0x18100] =	vst v63  }
0xe6: {  	v3 =	vperm.xlane v3, v2  }
0xe7: {  	[tilespmem:s25], [sflag:$0x2] =	stream.indirect_vreg.gather [hbm4b:s5+s3], $0x80, v4, vm0, $0xb8;
	[tilespmem:$0x18100] =	vst v63  }
0xe8: {  	v3 =	vadd.s32 v1, v3  }
0xe9: {  	[tilespmem:s26], [sflag:$0x2] =	stream.indirect_vreg.gather [hbm4b:s6+s3], $0x80, v4, vm0, $0xb8;
	[tilespmem:$0x18100] =	vst v63  }
0xea: {  	_ = 	snop  }
0xeb: {  	[tilespmem:s28], [sflag:$0x2] =	stream.indirect_vreg.gather [hbm4b:s7+s3], $0x80, v4, vm0, $0xb8;
	[tilespmem:$0x18100] =	vst v63  }
0xec: {  	_ = 	snop  }
0xed: {  	[tilespmem:s30], [sflag:$0x2] =	stream.indirect_vreg.gather [hbm4b:s4+s3], $0x80, v3, vm0, $0xb8;
	[tilespmem:$0x18100] =	vst v63  }
0xee: {  	_ = 	snop  }
0xef: {  	[tilespmem:s31], [sflag:$0x2] =	stream.indirect_vreg.gather [hbm4b:s5+s3], $0x80, v3, vm0, $0xb8;
	[tilespmem:$0x18100] =	vst v63  }
0xf0: {  	_ = 	snop  }
0xf1: {  	[tilespmem:s2], [sflag:$0x2] =	stream.indirect_vreg.gather [hbm4b:s6+s3], $0x80, v3, vm0, $0xb8;
	[tilespmem:$0x18100] =	vst v63  }
0xf2: {  	_ = 	snop  }
0xf3: {  	[tilespmem:s19], [sflag:$0x2] =	stream.indirect_vreg.gather [hbm4b:s7+s3], $0x80, v3, vm0, $0xb8;
	[tilespmem:$0x18100] =	vst v63  }
0xf4: {  	v3 =	vld [tilespmem:$0x90];
	_ =	sdelay $0x4  }
0xf5: {  	v57 =	vshll.u32 v3, $0x3  }
0xf6: {  	v3 =	vand.u32 $0x7, v3;
	v4 =	vand.u32 $0xFFFFFFC0, v57  }
0xf7: {  	v3 =	vor.u32 v3, v4  }
0xf8: {  	v4 =	vperm.xlane v3, v0;
	_ =	sdelay $0x1  }
0xf9: {  	v4 =	vadd.s32 v1, v4;
	_ =	sdelay $0x4  }
0xfa: {  	[tilespmem:s20], [sflag:$0x2] =	stream.indirect_vreg.gather [hbm4b:s4+s3], $0x80, v4, vm0, $0xb8;
	[tilespmem:$0x18100] =	vst v63  }
0xfb: {  	v3 =	vperm.xlane v3, v2  }
0xfc: {  	[tilespmem:s10], [sflag:$0x2] =	stream.indirect_vreg.gather [hbm4b:s5+s3], $0x80, v4, vm0, $0xb8;
	[tilespmem:$0x18100] =	vst v63  }
0xfd: {  	v3 =	vadd.s32 v1, v3  }
0xfe: {  	[tilespmem:s11], [sflag:$0x2] =	stream.indirect_vreg.gather [hbm4b:s6+s3], $0x80, v4, vm0, $0xb8;
	[tilespmem:$0x18100] =	vst v63  }
0xff: {  	_ = 	snop  }
0x100: {  	[tilespmem:s13], [sflag:$0x2] =	stream.indirect_vreg.gather [hbm4b:s7+s3], $0x80, v4, vm0, $0xb8;
	[tilespmem:$0x18100] =	vst v63  }
0x101: {  	_ = 	snop  }
0x102: {  	[tilespmem:s14], [sflag:$0x2] =	stream.indirect_vreg.gather [hbm4b:s4+s3], $0x80, v3, vm0, $0xb8;
	[tilespmem:$0x18100] =	vst v63  }
0x103: {  	_ = 	snop  }
0x104: {  	[tilespmem:s15], [sflag:$0x2] =	stream.indirect_vreg.gather [hbm4b:s5+s3], $0x80, v3, vm0, $0xb8;
	[tilespmem:$0x18100] =	vst v63  }
0x105: {  	_ = 	snop  }
0x106: {  	[tilespmem:s16], [sflag:$0x2] =	stream.indirect_vreg.gather [hbm4b:s6+s3], $0x80, v3, vm0, $0xb8;
	[tilespmem:$0x18100] =	vst v63  }
0x107: {  	_ = 	snop  }
0x108: {  	[tilespmem:s17], [sflag:$0x2] =	stream.indirect_vreg.gather [hbm4b:s7+s3], $0x80, v3, vm0, $0xb8;
	[tilespmem:$0x18100] =	vst v63  }
0x109: {  	_ =	swait.ge [sflag:s22], $0x8000  }
0x10a: {  	[sflag:s22] =	ssyncset.done $0x0  }
0x10b: {  	s18 =	rddreg [dreg:$0x9];
	[sflag:s22] =	ssyncadd.s32 $0xFFFF8000  }
0x10c: {  	[hbm4b:s18+s3] =	stream.linear.scatter [tilespmem:s29], [sflag:$0x4], $0x8000, $0x38;
	[tilespmem:$0x18100] =	vst v63  }
0x10d: {  	_ =	swait.ge [sflag:s9], $0x8000  }
0x10e: {  	[sflag:s9] =	ssyncset.done $0x0  }
0x10f: {  	[sflag:s9] =	ssyncadd.s32 $0xFFFF8000  }
0x110: {  	v3 =	vld [tilespmem:$0xA0];
	_ =	sdelay $0x4  }
0x111: {  	v58 =	vshll.u32 v3, $0x3  }
0x112: {  	v3 =	vand.u32 $0x7, v3;
	v4 =	vand.u32 $0xFFFFFFC0, v58  }
0x113: {  	v3 =	vor.u32 v3, v4  }
0x114: {  	v4 =	vperm.xlane v3, v0;
	_ =	sdelay $0x1  }
0x115: {  	v4 =	vadd.s32 v1, v4;
	_ =	sdelay $0x4  }
0x116: {  	[tilespmem:s29], [sflag:$0x3] =	stream.indirect_vreg.gather [hbm4b:s4+s3], $0x80, v4, vm0, $0xb8;
	[tilespmem:$0x18100] =	vst v63  }
0x117: {  	s23 =	simm.s32 $0x10900;
	v3 =	vperm.xlane v3, v2  }
0x118: {  	[tilespmem:s23], [sflag:$0x3] =	stream.indirect_vreg.gather [hbm4b:s5+s3], $0x80, v4, vm0, $0xb8;
	[tilespmem:$0x18100] =	vst v63  }
0x119: {  	v3 =	vadd.s32 v1, v3  }
0x11a: {  	[tilespmem:s0], [sflag:$0x3] =	stream.indirect_vreg.gather [hbm4b:s6+s3], $0x80, v4, vm0, $0xb8;
	[tilespmem:$0x18100] =	vst v63  }
0x11b: {  	_ = 	snop  }
0x11c: {  	[tilespmem:s1], [sflag:$0x3] =	stream.indirect_vreg.gather [hbm4b:s7+s3], $0x80, v4, vm0, $0xb8;
	[tilespmem:$0x18100] =	vst v63  }
0x11d: {  	s24 =	simm.s32 $0x12100  }
0x11e: {  	[tilespmem:s24], [sflag:$0x3] =	stream.indirect_vreg.gather [hbm4b:s4+s3], $0x80, v3, vm0, $0xb8;
	[tilespmem:$0x18100] =	vst v63  }
0x11f: {  	s23 =	simm.s32 $0x12900  }
0x120: {  	[tilespmem:s23], [sflag:$0x3] =	stream.indirect_vreg.gather [hbm4b:s5+s3], $0x80, v3, vm0, $0xb8;
	[tilespmem:$0x18100] =	vst v63  }
0x121: {  	s24 =	simm.s32 $0x13100  }
0x122: {  	[tilespmem:s24], [sflag:$0x3] =	stream.indirect_vreg.gather [hbm4b:s6+s3], $0x80, v3, vm0, $0xb8;
	[tilespmem:$0x18100] =	vst v63  }
0x123: {  	s24 =	simm.s32 $0x13900  }
0x124: {  	[tilespmem:s24], [sflag:$0x3] =	stream.indirect_vreg.gather [hbm4b:s7+s3], $0x80, v3, vm0, $0xb8;
	[tilespmem:$0x18100] =	vst v63  }
0x125: {  	v3 =	vld [tilespmem:$0xB0];
	_ =	sdelay $0x4  }
0x126: {  	v59 =	vshll.u32 v3, $0x3  }
0x127: {  	v3 =	vand.u32 $0x7, v3;
	v4 =	vand.u32 $0xFFFFFFC0, v59  }
0x128: {  	v3 =	vor.u32 v3, v4  }
0x129: {  	v4 =	vperm.xlane v3, v0;
	_ =	sdelay $0x1  }
0x12a: {  	v4 =	vadd.s32 v1, v4;
	_ =	sdelay $0x3  }
0x12b: {  	s24 =	simm.s32 $0x14100  }
0x12c: {  	[tilespmem:s24], [sflag:$0x3] =	stream.indirect_vreg.gather [hbm4b:s4+s3], $0x80, v4, vm0, $0xb8;
	[tilespmem:$0x18100] =	vst v63  }
0x12d: {  	v3 =	vperm.xlane v3, v2;
	s24 =	simm.s32 $0x14900  }
0x12e: {  	[tilespmem:s24], [sflag:$0x3] =	stream.indirect_vreg.gather [hbm4b:s5+s3], $0x80, v4, vm0, $0xb8;
	[tilespmem:$0x18100] =	vst v63  }
0x12f: {  	v3 =	vadd.s32 v1, v3;
	s24 =	simm.s32 $0x15100  }
0x130: {  	[tilespmem:s24], [sflag:$0x3] =	stream.indirect_vreg.gather [hbm4b:s6+s3], $0x80, v4, vm0, $0xb8;
	[tilespmem:$0x18100] =	vst v63  }
0x131: {  	s24 =	simm.s32 $0x15900  }
0x132: {  	[tilespmem:s24], [sflag:$0x3] =	stream.indirect_vreg.gather [hbm4b:s7+s3], $0x80, v4, vm0, $0xb8;
	[tilespmem:$0x18100] =	vst v63  }
0x133: {  	s24 =	simm.s32 $0x16100  }
0x134: {  	[tilespmem:s24], [sflag:$0x3] =	stream.indirect_vreg.gather [hbm4b:s4+s3], $0x80, v3, vm0, $0xb8;
	[tilespmem:$0x18100] =	vst v63  }
0x135: {  	s24 =	simm.s32 $0x16900  }
0x136: {  	[tilespmem:s24], [sflag:$0x3] =	stream.indirect_vreg.gather [hbm4b:s5+s3], $0x80, v3, vm0, $0xb8;
	[tilespmem:$0x18100] =	vst v63  }
0x137: {  	s24 =	simm.s32 $0x17100  }
0x138: {  	[tilespmem:s24], [sflag:$0x3] =	stream.indirect_vreg.gather [hbm4b:s6+s3], $0x80, v3, vm0, $0xb8;
	[tilespmem:$0x18100] =	vst v63  }
0x139: {  	s24 =	simm.s32 $0x17900  }
0x13a: {  	[tilespmem:s24], [sflag:$0x3] =	stream.indirect_vreg.gather [hbm4b:s7+s3], $0x80, v3, vm0, $0xb8;
	[tilespmem:$0x18100] =	vst v63  }
0x13b: {  	_ =	swait.ge [sflag:s21], $0x8000  }
0x13c: {  	[sflag:s21] =	ssyncset.done $0x0  }
0x13d: {  	s24 =	rddreg [dreg:$0xa];
	[sflag:s21] =	ssyncadd.s32 $0xFFFF8000  }
0x13e: {  	[hbm4b:s24+s3] =	stream.linear.scatter [tilespmem:s12], [sflag:$0x4], $0x8000, $0x38;
	[tilespmem:$0x18100] =	vst v63  }
0x13f: {  	_ =	swait.ge [sflag:s9], $0x8000  }
0x140: {  	[sflag:s9] =	ssyncset.done $0x0  }
0x141: {  	[sflag:s9] =	ssyncadd.s32 $0xFFFF8000  }
0x142: {  	v3 =	vld [tilespmem:$0xC0];
	_ =	sdelay $0x4  }
0x143: {  	v60 =	vshll.u32 v3, $0x3  }
0x144: {  	v3 =	vand.u32 $0x7, v3;
	v4 =	vand.u32 $0xFFFFFFC0, v60  }
0x145: {  	v3 =	vor.u32 v3, v4  }
0x146: {  	v4 =	vperm.xlane v3, v0;
	_ =	sdelay $0x1  }
0x147: {  	v4 =	vadd.s32 v1, v4;
	_ =	sdelay $0x4  }
0x148: {  	[tilespmem:s12], [sflag:$0x2] =	stream.indirect_vreg.gather [hbm4b:s4+s3], $0x80, v4, vm0, $0xb8;
	[tilespmem:$0x18100] =	vst v63  }
0x149: {  	v3 =	vperm.xlane v3, v2  }
0x14a: {  	[tilespmem:s25], [sflag:$0x2] =	stream.indirect_vreg.gather [hbm4b:s5+s3], $0x80, v4, vm0, $0xb8;
	[tilespmem:$0x18100] =	vst v63  }
0x14b: {  	v3 =	vadd.s32 v1, v3  }
0x14c: {  	[tilespmem:s26], [sflag:$0x2] =	stream.indirect_vreg.gather [hbm4b:s6+s3], $0x80, v4, vm0, $0xb8;
	[tilespmem:$0x18100] =	vst v63  }
0x14d: {  	_ = 	snop  }
0x14e: {  	[tilespmem:s28], [sflag:$0x2] =	stream.indirect_vreg.gather [hbm4b:s7+s3], $0x80, v4, vm0, $0xb8;
	[tilespmem:$0x18100] =	vst v63  }
0x14f: {  	_ = 	snop  }
0x150: {  	[tilespmem:s30], [sflag:$0x2] =	stream.indirect_vreg.gather [hbm4b:s4+s3], $0x80, v3, vm0, $0xb8;
	[tilespmem:$0x18100] =	vst v63  }
0x151: {  	_ = 	snop  }
0x152: {  	[tilespmem:s31], [sflag:$0x2] =	stream.indirect_vreg.gather [hbm4b:s5+s3], $0x80, v3, vm0, $0xb8;
	[tilespmem:$0x18100] =	vst v63  }
0x153: {  	_ = 	snop  }
0x154: {  	[tilespmem:s2], [sflag:$0x2] =	stream.indirect_vreg.gather [hbm4b:s6+s3], $0x80, v3, vm0, $0xb8;
	[tilespmem:$0x18100] =	vst v63  }
0x155: {  	_ = 	snop  }
0x156: {  	[tilespmem:s19], [sflag:$0x2] =	stream.indirect_vreg.gather [hbm4b:s7+s3], $0x80, v3, vm0, $0xb8;
	[tilespmem:$0x18100] =	vst v63  }
0x157: {  	v3 =	vld [tilespmem:$0xD0];
	_ =	sdelay $0x4  }
0x158: {  	v61 =	vshll.u32 v3, $0x3  }
0x159: {  	v3 =	vand.u32 $0x7, v3;
	v4 =	vand.u32 $0xFFFFFFC0, v61  }
0x15a: {  	v3 =	vor.u32 v3, v4  }
0x15b: {  	v4 =	vperm.xlane v3, v0;
	_ =	sdelay $0x1  }
0x15c: {  	v4 =	vadd.s32 v1, v4;
	_ =	sdelay $0x4  }
0x15d: {  	[tilespmem:s20], [sflag:$0x2] =	stream.indirect_vreg.gather [hbm4b:s4+s3], $0x80, v4, vm0, $0xb8;
	[tilespmem:$0x18100] =	vst v63  }
0x15e: {  	v3 =	vperm.xlane v3, v2  }
0x15f: {  	[tilespmem:s10], [sflag:$0x2] =	stream.indirect_vreg.gather [hbm4b:s5+s3], $0x80, v4, vm0, $0xb8;
	[tilespmem:$0x18100] =	vst v63  }
0x160: {  	v3 =	vadd.s32 v1, v3  }
0x161: {  	[tilespmem:s11], [sflag:$0x2] =	stream.indirect_vreg.gather [hbm4b:s6+s3], $0x80, v4, vm0, $0xb8;
	[tilespmem:$0x18100] =	vst v63  }
0x162: {  	_ = 	snop  }
0x163: {  	[tilespmem:s13], [sflag:$0x2] =	stream.indirect_vreg.gather [hbm4b:s7+s3], $0x80, v4, vm0, $0xb8;
	[tilespmem:$0x18100] =	vst v63  }
0x164: {  	_ = 	snop  }
0x165: {  	[tilespmem:s14], [sflag:$0x2] =	stream.indirect_vreg.gather [hbm4b:s4+s3], $0x80, v3, vm0, $0xb8;
	[tilespmem:$0x18100] =	vst v63  }
0x166: {  	_ = 	snop  }
0x167: {  	[tilespmem:s15], [sflag:$0x2] =	stream.indirect_vreg.gather [hbm4b:s5+s3], $0x80, v3, vm0, $0xb8;
	[tilespmem:$0x18100] =	vst v63  }
0x168: {  	_ = 	snop  }
0x169: {  	[tilespmem:s16], [sflag:$0x2] =	stream.indirect_vreg.gather [hbm4b:s6+s3], $0x80, v3, vm0, $0xb8;
	[tilespmem:$0x18100] =	vst v63  }
0x16a: {  	_ = 	snop  }
0x16b: {  	[tilespmem:s17], [sflag:$0x2] =	stream.indirect_vreg.gather [hbm4b:s7+s3], $0x80, v3, vm0, $0xb8;
	[tilespmem:$0x18100] =	vst v63  }
0x16c: {  	_ =	swait.ge [sflag:s22], $0x8000  }
0x16d: {  	[sflag:s22] =	ssyncset.done $0x0  }
0x16e: {  	s2 =	rddreg [dreg:$0xb];
	[sflag:s22] =	ssyncadd.s32 $0xFFFF8000  }
0x16f: {  	[hbm4b:s2+s3] =	stream.linear.scatter [tilespmem:s29], [sflag:$0x4], $0x8000, $0x38;
	[tilespmem:$0x18100] =	vst v63  }
0x170: {  	_ =	swait.ge [sflag:s9], $0x8000  }
0x171: {  	[sflag:s9] =	ssyncset.done $0x0  }
0x172: {  	[sflag:s9] =	ssyncadd.s32 $0xFFFF8000  }
0x173: {  	v3 =	vld [tilespmem:$0xE0];
	_ =	sdelay $0x4  }
0x174: {  	v62 =	vshll.u32 v3, $0x3  }
0x175: {  	v3 =	vand.u32 $0x7, v3;
	v4 =	vand.u32 $0xFFFFFFC0, v62  }
0x176: {  	v3 =	vor.u32 v3, v4  }
0x177: {  	v4 =	vperm.xlane v3, v0;
	_ =	sdelay $0x1  }
0x178: {  	v4 =	vadd.s32 v1, v4;
	_ =	sdelay $0x4  }
0x179: {  	[tilespmem:s29], [sflag:$0x3] =	stream.indirect_vreg.gather [hbm4b:s4+s3], $0x80, v4, vm0, $0xb8;
	[tilespmem:$0x18100] =	vst v63  }
0x17a: {  	s25 =	simm.s32 $0x10900;
	v3 =	vperm.xlane v3, v2  }
0x17b: {  	[tilespmem:s25], [sflag:$0x3] =	stream.indirect_vreg.gather [hbm4b:s5+s3], $0x80, v4, vm0, $0xb8;
	[tilespmem:$0x18100] =	vst v63  }
0x17c: {  	s0 =	simm.s32 $0x11100;
	v3 =	vadd.s32 v1, v3  }
0x17d: {  	[tilespmem:s0], [sflag:$0x3] =	stream.indirect_vreg.gather [hbm4b:s6+s3], $0x80, v4, vm0, $0xb8;
	[tilespmem:$0x18100] =	vst v63  }
0x17e: {  	s1 =	simm.s32 $0x11900  }
0x17f: {  	[tilespmem:s1], [sflag:$0x3] =	stream.indirect_vreg.gather [hbm4b:s7+s3], $0x80, v4, vm0, $0xb8;
	[tilespmem:$0x18100] =	vst v63  }
0x180: {  	s26 =	simm.s32 $0x12100  }
0x181: {  	[tilespmem:s26], [sflag:$0x3] =	stream.indirect_vreg.gather [hbm4b:s4+s3], $0x80, v3, vm0, $0xb8;
	[tilespmem:$0x18100] =	vst v63  }
0x182: {  	s18 =	simm.s32 $0x12900  }
0x183: {  	[tilespmem:s18], [sflag:$0x3] =	stream.indirect_vreg.gather [hbm4b:s5+s3], $0x80, v3, vm0, $0xb8;
	[tilespmem:$0x18100] =	vst v63  }
0x184: {  	s23 =	simm.s32 $0x13100  }
0x185: {  	[tilespmem:s23], [sflag:$0x3] =	stream.indirect_vreg.gather [hbm4b:s6+s3], $0x80, v3, vm0, $0xb8;
	[tilespmem:$0x18100] =	vst v63  }
0x186: {  	s1 =	simm.s32 $0x13900  }
0x187: {  	[tilespmem:s1], [sflag:$0x3] =	stream.indirect_vreg.gather [hbm4b:s7+s3], $0x80, v3, vm0, $0xb8;
	[tilespmem:$0x18100] =	vst v63  }
0x188: {  	v3 =	vld [tilespmem:$0xF0];
	_ =	sdelay $0x4  }
0x189: {  	v63 =	vshll.u32 v3, $0x3  }
0x18a: {  	v3 =	vand.u32 $0x7, v3;
	v4 =	vand.u32 $0xFFFFFFC0, v63  }
0x18b: {  	v3 =	vor.u32 v3, v4  }
0x18c: {  	v4 =	vperm.xlane v3, v0;
	_ =	sdelay $0x1  }
0x18d: {  	v4 =	vadd.s32 v1, v4;
	_ =	sdelay $0x3  }
0x18e: {  	s2 =	simm.s32 $0x14100  }
0x18f: {  	[tilespmem:s2], [sflag:$0x3] =	stream.indirect_vreg.gather [hbm4b:s4+s3], $0x80, v4, vm0, $0xb8;
	[tilespmem:$0x18100] =	vst v63  }
0x190: {  	s18 =	simm.s32 $0x14900;
	v3 =	vperm.xlane v3, v2  }
0x191: {  	[tilespmem:s18], [sflag:$0x3] =	stream.indirect_vreg.gather [hbm4b:s5+s3], $0x80, v4, vm0, $0xb8;
	[tilespmem:$0x18100] =	vst v63  }
0x192: {  	s23 =	simm.s32 $0x15100;
	v3 =	vadd.s32 v1, v3  }
0x193: {  	[tilespmem:s23], [sflag:$0x3] =	stream.indirect_vreg.gather [hbm4b:s6+s3], $0x80, v4, vm0, $0xb8;
	[tilespmem:$0x18100] =	vst v63  }
0x194: {  	s24 =	simm.s32 $0x15900  }
0x195: {  	[tilespmem:s24], [sflag:$0x3] =	stream.indirect_vreg.gather [hbm4b:s7+s3], $0x80, v4, vm0, $0xb8;
	[tilespmem:$0x18100] =	vst v63  }
0x196: {  	s25 =	simm.s32 $0x16100  }
0x197: {  	[tilespmem:s25], [sflag:$0x3] =	stream.indirect_vreg.gather [hbm4b:s4+s3], $0x80, v3, vm0, $0xb8;
	[tilespmem:$0x18100] =	vst v63  }
0x198: {  	s26 =	simm.s32 $0x16900  }
0x199: {  	[tilespmem:s26], [sflag:$0x3] =	stream.indirect_vreg.gather [hbm4b:s5+s3], $0x80, v3, vm0, $0xb8;
	[tilespmem:$0x18100] =	vst v63  }
0x19a: {  	s1 =	simm.s32 $0x17100  }
0x19b: {  	[tilespmem:s1], [sflag:$0x3] =	stream.indirect_vreg.gather [hbm4b:s6+s3], $0x80, v3, vm0, $0xb8;
	[tilespmem:$0x18100] =	vst v63  }
0x19c: {  	s2 =	simm.s32 $0x17900  }
0x19d: {  	[tilespmem:s2], [sflag:$0x3] =	stream.indirect_vreg.gather [hbm4b:s7+s3], $0x80, v3, vm0, $0xb8;
	[tilespmem:$0x18100] =	vst v63  }
0x19e: {  	_ =	swait.ge [sflag:s21], $0x8000  }
0x19f: {  	[sflag:s21] =	ssyncset.done $0x0  }
0x1a0: {  	s18 =	rddreg [dreg:$0xc];
	[sflag:s21] =	ssyncadd.s32 $0xFFFF8000  }
0x1a1: {  	[hbm4b:s18+s3] =	stream.linear.scatter [tilespmem:s12], [sflag:$0x4], $0x8000, $0x38;
	[tilespmem:$0x18100] =	vst v63  }
0x1a2: {  	_ =	swait.ge [sflag:s9], $0x8000  }
0x1a3: {  	[sflag:s9] =	ssyncset.done $0x0  }
0x1a4: {  	[sflag:s9] =	ssyncadd.s32 $0xFFFF8000  }
0x1a5: {  	_ =	swait.ge [sflag:s22], $0x8000  }
0x1a6: {  	[sflag:s22] =	ssyncset.done $0x0  }
0x1a7: {  	s23 =	rddreg [dreg:$0xd];
	[sflag:s22] =	ssyncadd.s32 $0xFFFF8000  }
0x1a8: {  	[hbm4b:s23+s3] =	stream.linear.scatter [tilespmem:s29], [sflag:$0x4], $0x8000, $0x38;
	[tilespmem:$0x18100] =	vst v63  }
0x1a9: {  	_ =	swait.ge [sflag:s9], $0x8000  }
0x1aa: {  	[sflag:s9] =	ssyncset.done $0x0  }
0x1ab: {  	s24 =	simm.s32 $0x1;
	[sflag:s9] =	ssyncadd.s32 $0xFFFF8000  }
0x1ac: {  	_ =	swait.ge [sflag:s24], $0x4000  }
0x1ad: {  	[sflag:s24] =	ssyncset.done $0x0  }
0x1ae: {  	[sflag:s24] =	ssyncadd.s32 $0xFFFFC000  }
0x1af: {  	_ =	swait.ge [sflag:s24], $0x4000  }
0x1b0: {  	p0 =	sne.s32 s8, $0x1;
	s26 =	simm.s32 $0x100;
	[sflag:s24] =	ssyncset.done $0x0  }
.Ltmp0:
0x1b1: {  	s25 =	rddreg [dreg:$0xe];
	[sflag:s24] =	ssyncadd.s32 $0xFFFFC000;
	(pc) =	sbr.rel @p0 .LBB2_1-.Ltmp0, $4  }
0x1b2: {  	[hbm4b:s25+s3] =	stream.linear.scatter [tilespmem:s26], [sflag:$0x4], $0x8000, $0x38;
	[tilespmem:$0x18100] =	vst v63  }
0x1b3: {  	_ =	swait.ge [sflag:s9], $0x8000  }
0x1b4: {  	[sflag:s9] =	ssyncset.done $0x0  }
0x1b5: {  	s8 =	sadd.s32 $0xFFFFFFFF, s8;
	[sflag:s9] =	ssyncadd.s32 $0xFFFF8000  }
0x1b6: {  	_ =	sfence.sel $0x180000  }
0x1b7: {  	[bflag:$0x0] =	sbarrier.arrive $0xFFFF  }
0x1b8: {  	_ =	strace $0x9000004A  }
0x1b9: {  	s0 =	stileid.u32;
	[bflag:$0x2] =	sbarrier.arrive $0xFFFF  }
0x1ba: {  	p0 =	sne.s32 s0, $0x0;
	s0 =	rddreg [dreg:$0x4]  }
0x1bb: {  	s0 =	sadd.s32 @!p0 $0x100000, s0  }
0x1bc: {  	[sflag:s0] =	ssyncadd.tile.s32 @!p0 $0x1;
	_ =	shalt  }
.Lfunc_end2:
_tile_overlayer_lowered:
.L_overlay_start_2:
0x1bd: {  	(tag) =	ssettag $0x2  }
0x1be: {  	s0 =	rddreg [dreg:$0x0];
	s2 =	stileid.u32  }
0x1bf: {  	s1 =	rddreg [dreg:$0x1];
	p0 =	sne.s32 s2, $0x0  }
0x1c0: {  	s3 =	rddreg [dreg:$0x2];
	[bflag:$0x3] =	sbarrier.arrive $0xFFFF;
	s2 =	simm.s32 @!p0 $0x1C04  }
0x1c1: {  	[timem:s3], [sflag:s2] =	dma.local @!p0 [hbm:s0], s1  }
0x1c2: {  	s0 =	simm.s32 @!p0 $0x4  }
0x1c3: {  	_ =	swait.ge @!p0 [sflag:s0], s1  }
0x1c4: {  	s1 =	ssub.s32 @!p0 $0x0, s1;
	[sflag:s0] =	ssyncset.done @!p0 $0x0  }
0x1c5: {  	[sflag:s0] =	ssyncadd.s32 @!p0 s1  }
0x1c6: {  	[bflag:$0x3] =	sbarrier.arrive $0xFFFF  }
0x1c7: {  	_ =	shalt  }

</sc_bundles>
